<compile_context>
chip_gen: v7x
topology: tpu7x:2x2x1
jax: 0.10.2.dev20260603
libtpu: 0.0.44.dev20260713+nightly
codegen_flags: <defaults>
</compile_context>

<pallas_src>
import functools

import jax
import jax.numpy as jnp
from jax import lax
from jax.experimental import pallas as pl
from jax.experimental.pallas import tpu as pltpu
from jax.experimental.pallas import tpu_sc as plsc

N_ATOMS = 3_200_000
B_SEG = 10_000
NC = 2
NS = 16
NW = NC * NS
NBLK = N_ATOMS // 128
CHUNK = 8_192
NCH_FULL = 12
LANE = 16
UNROLL = 4

_mesh = plsc.VectorSubcoreMesh(
    core_axis_name="c", subcore_axis_name="s", num_cores=NC, num_subcores=NS
)

_pos_f32 = pltpu.VMEM((3, CHUNK), jnp.float32)
_chunk_f32 = pltpu.VMEM((CHUNK,), jnp.float32)
_ids_i32 = pltpu.VMEM((CHUNK + LANE,), jnp.int32)


@functools.partial(
    pl.kernel,
    out_type=jax.ShapeDtypeStruct((NW * B_SEG,), jnp.float32),
    mesh=_mesh,
    scratch_types=[
        _pos_f32, _chunk_f32, _ids_i32,
        _pos_f32, _chunk_f32, _ids_i32,
        pltpu.VMEM((B_SEG,), jnp.float32),
        pltpu.SemaphoreType.DMA,
        pltpu.SemaphoreType.DMA,
    ],
    compiler_params=pltpu.CompilerParams(
        needs_layout_passes=False, use_tc_tiling_on_sc=True
    ),
)
def _sc_energy(
    pos3_hbm, q_hbm, ids_hbm, out_hbm,
    pb0, qb0, ib0,
    pb1, qb1, ib1,
    acc, sem0, sem1,
):
    wid = lax.axis_index("c") * NS + lax.axis_index("s")
    sw = (wid * NBLK // NW) * 128
    ew = ((wid + 1) * NBLK // NW) * 128
    tail0 = ew - CHUNK
    thresh = sw + NCH_FULL * CHUNK - tail0
    bufs = ((pb0, qb0, ib0, sem0), (pb1, qb1, ib1, sem1))

    def _start(a0, bset):
        pb, qb, ib, sem = bset
        return [
            pltpu.async_copy(pos3_hbm.at[:, pl.ds(a0, CHUNK)], pb, sem),
            pltpu.async_copy(q_hbm.at[pl.ds(a0, CHUNK)], qb, sem),
            pltpu.async_copy(ids_hbm.at[pl.ds(a0, CHUNK)], ib.at[pl.ds(0, CHUNK)], sem),
        ]

    descs = [_start(sw, bufs[0]), None]

    def _zero(i, _):
        acc[pl.ds(i * LANE, LANE)] = jnp.zeros((LANE,), jnp.float32)
        return _
    lax.fori_loop(0, B_SEG // LANE, _zero, None)
    ib0[pl.ds(CHUNK, LANE)] = jnp.zeros((LANE,), jnp.int32)
    ib1[pl.ds(CHUNK, LANE)] = jnp.zeros((LANE,), jnp.int32)

    lanes = lax.iota(jnp.int32, LANE)
    is_last = lanes == jnp.int32(LANE - 1)
    not_last = lanes != jnp.int32(LANE - 1)
    row0 = jnp.zeros((LANE,), jnp.int32)
    row1 = jnp.full((LANE,), 1, jnp.int32)
    row2 = jnp.full((LANE,), 2, jnp.int32)
    thresh_v = jnp.full((LANE,), 1, jnp.int32) * thresh

    def _compute(bset, masked):
        pb, qb, ib, _sem = bset

        @plsc.parallel_loop(0, CHUNK // LANE, unroll=UNROLL)
        def _vec(i):
            o = i * LANE
            col = o + lanes
            x = plsc.load_gather(pb, [row0, col])
            y = plsc.load_gather(pb, [row1, col])
            z = plsc.load_gather(pb, [row2, col])
            q = qb[pl.ds(o, LANE)]
            ids = ib[pl.ds(o, LANE)]
            n2 = jnp.maximum(x * x + y * y + z * z, jnp.float32(1e-37))
            r = plsc.bitcast(
                jnp.int32(0x5F3759DF) - (plsc.bitcast(n2, jnp.int32) >> 1),
                jnp.float32,
            )
            h = jnp.float32(0.5) * n2
            for _i in range(2):
                r = r * (jnp.float32(1.5) - h * r * r)
            e = q * (n2 * r)
            if masked:
                e = jnp.where(col >= thresh_v, e, jnp.float32(0.0))
            c = plsc.cumsum(e)
            nxt = plsc.load_gather(ib, [o + 1 + lanes])
            d = ids != nxt
            plsc.addupdate_scatter(acc, [ids], c, mask=d | is_last)
            plsc.addupdate_scatter(acc, [nxt], -c, mask=d & not_last)

    for ci in range(NCH_FULL + 1):
        if ci < NCH_FULL:
            nxt_a0 = sw + (ci + 1) * CHUNK if ci + 1 < NCH_FULL else tail0
            descs[(ci + 1) % 2] = _start(nxt_a0, bufs[(ci + 1) % 2])
        for dsc in descs[ci % 2]:
            dsc.wait()
        _compute(bufs[ci % 2], masked=(ci == NCH_FULL))

    pltpu.sync_copy(acc, out_hbm.at[pl.ds(wid * B_SEG, B_SEG)])


def _combine_body(p_ref, o_ref):
    s = p_ref[pl.ds(0, B_SEG)]
    for w in range(1, NW):
        s = s + p_ref[pl.ds(w * B_SEG, B_SEG)]
    o_ref[...] = s


_combine = pl.pallas_call(
    _combine_body,
    out_shape=jax.ShapeDtypeStruct((B_SEG,), jnp.float32),
)


def kernel(positions, node_charges, batch_idx, B):
    del B
    partials = _sc_energy(jnp.transpose(positions), node_charges, batch_idx)
    return _combine(partials).reshape(B_SEG, 1)

# --- scband reference (transcript-rebuilt; emitter-appended) ---
"""Pipeline reference for scband-charge-dependent-energy-model-51539608339 (READ-ONLY COPY).

The authoritative reference and input builder live on the scoring server;
editing this copy changes nothing except your own understanding.
"""

import jax, jax.numpy as jnp
import numpy as np

N = 3200000
B_CONST = 10000

def setup_inputs(seed: int = 0) -> dict:
    key = jax.random.key(seed)
    k1, k2, k3 = jax.random.split(key, 3)
    positions = jax.random.normal(k1, (N, 3), dtype=jnp.float32)
    node_charges = jax.random.normal(k2, (N,), dtype=jnp.float32)
    batch_idx = jnp.sort(jax.random.randint(k3, (N,), 0, B_CONST, dtype=jnp.int32))
    return {"positions": positions, "node_charges": node_charges, "batch_idx": batch_idx, "B": B_CONST}

def reference(positions, node_charges, batch_idx, B):
    # per-atom energy: q_i * ||r_i||
    per_atom_e = node_charges * jnp.linalg.norm(positions, axis=-1)
    # scatter_add over batch index -> per-graph energy [B, 1]
    B_arr = jnp.asarray(B, dtype=jnp.int32)
    seg_ids = batch_idx + (B_arr - B_arr)
    energy = jax.ops.segment_sum(per_atom_e, seg_ids, num_segments=B_CONST)
    return energy.reshape(B_CONST, 1)

if __name__ == "__main__":
    import jax
    _d = setup_inputs()
    print(jax.jit(kernel)(*tuple(_d.values())))

</pallas_src>

<mosaic_0001>
#map = affine_map<(d0, d1) -> (0, 0)>
#map1 = affine_map<(d0, d1) -> (0)>
module attributes {stable_mosaic.version = 14 : i64} {
  func.func @_sc_energy(%arg0: i32, %arg1: i32, %arg2: memref<3x3200000xf32, #tpu.memory_space<hbm>>, %arg3: memref<3200000xf32, #tpu.memory_space<hbm>>, %arg4: memref<3200000xi32, #tpu.memory_space<hbm>>, %arg5: memref<320000xf32, #tpu.memory_space<hbm>>, %arg6: memref<3x8192xf32, #tpu.memory_space<vmem>>, %arg7: memref<8192xf32, #tpu.memory_space<vmem>>, %arg8: memref<8208xi32, #tpu.memory_space<vmem>>, %arg9: memref<3x8192xf32, #tpu.memory_space<vmem>>, %arg10: memref<8192xf32, #tpu.memory_space<vmem>>, %arg11: memref<8208xi32, #tpu.memory_space<vmem>>, %arg12: memref<10000xf32, #tpu.memory_space<vmem>>, %arg13: memref<!tpu.dma_semaphore, #tpu.memory_space<semaphore_mem>>, %arg14: memref<!tpu.dma_semaphore, #tpu.memory_space<semaphore_mem>>) attributes {dimension_semantics = [#tpu.dimension_semantics<core_parallel>, #tpu.dimension_semantics<subcore_parallel>], iteration_bounds = array<i64: 2, 16>, scalar_prefetch = 0 : i64, scratch_operands = 9 : i64, tpu.core_type = #tpu.core_type<sc_vector_subcore>, window_params = [{transform_indices = #map}, {transform_indices = #map1}, {transform_indices = #map1}, {transform_indices = #map1}]} {
    %mul3A = arith.constant 16 : i32
    %mul3A_0 = arith.muli %arg0, %mul3A : i32
    %add3A = arith.addi %mul3A_0, %arg1 : i32
    %mul3A_1 = arith.constant 25000 : i32
    %mul3A_2 = arith.muli %add3A, %mul3A_1 : i32
    %jit3A = arith.constant 32 : i32
    %div3A = arith.divsi %mul3A_2, %jit3A : i32
    %sign3A = arith.constant 0 : i32
    %sign3A_3 = arith.cmpi sgt, %mul3A_2, %sign3A : i32
    %sign3A_4 = arith.extui %sign3A_3 : i1 to i32
    %sign3A_5 = arith.constant 0 : i32
    %sign3A_6 = arith.cmpi slt, %mul3A_2, %sign3A_5 : i32
    %sign3A_7 = arith.extui %sign3A_6 : i1 to i32
    %sign3A_8 = arith.subi %sign3A_4, %sign3A_7 : i32
    %sign3A_9 = arith.constant 0 : i32
    %sign3A_10 = arith.cmpi sgt, %jit3A, %sign3A_9 : i32
    %sign3A_11 = arith.extui %sign3A_10 : i1 to i32
    %sign3A_12 = arith.constant 0 : i32
    %sign3A_13 = arith.cmpi slt, %jit3A, %sign3A_12 : i32
    %sign3A_14 = arith.extui %sign3A_13 : i1 to i32
    %sign3A_15 = arith.subi %sign3A_11, %sign3A_14 : i32
    %ne3A = arith.cmpi ne, %sign3A_8, %sign3A_15 : i32
    %rem3A = arith.remsi %mul3A_2, %jit3A : i32
    %ne3A_16 = arith.constant 0 : i32
    %ne3A_17 = arith.cmpi ne, %rem3A, %ne3A_16 : i32
    %and3A = arith.andi %ne3A, %ne3A_17 : i1
    %sub3A = arith.constant 1 : i32
    %sub3A_18 = arith.subi %div3A, %sub3A : i32
    %select_n3A = arith.select %and3A, %sub3A_18, %div3A : i32
    %mul3A_19 = arith.constant 128 : i32
    %mul3A_20 = arith.muli %select_n3A, %mul3A_19 : i32
    %add3A_21 = arith.constant 1 : i32
    %add3A_22 = arith.addi %add3A, %add3A_21 : i32
    %mul3A_23 = arith.constant 25000 : i32
    %mul3A_24 = arith.muli %add3A_22, %mul3A_23 : i32
    %jit3A_25 = arith.constant 32 : i32
    %div3A_26 = arith.divsi %mul3A_24, %jit3A_25 : i32
    %sign3A_27 = arith.constant 0 : i32
    %sign3A_28 = arith.cmpi sgt, %mul3A_24, %sign3A_27 : i32
    %sign3A_29 = arith.extui %sign3A_28 : i1 to i32
    %sign3A_30 = arith.constant 0 : i32
    %sign3A_31 = arith.cmpi slt, %mul3A_24, %sign3A_30 : i32
    %sign3A_32 = arith.extui %sign3A_31 : i1 to i32
    %sign3A_33 = arith.subi %sign3A_29, %sign3A_32 : i32
    %sign3A_34 = arith.constant 0 : i32
    %sign3A_35 = arith.cmpi sgt, %jit3A_25, %sign3A_34 : i32
    %sign3A_36 = arith.extui %sign3A_35 : i1 to i32
    %sign3A_37 = arith.constant 0 : i32
    %sign3A_38 = arith.cmpi slt, %jit3A_25, %sign3A_37 : i32
    %sign3A_39 = arith.extui %sign3A_38 : i1 to i32
    %sign3A_40 = arith.subi %sign3A_36, %sign3A_39 : i32
    %ne3A_41 = arith.cmpi ne, %sign3A_33, %sign3A_40 : i32
    %rem3A_42 = arith.remsi %mul3A_24, %jit3A_25 : i32
    %ne3A_43 = arith.constant 0 : i32
    %ne3A_44 = arith.cmpi ne, %rem3A_42, %ne3A_43 : i32
    %and3A_45 = arith.andi %ne3A_41, %ne3A_44 : i1
    %sub3A_46 = arith.constant 1 : i32
    %sub3A_47 = arith.subi %div3A_26, %sub3A_46 : i32
    %select_n3A_48 = arith.select %and3A_45, %sub3A_47, %div3A_26 : i32
    %mul3A_49 = arith.constant 128 : i32
    %mul3A_50 = arith.muli %select_n3A_48, %mul3A_49 : i32
    %sub3A_51 = arith.constant 8192 : i32
    %sub3A_52 = arith.subi %mul3A_50, %sub3A_51 : i32
    %add3A_53 = arith.constant 98304 : i32
    %add3A_54 = arith.addi %mul3A_20, %add3A_53 : i32
    %sub3A_55 = arith.subi %add3A_54, %sub3A_52 : i32
    %dma_start3A = arith.constant 0 : i32
    %dma_start3A_56 = tpu.memref_slice %arg2[%dma_start3A, %mul3A_20] : memref<3x3200000xf32, #tpu.memory_space<hbm>> -> memref<3x8192xf32, #tpu.memory_space<hbm>>
    %dma_start3A_57 = arith.constant 0 : i32
    %dma_start3A_58 = tpu.memref_slice %arg2[%dma_start3A_57, %mul3A_20] : memref<3x3200000xf32, #tpu.memory_space<hbm>> -> memref<3x8192xf32, #tpu.memory_space<hbm>>
    tpu.enqueue_dma source(%dma_start3A_58 : memref<3x8192xf32, #tpu.memory_space<hbm>>) target(%arg6 : memref<3x8192xf32, #tpu.memory_space<vmem>>) target_semaphore(%arg13 : memref<!tpu.dma_semaphore, #tpu.memory_space<semaphore_mem>>)
    %dma_start3A_59 = tpu.memref_slice %arg3[%mul3A_20] : memref<3200000xf32, #tpu.memory_space<hbm>> -> memref<8192xf32, #tpu.memory_space<hbm>>
    %dma_start3A_60 = tpu.memref_slice %arg3[%mul3A_20] : memref<3200000xf32, #tpu.memory_space<hbm>> -> memref<8192xf32, #tpu.memory_space<hbm>>
    tpu.enqueue_dma source(%dma_start3A_60 : memref<8192xf32, #tpu.memory_space<hbm>>) target(%arg7 : memref<8192xf32, #tpu.memory_space<vmem>>) target_semaphore(%arg13 : memref<!tpu.dma_semaphore, #tpu.memory_space<semaphore_mem>>)
    %dma_start3A_61 = arith.constant 0 : i32
    %dma_start3A_62 = tpu.memref_slice %arg8[%dma_start3A_61] : memref<8208xi32, #tpu.memory_space<vmem>> -> memref<8192xi32, #tpu.memory_space<vmem>>
    %dma_start3A_63 = tpu.memref_slice %arg4[%mul3A_20] : memref<3200000xi32, #tpu.memory_space<hbm>> -> memref<8192xi32, #tpu.memory_space<hbm>>
    %dma_start3A_64 = arith.constant 0 : i32
    %dma_start3A_65 = tpu.memref_slice %arg8[%dma_start3A_64] : memref<8208xi32, #tpu.memory_space<vmem>> -> memref<8192xi32, #tpu.memory_space<vmem>>
    %dma_start3A_66 = tpu.memref_slice %arg4[%mul3A_20] : memref<3200000xi32, #tpu.memory_space<hbm>> -> memref<8192xi32, #tpu.memory_space<hbm>>
    tpu.enqueue_dma source(%dma_start3A_66 : memref<8192xi32, #tpu.memory_space<hbm>>) target(%dma_start3A_65 : memref<8192xi32, #tpu.memory_space<vmem>>) target_semaphore(%arg13 : memref<!tpu.dma_semaphore, #tpu.memory_space<semaphore_mem>>)
    %scan3A = arith.constant 0 : i32
    %scan3A_67 = arith.constant 625 : i32
    %scan3A_68 = arith.addi %scan3A, %scan3A_67 : i32
    %scan3A_69 = arith.constant 1 : i32
    scf.for %scan3A_453 = %scan3A to %scan3A_68 step %scan3A_69  : i32 {
      %broadcast_in_dim3A_454 = arith.constant 0.000000e+00 : f32
      %broadcast_in_dim3A_455 = vector.broadcast %broadcast_in_dim3A_454 : f32 to vector<16xf32>
      %mul3A_456 = arith.constant 16 : i32
      %mul3A_457 = arith.muli %scan3A_453, %mul3A_456 : i32
      %swap3A_458 = arith.index_cast %mul3A_457 : i32 to index
      %swap3A_459 = tpu.vector_load %arg12[%swap3A_458] {strides = array<i32>} : memref<10000xf32, #tpu.memory_space<vmem>>, vector<16xf32>,
      tpu.vector_store %arg12[%swap3A_458], %broadcast_in_dim3A_455 {strides = array<i32>} : memref<10000xf32, #tpu.memory_space<vmem>>, vector<16xf32>,
    }
    %scan3A_70 = arith.constant 625 : i32
    %broadcast_in_dim3A = arith.constant 0 : i32
    %broadcast_in_dim3A_71 = vector.broadcast %broadcast_in_dim3A : i32 to vector<16xi32>
    %swap3A = arith.constant 8192 : index
    %swap3A_72 = tpu.vector_load %arg8[%swap3A] {strides = array<i32>} : memref<8208xi32, #tpu.memory_space<vmem>>, vector<16xi32>,
    tpu.vector_store %arg8[%swap3A], %broadcast_in_dim3A_71 {strides = array<i32>} : memref<8208xi32, #tpu.memory_space<vmem>>, vector<16xi32>,
    %broadcast_in_dim3A_73 = arith.constant 0 : i32
    %broadcast_in_dim3A_74 = vector.broadcast %broadcast_in_dim3A_73 : i32 to vector<16xi32>
    %swap3A_75 = arith.constant 8192 : index
    %swap3A_76 = tpu.vector_load %arg11[%swap3A_75] {strides = array<i32>} : memref<8208xi32, #tpu.memory_space<vmem>>, vector<16xi32>,
    tpu.vector_store %arg11[%swap3A_75], %broadcast_in_dim3A_74 {strides = array<i32>} : memref<8208xi32, #tpu.memory_space<vmem>>, vector<16xi32>,
    %iota3A = tpu.iota {dimensions = array<i32: 0>} : vector<16xi32>
    %eq3A = arith.constant 15 : i32
    %eq3A_77 = vector.broadcast %eq3A : i32 to vector<16xi32>
    %eq3A_78 = arith.cmpi eq, %iota3A, %eq3A_77 : vector<16xi32>
    %ne3A_79 = arith.constant 15 : i32
    %ne3A_80 = vector.broadcast %ne3A_79 : i32 to vector<16xi32>
    %ne3A_81 = arith.cmpi ne, %iota3A, %ne3A_80 : vector<16xi32>
    %broadcast_in_dim3A_82 = arith.constant 0 : i32
    %broadcast_in_dim3A_83 = vector.broadcast %broadcast_in_dim3A_82 : i32 to vector<16xi32>
    %broadcast_in_dim3A_84 = arith.constant 1 : i32
    %broadcast_in_dim3A_85 = vector.broadcast %broadcast_in_dim3A_84 : i32 to vector<16xi32>
    %broadcast_in_dim3A_86 = arith.constant 2 : i32
    %broadcast_in_dim3A_87 = vector.broadcast %broadcast_in_dim3A_86 : i32 to vector<16xi32>
    %broadcast_in_dim3A_88 = arith.constant 1 : i32
    %broadcast_in_dim3A_89 = vector.broadcast %broadcast_in_dim3A_88 : i32 to vector<16xi32>
    %mul3A_90 = vector.broadcast %sub3A_55 : i32 to vector<16xi32>
    %mul3A_91 = arith.muli %broadcast_in_dim3A_89, %mul3A_90 : vector<16xi32>
    %add3A_92 = arith.constant 8192 : i32
    %add3A_93 = arith.addi %mul3A_20, %add3A_92 : i32
    %dma_start3A_94 = arith.constant 0 : i32
    %dma_start3A_95 = tpu.memref_slice %arg2[%dma_start3A_94, %add3A_93] : memref<3x3200000xf32, #tpu.memory_space<hbm>> -> memref<3x8192xf32, #tpu.memory_space<hbm>>
    %dma_start3A_96 = arith.constant 0 : i32
    %dma_start3A_97 = tpu.memref_slice %arg2[%dma_start3A_96, %add3A_93] : memref<3x3200000xf32, #tpu.memory_space<hbm>> -> memref<3x8192xf32, #tpu.memory_space<hbm>>
    tpu.enqueue_dma source(%dma_start3A_97 : memref<3x8192xf32, #tpu.memory_space<hbm>>) target(%arg9 : memref<3x8192xf32, #tpu.memory_space<vmem>>) target_semaphore(%arg14 : memref<!tpu.dma_semaphore, #tpu.memory_space<semaphore_mem>>)
    %dma_start3A_98 = tpu.memref_slice %arg3[%add3A_93] : memref<3200000xf32, #tpu.memory_space<hbm>> -> memref<8192xf32, #tpu.memory_space<hbm>>
    %dma_start3A_99 = tpu.memref_slice %arg3[%add3A_93] : memref<3200000xf32, #tpu.memory_space<hbm>> -> memref<8192xf32, #tpu.memory_space<hbm>>
    tpu.enqueue_dma source(%dma_start3A_99 : memref<8192xf32, #tpu.memory_space<hbm>>) target(%arg10 : memref<8192xf32, #tpu.memory_space<vmem>>) target_semaphore(%arg14 : memref<!tpu.dma_semaphore, #tpu.memory_space<semaphore_mem>>)
    %dma_start3A_100 = arith.constant 0 : i32
    %dma_start3A_101 = tpu.memref_slice %arg11[%dma_start3A_100] : memref<8208xi32, #tpu.memory_space<vmem>> -> memref<8192xi32, #tpu.memory_space<vmem>>
    %dma_start3A_102 = tpu.memref_slice %arg4[%add3A_93] : memref<3200000xi32, #tpu.memory_space<hbm>> -> memref<8192xi32, #tpu.memory_space<hbm>>
    %dma_start3A_103 = arith.constant 0 : i32
    %dma_start3A_104 = tpu.memref_slice %arg11[%dma_start3A_103] : memref<8208xi32, #tpu.memory_space<vmem>> -> memref<8192xi32, #tpu.memory_space<vmem>>
    %dma_start3A_105 = tpu.memref_slice %arg4[%add3A_93] : memref<3200000xi32, #tpu.memory_space<hbm>> -> memref<8192xi32, #tpu.memory_space<hbm>>
    tpu.enqueue_dma source(%dma_start3A_105 : memref<8192xi32, #tpu.memory_space<hbm>>) target(%dma_start3A_104 : memref<8192xi32, #tpu.memory_space<vmem>>) target_semaphore(%arg14 : memref<!tpu.dma_semaphore, #tpu.memory_space<semaphore_mem>>)
    %dma_wait3A = arith.constant 0 : i32
    %dma_wait3A_106 = tpu.memref_slice %arg2[%dma_wait3A, %mul3A_20] : memref<3x3200000xf32, #tpu.memory_space<hbm>> -> memref<3x8192xf32, #tpu.memory_space<hbm>>
    %dma_wait3A_107 = arith.constant 0 : i32
    %dma_wait3A_108 = tpu.memref_slice %arg2[%dma_wait3A_107, %mul3A_20] : memref<3x3200000xf32, #tpu.memory_space<hbm>> -> memref<3x8192xf32, #tpu.memory_space<hbm>>
    tpu.wait_dma2 semaphore(%arg13 : memref<!tpu.dma_semaphore, #tpu.memory_space<semaphore_mem>>) src(%dma_wait3A_108 : memref<3x8192xf32, #tpu.memory_space<hbm>>) dst(%arg6 : memref<3x8192xf32, #tpu.memory_space<vmem>>)
    %dma_wait3A_109 = tpu.memref_slice %arg3[%mul3A_20] : memref<3200000xf32, #tpu.memory_space<hbm>> -> memref<8192xf32, #tpu.memory_space<hbm>>
    %dma_wait3A_110 = tpu.memref_slice %arg3[%mul3A_20] : memref<3200000xf32, #tpu.memory_space<hbm>> -> memref<8192xf32, #tpu.memory_space<hbm>>
    tpu.wait_dma2 semaphore(%arg13 : memref<!tpu.dma_semaphore, #tpu.memory_space<semaphore_mem>>) src(%dma_wait3A_110 : memref<8192xf32, #tpu.memory_space<hbm>>) dst(%arg7 : memref<8192xf32, #tpu.memory_space<vmem>>)
    %dma_wait3A_111 = arith.constant 0 : i32
    %dma_wait3A_112 = tpu.memref_slice %arg8[%dma_wait3A_111] : memref<8208xi32, #tpu.memory_space<vmem>> -> memref<8192xi32, #tpu.memory_space<vmem>>
    %dma_wait3A_113 = tpu.memref_slice %arg4[%mul3A_20] : memref<3200000xi32, #tpu.memory_space<hbm>> -> memref<8192xi32, #tpu.memory_space<hbm>>
    %dma_wait3A_114 = arith.constant 0 : i32
    %dma_wait3A_115 = tpu.memref_slice %arg8[%dma_wait3A_114] : memref<8208xi32, #tpu.memory_space<vmem>> -> memref<8192xi32, #tpu.memory_space<vmem>>
    %dma_wait3A_116 = tpu.memref_slice %arg4[%mul3A_20] : memref<3200000xi32, #tpu.memory_space<hbm>> -> memref<8192xi32, #tpu.memory_space<hbm>>
    tpu.wait_dma2 semaphore(%arg13 : memref<!tpu.dma_semaphore, #tpu.memory_space<semaphore_mem>>) src(%dma_wait3A_116 : memref<8192xi32, #tpu.memory_space<hbm>>) dst(%dma_wait3A_115 : memref<8192xi32, #tpu.memory_space<vmem>>)
    %parallel_loop3A = arith.constant 0 : i32
    %parallel_loop3A_117 = arith.constant 512 : i32
    %parallel_loop3A_118 = arith.constant 1 : i32
    scf.for %parallel_loop3A_453 = %parallel_loop3A to %parallel_loop3A_117 step %parallel_loop3A_118  : i32 {
      %parallel_loop3A_454 = arith.constant 16 : i32
      %parallel_loop3A_455 = arith.muli %parallel_loop3A_453, %parallel_loop3A_454 : i32
      %parallel_loop3A_456 = vector.broadcast %parallel_loop3A_455 : i32 to vector<16xi32>
      %parallel_loop3A_457 = arith.addi %parallel_loop3A_456, %iota3A : vector<16xi32>
      %parallel_loop3A_458 = tpu.vector_load_idx %arg6[%broadcast_in_dim3A_83, %parallel_loop3A_457] : memref<3x8192xf32, #tpu.memory_space<vmem>>[vector<16xi32>, vector<16xi32>], vector<16xf32>,
      %parallel_loop3A_459 = tpu.vector_load_idx %arg6[%broadcast_in_dim3A_85, %parallel_loop3A_457] : memref<3x8192xf32, #tpu.memory_space<vmem>>[vector<16xi32>, vector<16xi32>], vector<16xf32>,
      %parallel_loop3A_460 = tpu.vector_load_idx %arg6[%broadcast_in_dim3A_87, %parallel_loop3A_457] : memref<3x8192xf32, #tpu.memory_space<vmem>>[vector<16xi32>, vector<16xi32>], vector<16xf32>,
      %parallel_loop3A_461 = arith.index_cast %parallel_loop3A_455 : i32 to index
      %parallel_loop3A_462 = tpu.vector_load %arg7[%parallel_loop3A_461] {strides = array<i32>} : memref<8192xf32, #tpu.memory_space<vmem>>, vector<16xf32>,
      %parallel_loop3A_463 = arith.index_cast %parallel_loop3A_455 : i32 to index
      %parallel_loop3A_464 = tpu.vector_load %arg8[%parallel_loop3A_463] {strides = array<i32>} : memref<8208xi32, #tpu.memory_space<vmem>>, vector<16xi32>,
      %parallel_loop3A_465 = arith.mulf %parallel_loop3A_458, %parallel_loop3A_458 : vector<16xf32>
      %parallel_loop3A_466 = arith.mulf %parallel_loop3A_459, %parallel_loop3A_459 : vector<16xf32>
      %parallel_loop3A_467 = arith.addf %parallel_loop3A_465, %parallel_loop3A_466 : vector<16xf32>
      %parallel_loop3A_468 = arith.mulf %parallel_loop3A_460, %parallel_loop3A_460 : vector<16xf32>
      %parallel_loop3A_469 = arith.addf %parallel_loop3A_467, %parallel_loop3A_468 : vector<16xf32>
      %parallel_loop3A_470 = arith.constant 9.99999991E-38 : f32
      %parallel_loop3A_471 = vector.broadcast %parallel_loop3A_470 : f32 to vector<16xf32>
      %parallel_loop3A_472 = arith.maximumf %parallel_loop3A_469, %parallel_loop3A_471 : vector<16xf32>
      %parallel_loop3A_473 = vector.bitcast %parallel_loop3A_472 : vector<16xf32> to vector<16xi32>
      %parallel_loop3A_474 = arith.constant 1 : i32
      %parallel_loop3A_475 = vector.broadcast %parallel_loop3A_474 : i32 to vector<16xi32>
      %parallel_loop3A_476 = arith.shrsi %parallel_loop3A_473, %parallel_loop3A_475 : vector<16xi32>
      %parallel_loop3A_477 = arith.constant 1597463007 : i32
      %parallel_loop3A_478 = vector.broadcast %parallel_loop3A_477 : i32 to vector<16xi32>
      %parallel_loop3A_479 = arith.subi %parallel_loop3A_478, %parallel_loop3A_476 : vector<16xi32>
      %parallel_loop3A_480 = vector.bitcast %parallel_loop3A_479 : vector<16xi32> to vector<16xf32>
      %parallel_loop3A_481 = arith.constant 5.000000e-01 : f32
      %parallel_loop3A_482 = vector.broadcast %parallel_loop3A_481 : f32 to vector<16xf32>
      %parallel_loop3A_483 = arith.mulf %parallel_loop3A_482, %parallel_loop3A_472 : vector<16xf32>
      %parallel_loop3A_484 = arith.mulf %parallel_loop3A_483, %parallel_loop3A_480 : vector<16xf32>
      %parallel_loop3A_485 = arith.mulf %parallel_loop3A_484, %parallel_loop3A_480 : vector<16xf32>
      %parallel_loop3A_486 = arith.constant 1.500000e+00 : f32
      %parallel_loop3A_487 = vector.broadcast %parallel_loop3A_486 : f32 to vector<16xf32>
      %parallel_loop3A_488 = arith.subf %parallel_loop3A_487, %parallel_loop3A_485 : vector<16xf32>
      %parallel_loop3A_489 = arith.mulf %parallel_loop3A_480, %parallel_loop3A_488 : vector<16xf32>
      %parallel_loop3A_490 = arith.mulf %parallel_loop3A_483, %parallel_loop3A_489 : vector<16xf32>
      %parallel_loop3A_491 = arith.mulf %parallel_loop3A_490, %parallel_loop3A_489 : vector<16xf32>
      %parallel_loop3A_492 = arith.constant 1.500000e+00 : f32
      %parallel_loop3A_493 = vector.broadcast %parallel_loop3A_492 : f32 to vector<16xf32>
      %parallel_loop3A_494 = arith.subf %parallel_loop3A_493, %parallel_loop3A_491 : vector<16xf32>
      %parallel_loop3A_495 = arith.mulf %parallel_loop3A_489, %parallel_loop3A_494 : vector<16xf32>
      %parallel_loop3A_496 = arith.mulf %parallel_loop3A_472, %parallel_loop3A_495 : vector<16xf32>
      %parallel_loop3A_497 = arith.mulf %parallel_loop3A_462, %parallel_loop3A_496 : vector<16xf32>
      %parallel_loop3A_498 = arith.constant true
      %parallel_loop3A_499 = vector.broadcast %parallel_loop3A_498 : i1 to vector<16xi1>
      %parallel_loop3A_500 = tpu.scan <sum>, %parallel_loop3A_497 masked %parallel_loop3A_499 : vector<16xf32>, vector<16xi1> -> vector<16xf32>
      %parallel_loop3A_501 = arith.constant 1 : i32
      %parallel_loop3A_502 = arith.addi %parallel_loop3A_455, %parallel_loop3A_501 : i32
      %parallel_loop3A_503 = vector.broadcast %parallel_loop3A_502 : i32 to vector<16xi32>
      %parallel_loop3A_504 = arith.addi %parallel_loop3A_503, %iota3A : vector<16xi32>
      %parallel_loop3A_505 = tpu.vector_load_idx %arg8[%parallel_loop3A_504] : memref<8208xi32, #tpu.memory_space<vmem>>[vector<16xi32>], vector<16xi32>,
      %parallel_loop3A_506 = arith.cmpi ne, %parallel_loop3A_464, %parallel_loop3A_505 : vector<16xi32>
      %parallel_loop3A_507 = arith.ori %parallel_loop3A_506, %eq3A_78 : vector<16xi1>
      tpu.vector_store_idx %arg12[%parallel_loop3A_464], %parallel_loop3A_500 masked %parallel_loop3A_507 {add = true} : memref<10000xf32, #tpu.memory_space<vmem>>[vector<16xi32>], vector<16xf32>, vector<16xi1>
      %parallel_loop3A_508 = arith.constant 0.000000e+00 : f32
      %parallel_loop3A_509 = vector.broadcast %parallel_loop3A_508 : f32 to vector<16xf32>
      %parallel_loop3A_510 = arith.subf %parallel_loop3A_509, %parallel_loop3A_500 : vector<16xf32>
      %parallel_loop3A_511 = arith.andi %parallel_loop3A_506, %ne3A_81 : vector<16xi1>
      tpu.vector_store_idx %arg12[%parallel_loop3A_505], %parallel_loop3A_510 masked %parallel_loop3A_511 {add = true} : memref<10000xf32, #tpu.memory_space<vmem>>[vector<16xi32>], vector<16xf32>, vector<16xi1>
    } {sc.loop_unroll_factor = 4 : i64, sc.parallel_access}
    %add3A_119 = arith.constant 16384 : i32
    %add3A_120 = arith.addi %mul3A_20, %add3A_119 : i32
    %dma_start3A_121 = arith.constant 0 : i32
    %dma_start3A_122 = tpu.memref_slice %arg2[%dma_start3A_121, %add3A_120] : memref<3x3200000xf32, #tpu.memory_space<hbm>> -> memref<3x8192xf32, #tpu.memory_space<hbm>>
    %dma_start3A_123 = arith.constant 0 : i32
    %dma_start3A_124 = tpu.memref_slice %arg2[%dma_start3A_123, %add3A_120] : memref<3x3200000xf32, #tpu.memory_space<hbm>> -> memref<3x8192xf32, #tpu.memory_space<hbm>>
    tpu.enqueue_dma source(%dma_start3A_124 : memref<3x8192xf32, #tpu.memory_space<hbm>>) target(%arg6 : memref<3x8192xf32, #tpu.memory_space<vmem>>) target_semaphore(%arg13 : memref<!tpu.dma_semaphore, #tpu.memory_space<semaphore_mem>>)
    %dma_start3A_125 = tpu.memref_slice %arg3[%add3A_120] : memref<3200000xf32, #tpu.memory_space<hbm>> -> memref<8192xf32, #tpu.memory_space<hbm>>
    %dma_start3A_126 = tpu.memref_slice %arg3[%add3A_120] : memref<3200000xf32, #tpu.memory_space<hbm>> -> memref<8192xf32, #tpu.memory_space<hbm>>
    tpu.enqueue_dma source(%dma_start3A_126 : memref<8192xf32, #tpu.memory_space<hbm>>) target(%arg7 : memref<8192xf32, #tpu.memory_space<vmem>>) target_semaphore(%arg13 : memref<!tpu.dma_semaphore, #tpu.memory_space<semaphore_mem>>)
    %dma_start3A_127 = arith.constant 0 : i32
    %dma_start3A_128 = tpu.memref_slice %arg8[%dma_start3A_127] : memref<8208xi32, #tpu.memory_space<vmem>> -> memref<8192xi32, #tpu.memory_space<vmem>>
    %dma_start3A_129 = tpu.memref_slice %arg4[%add3A_120] : memref<3200000xi32, #tpu.memory_space<hbm>> -> memref<8192xi32, #tpu.memory_space<hbm>>
    %dma_start3A_130 = arith.constant 0 : i32
    %dma_start3A_131 = tpu.memref_slice %arg8[%dma_start3A_130] : memref<8208xi32, #tpu.memory_space<vmem>> -> memref<8192xi32, #tpu.memory_space<vmem>>
    %dma_start3A_132 = tpu.memref_slice %arg4[%add3A_120] : memref<3200000xi32, #tpu.memory_space<hbm>> -> memref<8192xi32, #tpu.memory_space<hbm>>
    tpu.enqueue_dma source(%dma_start3A_132 : memref<8192xi32, #tpu.memory_space<hbm>>) target(%dma_start3A_131 : memref<8192xi32, #tpu.memory_space<vmem>>) target_semaphore(%arg13 : memref<!tpu.dma_semaphore, #tpu.memory_space<semaphore_mem>>)
    %dma_wait3A_133 = arith.constant 0 : i32
    %dma_wait3A_134 = tpu.memref_slice %arg2[%dma_wait3A_133, %add3A_93] : memref<3x3200000xf32, #tpu.memory_space<hbm>> -> memref<3x8192xf32, #tpu.memory_space<hbm>>
    %dma_wait3A_135 = arith.constant 0 : i32
    %dma_wait3A_136 = tpu.memref_slice %arg2[%dma_wait3A_135, %add3A_93] : memref<3x3200000xf32, #tpu.memory_space<hbm>> -> memref<3x8192xf32, #tpu.memory_space<hbm>>
    tpu.wait_dma2 semaphore(%arg14 : memref<!tpu.dma_semaphore, #tpu.memory_space<semaphore_mem>>) src(%dma_wait3A_136 : memref<3x8192xf32, #tpu.memory_space<hbm>>) dst(%arg9 : memref<3x8192xf32, #tpu.memory_space<vmem>>)
    %dma_wait3A_137 = tpu.memref_slice %arg3[%add3A_93] : memref<3200000xf32, #tpu.memory_space<hbm>> -> memref<8192xf32, #tpu.memory_space<hbm>>
    %dma_wait3A_138 = tpu.memref_slice %arg3[%add3A_93] : memref<3200000xf32, #tpu.memory_space<hbm>> -> memref<8192xf32, #tpu.memory_space<hbm>>
    tpu.wait_dma2 semaphore(%arg14 : memref<!tpu.dma_semaphore, #tpu.memory_space<semaphore_mem>>) src(%dma_wait3A_138 : memref<8192xf32, #tpu.memory_space<hbm>>) dst(%arg10 : memref<8192xf32, #tpu.memory_space<vmem>>)
    %dma_wait3A_139 = arith.constant 0 : i32
    %dma_wait3A_140 = tpu.memref_slice %arg11[%dma_wait3A_139] : memref<8208xi32, #tpu.memory_space<vmem>> -> memref<8192xi32, #tpu.memory_space<vmem>>
    %dma_wait3A_141 = tpu.memref_slice %arg4[%add3A_93] : memref<3200000xi32, #tpu.memory_space<hbm>> -> memref<8192xi32, #tpu.memory_space<hbm>>
    %dma_wait3A_142 = arith.constant 0 : i32
    %dma_wait3A_143 = tpu.memref_slice %arg11[%dma_wait3A_142] : memref<8208xi32, #tpu.memory_space<vmem>> -> memref<8192xi32, #tpu.memory_space<vmem>>
    %dma_wait3A_144 = tpu.memref_slice %arg4[%add3A_93] : memref<3200000xi32, #tpu.memory_space<hbm>> -> memref<8192xi32, #tpu.memory_space<hbm>>
    tpu.wait_dma2 semaphore(%arg14 : memref<!tpu.dma_semaphore, #tpu.memory_space<semaphore_mem>>) src(%dma_wait3A_144 : memref<8192xi32, #tpu.memory_space<hbm>>) dst(%dma_wait3A_143 : memref<8192xi32, #tpu.memory_space<vmem>>)
    %parallel_loop3A_145 = arith.constant 0 : i32
    %parallel_loop3A_146 = arith.constant 512 : i32
    %parallel_loop3A_147 = arith.constant 1 : i32
    scf.for %parallel_loop3A_453 = %parallel_loop3A_145 to %parallel_loop3A_146 step %parallel_loop3A_147  : i32 {
      %parallel_loop3A_454 = arith.constant 16 : i32
      %parallel_loop3A_455 = arith.muli %parallel_loop3A_453, %parallel_loop3A_454 : i32
      %parallel_loop3A_456 = vector.broadcast %parallel_loop3A_455 : i32 to vector<16xi32>
      %parallel_loop3A_457 = arith.addi %parallel_loop3A_456, %iota3A : vector<16xi32>
      %parallel_loop3A_458 = tpu.vector_load_idx %arg9[%broadcast_in_dim3A_83, %parallel_loop3A_457] : memref<3x8192xf32, #tpu.memory_space<vmem>>[vector<16xi32>, vector<16xi32>], vector<16xf32>,
      %parallel_loop3A_459 = tpu.vector_load_idx %arg9[%broadcast_in_dim3A_85, %parallel_loop3A_457] : memref<3x8192xf32, #tpu.memory_space<vmem>>[vector<16xi32>, vector<16xi32>], vector<16xf32>,
      %parallel_loop3A_460 = tpu.vector_load_idx %arg9[%broadcast_in_dim3A_87, %parallel_loop3A_457] : memref<3x8192xf32, #tpu.memory_space<vmem>>[vector<16xi32>, vector<16xi32>], vector<16xf32>,
      %parallel_loop3A_461 = arith.index_cast %parallel_loop3A_455 : i32 to index
      %parallel_loop3A_462 = tpu.vector_load %arg10[%parallel_loop3A_461] {strides = array<i32>} : memref<8192xf32, #tpu.memory_space<vmem>>, vector<16xf32>,
      %parallel_loop3A_463 = arith.index_cast %parallel_loop3A_455 : i32 to index
      %parallel_loop3A_464 = tpu.vector_load %arg11[%parallel_loop3A_463] {strides = array<i32>} : memref<8208xi32, #tpu.memory_space<vmem>>, vector<16xi32>,
      %parallel_loop3A_465 = arith.mulf %parallel_loop3A_458, %parallel_loop3A_458 : vector<16xf32>
      %parallel_loop3A_466 = arith.mulf %parallel_loop3A_459, %parallel_loop3A_459 : vector<16xf32>
      %parallel_loop3A_467 = arith.addf %parallel_loop3A_465, %parallel_loop3A_466 : vector<16xf32>
      %parallel_loop3A_468 = arith.mulf %parallel_loop3A_460, %parallel_loop3A_460 : vector<16xf32>
      %parallel_loop3A_469 = arith.addf %parallel_loop3A_467, %parallel_loop3A_468 : vector<16xf32>
      %parallel_loop3A_470 = arith.constant 9.99999991E-38 : f32
      %parallel_loop3A_471 = vector.broadcast %parallel_loop3A_470 : f32 to vector<16xf32>
      %parallel_loop3A_472 = arith.maximumf %parallel_loop3A_469, %parallel_loop3A_471 : vector<16xf32>
      %parallel_loop3A_473 = vector.bitcast %parallel_loop3A_472 : vector<16xf32> to vector<16xi32>
      %parallel_loop3A_474 = arith.constant 1 : i32
      %parallel_loop3A_475 = vector.broadcast %parallel_loop3A_474 : i32 to vector<16xi32>
      %parallel_loop3A_476 = arith.shrsi %parallel_loop3A_473, %parallel_loop3A_475 : vector<16xi32>
      %parallel_loop3A_477 = arith.constant 1597463007 : i32
      %parallel_loop3A_478 = vector.broadcast %parallel_loop3A_477 : i32 to vector<16xi32>
      %parallel_loop3A_479 = arith.subi %parallel_loop3A_478, %parallel_loop3A_476 : vector<16xi32>
      %parallel_loop3A_480 = vector.bitcast %parallel_loop3A_479 : vector<16xi32> to vector<16xf32>
      %parallel_loop3A_481 = arith.constant 5.000000e-01 : f32
      %parallel_loop3A_482 = vector.broadcast %parallel_loop3A_481 : f32 to vector<16xf32>
      %parallel_loop3A_483 = arith.mulf %parallel_loop3A_482, %parallel_loop3A_472 : vector<16xf32>
      %parallel_loop3A_484 = arith.mulf %parallel_loop3A_483, %parallel_loop3A_480 : vector<16xf32>
      %parallel_loop3A_485 = arith.mulf %parallel_loop3A_484, %parallel_loop3A_480 : vector<16xf32>
      %parallel_loop3A_486 = arith.constant 1.500000e+00 : f32
      %parallel_loop3A_487 = vector.broadcast %parallel_loop3A_486 : f32 to vector<16xf32>
      %parallel_loop3A_488 = arith.subf %parallel_loop3A_487, %parallel_loop3A_485 : vector<16xf32>
      %parallel_loop3A_489 = arith.mulf %parallel_loop3A_480, %parallel_loop3A_488 : vector<16xf32>
      %parallel_loop3A_490 = arith.mulf %parallel_loop3A_483, %parallel_loop3A_489 : vector<16xf32>
      %parallel_loop3A_491 = arith.mulf %parallel_loop3A_490, %parallel_loop3A_489 : vector<16xf32>
      %parallel_loop3A_492 = arith.constant 1.500000e+00 : f32
      %parallel_loop3A_493 = vector.broadcast %parallel_loop3A_492 : f32 to vector<16xf32>
      %parallel_loop3A_494 = arith.subf %parallel_loop3A_493, %parallel_loop3A_491 : vector<16xf32>
      %parallel_loop3A_495 = arith.mulf %parallel_loop3A_489, %parallel_loop3A_494 : vector<16xf32>
      %parallel_loop3A_496 = arith.mulf %parallel_loop3A_472, %parallel_loop3A_495 : vector<16xf32>
      %parallel_loop3A_497 = arith.mulf %parallel_loop3A_462, %parallel_loop3A_496 : vector<16xf32>
      %parallel_loop3A_498 = arith.constant true
      %parallel_loop3A_499 = vector.broadcast %parallel_loop3A_498 : i1 to vector<16xi1>
      %parallel_loop3A_500 = tpu.scan <sum>, %parallel_loop3A_497 masked %parallel_loop3A_499 : vector<16xf32>, vector<16xi1> -> vector<16xf32>
      %parallel_loop3A_501 = arith.constant 1 : i32
      %parallel_loop3A_502 = arith.addi %parallel_loop3A_455, %parallel_loop3A_501 : i32
      %parallel_loop3A_503 = vector.broadcast %parallel_loop3A_502 : i32 to vector<16xi32>
      %parallel_loop3A_504 = arith.addi %parallel_loop3A_503, %iota3A : vector<16xi32>
      %parallel_loop3A_505 = tpu.vector_load_idx %arg11[%parallel_loop3A_504] : memref<8208xi32, #tpu.memory_space<vmem>>[vector<16xi32>], vector<16xi32>,
      %parallel_loop3A_506 = arith.cmpi ne, %parallel_loop3A_464, %parallel_loop3A_505 : vector<16xi32>
      %parallel_loop3A_507 = arith.ori %parallel_loop3A_506, %eq3A_78 : vector<16xi1>
      tpu.vector_store_idx %arg12[%parallel_loop3A_464], %parallel_loop3A_500 masked %parallel_loop3A_507 {add = true} : memref<10000xf32, #tpu.memory_space<vmem>>[vector<16xi32>], vector<16xf32>, vector<16xi1>
      %parallel_loop3A_508 = arith.constant 0.000000e+00 : f32
      %parallel_loop3A_509 = vector.broadcast %parallel_loop3A_508 : f32 to vector<16xf32>
      %parallel_loop3A_510 = arith.subf %parallel_loop3A_509, %parallel_loop3A_500 : vector<16xf32>
      %parallel_loop3A_511 = arith.andi %parallel_loop3A_506, %ne3A_81 : vector<16xi1>
      tpu.vector_store_idx %arg12[%parallel_loop3A_505], %parallel_loop3A_510 masked %parallel_loop3A_511 {add = true} : memref<10000xf32, #tpu.memory_space<vmem>>[vector<16xi32>], vector<16xf32>, vector<16xi1>
    } {sc.loop_unroll_factor = 4 : i64, sc.parallel_access}
    %add3A_148 = arith.constant 24576 : i32
    %add3A_149 = arith.addi %mul3A_20, %add3A_148 : i32
    %dma_start3A_150 = arith.constant 0 : i32
    %dma_start3A_151 = tpu.memref_slice %arg2[%dma_start3A_150, %add3A_149] : memref<3x3200000xf32, #tpu.memory_space<hbm>> -> memref<3x8192xf32, #tpu.memory_space<hbm>>
    %dma_start3A_152 = arith.constant 0 : i32
    %dma_start3A_153 = tpu.memref_slice %arg2[%dma_start3A_152, %add3A_149] : memref<3x3200000xf32, #tpu.memory_space<hbm>> -> memref<3x8192xf32, #tpu.memory_space<hbm>>
    tpu.enqueue_dma source(%dma_start3A_153 : memref<3x8192xf32, #tpu.memory_space<hbm>>) target(%arg9 : memref<3x8192xf32, #tpu.memory_space<vmem>>) target_semaphore(%arg14 : memref<!tpu.dma_semaphore, #tpu.memory_space<semaphore_mem>>)
    %dma_start3A_154 = tpu.memref_slice %arg3[%add3A_149] : memref<3200000xf32, #tpu.memory_space<hbm>> -> memref<8192xf32, #tpu.memory_space<hbm>>
    %dma_start3A_155 = tpu.memref_slice %arg3[%add3A_149] : memref<3200000xf32, #tpu.memory_space<hbm>> -> memref<8192xf32, #tpu.memory_space<hbm>>
    tpu.enqueue_dma source(%dma_start3A_155 : memref<8192xf32, #tpu.memory_space<hbm>>) target(%arg10 : memref<8192xf32, #tpu.memory_space<vmem>>) target_semaphore(%arg14 : memref<!tpu.dma_semaphore, #tpu.memory_space<semaphore_mem>>)
    %dma_start3A_156 = arith.constant 0 : i32
    %dma_start3A_157 = tpu.memref_slice %arg11[%dma_start3A_156] : memref<8208xi32, #tpu.memory_space<vmem>> -> memref<8192xi32, #tpu.memory_space<vmem>>
    %dma_start3A_158 = tpu.memref_slice %arg4[%add3A_149] : memref<3200000xi32, #tpu.memory_space<hbm>> -> memref<8192xi32, #tpu.memory_space<hbm>>
    %dma_start3A_159 = arith.constant 0 : i32
    %dma_start3A_160 = tpu.memref_slice %arg11[%dma_start3A_159] : memref<8208xi32, #tpu.memory_space<vmem>> -> memref<8192xi32, #tpu.memory_space<vmem>>
    %dma_start3A_161 = tpu.memref_slice %arg4[%add3A_149] : memref<3200000xi32, #tpu.memory_space<hbm>> -> memref<8192xi32, #tpu.memory_space<hbm>>
    tpu.enqueue_dma source(%dma_start3A_161 : memref<8192xi32, #tpu.memory_space<hbm>>) target(%dma_start3A_160 : memref<8192xi32, #tpu.memory_space<vmem>>) target_semaphore(%arg14 : memref<!tpu.dma_semaphore, #tpu.memory_space<semaphore_mem>>)
    %dma_wait3A_162 = arith.constant 0 : i32
    %dma_wait3A_163 = tpu.memref_slice %arg2[%dma_wait3A_162, %add3A_120] : memref<3x3200000xf32, #tpu.memory_space<hbm>> -> memref<3x8192xf32, #tpu.memory_space<hbm>>
    %dma_wait3A_164 = arith.constant 0 : i32
    %dma_wait3A_165 = tpu.memref_slice %arg2[%dma_wait3A_164, %add3A_120] : memref<3x3200000xf32, #tpu.memory_space<hbm>> -> memref<3x8192xf32, #tpu.memory_space<hbm>>
    tpu.wait_dma2 semaphore(%arg13 : memref<!tpu.dma_semaphore, #tpu.memory_space<semaphore_mem>>) src(%dma_wait3A_165 : memref<3x8192xf32, #tpu.memory_space<hbm>>) dst(%arg6 : memref<3x8192xf32, #tpu.memory_space<vmem>>)
    %dma_wait3A_166 = tpu.memref_slice %arg3[%add3A_120] : memref<3200000xf32, #tpu.memory_space<hbm>> -> memref<8192xf32, #tpu.memory_space<hbm>>
    %dma_wait3A_167 = tpu.memref_slice %arg3[%add3A_120] : memref<3200000xf32, #tpu.memory_space<hbm>> -> memref<8192xf32, #tpu.memory_space<hbm>>
    tpu.wait_dma2 semaphore(%arg13 : memref<!tpu.dma_semaphore, #tpu.memory_space<semaphore_mem>>) src(%dma_wait3A_167 : memref<8192xf32, #tpu.memory_space<hbm>>) dst(%arg7 : memref<8192xf32, #tpu.memory_space<vmem>>)
    %dma_wait3A_168 = arith.constant 0 : i32
    %dma_wait3A_169 = tpu.memref_slice %arg8[%dma_wait3A_168] : memref<8208xi32, #tpu.memory_space<vmem>> -> memref<8192xi32, #tpu.memory_space<vmem>>
    %dma_wait3A_170 = tpu.memref_slice %arg4[%add3A_120] : memref<3200000xi32, #tpu.memory_space<hbm>> -> memref<8192xi32, #tpu.memory_space<hbm>>
    %dma_wait3A_171 = arith.constant 0 : i32
    %dma_wait3A_172 = tpu.memref_slice %arg8[%dma_wait3A_171] : memref<8208xi32, #tpu.memory_space<vmem>> -> memref<8192xi32, #tpu.memory_space<vmem>>
    %dma_wait3A_173 = tpu.memref_slice %arg4[%add3A_120] : memref<3200000xi32, #tpu.memory_space<hbm>> -> memref<8192xi32, #tpu.memory_space<hbm>>
    tpu.wait_dma2 semaphore(%arg13 : memref<!tpu.dma_semaphore, #tpu.memory_space<semaphore_mem>>) src(%dma_wait3A_173 : memref<8192xi32, #tpu.memory_space<hbm>>) dst(%dma_wait3A_172 : memref<8192xi32, #tpu.memory_space<vmem>>)
    %parallel_loop3A_174 = arith.constant 0 : i32
    %parallel_loop3A_175 = arith.constant 512 : i32
    %parallel_loop3A_176 = arith.constant 1 : i32
    scf.for %parallel_loop3A_453 = %parallel_loop3A_174 to %parallel_loop3A_175 step %parallel_loop3A_176  : i32 {
      %parallel_loop3A_454 = arith.constant 16 : i32
      %parallel_loop3A_455 = arith.muli %parallel_loop3A_453, %parallel_loop3A_454 : i32
      %parallel_loop3A_456 = vector.broadcast %parallel_loop3A_455 : i32 to vector<16xi32>
      %parallel_loop3A_457 = arith.addi %parallel_loop3A_456, %iota3A : vector<16xi32>
      %parallel_loop3A_458 = tpu.vector_load_idx %arg6[%broadcast_in_dim3A_83, %parallel_loop3A_457] : memref<3x8192xf32, #tpu.memory_space<vmem>>[vector<16xi32>, vector<16xi32>], vector<16xf32>,
      %parallel_loop3A_459 = tpu.vector_load_idx %arg6[%broadcast_in_dim3A_85, %parallel_loop3A_457] : memref<3x8192xf32, #tpu.memory_space<vmem>>[vector<16xi32>, vector<16xi32>], vector<16xf32>,
      %parallel_loop3A_460 = tpu.vector_load_idx %arg6[%broadcast_in_dim3A_87, %parallel_loop3A_457] : memref<3x8192xf32, #tpu.memory_space<vmem>>[vector<16xi32>, vector<16xi32>], vector<16xf32>,
      %parallel_loop3A_461 = arith.index_cast %parallel_loop3A_455 : i32 to index
      %parallel_loop3A_462 = tpu.vector_load %arg7[%parallel_loop3A_461] {strides = array<i32>} : memref<8192xf32, #tpu.memory_space<vmem>>, vector<16xf32>,
      %parallel_loop3A_463 = arith.index_cast %parallel_loop3A_455 : i32 to index
      %parallel_loop3A_464 = tpu.vector_load %arg8[%parallel_loop3A_463] {strides = array<i32>} : memref<8208xi32, #tpu.memory_space<vmem>>, vector<16xi32>,
      %parallel_loop3A_465 = arith.mulf %parallel_loop3A_458, %parallel_loop3A_458 : vector<16xf32>
      %parallel_loop3A_466 = arith.mulf %parallel_loop3A_459, %parallel_loop3A_459 : vector<16xf32>
      %parallel_loop3A_467 = arith.addf %parallel_loop3A_465, %parallel_loop3A_466 : vector<16xf32>
      %parallel_loop3A_468 = arith.mulf %parallel_loop3A_460, %parallel_loop3A_460 : vector<16xf32>
      %parallel_loop3A_469 = arith.addf %parallel_loop3A_467, %parallel_loop3A_468 : vector<16xf32>
      %parallel_loop3A_470 = arith.constant 9.99999991E-38 : f32
      %parallel_loop3A_471 = vector.broadcast %parallel_loop3A_470 : f32 to vector<16xf32>
      %parallel_loop3A_472 = arith.maximumf %parallel_loop3A_469, %parallel_loop3A_471 : vector<16xf32>
      %parallel_loop3A_473 = vector.bitcast %parallel_loop3A_472 : vector<16xf32> to vector<16xi32>
      %parallel_loop3A_474 = arith.constant 1 : i32
      %parallel_loop3A_475 = vector.broadcast %parallel_loop3A_474 : i32 to vector<16xi32>
      %parallel_loop3A_476 = arith.shrsi %parallel_loop3A_473, %parallel_loop3A_475 : vector<16xi32>
      %parallel_loop3A_477 = arith.constant 1597463007 : i32
      %parallel_loop3A_478 = vector.broadcast %parallel_loop3A_477 : i32 to vector<16xi32>
      %parallel_loop3A_479 = arith.subi %parallel_loop3A_478, %parallel_loop3A_476 : vector<16xi32>
      %parallel_loop3A_480 = vector.bitcast %parallel_loop3A_479 : vector<16xi32> to vector<16xf32>
      %parallel_loop3A_481 = arith.constant 5.000000e-01 : f32
      %parallel_loop3A_482 = vector.broadcast %parallel_loop3A_481 : f32 to vector<16xf32>
      %parallel_loop3A_483 = arith.mulf %parallel_loop3A_482, %parallel_loop3A_472 : vector<16xf32>
      %parallel_loop3A_484 = arith.mulf %parallel_loop3A_483, %parallel_loop3A_480 : vector<16xf32>
      %parallel_loop3A_485 = arith.mulf %parallel_loop3A_484, %parallel_loop3A_480 : vector<16xf32>
      %parallel_loop3A_486 = arith.constant 1.500000e+00 : f32
      %parallel_loop3A_487 = vector.broadcast %parallel_loop3A_486 : f32 to vector<16xf32>
      %parallel_loop3A_488 = arith.subf %parallel_loop3A_487, %parallel_loop3A_485 : vector<16xf32>
      %parallel_loop3A_489 = arith.mulf %parallel_loop3A_480, %parallel_loop3A_488 : vector<16xf32>
      %parallel_loop3A_490 = arith.mulf %parallel_loop3A_483, %parallel_loop3A_489 : vector<16xf32>
      %parallel_loop3A_491 = arith.mulf %parallel_loop3A_490, %parallel_loop3A_489 : vector<16xf32>
      %parallel_loop3A_492 = arith.constant 1.500000e+00 : f32
      %parallel_loop3A_493 = vector.broadcast %parallel_loop3A_492 : f32 to vector<16xf32>
      %parallel_loop3A_494 = arith.subf %parallel_loop3A_493, %parallel_loop3A_491 : vector<16xf32>
      %parallel_loop3A_495 = arith.mulf %parallel_loop3A_489, %parallel_loop3A_494 : vector<16xf32>
      %parallel_loop3A_496 = arith.mulf %parallel_loop3A_472, %parallel_loop3A_495 : vector<16xf32>
      %parallel_loop3A_497 = arith.mulf %parallel_loop3A_462, %parallel_loop3A_496 : vector<16xf32>
      %parallel_loop3A_498 = arith.constant true
      %parallel_loop3A_499 = vector.broadcast %parallel_loop3A_498 : i1 to vector<16xi1>
      %parallel_loop3A_500 = tpu.scan <sum>, %parallel_loop3A_497 masked %parallel_loop3A_499 : vector<16xf32>, vector<16xi1> -> vector<16xf32>
      %parallel_loop3A_501 = arith.constant 1 : i32
      %parallel_loop3A_502 = arith.addi %parallel_loop3A_455, %parallel_loop3A_501 : i32
      %parallel_loop3A_503 = vector.broadcast %parallel_loop3A_502 : i32 to vector<16xi32>
      %parallel_loop3A_504 = arith.addi %parallel_loop3A_503, %iota3A : vector<16xi32>
      %parallel_loop3A_505 = tpu.vector_load_idx %arg8[%parallel_loop3A_504] : memref<8208xi32, #tpu.memory_space<vmem>>[vector<16xi32>], vector<16xi32>,
      %parallel_loop3A_506 = arith.cmpi ne, %parallel_loop3A_464, %parallel_loop3A_505 : vector<16xi32>
      %parallel_loop3A_507 = arith.ori %parallel_loop3A_506, %eq3A_78 : vector<16xi1>
      tpu.vector_store_idx %arg12[%parallel_loop3A_464], %parallel_loop3A_500 masked %parallel_loop3A_507 {add = true} : memref<10000xf32, #tpu.memory_space<vmem>>[vector<16xi32>], vector<16xf32>, vector<16xi1>
      %parallel_loop3A_508 = arith.constant 0.000000e+00 : f32
      %parallel_loop3A_509 = vector.broadcast %parallel_loop3A_508 : f32 to vector<16xf32>
      %parallel_loop3A_510 = arith.subf %parallel_loop3A_509, %parallel_loop3A_500 : vector<16xf32>
      %parallel_loop3A_511 = arith.andi %parallel_loop3A_506, %ne3A_81 : vector<16xi1>
      tpu.vector_store_idx %arg12[%parallel_loop3A_505], %parallel_loop3A_510 masked %parallel_loop3A_511 {add = true} : memref<10000xf32, #tpu.memory_space<vmem>>[vector<16xi32>], vector<16xf32>, vector<16xi1>
    } {sc.loop_unroll_factor = 4 : i64, sc.parallel_access}
    %add3A_177 = arith.constant 32768 : i32
    %add3A_178 = arith.addi %mul3A_20, %add3A_177 : i32
    %dma_start3A_179 = arith.constant 0 : i32
    %dma_start3A_180 = tpu.memref_slice %arg2[%dma_start3A_179, %add3A_178] : memref<3x3200000xf32, #tpu.memory_space<hbm>> -> memref<3x8192xf32, #tpu.memory_space<hbm>>
    %dma_start3A_181 = arith.constant 0 : i32
    %dma_start3A_182 = tpu.memref_slice %arg2[%dma_start3A_181, %add3A_178] : memref<3x3200000xf32, #tpu.memory_space<hbm>> -> memref<3x8192xf32, #tpu.memory_space<hbm>>
    tpu.enqueue_dma source(%dma_start3A_182 : memref<3x8192xf32, #tpu.memory_space<hbm>>) target(%arg6 : memref<3x8192xf32, #tpu.memory_space<vmem>>) target_semaphore(%arg13 : memref<!tpu.dma_semaphore, #tpu.memory_space<semaphore_mem>>)
    %dma_start3A_183 = tpu.memref_slice %arg3[%add3A_178] : memref<3200000xf32, #tpu.memory_space<hbm>> -> memref<8192xf32, #tpu.memory_space<hbm>>
    %dma_start3A_184 = tpu.memref_slice %arg3[%add3A_178] : memref<3200000xf32, #tpu.memory_space<hbm>> -> memref<8192xf32, #tpu.memory_space<hbm>>
    tpu.enqueue_dma source(%dma_start3A_184 : memref<8192xf32, #tpu.memory_space<hbm>>) target(%arg7 : memref<8192xf32, #tpu.memory_space<vmem>>) target_semaphore(%arg13 : memref<!tpu.dma_semaphore, #tpu.memory_space<semaphore_mem>>)
    %dma_start3A_185 = arith.constant 0 : i32
    %dma_start3A_186 = tpu.memref_slice %arg8[%dma_start3A_185] : memref<8208xi32, #tpu.memory_space<vmem>> -> memref<8192xi32, #tpu.memory_space<vmem>>
    %dma_start3A_187 = tpu.memref_slice %arg4[%add3A_178] : memref<3200000xi32, #tpu.memory_space<hbm>> -> memref<8192xi32, #tpu.memory_space<hbm>>
    %dma_start3A_188 = arith.constant 0 : i32
    %dma_start3A_189 = tpu.memref_slice %arg8[%dma_start3A_188] : memref<8208xi32, #tpu.memory_space<vmem>> -> memref<8192xi32, #tpu.memory_space<vmem>>
    %dma_start3A_190 = tpu.memref_slice %arg4[%add3A_178] : memref<3200000xi32, #tpu.memory_space<hbm>> -> memref<8192xi32, #tpu.memory_space<hbm>>
    tpu.enqueue_dma source(%dma_start3A_190 : memref<8192xi32, #tpu.memory_space<hbm>>) target(%dma_start3A_189 : memref<8192xi32, #tpu.memory_space<vmem>>) target_semaphore(%arg13 : memref<!tpu.dma_semaphore, #tpu.memory_space<semaphore_mem>>)
    %dma_wait3A_191 = arith.constant 0 : i32
    %dma_wait3A_192 = tpu.memref_slice %arg2[%dma_wait3A_191, %add3A_149] : memref<3x3200000xf32, #tpu.memory_space<hbm>> -> memref<3x8192xf32, #tpu.memory_space<hbm>>
    %dma_wait3A_193 = arith.constant 0 : i32
    %dma_wait3A_194 = tpu.memref_slice %arg2[%dma_wait3A_193, %add3A_149] : memref<3x3200000xf32, #tpu.memory_space<hbm>> -> memref<3x8192xf32, #tpu.memory_space<hbm>>
    tpu.wait_dma2 semaphore(%arg14 : memref<!tpu.dma_semaphore, #tpu.memory_space<semaphore_mem>>) src(%dma_wait3A_194 : memref<3x8192xf32, #tpu.memory_space<hbm>>) dst(%arg9 : memref<3x8192xf32, #tpu.memory_space<vmem>>)
    %dma_wait3A_195 = tpu.memref_slice %arg3[%add3A_149] : memref<3200000xf32, #tpu.memory_space<hbm>> -> memref<8192xf32, #tpu.memory_space<hbm>>
    %dma_wait3A_196 = tpu.memref_slice %arg3[%add3A_149] : memref<3200000xf32, #tpu.memory_space<hbm>> -> memref<8192xf32, #tpu.memory_space<hbm>>
    tpu.wait_dma2 semaphore(%arg14 : memref<!tpu.dma_semaphore, #tpu.memory_space<semaphore_mem>>) src(%dma_wait3A_196 : memref<8192xf32, #tpu.memory_space<hbm>>) dst(%arg10 : memref<8192xf32, #tpu.memory_space<vmem>>)
    %dma_wait3A_197 = arith.constant 0 : i32
    %dma_wait3A_198 = tpu.memref_slice %arg11[%dma_wait3A_197] : memref<8208xi32, #tpu.memory_space<vmem>> -> memref<8192xi32, #tpu.memory_space<vmem>>
    %dma_wait3A_199 = tpu.memref_slice %arg4[%add3A_149] : memref<3200000xi32, #tpu.memory_space<hbm>> -> memref<8192xi32, #tpu.memory_space<hbm>>
    %dma_wait3A_200 = arith.constant 0 : i32
    %dma_wait3A_201 = tpu.memref_slice %arg11[%dma_wait3A_200] : memref<8208xi32, #tpu.memory_space<vmem>> -> memref<8192xi32, #tpu.memory_space<vmem>>
    %dma_wait3A_202 = tpu.memref_slice %arg4[%add3A_149] : memref<3200000xi32, #tpu.memory_space<hbm>> -> memref<8192xi32, #tpu.memory_space<hbm>>
    tpu.wait_dma2 semaphore(%arg14 : memref<!tpu.dma_semaphore, #tpu.memory_space<semaphore_mem>>) src(%dma_wait3A_202 : memref<8192xi32, #tpu.memory_space<hbm>>) dst(%dma_wait3A_201 : memref<8192xi32, #tpu.memory_space<vmem>>)
    %parallel_loop3A_203 = arith.constant 0 : i32
    %parallel_loop3A_204 = arith.constant 512 : i32
    %parallel_loop3A_205 = arith.constant 1 : i32
    scf.for %parallel_loop3A_453 = %parallel_loop3A_203 to %parallel_loop3A_204 step %parallel_loop3A_205  : i32 {
      %parallel_loop3A_454 = arith.constant 16 : i32
      %parallel_loop3A_455 = arith.muli %parallel_loop3A_453, %parallel_loop3A_454 : i32
      %parallel_loop3A_456 = vector.broadcast %parallel_loop3A_455 : i32 to vector<16xi32>
      %parallel_loop3A_457 = arith.addi %parallel_loop3A_456, %iota3A : vector<16xi32>
      %parallel_loop3A_458 = tpu.vector_load_idx %arg9[%broadcast_in_dim3A_83, %parallel_loop3A_457] : memref<3x8192xf32, #tpu.memory_space<vmem>>[vector<16xi32>, vector<16xi32>], vector<16xf32>,
      %parallel_loop3A_459 = tpu.vector_load_idx %arg9[%broadcast_in_dim3A_85, %parallel_loop3A_457] : memref<3x8192xf32, #tpu.memory_space<vmem>>[vector<16xi32>, vector<16xi32>], vector<16xf32>,
      %parallel_loop3A_460 = tpu.vector_load_idx %arg9[%broadcast_in_dim3A_87, %parallel_loop3A_457] : memref<3x8192xf32, #tpu.memory_space<vmem>>[vector<16xi32>, vector<16xi32>], vector<16xf32>,
      %parallel_loop3A_461 = arith.index_cast %parallel_loop3A_455 : i32 to index
      %parallel_loop3A_462 = tpu.vector_load %arg10[%parallel_loop3A_461] {strides = array<i32>} : memref<8192xf32, #tpu.memory_space<vmem>>, vector<16xf32>,
      %parallel_loop3A_463 = arith.index_cast %parallel_loop3A_455 : i32 to index
      %parallel_loop3A_464 = tpu.vector_load %arg11[%parallel_loop3A_463] {strides = array<i32>} : memref<8208xi32, #tpu.memory_space<vmem>>, vector<16xi32>,
      %parallel_loop3A_465 = arith.mulf %parallel_loop3A_458, %parallel_loop3A_458 : vector<16xf32>
      %parallel_loop3A_466 = arith.mulf %parallel_loop3A_459, %parallel_loop3A_459 : vector<16xf32>
      %parallel_loop3A_467 = arith.addf %parallel_loop3A_465, %parallel_loop3A_466 : vector<16xf32>
      %parallel_loop3A_468 = arith.mulf %parallel_loop3A_460, %parallel_loop3A_460 : vector<16xf32>
      %parallel_loop3A_469 = arith.addf %parallel_loop3A_467, %parallel_loop3A_468 : vector<16xf32>
      %parallel_loop3A_470 = arith.constant 9.99999991E-38 : f32
      %parallel_loop3A_471 = vector.broadcast %parallel_loop3A_470 : f32 to vector<16xf32>
      %parallel_loop3A_472 = arith.maximumf %parallel_loop3A_469, %parallel_loop3A_471 : vector<16xf32>
      %parallel_loop3A_473 = vector.bitcast %parallel_loop3A_472 : vector<16xf32> to vector<16xi32>
      %parallel_loop3A_474 = arith.constant 1 : i32
      %parallel_loop3A_475 = vector.broadcast %parallel_loop3A_474 : i32 to vector<16xi32>
      %parallel_loop3A_476 = arith.shrsi %parallel_loop3A_473, %parallel_loop3A_475 : vector<16xi32>
      %parallel_loop3A_477 = arith.constant 1597463007 : i32
      %parallel_loop3A_478 = vector.broadcast %parallel_loop3A_477 : i32 to vector<16xi32>
      %parallel_loop3A_479 = arith.subi %parallel_loop3A_478, %parallel_loop3A_476 : vector<16xi32>
      %parallel_loop3A_480 = vector.bitcast %parallel_loop3A_479 : vector<16xi32> to vector<16xf32>
      %parallel_loop3A_481 = arith.constant 5.000000e-01 : f32
      %parallel_loop3A_482 = vector.broadcast %parallel_loop3A_481 : f32 to vector<16xf32>
      %parallel_loop3A_483 = arith.mulf %parallel_loop3A_482, %parallel_loop3A_472 : vector<16xf32>
      %parallel_loop3A_484 = arith.mulf %parallel_loop3A_483, %parallel_loop3A_480 : vector<16xf32>
      %parallel_loop3A_485 = arith.mulf %parallel_loop3A_484, %parallel_loop3A_480 : vector<16xf32>
      %parallel_loop3A_486 = arith.constant 1.500000e+00 : f32
      %parallel_loop3A_487 = vector.broadcast %parallel_loop3A_486 : f32 to vector<16xf32>
      %parallel_loop3A_488 = arith.subf %parallel_loop3A_487, %parallel_loop3A_485 : vector<16xf32>
      %parallel_loop3A_489 = arith.mulf %parallel_loop3A_480, %parallel_loop3A_488 : vector<16xf32>
      %parallel_loop3A_490 = arith.mulf %parallel_loop3A_483, %parallel_loop3A_489 : vector<16xf32>
      %parallel_loop3A_491 = arith.mulf %parallel_loop3A_490, %parallel_loop3A_489 : vector<16xf32>
      %parallel_loop3A_492 = arith.constant 1.500000e+00 : f32
      %parallel_loop3A_493 = vector.broadcast %parallel_loop3A_492 : f32 to vector<16xf32>
      %parallel_loop3A_494 = arith.subf %parallel_loop3A_493, %parallel_loop3A_491 : vector<16xf32>
      %parallel_loop3A_495 = arith.mulf %parallel_loop3A_489, %parallel_loop3A_494 : vector<16xf32>
      %parallel_loop3A_496 = arith.mulf %parallel_loop3A_472, %parallel_loop3A_495 : vector<16xf32>
      %parallel_loop3A_497 = arith.mulf %parallel_loop3A_462, %parallel_loop3A_496 : vector<16xf32>
      %parallel_loop3A_498 = arith.constant true
      %parallel_loop3A_499 = vector.broadcast %parallel_loop3A_498 : i1 to vector<16xi1>
      %parallel_loop3A_500 = tpu.scan <sum>, %parallel_loop3A_497 masked %parallel_loop3A_499 : vector<16xf32>, vector<16xi1> -> vector<16xf32>
      %parallel_loop3A_501 = arith.constant 1 : i32
      %parallel_loop3A_502 = arith.addi %parallel_loop3A_455, %parallel_loop3A_501 : i32
      %parallel_loop3A_503 = vector.broadcast %parallel_loop3A_502 : i32 to vector<16xi32>
      %parallel_loop3A_504 = arith.addi %parallel_loop3A_503, %iota3A : vector<16xi32>
      %parallel_loop3A_505 = tpu.vector_load_idx %arg11[%parallel_loop3A_504] : memref<8208xi32, #tpu.memory_space<vmem>>[vector<16xi32>], vector<16xi32>,
      %parallel_loop3A_506 = arith.cmpi ne, %parallel_loop3A_464, %parallel_loop3A_505 : vector<16xi32>
      %parallel_loop3A_507 = arith.ori %parallel_loop3A_506, %eq3A_78 : vector<16xi1>
      tpu.vector_store_idx %arg12[%parallel_loop3A_464], %parallel_loop3A_500 masked %parallel_loop3A_507 {add = true} : memref<10000xf32, #tpu.memory_space<vmem>>[vector<16xi32>], vector<16xf32>, vector<16xi1>
      %parallel_loop3A_508 = arith.constant 0.000000e+00 : f32
      %parallel_loop3A_509 = vector.broadcast %parallel_loop3A_508 : f32 to vector<16xf32>
      %parallel_loop3A_510 = arith.subf %parallel_loop3A_509, %parallel_loop3A_500 : vector<16xf32>
      %parallel_loop3A_511 = arith.andi %parallel_loop3A_506, %ne3A_81 : vector<16xi1>
      tpu.vector_store_idx %arg12[%parallel_loop3A_505], %parallel_loop3A_510 masked %parallel_loop3A_511 {add = true} : memref<10000xf32, #tpu.memory_space<vmem>>[vector<16xi32>], vector<16xf32>, vector<16xi1>
    } {sc.loop_unroll_factor = 4 : i64, sc.parallel_access}
    %add3A_206 = arith.constant 40960 : i32
    %add3A_207 = arith.addi %mul3A_20, %add3A_206 : i32
    %dma_start3A_208 = arith.constant 0 : i32
    %dma_start3A_209 = tpu.memref_slice %arg2[%dma_start3A_208, %add3A_207] : memref<3x3200000xf32, #tpu.memory_space<hbm>> -> memref<3x8192xf32, #tpu.memory_space<hbm>>
    %dma_start3A_210 = arith.constant 0 : i32
    %dma_start3A_211 = tpu.memref_slice %arg2[%dma_start3A_210, %add3A_207] : memref<3x3200000xf32, #tpu.memory_space<hbm>> -> memref<3x8192xf32, #tpu.memory_space<hbm>>
    tpu.enqueue_dma source(%dma_start3A_211 : memref<3x8192xf32, #tpu.memory_space<hbm>>) target(%arg9 : memref<3x8192xf32, #tpu.memory_space<vmem>>) target_semaphore(%arg14 : memref<!tpu.dma_semaphore, #tpu.memory_space<semaphore_mem>>)
    %dma_start3A_212 = tpu.memref_slice %arg3[%add3A_207] : memref<3200000xf32, #tpu.memory_space<hbm>> -> memref<8192xf32, #tpu.memory_space<hbm>>
    %dma_start3A_213 = tpu.memref_slice %arg3[%add3A_207] : memref<3200000xf32, #tpu.memory_space<hbm>> -> memref<8192xf32, #tpu.memory_space<hbm>>
    tpu.enqueue_dma source(%dma_start3A_213 : memref<8192xf32, #tpu.memory_space<hbm>>) target(%arg10 : memref<8192xf32, #tpu.memory_space<vmem>>) target_semaphore(%arg14 : memref<!tpu.dma_semaphore, #tpu.memory_space<semaphore_mem>>)
    %dma_start3A_214 = arith.constant 0 : i32
    %dma_start3A_215 = tpu.memref_slice %arg11[%dma_start3A_214] : memref<8208xi32, #tpu.memory_space<vmem>> -> memref<8192xi32, #tpu.memory_space<vmem>>
    %dma_start3A_216 = tpu.memref_slice %arg4[%add3A_207] : memref<3200000xi32, #tpu.memory_space<hbm>> -> memref<8192xi32, #tpu.memory_space<hbm>>
    %dma_start3A_217 = arith.constant 0 : i32
    %dma_start3A_218 = tpu.memref_slice %arg11[%dma_start3A_217] : memref<8208xi32, #tpu.memory_space<vmem>> -> memref<8192xi32, #tpu.memory_space<vmem>>
    %dma_start3A_219 = tpu.memref_slice %arg4[%add3A_207] : memref<3200000xi32, #tpu.memory_space<hbm>> -> memref<8192xi32, #tpu.memory_space<hbm>>
    tpu.enqueue_dma source(%dma_start3A_219 : memref<8192xi32, #tpu.memory_space<hbm>>) target(%dma_start3A_218 : memref<8192xi32, #tpu.memory_space<vmem>>) target_semaphore(%arg14 : memref<!tpu.dma_semaphore, #tpu.memory_space<semaphore_mem>>)
    %dma_wait3A_220 = arith.constant 0 : i32
    %dma_wait3A_221 = tpu.memref_slice %arg2[%dma_wait3A_220, %add3A_178] : memref<3x3200000xf32, #tpu.memory_space<hbm>> -> memref<3x8192xf32, #tpu.memory_space<hbm>>
    %dma_wait3A_222 = arith.constant 0 : i32
    %dma_wait3A_223 = tpu.memref_slice %arg2[%dma_wait3A_222, %add3A_178] : memref<3x3200000xf32, #tpu.memory_space<hbm>> -> memref<3x8192xf32, #tpu.memory_space<hbm>>
    tpu.wait_dma2 semaphore(%arg13 : memref<!tpu.dma_semaphore, #tpu.memory_space<semaphore_mem>>) src(%dma_wait3A_223 : memref<3x8192xf32, #tpu.memory_space<hbm>>) dst(%arg6 : memref<3x8192xf32, #tpu.memory_space<vmem>>)
    %dma_wait3A_224 = tpu.memref_slice %arg3[%add3A_178] : memref<3200000xf32, #tpu.memory_space<hbm>> -> memref<8192xf32, #tpu.memory_space<hbm>>
    %dma_wait3A_225 = tpu.memref_slice %arg3[%add3A_178] : memref<3200000xf32, #tpu.memory_space<hbm>> -> memref<8192xf32, #tpu.memory_space<hbm>>
    tpu.wait_dma2 semaphore(%arg13 : memref<!tpu.dma_semaphore, #tpu.memory_space<semaphore_mem>>) src(%dma_wait3A_225 : memref<8192xf32, #tpu.memory_space<hbm>>) dst(%arg7 : memref<8192xf32, #tpu.memory_space<vmem>>)
    %dma_wait3A_226 = arith.constant 0 : i32
    %dma_wait3A_227 = tpu.memref_slice %arg8[%dma_wait3A_226] : memref<8208xi32, #tpu.memory_space<vmem>> -> memref<8192xi32, #tpu.memory_space<vmem>>
    %dma_wait3A_228 = tpu.memref_slice %arg4[%add3A_178] : memref<3200000xi32, #tpu.memory_space<hbm>> -> memref<8192xi32, #tpu.memory_space<hbm>>
    %dma_wait3A_229 = arith.constant 0 : i32
    %dma_wait3A_230 = tpu.memref_slice %arg8[%dma_wait3A_229] : memref<8208xi32, #tpu.memory_space<vmem>> -> memref<8192xi32, #tpu.memory_space<vmem>>
    %dma_wait3A_231 = tpu.memref_slice %arg4[%add3A_178] : memref<3200000xi32, #tpu.memory_space<hbm>> -> memref<8192xi32, #tpu.memory_space<hbm>>
    tpu.wait_dma2 semaphore(%arg13 : memref<!tpu.dma_semaphore, #tpu.memory_space<semaphore_mem>>) src(%dma_wait3A_231 : memref<8192xi32, #tpu.memory_space<hbm>>) dst(%dma_wait3A_230 : memref<8192xi32, #tpu.memory_space<vmem>>)
    %parallel_loop3A_232 = arith.constant 0 : i32
    %parallel_loop3A_233 = arith.constant 512 : i32
    %parallel_loop3A_234 = arith.constant 1 : i32
    scf.for %parallel_loop3A_453 = %parallel_loop3A_232 to %parallel_loop3A_233 step %parallel_loop3A_234  : i32 {
      %parallel_loop3A_454 = arith.constant 16 : i32
      %parallel_loop3A_455 = arith.muli %parallel_loop3A_453, %parallel_loop3A_454 : i32
      %parallel_loop3A_456 = vector.broadcast %parallel_loop3A_455 : i32 to vector<16xi32>
      %parallel_loop3A_457 = arith.addi %parallel_loop3A_456, %iota3A : vector<16xi32>
      %parallel_loop3A_458 = tpu.vector_load_idx %arg6[%broadcast_in_dim3A_83, %parallel_loop3A_457] : memref<3x8192xf32, #tpu.memory_space<vmem>>[vector<16xi32>, vector<16xi32>], vector<16xf32>,
      %parallel_loop3A_459 = tpu.vector_load_idx %arg6[%broadcast_in_dim3A_85, %parallel_loop3A_457] : memref<3x8192xf32, #tpu.memory_space<vmem>>[vector<16xi32>, vector<16xi32>], vector<16xf32>,
      %parallel_loop3A_460 = tpu.vector_load_idx %arg6[%broadcast_in_dim3A_87, %parallel_loop3A_457] : memref<3x8192xf32, #tpu.memory_space<vmem>>[vector<16xi32>, vector<16xi32>], vector<16xf32>,
      %parallel_loop3A_461 = arith.index_cast %parallel_loop3A_455 : i32 to index
      %parallel_loop3A_462 = tpu.vector_load %arg7[%parallel_loop3A_461] {strides = array<i32>} : memref<8192xf32, #tpu.memory_space<vmem>>, vector<16xf32>,
      %parallel_loop3A_463 = arith.index_cast %parallel_loop3A_455 : i32 to index
      %parallel_loop3A_464 = tpu.vector_load %arg8[%parallel_loop3A_463] {strides = array<i32>} : memref<8208xi32, #tpu.memory_space<vmem>>, vector<16xi32>,
      %parallel_loop3A_465 = arith.mulf %parallel_loop3A_458, %parallel_loop3A_458 : vector<16xf32>
      %parallel_loop3A_466 = arith.mulf %parallel_loop3A_459, %parallel_loop3A_459 : vector<16xf32>
      %parallel_loop3A_467 = arith.addf %parallel_loop3A_465, %parallel_loop3A_466 : vector<16xf32>
      %parallel_loop3A_468 = arith.mulf %parallel_loop3A_460, %parallel_loop3A_460 : vector<16xf32>
      %parallel_loop3A_469 = arith.addf %parallel_loop3A_467, %parallel_loop3A_468 : vector<16xf32>
      %parallel_loop3A_470 = arith.constant 9.99999991E-38 : f32
      %parallel_loop3A_471 = vector.broadcast %parallel_loop3A_470 : f32 to vector<16xf32>
      %parallel_loop3A_472 = arith.maximumf %parallel_loop3A_469, %parallel_loop3A_471 : vector<16xf32>
      %parallel_loop3A_473 = vector.bitcast %parallel_loop3A_472 : vector<16xf32> to vector<16xi32>
      %parallel_loop3A_474 = arith.constant 1 : i32
      %parallel_loop3A_475 = vector.broadcast %parallel_loop3A_474 : i32 to vector<16xi32>
      %parallel_loop3A_476 = arith.shrsi %parallel_loop3A_473, %parallel_loop3A_475 : vector<16xi32>
      %parallel_loop3A_477 = arith.constant 1597463007 : i32
      %parallel_loop3A_478 = vector.broadcast %parallel_loop3A_477 : i32 to vector<16xi32>
      %parallel_loop3A_479 = arith.subi %parallel_loop3A_478, %parallel_loop3A_476 : vector<16xi32>
      %parallel_loop3A_480 = vector.bitcast %parallel_loop3A_479 : vector<16xi32> to vector<16xf32>
      %parallel_loop3A_481 = arith.constant 5.000000e-01 : f32
      %parallel_loop3A_482 = vector.broadcast %parallel_loop3A_481 : f32 to vector<16xf32>
      %parallel_loop3A_483 = arith.mulf %parallel_loop3A_482, %parallel_loop3A_472 : vector<16xf32>
      %parallel_loop3A_484 = arith.mulf %parallel_loop3A_483, %parallel_loop3A_480 : vector<16xf32>
      %parallel_loop3A_485 = arith.mulf %parallel_loop3A_484, %parallel_loop3A_480 : vector<16xf32>
      %parallel_loop3A_486 = arith.constant 1.500000e+00 : f32
      %parallel_loop3A_487 = vector.broadcast %parallel_loop3A_486 : f32 to vector<16xf32>
      %parallel_loop3A_488 = arith.subf %parallel_loop3A_487, %parallel_loop3A_485 : vector<16xf32>
      %parallel_loop3A_489 = arith.mulf %parallel_loop3A_480, %parallel_loop3A_488 : vector<16xf32>
      %parallel_loop3A_490 = arith.mulf %parallel_loop3A_483, %parallel_loop3A_489 : vector<16xf32>
      %parallel_loop3A_491 = arith.mulf %parallel_loop3A_490, %parallel_loop3A_489 : vector<16xf32>
      %parallel_loop3A_492 = arith.constant 1.500000e+00 : f32
      %parallel_loop3A_493 = vector.broadcast %parallel_loop3A_492 : f32 to vector<16xf32>
      %parallel_loop3A_494 = arith.subf %parallel_loop3A_493, %parallel_loop3A_491 : vector<16xf32>
      %parallel_loop3A_495 = arith.mulf %parallel_loop3A_489, %parallel_loop3A_494 : vector<16xf32>
      %parallel_loop3A_496 = arith.mulf %parallel_loop3A_472, %parallel_loop3A_495 : vector<16xf32>
      %parallel_loop3A_497 = arith.mulf %parallel_loop3A_462, %parallel_loop3A_496 : vector<16xf32>
      %parallel_loop3A_498 = arith.constant true
      %parallel_loop3A_499 = vector.broadcast %parallel_loop3A_498 : i1 to vector<16xi1>
      %parallel_loop3A_500 = tpu.scan <sum>, %parallel_loop3A_497 masked %parallel_loop3A_499 : vector<16xf32>, vector<16xi1> -> vector<16xf32>
      %parallel_loop3A_501 = arith.constant 1 : i32
      %parallel_loop3A_502 = arith.addi %parallel_loop3A_455, %parallel_loop3A_501 : i32
      %parallel_loop3A_503 = vector.broadcast %parallel_loop3A_502 : i32 to vector<16xi32>
      %parallel_loop3A_504 = arith.addi %parallel_loop3A_503, %iota3A : vector<16xi32>
      %parallel_loop3A_505 = tpu.vector_load_idx %arg8[%parallel_loop3A_504] : memref<8208xi32, #tpu.memory_space<vmem>>[vector<16xi32>], vector<16xi32>,
      %parallel_loop3A_506 = arith.cmpi ne, %parallel_loop3A_464, %parallel_loop3A_505 : vector<16xi32>
      %parallel_loop3A_507 = arith.ori %parallel_loop3A_506, %eq3A_78 : vector<16xi1>
      tpu.vector_store_idx %arg12[%parallel_loop3A_464], %parallel_loop3A_500 masked %parallel_loop3A_507 {add = true} : memref<10000xf32, #tpu.memory_space<vmem>>[vector<16xi32>], vector<16xf32>, vector<16xi1>
      %parallel_loop3A_508 = arith.constant 0.000000e+00 : f32
      %parallel_loop3A_509 = vector.broadcast %parallel_loop3A_508 : f32 to vector<16xf32>
      %parallel_loop3A_510 = arith.subf %parallel_loop3A_509, %parallel_loop3A_500 : vector<16xf32>
      %parallel_loop3A_511 = arith.andi %parallel_loop3A_506, %ne3A_81 : vector<16xi1>
      tpu.vector_store_idx %arg12[%parallel_loop3A_505], %parallel_loop3A_510 masked %parallel_loop3A_511 {add = true} : memref<10000xf32, #tpu.memory_space<vmem>>[vector<16xi32>], vector<16xf32>, vector<16xi1>
    } {sc.loop_unroll_factor = 4 : i64, sc.parallel_access}
    %add3A_235 = arith.constant 49152 : i32
    %add3A_236 = arith.addi %mul3A_20, %add3A_235 : i32
    %dma_start3A_237 = arith.constant 0 : i32
    %dma_start3A_238 = tpu.memref_slice %arg2[%dma_start3A_237, %add3A_236] : memref<3x3200000xf32, #tpu.memory_space<hbm>> -> memref<3x8192xf32, #tpu.memory_space<hbm>>
    %dma_start3A_239 = arith.constant 0 : i32
    %dma_start3A_240 = tpu.memref_slice %arg2[%dma_start3A_239, %add3A_236] : memref<3x3200000xf32, #tpu.memory_space<hbm>> -> memref<3x8192xf32, #tpu.memory_space<hbm>>
    tpu.enqueue_dma source(%dma_start3A_240 : memref<3x8192xf32, #tpu.memory_space<hbm>>) target(%arg6 : memref<3x8192xf32, #tpu.memory_space<vmem>>) target_semaphore(%arg13 : memref<!tpu.dma_semaphore, #tpu.memory_space<semaphore_mem>>)
    %dma_start3A_241 = tpu.memref_slice %arg3[%add3A_236] : memref<3200000xf32, #tpu.memory_space<hbm>> -> memref<8192xf32, #tpu.memory_space<hbm>>
    %dma_start3A_242 = tpu.memref_slice %arg3[%add3A_236] : memref<3200000xf32, #tpu.memory_space<hbm>> -> memref<8192xf32, #tpu.memory_space<hbm>>
    tpu.enqueue_dma source(%dma_start3A_242 : memref<8192xf32, #tpu.memory_space<hbm>>) target(%arg7 : memref<8192xf32, #tpu.memory_space<vmem>>) target_semaphore(%arg13 : memref<!tpu.dma_semaphore, #tpu.memory_space<semaphore_mem>>)
    %dma_start3A_243 = arith.constant 0 : i32
    %dma_start3A_244 = tpu.memref_slice %arg8[%dma_start3A_243] : memref<8208xi32, #tpu.memory_space<vmem>> -> memref<8192xi32, #tpu.memory_space<vmem>>
    %dma_start3A_245 = tpu.memref_slice %arg4[%add3A_236] : memref<3200000xi32, #tpu.memory_space<hbm>> -> memref<8192xi32, #tpu.memory_space<hbm>>
    %dma_start3A_246 = arith.constant 0 : i32
    %dma_start3A_247 = tpu.memref_slice %arg8[%dma_start3A_246] : memref<8208xi32, #tpu.memory_space<vmem>> -> memref<8192xi32, #tpu.memory_space<vmem>>
    %dma_start3A_248 = tpu.memref_slice %arg4[%add3A_236] : memref<3200000xi32, #tpu.memory_space<hbm>> -> memref<8192xi32, #tpu.memory_space<hbm>>
    tpu.enqueue_dma source(%dma_start3A_248 : memref<8192xi32, #tpu.memory_space<hbm>>) target(%dma_start3A_247 : memref<8192xi32, #tpu.memory_space<vmem>>) target_semaphore(%arg13 : memref<!tpu.dma_semaphore, #tpu.memory_space<semaphore_mem>>)
    %dma_wait3A_249 = arith.constant 0 : i32
    %dma_wait3A_250 = tpu.memref_slice %arg2[%dma_wait3A_249, %add3A_207] : memref<3x3200000xf32, #tpu.memory_space<hbm>> -> memref<3x8192xf32, #tpu.memory_space<hbm>>
    %dma_wait3A_251 = arith.constant 0 : i32
    %dma_wait3A_252 = tpu.memref_slice %arg2[%dma_wait3A_251, %add3A_207] : memref<3x3200000xf32, #tpu.memory_space<hbm>> -> memref<3x8192xf32, #tpu.memory_space<hbm>>
    tpu.wait_dma2 semaphore(%arg14 : memref<!tpu.dma_semaphore, #tpu.memory_space<semaphore_mem>>) src(%dma_wait3A_252 : memref<3x8192xf32, #tpu.memory_space<hbm>>) dst(%arg9 : memref<3x8192xf32, #tpu.memory_space<vmem>>)
    %dma_wait3A_253 = tpu.memref_slice %arg3[%add3A_207] : memref<3200000xf32, #tpu.memory_space<hbm>> -> memref<8192xf32, #tpu.memory_space<hbm>>
    %dma_wait3A_254 = tpu.memref_slice %arg3[%add3A_207] : memref<3200000xf32, #tpu.memory_space<hbm>> -> memref<8192xf32, #tpu.memory_space<hbm>>
    tpu.wait_dma2 semaphore(%arg14 : memref<!tpu.dma_semaphore, #tpu.memory_space<semaphore_mem>>) src(%dma_wait3A_254 : memref<8192xf32, #tpu.memory_space<hbm>>) dst(%arg10 : memref<8192xf32, #tpu.memory_space<vmem>>)
    %dma_wait3A_255 = arith.constant 0 : i32
    %dma_wait3A_256 = tpu.memref_slice %arg11[%dma_wait3A_255] : memref<8208xi32, #tpu.memory_space<vmem>> -> memref<8192xi32, #tpu.memory_space<vmem>>
    %dma_wait3A_257 = tpu.memref_slice %arg4[%add3A_207] : memref<3200000xi32, #tpu.memory_space<hbm>> -> memref<8192xi32, #tpu.memory_space<hbm>>
    %dma_wait3A_258 = arith.constant 0 : i32
    %dma_wait3A_259 = tpu.memref_slice %arg11[%dma_wait3A_258] : memref<8208xi32, #tpu.memory_space<vmem>> -> memref<8192xi32, #tpu.memory_space<vmem>>
    %dma_wait3A_260 = tpu.memref_slice %arg4[%add3A_207] : memref<3200000xi32, #tpu.memory_space<hbm>> -> memref<8192xi32, #tpu.memory_space<hbm>>
    tpu.wait_dma2 semaphore(%arg14 : memref<!tpu.dma_semaphore, #tpu.memory_space<semaphore_mem>>) src(%dma_wait3A_260 : memref<8192xi32, #tpu.memory_space<hbm>>) dst(%dma_wait3A_259 : memref<8192xi32, #tpu.memory_space<vmem>>)
    %parallel_loop3A_261 = arith.constant 0 : i32
    %parallel_loop3A_262 = arith.constant 512 : i32
    %parallel_loop3A_263 = arith.constant 1 : i32
    scf.for %parallel_loop3A_453 = %parallel_loop3A_261 to %parallel_loop3A_262 step %parallel_loop3A_263  : i32 {
      %parallel_loop3A_454 = arith.constant 16 : i32
      %parallel_loop3A_455 = arith.muli %parallel_loop3A_453, %parallel_loop3A_454 : i32
      %parallel_loop3A_456 = vector.broadcast %parallel_loop3A_455 : i32 to vector<16xi32>
      %parallel_loop3A_457 = arith.addi %parallel_loop3A_456, %iota3A : vector<16xi32>
      %parallel_loop3A_458 = tpu.vector_load_idx %arg9[%broadcast_in_dim3A_83, %parallel_loop3A_457] : memref<3x8192xf32, #tpu.memory_space<vmem>>[vector<16xi32>, vector<16xi32>], vector<16xf32>,
      %parallel_loop3A_459 = tpu.vector_load_idx %arg9[%broadcast_in_dim3A_85, %parallel_loop3A_457] : memref<3x8192xf32, #tpu.memory_space<vmem>>[vector<16xi32>, vector<16xi32>], vector<16xf32>,
      %parallel_loop3A_460 = tpu.vector_load_idx %arg9[%broadcast_in_dim3A_87, %parallel_loop3A_457] : memref<3x8192xf32, #tpu.memory_space<vmem>>[vector<16xi32>, vector<16xi32>], vector<16xf32>,
      %parallel_loop3A_461 = arith.index_cast %parallel_loop3A_455 : i32 to index
      %parallel_loop3A_462 = tpu.vector_load %arg10[%parallel_loop3A_461] {strides = array<i32>} : memref<8192xf32, #tpu.memory_space<vmem>>, vector<16xf32>,
      %parallel_loop3A_463 = arith.index_cast %parallel_loop3A_455 : i32 to index
      %parallel_loop3A_464 = tpu.vector_load %arg11[%parallel_loop3A_463] {strides = array<i32>} : memref<8208xi32, #tpu.memory_space<vmem>>, vector<16xi32>,
      %parallel_loop3A_465 = arith.mulf %parallel_loop3A_458, %parallel_loop3A_458 : vector<16xf32>
      %parallel_loop3A_466 = arith.mulf %parallel_loop3A_459, %parallel_loop3A_459 : vector<16xf32>
      %parallel_loop3A_467 = arith.addf %parallel_loop3A_465, %parallel_loop3A_466 : vector<16xf32>
      %parallel_loop3A_468 = arith.mulf %parallel_loop3A_460, %parallel_loop3A_460 : vector<16xf32>
      %parallel_loop3A_469 = arith.addf %parallel_loop3A_467, %parallel_loop3A_468 : vector<16xf32>
      %parallel_loop3A_470 = arith.constant 9.99999991E-38 : f32
      %parallel_loop3A_471 = vector.broadcast %parallel_loop3A_470 : f32 to vector<16xf32>
      %parallel_loop3A_472 = arith.maximumf %parallel_loop3A_469, %parallel_loop3A_471 : vector<16xf32>
      %parallel_loop3A_473 = vector.bitcast %parallel_loop3A_472 : vector<16xf32> to vector<16xi32>
      %parallel_loop3A_474 = arith.constant 1 : i32
      %parallel_loop3A_475 = vector.broadcast %parallel_loop3A_474 : i32 to vector<16xi32>
      %parallel_loop3A_476 = arith.shrsi %parallel_loop3A_473, %parallel_loop3A_475 : vector<16xi32>
      %parallel_loop3A_477 = arith.constant 1597463007 : i32
      %parallel_loop3A_478 = vector.broadcast %parallel_loop3A_477 : i32 to vector<16xi32>
      %parallel_loop3A_479 = arith.subi %parallel_loop3A_478, %parallel_loop3A_476 : vector<16xi32>
      %parallel_loop3A_480 = vector.bitcast %parallel_loop3A_479 : vector<16xi32> to vector<16xf32>
      %parallel_loop3A_481 = arith.constant 5.000000e-01 : f32
      %parallel_loop3A_482 = vector.broadcast %parallel_loop3A_481 : f32 to vector<16xf32>
      %parallel_loop3A_483 = arith.mulf %parallel_loop3A_482, %parallel_loop3A_472 : vector<16xf32>
      %parallel_loop3A_484 = arith.mulf %parallel_loop3A_483, %parallel_loop3A_480 : vector<16xf32>
      %parallel_loop3A_485 = arith.mulf %parallel_loop3A_484, %parallel_loop3A_480 : vector<16xf32>
      %parallel_loop3A_486 = arith.constant 1.500000e+00 : f32
      %parallel_loop3A_487 = vector.broadcast %parallel_loop3A_486 : f32 to vector<16xf32>
      %parallel_loop3A_488 = arith.subf %parallel_loop3A_487, %parallel_loop3A_485 : vector<16xf32>
      %parallel_loop3A_489 = arith.mulf %parallel_loop3A_480, %parallel_loop3A_488 : vector<16xf32>
      %parallel_loop3A_490 = arith.mulf %parallel_loop3A_483, %parallel_loop3A_489 : vector<16xf32>
      %parallel_loop3A_491 = arith.mulf %parallel_loop3A_490, %parallel_loop3A_489 : vector<16xf32>
      %parallel_loop3A_492 = arith.constant 1.500000e+00 : f32
      %parallel_loop3A_493 = vector.broadcast %parallel_loop3A_492 : f32 to vector<16xf32>
      %parallel_loop3A_494 = arith.subf %parallel_loop3A_493, %parallel_loop3A_491 : vector<16xf32>
      %parallel_loop3A_495 = arith.mulf %parallel_loop3A_489, %parallel_loop3A_494 : vector<16xf32>
      %parallel_loop3A_496 = arith.mulf %parallel_loop3A_472, %parallel_loop3A_495 : vector<16xf32>
      %parallel_loop3A_497 = arith.mulf %parallel_loop3A_462, %parallel_loop3A_496 : vector<16xf32>
      %parallel_loop3A_498 = arith.constant true
      %parallel_loop3A_499 = vector.broadcast %parallel_loop3A_498 : i1 to vector<16xi1>
      %parallel_loop3A_500 = tpu.scan <sum>, %parallel_loop3A_497 masked %parallel_loop3A_499 : vector<16xf32>, vector<16xi1> -> vector<16xf32>
      %parallel_loop3A_501 = arith.constant 1 : i32
      %parallel_loop3A_502 = arith.addi %parallel_loop3A_455, %parallel_loop3A_501 : i32
      %parallel_loop3A_503 = vector.broadcast %parallel_loop3A_502 : i32 to vector<16xi32>
      %parallel_loop3A_504 = arith.addi %parallel_loop3A_503, %iota3A : vector<16xi32>
      %parallel_loop3A_505 = tpu.vector_load_idx %arg11[%parallel_loop3A_504] : memref<8208xi32, #tpu.memory_space<vmem>>[vector<16xi32>], vector<16xi32>,
      %parallel_loop3A_506 = arith.cmpi ne, %parallel_loop3A_464, %parallel_loop3A_505 : vector<16xi32>
      %parallel_loop3A_507 = arith.ori %parallel_loop3A_506, %eq3A_78 : vector<16xi1>
      tpu.vector_store_idx %arg12[%parallel_loop3A_464], %parallel_loop3A_500 masked %parallel_loop3A_507 {add = true} : memref<10000xf32, #tpu.memory_space<vmem>>[vector<16xi32>], vector<16xf32>, vector<16xi1>
      %parallel_loop3A_508 = arith.constant 0.000000e+00 : f32
      %parallel_loop3A_509 = vector.broadcast %parallel_loop3A_508 : f32 to vector<16xf32>
      %parallel_loop3A_510 = arith.subf %parallel_loop3A_509, %parallel_loop3A_500 : vector<16xf32>
      %parallel_loop3A_511 = arith.andi %parallel_loop3A_506, %ne3A_81 : vector<16xi1>
      tpu.vector_store_idx %arg12[%parallel_loop3A_505], %parallel_loop3A_510 masked %parallel_loop3A_511 {add = true} : memref<10000xf32, #tpu.memory_space<vmem>>[vector<16xi32>], vector<16xf32>, vector<16xi1>
    } {sc.loop_unroll_factor = 4 : i64, sc.parallel_access}
    %add3A_264 = arith.constant 57344 : i32
    %add3A_265 = arith.addi %mul3A_20, %add3A_264 : i32
    %dma_start3A_266 = arith.constant 0 : i32
    %dma_start3A_267 = tpu.memref_slice %arg2[%dma_start3A_266, %add3A_265] : memref<3x3200000xf32, #tpu.memory_space<hbm>> -> memref<3x8192xf32, #tpu.memory_space<hbm>>
    %dma_start3A_268 = arith.constant 0 : i32
    %dma_start3A_269 = tpu.memref_slice %arg2[%dma_start3A_268, %add3A_265] : memref<3x3200000xf32, #tpu.memory_space<hbm>> -> memref<3x8192xf32, #tpu.memory_space<hbm>>
    tpu.enqueue_dma source(%dma_start3A_269 : memref<3x8192xf32, #tpu.memory_space<hbm>>) target(%arg9 : memref<3x8192xf32, #tpu.memory_space<vmem>>) target_semaphore(%arg14 : memref<!tpu.dma_semaphore, #tpu.memory_space<semaphore_mem>>)
    %dma_start3A_270 = tpu.memref_slice %arg3[%add3A_265] : memref<3200000xf32, #tpu.memory_space<hbm>> -> memref<8192xf32, #tpu.memory_space<hbm>>
    %dma_start3A_271 = tpu.memref_slice %arg3[%add3A_265] : memref<3200000xf32, #tpu.memory_space<hbm>> -> memref<8192xf32, #tpu.memory_space<hbm>>
    tpu.enqueue_dma source(%dma_start3A_271 : memref<8192xf32, #tpu.memory_space<hbm>>) target(%arg10 : memref<8192xf32, #tpu.memory_space<vmem>>) target_semaphore(%arg14 : memref<!tpu.dma_semaphore, #tpu.memory_space<semaphore_mem>>)
    %dma_start3A_272 = arith.constant 0 : i32
    %dma_start3A_273 = tpu.memref_slice %arg11[%dma_start3A_272] : memref<8208xi32, #tpu.memory_space<vmem>> -> memref<8192xi32, #tpu.memory_space<vmem>>
    %dma_start3A_274 = tpu.memref_slice %arg4[%add3A_265] : memref<3200000xi32, #tpu.memory_space<hbm>> -> memref<8192xi32, #tpu.memory_space<hbm>>
    %dma_start3A_275 = arith.constant 0 : i32
    %dma_start3A_276 = tpu.memref_slice %arg11[%dma_start3A_275] : memref<8208xi32, #tpu.memory_space<vmem>> -> memref<8192xi32, #tpu.memory_space<vmem>>
    %dma_start3A_277 = tpu.memref_slice %arg4[%add3A_265] : memref<3200000xi32, #tpu.memory_space<hbm>> -> memref<8192xi32, #tpu.memory_space<hbm>>
    tpu.enqueue_dma source(%dma_start3A_277 : memref<8192xi32, #tpu.memory_space<hbm>>) target(%dma_start3A_276 : memref<8192xi32, #tpu.memory_space<vmem>>) target_semaphore(%arg14 : memref<!tpu.dma_semaphore, #tpu.memory_space<semaphore_mem>>)
    %dma_wait3A_278 = arith.constant 0 : i32
    %dma_wait3A_279 = tpu.memref_slice %arg2[%dma_wait3A_278, %add3A_236] : memref<3x3200000xf32, #tpu.memory_space<hbm>> -> memref<3x8192xf32, #tpu.memory_space<hbm>>
    %dma_wait3A_280 = arith.constant 0 : i32
    %dma_wait3A_281 = tpu.memref_slice %arg2[%dma_wait3A_280, %add3A_236] : memref<3x3200000xf32, #tpu.memory_space<hbm>> -> memref<3x8192xf32, #tpu.memory_space<hbm>>
    tpu.wait_dma2 semaphore(%arg13 : memref<!tpu.dma_semaphore, #tpu.memory_space<semaphore_mem>>) src(%dma_wait3A_281 : memref<3x8192xf32, #tpu.memory_space<hbm>>) dst(%arg6 : memref<3x8192xf32, #tpu.memory_space<vmem>>)
    %dma_wait3A_282 = tpu.memref_slice %arg3[%add3A_236] : memref<3200000xf32, #tpu.memory_space<hbm>> -> memref<8192xf32, #tpu.memory_space<hbm>>
    %dma_wait3A_283 = tpu.memref_slice %arg3[%add3A_236] : memref<3200000xf32, #tpu.memory_space<hbm>> -> memref<8192xf32, #tpu.memory_space<hbm>>
    tpu.wait_dma2 semaphore(%arg13 : memref<!tpu.dma_semaphore, #tpu.memory_space<semaphore_mem>>) src(%dma_wait3A_283 : memref<8192xf32, #tpu.memory_space<hbm>>) dst(%arg7 : memref<8192xf32, #tpu.memory_space<vmem>>)
    %dma_wait3A_284 = arith.constant 0 : i32
    %dma_wait3A_285 = tpu.memref_slice %arg8[%dma_wait3A_284] : memref<8208xi32, #tpu.memory_space<vmem>> -> memref<8192xi32, #tpu.memory_space<vmem>>
    %dma_wait3A_286 = tpu.memref_slice %arg4[%add3A_236] : memref<3200000xi32, #tpu.memory_space<hbm>> -> memref<8192xi32, #tpu.memory_space<hbm>>
    %dma_wait3A_287 = arith.constant 0 : i32
    %dma_wait3A_288 = tpu.memref_slice %arg8[%dma_wait3A_287] : memref<8208xi32, #tpu.memory_space<vmem>> -> memref<8192xi32, #tpu.memory_space<vmem>>
    %dma_wait3A_289 = tpu.memref_slice %arg4[%add3A_236] : memref<3200000xi32, #tpu.memory_space<hbm>> -> memref<8192xi32, #tpu.memory_space<hbm>>
    tpu.wait_dma2 semaphore(%arg13 : memref<!tpu.dma_semaphore, #tpu.memory_space<semaphore_mem>>) src(%dma_wait3A_289 : memref<8192xi32, #tpu.memory_space<hbm>>) dst(%dma_wait3A_288 : memref<8192xi32, #tpu.memory_space<vmem>>)
    %parallel_loop3A_290 = arith.constant 0 : i32
    %parallel_loop3A_291 = arith.constant 512 : i32
    %parallel_loop3A_292 = arith.constant 1 : i32
    scf.for %parallel_loop3A_453 = %parallel_loop3A_290 to %parallel_loop3A_291 step %parallel_loop3A_292  : i32 {
      %parallel_loop3A_454 = arith.constant 16 : i32
      %parallel_loop3A_455 = arith.muli %parallel_loop3A_453, %parallel_loop3A_454 : i32
      %parallel_loop3A_456 = vector.broadcast %parallel_loop3A_455 : i32 to vector<16xi32>
      %parallel_loop3A_457 = arith.addi %parallel_loop3A_456, %iota3A : vector<16xi32>
      %parallel_loop3A_458 = tpu.vector_load_idx %arg6[%broadcast_in_dim3A_83, %parallel_loop3A_457] : memref<3x8192xf32, #tpu.memory_space<vmem>>[vector<16xi32>, vector<16xi32>], vector<16xf32>,
      %parallel_loop3A_459 = tpu.vector_load_idx %arg6[%broadcast_in_dim3A_85, %parallel_loop3A_457] : memref<3x8192xf32, #tpu.memory_space<vmem>>[vector<16xi32>, vector<16xi32>], vector<16xf32>,
      %parallel_loop3A_460 = tpu.vector_load_idx %arg6[%broadcast_in_dim3A_87, %parallel_loop3A_457] : memref<3x8192xf32, #tpu.memory_space<vmem>>[vector<16xi32>, vector<16xi32>], vector<16xf32>,
      %parallel_loop3A_461 = arith.index_cast %parallel_loop3A_455 : i32 to index
      %parallel_loop3A_462 = tpu.vector_load %arg7[%parallel_loop3A_461] {strides = array<i32>} : memref<8192xf32, #tpu.memory_space<vmem>>, vector<16xf32>,
      %parallel_loop3A_463 = arith.index_cast %parallel_loop3A_455 : i32 to index
      %parallel_loop3A_464 = tpu.vector_load %arg8[%parallel_loop3A_463] {strides = array<i32>} : memref<8208xi32, #tpu.memory_space<vmem>>, vector<16xi32>,
      %parallel_loop3A_465 = arith.mulf %parallel_loop3A_458, %parallel_loop3A_458 : vector<16xf32>
      %parallel_loop3A_466 = arith.mulf %parallel_loop3A_459, %parallel_loop3A_459 : vector<16xf32>
      %parallel_loop3A_467 = arith.addf %parallel_loop3A_465, %parallel_loop3A_466 : vector<16xf32>
      %parallel_loop3A_468 = arith.mulf %parallel_loop3A_460, %parallel_loop3A_460 : vector<16xf32>
      %parallel_loop3A_469 = arith.addf %parallel_loop3A_467, %parallel_loop3A_468 : vector<16xf32>
      %parallel_loop3A_470 = arith.constant 9.99999991E-38 : f32
      %parallel_loop3A_471 = vector.broadcast %parallel_loop3A_470 : f32 to vector<16xf32>
      %parallel_loop3A_472 = arith.maximumf %parallel_loop3A_469, %parallel_loop3A_471 : vector<16xf32>
      %parallel_loop3A_473 = vector.bitcast %parallel_loop3A_472 : vector<16xf32> to vector<16xi32>
      %parallel_loop3A_474 = arith.constant 1 : i32
      %parallel_loop3A_475 = vector.broadcast %parallel_loop3A_474 : i32 to vector<16xi32>
      %parallel_loop3A_476 = arith.shrsi %parallel_loop3A_473, %parallel_loop3A_475 : vector<16xi32>
      %parallel_loop3A_477 = arith.constant 1597463007 : i32
      %parallel_loop3A_478 = vector.broadcast %parallel_loop3A_477 : i32 to vector<16xi32>
      %parallel_loop3A_479 = arith.subi %parallel_loop3A_478, %parallel_loop3A_476 : vector<16xi32>
      %parallel_loop3A_480 = vector.bitcast %parallel_loop3A_479 : vector<16xi32> to vector<16xf32>
      %parallel_loop3A_481 = arith.constant 5.000000e-01 : f32
      %parallel_loop3A_482 = vector.broadcast %parallel_loop3A_481 : f32 to vector<16xf32>
      %parallel_loop3A_483 = arith.mulf %parallel_loop3A_482, %parallel_loop3A_472 : vector<16xf32>
      %parallel_loop3A_484 = arith.mulf %parallel_loop3A_483, %parallel_loop3A_480 : vector<16xf32>
      %parallel_loop3A_485 = arith.mulf %parallel_loop3A_484, %parallel_loop3A_480 : vector<16xf32>
      %parallel_loop3A_486 = arith.constant 1.500000e+00 : f32
      %parallel_loop3A_487 = vector.broadcast %parallel_loop3A_486 : f32 to vector<16xf32>
      %parallel_loop3A_488 = arith.subf %parallel_loop3A_487, %parallel_loop3A_485 : vector<16xf32>
      %parallel_loop3A_489 = arith.mulf %parallel_loop3A_480, %parallel_loop3A_488 : vector<16xf32>
      %parallel_loop3A_490 = arith.mulf %parallel_loop3A_483, %parallel_loop3A_489 : vector<16xf32>
      %parallel_loop3A_491 = arith.mulf %parallel_loop3A_490, %parallel_loop3A_489 : vector<16xf32>
      %parallel_loop3A_492 = arith.constant 1.500000e+00 : f32
      %parallel_loop3A_493 = vector.broadcast %parallel_loop3A_492 : f32 to vector<16xf32>
      %parallel_loop3A_494 = arith.subf %parallel_loop3A_493, %parallel_loop3A_491 : vector<16xf32>
      %parallel_loop3A_495 = arith.mulf %parallel_loop3A_489, %parallel_loop3A_494 : vector<16xf32>
      %parallel_loop3A_496 = arith.mulf %parallel_loop3A_472, %parallel_loop3A_495 : vector<16xf32>
      %parallel_loop3A_497 = arith.mulf %parallel_loop3A_462, %parallel_loop3A_496 : vector<16xf32>
      %parallel_loop3A_498 = arith.constant true
      %parallel_loop3A_499 = vector.broadcast %parallel_loop3A_498 : i1 to vector<16xi1>
      %parallel_loop3A_500 = tpu.scan <sum>, %parallel_loop3A_497 masked %parallel_loop3A_499 : vector<16xf32>, vector<16xi1> -> vector<16xf32>
      %parallel_loop3A_501 = arith.constant 1 : i32
      %parallel_loop3A_502 = arith.addi %parallel_loop3A_455, %parallel_loop3A_501 : i32
      %parallel_loop3A_503 = vector.broadcast %parallel_loop3A_502 : i32 to vector<16xi32>
      %parallel_loop3A_504 = arith.addi %parallel_loop3A_503, %iota3A : vector<16xi32>
      %parallel_loop3A_505 = tpu.vector_load_idx %arg8[%parallel_loop3A_504] : memref<8208xi32, #tpu.memory_space<vmem>>[vector<16xi32>], vector<16xi32>,
      %parallel_loop3A_506 = arith.cmpi ne, %parallel_loop3A_464, %parallel_loop3A_505 : vector<16xi32>
      %parallel_loop3A_507 = arith.ori %parallel_loop3A_506, %eq3A_78 : vector<16xi1>
      tpu.vector_store_idx %arg12[%parallel_loop3A_464], %parallel_loop3A_500 masked %parallel_loop3A_507 {add = true} : memref<10000xf32, #tpu.memory_space<vmem>>[vector<16xi32>], vector<16xf32>, vector<16xi1>
      %parallel_loop3A_508 = arith.constant 0.000000e+00 : f32
      %parallel_loop3A_509 = vector.broadcast %parallel_loop3A_508 : f32 to vector<16xf32>
      %parallel_loop3A_510 = arith.subf %parallel_loop3A_509, %parallel_loop3A_500 : vector<16xf32>
      %parallel_loop3A_511 = arith.andi %parallel_loop3A_506, %ne3A_81 : vector<16xi1>
      tpu.vector_store_idx %arg12[%parallel_loop3A_505], %parallel_loop3A_510 masked %parallel_loop3A_511 {add = true} : memref<10000xf32, #tpu.memory_space<vmem>>[vector<16xi32>], vector<16xf32>, vector<16xi1>
    } {sc.loop_unroll_factor = 4 : i64, sc.parallel_access}
    %add3A_293 = arith.constant 65536 : i32
    %add3A_294 = arith.addi %mul3A_20, %add3A_293 : i32
    %dma_start3A_295 = arith.constant 0 : i32
    %dma_start3A_296 = tpu.memref_slice %arg2[%dma_start3A_295, %add3A_294] : memref<3x3200000xf32, #tpu.memory_space<hbm>> -> memref<3x8192xf32, #tpu.memory_space<hbm>>
    %dma_start3A_297 = arith.constant 0 : i32
    %dma_start3A_298 = tpu.memref_slice %arg2[%dma_start3A_297, %add3A_294] : memref<3x3200000xf32, #tpu.memory_space<hbm>> -> memref<3x8192xf32, #tpu.memory_space<hbm>>
    tpu.enqueue_dma source(%dma_start3A_298 : memref<3x8192xf32, #tpu.memory_space<hbm>>) target(%arg6 : memref<3x8192xf32, #tpu.memory_space<vmem>>) target_semaphore(%arg13 : memref<!tpu.dma_semaphore, #tpu.memory_space<semaphore_mem>>)
    %dma_start3A_299 = tpu.memref_slice %arg3[%add3A_294] : memref<3200000xf32, #tpu.memory_space<hbm>> -> memref<8192xf32, #tpu.memory_space<hbm>>
    %dma_start3A_300 = tpu.memref_slice %arg3[%add3A_294] : memref<3200000xf32, #tpu.memory_space<hbm>> -> memref<8192xf32, #tpu.memory_space<hbm>>
    tpu.enqueue_dma source(%dma_start3A_300 : memref<8192xf32, #tpu.memory_space<hbm>>) target(%arg7 : memref<8192xf32, #tpu.memory_space<vmem>>) target_semaphore(%arg13 : memref<!tpu.dma_semaphore, #tpu.memory_space<semaphore_mem>>)
    %dma_start3A_301 = arith.constant 0 : i32
    %dma_start3A_302 = tpu.memref_slice %arg8[%dma_start3A_301] : memref<8208xi32, #tpu.memory_space<vmem>> -> memref<8192xi32, #tpu.memory_space<vmem>>
    %dma_start3A_303 = tpu.memref_slice %arg4[%add3A_294] : memref<3200000xi32, #tpu.memory_space<hbm>> -> memref<8192xi32, #tpu.memory_space<hbm>>
    %dma_start3A_304 = arith.constant 0 : i32
    %dma_start3A_305 = tpu.memref_slice %arg8[%dma_start3A_304] : memref<8208xi32, #tpu.memory_space<vmem>> -> memref<8192xi32, #tpu.memory_space<vmem>>
    %dma_start3A_306 = tpu.memref_slice %arg4[%add3A_294] : memref<3200000xi32, #tpu.memory_space<hbm>> -> memref<8192xi32, #tpu.memory_space<hbm>>
    tpu.enqueue_dma source(%dma_start3A_306 : memref<8192xi32, #tpu.memory_space<hbm>>) target(%dma_start3A_305 : memref<8192xi32, #tpu.memory_space<vmem>>) target_semaphore(%arg13 : memref<!tpu.dma_semaphore, #tpu.memory_space<semaphore_mem>>)
    %dma_wait3A_307 = arith.constant 0 : i32
    %dma_wait3A_308 = tpu.memref_slice %arg2[%dma_wait3A_307, %add3A_265] : memref<3x3200000xf32, #tpu.memory_space<hbm>> -> memref<3x8192xf32, #tpu.memory_space<hbm>>
    %dma_wait3A_309 = arith.constant 0 : i32
    %dma_wait3A_310 = tpu.memref_slice %arg2[%dma_wait3A_309, %add3A_265] : memref<3x3200000xf32, #tpu.memory_space<hbm>> -> memref<3x8192xf32, #tpu.memory_space<hbm>>
    tpu.wait_dma2 semaphore(%arg14 : memref<!tpu.dma_semaphore, #tpu.memory_space<semaphore_mem>>) src(%dma_wait3A_310 : memref<3x8192xf32, #tpu.memory_space<hbm>>) dst(%arg9 : memref<3x8192xf32, #tpu.memory_space<vmem>>)
    %dma_wait3A_311 = tpu.memref_slice %arg3[%add3A_265] : memref<3200000xf32, #tpu.memory_space<hbm>> -> memref<8192xf32, #tpu.memory_space<hbm>>
    %dma_wait3A_312 = tpu.memref_slice %arg3[%add3A_265] : memref<3200000xf32, #tpu.memory_space<hbm>> -> memref<8192xf32, #tpu.memory_space<hbm>>
    tpu.wait_dma2 semaphore(%arg14 : memref<!tpu.dma_semaphore, #tpu.memory_space<semaphore_mem>>) src(%dma_wait3A_312 : memref<8192xf32, #tpu.memory_space<hbm>>) dst(%arg10 : memref<8192xf32, #tpu.memory_space<vmem>>)
    %dma_wait3A_313 = arith.constant 0 : i32
    %dma_wait3A_314 = tpu.memref_slice %arg11[%dma_wait3A_313] : memref<8208xi32, #tpu.memory_space<vmem>> -> memref<8192xi32, #tpu.memory_space<vmem>>
    %dma_wait3A_315 = tpu.memref_slice %arg4[%add3A_265] : memref<3200000xi32, #tpu.memory_space<hbm>> -> memref<8192xi32, #tpu.memory_space<hbm>>
    %dma_wait3A_316 = arith.constant 0 : i32
    %dma_wait3A_317 = tpu.memref_slice %arg11[%dma_wait3A_316] : memref<8208xi32, #tpu.memory_space<vmem>> -> memref<8192xi32, #tpu.memory_space<vmem>>
    %dma_wait3A_318 = tpu.memref_slice %arg4[%add3A_265] : memref<3200000xi32, #tpu.memory_space<hbm>> -> memref<8192xi32, #tpu.memory_space<hbm>>
    tpu.wait_dma2 semaphore(%arg14 : memref<!tpu.dma_semaphore, #tpu.memory_space<semaphore_mem>>) src(%dma_wait3A_318 : memref<8192xi32, #tpu.memory_space<hbm>>) dst(%dma_wait3A_317 : memref<8192xi32, #tpu.memory_space<vmem>>)
    %parallel_loop3A_319 = arith.constant 0 : i32
    %parallel_loop3A_320 = arith.constant 512 : i32
    %parallel_loop3A_321 = arith.constant 1 : i32
    scf.for %parallel_loop3A_453 = %parallel_loop3A_319 to %parallel_loop3A_320 step %parallel_loop3A_321  : i32 {
      %parallel_loop3A_454 = arith.constant 16 : i32
      %parallel_loop3A_455 = arith.muli %parallel_loop3A_453, %parallel_loop3A_454 : i32
      %parallel_loop3A_456 = vector.broadcast %parallel_loop3A_455 : i32 to vector<16xi32>
      %parallel_loop3A_457 = arith.addi %parallel_loop3A_456, %iota3A : vector<16xi32>
      %parallel_loop3A_458 = tpu.vector_load_idx %arg9[%broadcast_in_dim3A_83, %parallel_loop3A_457] : memref<3x8192xf32, #tpu.memory_space<vmem>>[vector<16xi32>, vector<16xi32>], vector<16xf32>,
      %parallel_loop3A_459 = tpu.vector_load_idx %arg9[%broadcast_in_dim3A_85, %parallel_loop3A_457] : memref<3x8192xf32, #tpu.memory_space<vmem>>[vector<16xi32>, vector<16xi32>], vector<16xf32>,
      %parallel_loop3A_460 = tpu.vector_load_idx %arg9[%broadcast_in_dim3A_87, %parallel_loop3A_457] : memref<3x8192xf32, #tpu.memory_space<vmem>>[vector<16xi32>, vector<16xi32>], vector<16xf32>,
      %parallel_loop3A_461 = arith.index_cast %parallel_loop3A_455 : i32 to index
      %parallel_loop3A_462 = tpu.vector_load %arg10[%parallel_loop3A_461] {strides = array<i32>} : memref<8192xf32, #tpu.memory_space<vmem>>, vector<16xf32>,
      %parallel_loop3A_463 = arith.index_cast %parallel_loop3A_455 : i32 to index
      %parallel_loop3A_464 = tpu.vector_load %arg11[%parallel_loop3A_463] {strides = array<i32>} : memref<8208xi32, #tpu.memory_space<vmem>>, vector<16xi32>,
      %parallel_loop3A_465 = arith.mulf %parallel_loop3A_458, %parallel_loop3A_458 : vector<16xf32>
      %parallel_loop3A_466 = arith.mulf %parallel_loop3A_459, %parallel_loop3A_459 : vector<16xf32>
      %parallel_loop3A_467 = arith.addf %parallel_loop3A_465, %parallel_loop3A_466 : vector<16xf32>
      %parallel_loop3A_468 = arith.mulf %parallel_loop3A_460, %parallel_loop3A_460 : vector<16xf32>
      %parallel_loop3A_469 = arith.addf %parallel_loop3A_467, %parallel_loop3A_468 : vector<16xf32>
      %parallel_loop3A_470 = arith.constant 9.99999991E-38 : f32
      %parallel_loop3A_471 = vector.broadcast %parallel_loop3A_470 : f32 to vector<16xf32>
      %parallel_loop3A_472 = arith.maximumf %parallel_loop3A_469, %parallel_loop3A_471 : vector<16xf32>
      %parallel_loop3A_473 = vector.bitcast %parallel_loop3A_472 : vector<16xf32> to vector<16xi32>
      %parallel_loop3A_474 = arith.constant 1 : i32
      %parallel_loop3A_475 = vector.broadcast %parallel_loop3A_474 : i32 to vector<16xi32>
      %parallel_loop3A_476 = arith.shrsi %parallel_loop3A_473, %parallel_loop3A_475 : vector<16xi32>
      %parallel_loop3A_477 = arith.constant 1597463007 : i32
      %parallel_loop3A_478 = vector.broadcast %parallel_loop3A_477 : i32 to vector<16xi32>
      %parallel_loop3A_479 = arith.subi %parallel_loop3A_478, %parallel_loop3A_476 : vector<16xi32>
      %parallel_loop3A_480 = vector.bitcast %parallel_loop3A_479 : vector<16xi32> to vector<16xf32>
      %parallel_loop3A_481 = arith.constant 5.000000e-01 : f32
      %parallel_loop3A_482 = vector.broadcast %parallel_loop3A_481 : f32 to vector<16xf32>
      %parallel_loop3A_483 = arith.mulf %parallel_loop3A_482, %parallel_loop3A_472 : vector<16xf32>
      %parallel_loop3A_484 = arith.mulf %parallel_loop3A_483, %parallel_loop3A_480 : vector<16xf32>
      %parallel_loop3A_485 = arith.mulf %parallel_loop3A_484, %parallel_loop3A_480 : vector<16xf32>
      %parallel_loop3A_486 = arith.constant 1.500000e+00 : f32
      %parallel_loop3A_487 = vector.broadcast %parallel_loop3A_486 : f32 to vector<16xf32>
      %parallel_loop3A_488 = arith.subf %parallel_loop3A_487, %parallel_loop3A_485 : vector<16xf32>
      %parallel_loop3A_489 = arith.mulf %parallel_loop3A_480, %parallel_loop3A_488 : vector<16xf32>
      %parallel_loop3A_490 = arith.mulf %parallel_loop3A_483, %parallel_loop3A_489 : vector<16xf32>
      %parallel_loop3A_491 = arith.mulf %parallel_loop3A_490, %parallel_loop3A_489 : vector<16xf32>
      %parallel_loop3A_492 = arith.constant 1.500000e+00 : f32
      %parallel_loop3A_493 = vector.broadcast %parallel_loop3A_492 : f32 to vector<16xf32>
      %parallel_loop3A_494 = arith.subf %parallel_loop3A_493, %parallel_loop3A_491 : vector<16xf32>
      %parallel_loop3A_495 = arith.mulf %parallel_loop3A_489, %parallel_loop3A_494 : vector<16xf32>
      %parallel_loop3A_496 = arith.mulf %parallel_loop3A_472, %parallel_loop3A_495 : vector<16xf32>
      %parallel_loop3A_497 = arith.mulf %parallel_loop3A_462, %parallel_loop3A_496 : vector<16xf32>
      %parallel_loop3A_498 = arith.constant true
      %parallel_loop3A_499 = vector.broadcast %parallel_loop3A_498 : i1 to vector<16xi1>
      %parallel_loop3A_500 = tpu.scan <sum>, %parallel_loop3A_497 masked %parallel_loop3A_499 : vector<16xf32>, vector<16xi1> -> vector<16xf32>
      %parallel_loop3A_501 = arith.constant 1 : i32
      %parallel_loop3A_502 = arith.addi %parallel_loop3A_455, %parallel_loop3A_501 : i32
      %parallel_loop3A_503 = vector.broadcast %parallel_loop3A_502 : i32 to vector<16xi32>
      %parallel_loop3A_504 = arith.addi %parallel_loop3A_503, %iota3A : vector<16xi32>
      %parallel_loop3A_505 = tpu.vector_load_idx %arg11[%parallel_loop3A_504] : memref<8208xi32, #tpu.memory_space<vmem>>[vector<16xi32>], vector<16xi32>,
      %parallel_loop3A_506 = arith.cmpi ne, %parallel_loop3A_464, %parallel_loop3A_505 : vector<16xi32>
      %parallel_loop3A_507 = arith.ori %parallel_loop3A_506, %eq3A_78 : vector<16xi1>
      tpu.vector_store_idx %arg12[%parallel_loop3A_464], %parallel_loop3A_500 masked %parallel_loop3A_507 {add = true} : memref<10000xf32, #tpu.memory_space<vmem>>[vector<16xi32>], vector<16xf32>, vector<16xi1>
      %parallel_loop3A_508 = arith.constant 0.000000e+00 : f32
      %parallel_loop3A_509 = vector.broadcast %parallel_loop3A_508 : f32 to vector<16xf32>
      %parallel_loop3A_510 = arith.subf %parallel_loop3A_509, %parallel_loop3A_500 : vector<16xf32>
      %parallel_loop3A_511 = arith.andi %parallel_loop3A_506, %ne3A_81 : vector<16xi1>
      tpu.vector_store_idx %arg12[%parallel_loop3A_505], %parallel_loop3A_510 masked %parallel_loop3A_511 {add = true} : memref<10000xf32, #tpu.memory_space<vmem>>[vector<16xi32>], vector<16xf32>, vector<16xi1>
    } {sc.loop_unroll_factor = 4 : i64, sc.parallel_access}
    %add3A_322 = arith.constant 73728 : i32
    %add3A_323 = arith.addi %mul3A_20, %add3A_322 : i32
    %dma_start3A_324 = arith.constant 0 : i32
    %dma_start3A_325 = tpu.memref_slice %arg2[%dma_start3A_324, %add3A_323] : memref<3x3200000xf32, #tpu.memory_space<hbm>> -> memref<3x8192xf32, #tpu.memory_space<hbm>>
    %dma_start3A_326 = arith.constant 0 : i32
    %dma_start3A_327 = tpu.memref_slice %arg2[%dma_start3A_326, %add3A_323] : memref<3x3200000xf32, #tpu.memory_space<hbm>> -> memref<3x8192xf32, #tpu.memory_space<hbm>>
    tpu.enqueue_dma source(%dma_start3A_327 : memref<3x8192xf32, #tpu.memory_space<hbm>>) target(%arg9 : memref<3x8192xf32, #tpu.memory_space<vmem>>) target_semaphore(%arg14 : memref<!tpu.dma_semaphore, #tpu.memory_space<semaphore_mem>>)
    %dma_start3A_328 = tpu.memref_slice %arg3[%add3A_323] : memref<3200000xf32, #tpu.memory_space<hbm>> -> memref<8192xf32, #tpu.memory_space<hbm>>
    %dma_start3A_329 = tpu.memref_slice %arg3[%add3A_323] : memref<3200000xf32, #tpu.memory_space<hbm>> -> memref<8192xf32, #tpu.memory_space<hbm>>
    tpu.enqueue_dma source(%dma_start3A_329 : memref<8192xf32, #tpu.memory_space<hbm>>) target(%arg10 : memref<8192xf32, #tpu.memory_space<vmem>>) target_semaphore(%arg14 : memref<!tpu.dma_semaphore, #tpu.memory_space<semaphore_mem>>)
    %dma_start3A_330 = arith.constant 0 : i32
    %dma_start3A_331 = tpu.memref_slice %arg11[%dma_start3A_330] : memref<8208xi32, #tpu.memory_space<vmem>> -> memref<8192xi32, #tpu.memory_space<vmem>>
    %dma_start3A_332 = tpu.memref_slice %arg4[%add3A_323] : memref<3200000xi32, #tpu.memory_space<hbm>> -> memref<8192xi32, #tpu.memory_space<hbm>>
    %dma_start3A_333 = arith.constant 0 : i32
    %dma_start3A_334 = tpu.memref_slice %arg11[%dma_start3A_333] : memref<8208xi32, #tpu.memory_space<vmem>> -> memref<8192xi32, #tpu.memory_space<vmem>>
    %dma_start3A_335 = tpu.memref_slice %arg4[%add3A_323] : memref<3200000xi32, #tpu.memory_space<hbm>> -> memref<8192xi32, #tpu.memory_space<hbm>>
    tpu.enqueue_dma source(%dma_start3A_335 : memref<8192xi32, #tpu.memory_space<hbm>>) target(%dma_start3A_334 : memref<8192xi32, #tpu.memory_space<vmem>>) target_semaphore(%arg14 : memref<!tpu.dma_semaphore, #tpu.memory_space<semaphore_mem>>)
    %dma_wait3A_336 = arith.constant 0 : i32
    %dma_wait3A_337 = tpu.memref_slice %arg2[%dma_wait3A_336, %add3A_294] : memref<3x3200000xf32, #tpu.memory_space<hbm>> -> memref<3x8192xf32, #tpu.memory_space<hbm>>
    %dma_wait3A_338 = arith.constant 0 : i32
    %dma_wait3A_339 = tpu.memref_slice %arg2[%dma_wait3A_338, %add3A_294] : memref<3x3200000xf32, #tpu.memory_space<hbm>> -> memref<3x8192xf32, #tpu.memory_space<hbm>>
    tpu.wait_dma2 semaphore(%arg13 : memref<!tpu.dma_semaphore, #tpu.memory_space<semaphore_mem>>) src(%dma_wait3A_339 : memref<3x8192xf32, #tpu.memory_space<hbm>>) dst(%arg6 : memref<3x8192xf32, #tpu.memory_space<vmem>>)
    %dma_wait3A_340 = tpu.memref_slice %arg3[%add3A_294] : memref<3200000xf32, #tpu.memory_space<hbm>> -> memref<8192xf32, #tpu.memory_space<hbm>>
    %dma_wait3A_341 = tpu.memref_slice %arg3[%add3A_294] : memref<3200000xf32, #tpu.memory_space<hbm>> -> memref<8192xf32, #tpu.memory_space<hbm>>
    tpu.wait_dma2 semaphore(%arg13 : memref<!tpu.dma_semaphore, #tpu.memory_space<semaphore_mem>>) src(%dma_wait3A_341 : memref<8192xf32, #tpu.memory_space<hbm>>) dst(%arg7 : memref<8192xf32, #tpu.memory_space<vmem>>)
    %dma_wait3A_342 = arith.constant 0 : i32
    %dma_wait3A_343 = tpu.memref_slice %arg8[%dma_wait3A_342] : memref<8208xi32, #tpu.memory_space<vmem>> -> memref<8192xi32, #tpu.memory_space<vmem>>
    %dma_wait3A_344 = tpu.memref_slice %arg4[%add3A_294] : memref<3200000xi32, #tpu.memory_space<hbm>> -> memref<8192xi32, #tpu.memory_space<hbm>>
    %dma_wait3A_345 = arith.constant 0 : i32
    %dma_wait3A_346 = tpu.memref_slice %arg8[%dma_wait3A_345] : memref<8208xi32, #tpu.memory_space<vmem>> -> memref<8192xi32, #tpu.memory_space<vmem>>
    %dma_wait3A_347 = tpu.memref_slice %arg4[%add3A_294] : memref<3200000xi32, #tpu.memory_space<hbm>> -> memref<8192xi32, #tpu.memory_space<hbm>>
    tpu.wait_dma2 semaphore(%arg13 : memref<!tpu.dma_semaphore, #tpu.memory_space<semaphore_mem>>) src(%dma_wait3A_347 : memref<8192xi32, #tpu.memory_space<hbm>>) dst(%dma_wait3A_346 : memref<8192xi32, #tpu.memory_space<vmem>>)
    %parallel_loop3A_348 = arith.constant 0 : i32
    %parallel_loop3A_349 = arith.constant 512 : i32
    %parallel_loop3A_350 = arith.constant 1 : i32
    scf.for %parallel_loop3A_453 = %parallel_loop3A_348 to %parallel_loop3A_349 step %parallel_loop3A_350  : i32 {
      %parallel_loop3A_454 = arith.constant 16 : i32
      %parallel_loop3A_455 = arith.muli %parallel_loop3A_453, %parallel_loop3A_454 : i32
      %parallel_loop3A_456 = vector.broadcast %parallel_loop3A_455 : i32 to vector<16xi32>
      %parallel_loop3A_457 = arith.addi %parallel_loop3A_456, %iota3A : vector<16xi32>
      %parallel_loop3A_458 = tpu.vector_load_idx %arg6[%broadcast_in_dim3A_83, %parallel_loop3A_457] : memref<3x8192xf32, #tpu.memory_space<vmem>>[vector<16xi32>, vector<16xi32>], vector<16xf32>,
      %parallel_loop3A_459 = tpu.vector_load_idx %arg6[%broadcast_in_dim3A_85, %parallel_loop3A_457] : memref<3x8192xf32, #tpu.memory_space<vmem>>[vector<16xi32>, vector<16xi32>], vector<16xf32>,
      %parallel_loop3A_460 = tpu.vector_load_idx %arg6[%broadcast_in_dim3A_87, %parallel_loop3A_457] : memref<3x8192xf32, #tpu.memory_space<vmem>>[vector<16xi32>, vector<16xi32>], vector<16xf32>,
      %parallel_loop3A_461 = arith.index_cast %parallel_loop3A_455 : i32 to index
      %parallel_loop3A_462 = tpu.vector_load %arg7[%parallel_loop3A_461] {strides = array<i32>} : memref<8192xf32, #tpu.memory_space<vmem>>, vector<16xf32>,
      %parallel_loop3A_463 = arith.index_cast %parallel_loop3A_455 : i32 to index
      %parallel_loop3A_464 = tpu.vector_load %arg8[%parallel_loop3A_463] {strides = array<i32>} : memref<8208xi32, #tpu.memory_space<vmem>>, vector<16xi32>,
      %parallel_loop3A_465 = arith.mulf %parallel_loop3A_458, %parallel_loop3A_458 : vector<16xf32>
      %parallel_loop3A_466 = arith.mulf %parallel_loop3A_459, %parallel_loop3A_459 : vector<16xf32>
      %parallel_loop3A_467 = arith.addf %parallel_loop3A_465, %parallel_loop3A_466 : vector<16xf32>
      %parallel_loop3A_468 = arith.mulf %parallel_loop3A_460, %parallel_loop3A_460 : vector<16xf32>
      %parallel_loop3A_469 = arith.addf %parallel_loop3A_467, %parallel_loop3A_468 : vector<16xf32>
      %parallel_loop3A_470 = arith.constant 9.99999991E-38 : f32
      %parallel_loop3A_471 = vector.broadcast %parallel_loop3A_470 : f32 to vector<16xf32>
      %parallel_loop3A_472 = arith.maximumf %parallel_loop3A_469, %parallel_loop3A_471 : vector<16xf32>
      %parallel_loop3A_473 = vector.bitcast %parallel_loop3A_472 : vector<16xf32> to vector<16xi32>
      %parallel_loop3A_474 = arith.constant 1 : i32
      %parallel_loop3A_475 = vector.broadcast %parallel_loop3A_474 : i32 to vector<16xi32>
      %parallel_loop3A_476 = arith.shrsi %parallel_loop3A_473, %parallel_loop3A_475 : vector<16xi32>
      %parallel_loop3A_477 = arith.constant 1597463007 : i32
      %parallel_loop3A_478 = vector.broadcast %parallel_loop3A_477 : i32 to vector<16xi32>
      %parallel_loop3A_479 = arith.subi %parallel_loop3A_478, %parallel_loop3A_476 : vector<16xi32>
      %parallel_loop3A_480 = vector.bitcast %parallel_loop3A_479 : vector<16xi32> to vector<16xf32>
      %parallel_loop3A_481 = arith.constant 5.000000e-01 : f32
      %parallel_loop3A_482 = vector.broadcast %parallel_loop3A_481 : f32 to vector<16xf32>
      %parallel_loop3A_483 = arith.mulf %parallel_loop3A_482, %parallel_loop3A_472 : vector<16xf32>
      %parallel_loop3A_484 = arith.mulf %parallel_loop3A_483, %parallel_loop3A_480 : vector<16xf32>
      %parallel_loop3A_485 = arith.mulf %parallel_loop3A_484, %parallel_loop3A_480 : vector<16xf32>
      %parallel_loop3A_486 = arith.constant 1.500000e+00 : f32
      %parallel_loop3A_487 = vector.broadcast %parallel_loop3A_486 : f32 to vector<16xf32>
      %parallel_loop3A_488 = arith.subf %parallel_loop3A_487, %parallel_loop3A_485 : vector<16xf32>
      %parallel_loop3A_489 = arith.mulf %parallel_loop3A_480, %parallel_loop3A_488 : vector<16xf32>
      %parallel_loop3A_490 = arith.mulf %parallel_loop3A_483, %parallel_loop3A_489 : vector<16xf32>
      %parallel_loop3A_491 = arith.mulf %parallel_loop3A_490, %parallel_loop3A_489 : vector<16xf32>
      %parallel_loop3A_492 = arith.constant 1.500000e+00 : f32
      %parallel_loop3A_493 = vector.broadcast %parallel_loop3A_492 : f32 to vector<16xf32>
      %parallel_loop3A_494 = arith.subf %parallel_loop3A_493, %parallel_loop3A_491 : vector<16xf32>
      %parallel_loop3A_495 = arith.mulf %parallel_loop3A_489, %parallel_loop3A_494 : vector<16xf32>
      %parallel_loop3A_496 = arith.mulf %parallel_loop3A_472, %parallel_loop3A_495 : vector<16xf32>
      %parallel_loop3A_497 = arith.mulf %parallel_loop3A_462, %parallel_loop3A_496 : vector<16xf32>
      %parallel_loop3A_498 = arith.constant true
      %parallel_loop3A_499 = vector.broadcast %parallel_loop3A_498 : i1 to vector<16xi1>
      %parallel_loop3A_500 = tpu.scan <sum>, %parallel_loop3A_497 masked %parallel_loop3A_499 : vector<16xf32>, vector<16xi1> -> vector<16xf32>
      %parallel_loop3A_501 = arith.constant 1 : i32
      %parallel_loop3A_502 = arith.addi %parallel_loop3A_455, %parallel_loop3A_501 : i32
      %parallel_loop3A_503 = vector.broadcast %parallel_loop3A_502 : i32 to vector<16xi32>
      %parallel_loop3A_504 = arith.addi %parallel_loop3A_503, %iota3A : vector<16xi32>
      %parallel_loop3A_505 = tpu.vector_load_idx %arg8[%parallel_loop3A_504] : memref<8208xi32, #tpu.memory_space<vmem>>[vector<16xi32>], vector<16xi32>,
      %parallel_loop3A_506 = arith.cmpi ne, %parallel_loop3A_464, %parallel_loop3A_505 : vector<16xi32>
      %parallel_loop3A_507 = arith.ori %parallel_loop3A_506, %eq3A_78 : vector<16xi1>
      tpu.vector_store_idx %arg12[%parallel_loop3A_464], %parallel_loop3A_500 masked %parallel_loop3A_507 {add = true} : memref<10000xf32, #tpu.memory_space<vmem>>[vector<16xi32>], vector<16xf32>, vector<16xi1>
      %parallel_loop3A_508 = arith.constant 0.000000e+00 : f32
      %parallel_loop3A_509 = vector.broadcast %parallel_loop3A_508 : f32 to vector<16xf32>
      %parallel_loop3A_510 = arith.subf %parallel_loop3A_509, %parallel_loop3A_500 : vector<16xf32>
      %parallel_loop3A_511 = arith.andi %parallel_loop3A_506, %ne3A_81 : vector<16xi1>
      tpu.vector_store_idx %arg12[%parallel_loop3A_505], %parallel_loop3A_510 masked %parallel_loop3A_511 {add = true} : memref<10000xf32, #tpu.memory_space<vmem>>[vector<16xi32>], vector<16xf32>, vector<16xi1>
    } {sc.loop_unroll_factor = 4 : i64, sc.parallel_access}
    %add3A_351 = arith.constant 81920 : i32
    %add3A_352 = arith.addi %mul3A_20, %add3A_351 : i32
    %dma_start3A_353 = arith.constant 0 : i32
    %dma_start3A_354 = tpu.memref_slice %arg2[%dma_start3A_353, %add3A_352] : memref<3x3200000xf32, #tpu.memory_space<hbm>> -> memref<3x8192xf32, #tpu.memory_space<hbm>>
    %dma_start3A_355 = arith.constant 0 : i32
    %dma_start3A_356 = tpu.memref_slice %arg2[%dma_start3A_355, %add3A_352] : memref<3x3200000xf32, #tpu.memory_space<hbm>> -> memref<3x8192xf32, #tpu.memory_space<hbm>>
    tpu.enqueue_dma source(%dma_start3A_356 : memref<3x8192xf32, #tpu.memory_space<hbm>>) target(%arg6 : memref<3x8192xf32, #tpu.memory_space<vmem>>) target_semaphore(%arg13 : memref<!tpu.dma_semaphore, #tpu.memory_space<semaphore_mem>>)
    %dma_start3A_357 = tpu.memref_slice %arg3[%add3A_352] : memref<3200000xf32, #tpu.memory_space<hbm>> -> memref<8192xf32, #tpu.memory_space<hbm>>
    %dma_start3A_358 = tpu.memref_slice %arg3[%add3A_352] : memref<3200000xf32, #tpu.memory_space<hbm>> -> memref<8192xf32, #tpu.memory_space<hbm>>
    tpu.enqueue_dma source(%dma_start3A_358 : memref<8192xf32, #tpu.memory_space<hbm>>) target(%arg7 : memref<8192xf32, #tpu.memory_space<vmem>>) target_semaphore(%arg13 : memref<!tpu.dma_semaphore, #tpu.memory_space<semaphore_mem>>)
    %dma_start3A_359 = arith.constant 0 : i32
    %dma_start3A_360 = tpu.memref_slice %arg8[%dma_start3A_359] : memref<8208xi32, #tpu.memory_space<vmem>> -> memref<8192xi32, #tpu.memory_space<vmem>>
    %dma_start3A_361 = tpu.memref_slice %arg4[%add3A_352] : memref<3200000xi32, #tpu.memory_space<hbm>> -> memref<8192xi32, #tpu.memory_space<hbm>>
    %dma_start3A_362 = arith.constant 0 : i32
    %dma_start3A_363 = tpu.memref_slice %arg8[%dma_start3A_362] : memref<8208xi32, #tpu.memory_space<vmem>> -> memref<8192xi32, #tpu.memory_space<vmem>>
    %dma_start3A_364 = tpu.memref_slice %arg4[%add3A_352] : memref<3200000xi32, #tpu.memory_space<hbm>> -> memref<8192xi32, #tpu.memory_space<hbm>>
    tpu.enqueue_dma source(%dma_start3A_364 : memref<8192xi32, #tpu.memory_space<hbm>>) target(%dma_start3A_363 : memref<8192xi32, #tpu.memory_space<vmem>>) target_semaphore(%arg13 : memref<!tpu.dma_semaphore, #tpu.memory_space<semaphore_mem>>)
    %dma_wait3A_365 = arith.constant 0 : i32
    %dma_wait3A_366 = tpu.memref_slice %arg2[%dma_wait3A_365, %add3A_323] : memref<3x3200000xf32, #tpu.memory_space<hbm>> -> memref<3x8192xf32, #tpu.memory_space<hbm>>
    %dma_wait3A_367 = arith.constant 0 : i32
    %dma_wait3A_368 = tpu.memref_slice %arg2[%dma_wait3A_367, %add3A_323] : memref<3x3200000xf32, #tpu.memory_space<hbm>> -> memref<3x8192xf32, #tpu.memory_space<hbm>>
    tpu.wait_dma2 semaphore(%arg14 : memref<!tpu.dma_semaphore, #tpu.memory_space<semaphore_mem>>) src(%dma_wait3A_368 : memref<3x8192xf32, #tpu.memory_space<hbm>>) dst(%arg9 : memref<3x8192xf32, #tpu.memory_space<vmem>>)
    %dma_wait3A_369 = tpu.memref_slice %arg3[%add3A_323] : memref<3200000xf32, #tpu.memory_space<hbm>> -> memref<8192xf32, #tpu.memory_space<hbm>>
    %dma_wait3A_370 = tpu.memref_slice %arg3[%add3A_323] : memref<3200000xf32, #tpu.memory_space<hbm>> -> memref<8192xf32, #tpu.memory_space<hbm>>
    tpu.wait_dma2 semaphore(%arg14 : memref<!tpu.dma_semaphore, #tpu.memory_space<semaphore_mem>>) src(%dma_wait3A_370 : memref<8192xf32, #tpu.memory_space<hbm>>) dst(%arg10 : memref<8192xf32, #tpu.memory_space<vmem>>)
    %dma_wait3A_371 = arith.constant 0 : i32
    %dma_wait3A_372 = tpu.memref_slice %arg11[%dma_wait3A_371] : memref<8208xi32, #tpu.memory_space<vmem>> -> memref<8192xi32, #tpu.memory_space<vmem>>
    %dma_wait3A_373 = tpu.memref_slice %arg4[%add3A_323] : memref<3200000xi32, #tpu.memory_space<hbm>> -> memref<8192xi32, #tpu.memory_space<hbm>>
    %dma_wait3A_374 = arith.constant 0 : i32
    %dma_wait3A_375 = tpu.memref_slice %arg11[%dma_wait3A_374] : memref<8208xi32, #tpu.memory_space<vmem>> -> memref<8192xi32, #tpu.memory_space<vmem>>
    %dma_wait3A_376 = tpu.memref_slice %arg4[%add3A_323] : memref<3200000xi32, #tpu.memory_space<hbm>> -> memref<8192xi32, #tpu.memory_space<hbm>>
    tpu.wait_dma2 semaphore(%arg14 : memref<!tpu.dma_semaphore, #tpu.memory_space<semaphore_mem>>) src(%dma_wait3A_376 : memref<8192xi32, #tpu.memory_space<hbm>>) dst(%dma_wait3A_375 : memref<8192xi32, #tpu.memory_space<vmem>>)
    %parallel_loop3A_377 = arith.constant 0 : i32
    %parallel_loop3A_378 = arith.constant 512 : i32
    %parallel_loop3A_379 = arith.constant 1 : i32
    scf.for %parallel_loop3A_453 = %parallel_loop3A_377 to %parallel_loop3A_378 step %parallel_loop3A_379  : i32 {
      %parallel_loop3A_454 = arith.constant 16 : i32
      %parallel_loop3A_455 = arith.muli %parallel_loop3A_453, %parallel_loop3A_454 : i32
      %parallel_loop3A_456 = vector.broadcast %parallel_loop3A_455 : i32 to vector<16xi32>
      %parallel_loop3A_457 = arith.addi %parallel_loop3A_456, %iota3A : vector<16xi32>
      %parallel_loop3A_458 = tpu.vector_load_idx %arg9[%broadcast_in_dim3A_83, %parallel_loop3A_457] : memref<3x8192xf32, #tpu.memory_space<vmem>>[vector<16xi32>, vector<16xi32>], vector<16xf32>,
      %parallel_loop3A_459 = tpu.vector_load_idx %arg9[%broadcast_in_dim3A_85, %parallel_loop3A_457] : memref<3x8192xf32, #tpu.memory_space<vmem>>[vector<16xi32>, vector<16xi32>], vector<16xf32>,
      %parallel_loop3A_460 = tpu.vector_load_idx %arg9[%broadcast_in_dim3A_87, %parallel_loop3A_457] : memref<3x8192xf32, #tpu.memory_space<vmem>>[vector<16xi32>, vector<16xi32>], vector<16xf32>,
      %parallel_loop3A_461 = arith.index_cast %parallel_loop3A_455 : i32 to index
      %parallel_loop3A_462 = tpu.vector_load %arg10[%parallel_loop3A_461] {strides = array<i32>} : memref<8192xf32, #tpu.memory_space<vmem>>, vector<16xf32>,
      %parallel_loop3A_463 = arith.index_cast %parallel_loop3A_455 : i32 to index
      %parallel_loop3A_464 = tpu.vector_load %arg11[%parallel_loop3A_463] {strides = array<i32>} : memref<8208xi32, #tpu.memory_space<vmem>>, vector<16xi32>,
      %parallel_loop3A_465 = arith.mulf %parallel_loop3A_458, %parallel_loop3A_458 : vector<16xf32>
      %parallel_loop3A_466 = arith.mulf %parallel_loop3A_459, %parallel_loop3A_459 : vector<16xf32>
      %parallel_loop3A_467 = arith.addf %parallel_loop3A_465, %parallel_loop3A_466 : vector<16xf32>
      %parallel_loop3A_468 = arith.mulf %parallel_loop3A_460, %parallel_loop3A_460 : vector<16xf32>
      %parallel_loop3A_469 = arith.addf %parallel_loop3A_467, %parallel_loop3A_468 : vector<16xf32>
      %parallel_loop3A_470 = arith.constant 9.99999991E-38 : f32
      %parallel_loop3A_471 = vector.broadcast %parallel_loop3A_470 : f32 to vector<16xf32>
      %parallel_loop3A_472 = arith.maximumf %parallel_loop3A_469, %parallel_loop3A_471 : vector<16xf32>
      %parallel_loop3A_473 = vector.bitcast %parallel_loop3A_472 : vector<16xf32> to vector<16xi32>
      %parallel_loop3A_474 = arith.constant 1 : i32
      %parallel_loop3A_475 = vector.broadcast %parallel_loop3A_474 : i32 to vector<16xi32>
      %parallel_loop3A_476 = arith.shrsi %parallel_loop3A_473, %parallel_loop3A_475 : vector<16xi32>
      %parallel_loop3A_477 = arith.constant 1597463007 : i32
      %parallel_loop3A_478 = vector.broadcast %parallel_loop3A_477 : i32 to vector<16xi32>
      %parallel_loop3A_479 = arith.subi %parallel_loop3A_478, %parallel_loop3A_476 : vector<16xi32>
      %parallel_loop3A_480 = vector.bitcast %parallel_loop3A_479 : vector<16xi32> to vector<16xf32>
      %parallel_loop3A_481 = arith.constant 5.000000e-01 : f32
      %parallel_loop3A_482 = vector.broadcast %parallel_loop3A_481 : f32 to vector<16xf32>
      %parallel_loop3A_483 = arith.mulf %parallel_loop3A_482, %parallel_loop3A_472 : vector<16xf32>
      %parallel_loop3A_484 = arith.mulf %parallel_loop3A_483, %parallel_loop3A_480 : vector<16xf32>
      %parallel_loop3A_485 = arith.mulf %parallel_loop3A_484, %parallel_loop3A_480 : vector<16xf32>
      %parallel_loop3A_486 = arith.constant 1.500000e+00 : f32
      %parallel_loop3A_487 = vector.broadcast %parallel_loop3A_486 : f32 to vector<16xf32>
      %parallel_loop3A_488 = arith.subf %parallel_loop3A_487, %parallel_loop3A_485 : vector<16xf32>
      %parallel_loop3A_489 = arith.mulf %parallel_loop3A_480, %parallel_loop3A_488 : vector<16xf32>
      %parallel_loop3A_490 = arith.mulf %parallel_loop3A_483, %parallel_loop3A_489 : vector<16xf32>
      %parallel_loop3A_491 = arith.mulf %parallel_loop3A_490, %parallel_loop3A_489 : vector<16xf32>
      %parallel_loop3A_492 = arith.constant 1.500000e+00 : f32
      %parallel_loop3A_493 = vector.broadcast %parallel_loop3A_492 : f32 to vector<16xf32>
      %parallel_loop3A_494 = arith.subf %parallel_loop3A_493, %parallel_loop3A_491 : vector<16xf32>
      %parallel_loop3A_495 = arith.mulf %parallel_loop3A_489, %parallel_loop3A_494 : vector<16xf32>
      %parallel_loop3A_496 = arith.mulf %parallel_loop3A_472, %parallel_loop3A_495 : vector<16xf32>
      %parallel_loop3A_497 = arith.mulf %parallel_loop3A_462, %parallel_loop3A_496 : vector<16xf32>
      %parallel_loop3A_498 = arith.constant true
      %parallel_loop3A_499 = vector.broadcast %parallel_loop3A_498 : i1 to vector<16xi1>
      %parallel_loop3A_500 = tpu.scan <sum>, %parallel_loop3A_497 masked %parallel_loop3A_499 : vector<16xf32>, vector<16xi1> -> vector<16xf32>
      %parallel_loop3A_501 = arith.constant 1 : i32
      %parallel_loop3A_502 = arith.addi %parallel_loop3A_455, %parallel_loop3A_501 : i32
      %parallel_loop3A_503 = vector.broadcast %parallel_loop3A_502 : i32 to vector<16xi32>
      %parallel_loop3A_504 = arith.addi %parallel_loop3A_503, %iota3A : vector<16xi32>
      %parallel_loop3A_505 = tpu.vector_load_idx %arg11[%parallel_loop3A_504] : memref<8208xi32, #tpu.memory_space<vmem>>[vector<16xi32>], vector<16xi32>,
      %parallel_loop3A_506 = arith.cmpi ne, %parallel_loop3A_464, %parallel_loop3A_505 : vector<16xi32>
      %parallel_loop3A_507 = arith.ori %parallel_loop3A_506, %eq3A_78 : vector<16xi1>
      tpu.vector_store_idx %arg12[%parallel_loop3A_464], %parallel_loop3A_500 masked %parallel_loop3A_507 {add = true} : memref<10000xf32, #tpu.memory_space<vmem>>[vector<16xi32>], vector<16xf32>, vector<16xi1>
      %parallel_loop3A_508 = arith.constant 0.000000e+00 : f32
      %parallel_loop3A_509 = vector.broadcast %parallel_loop3A_508 : f32 to vector<16xf32>
      %parallel_loop3A_510 = arith.subf %parallel_loop3A_509, %parallel_loop3A_500 : vector<16xf32>
      %parallel_loop3A_511 = arith.andi %parallel_loop3A_506, %ne3A_81 : vector<16xi1>
      tpu.vector_store_idx %arg12[%parallel_loop3A_505], %parallel_loop3A_510 masked %parallel_loop3A_511 {add = true} : memref<10000xf32, #tpu.memory_space<vmem>>[vector<16xi32>], vector<16xf32>, vector<16xi1>
    } {sc.loop_unroll_factor = 4 : i64, sc.parallel_access}
    %add3A_380 = arith.constant 90112 : i32
    %add3A_381 = arith.addi %mul3A_20, %add3A_380 : i32
    %dma_start3A_382 = arith.constant 0 : i32
    %dma_start3A_383 = tpu.memref_slice %arg2[%dma_start3A_382, %add3A_381] : memref<3x3200000xf32, #tpu.memory_space<hbm>> -> memref<3x8192xf32, #tpu.memory_space<hbm>>
    %dma_start3A_384 = arith.constant 0 : i32
    %dma_start3A_385 = tpu.memref_slice %arg2[%dma_start3A_384, %add3A_381] : memref<3x3200000xf32, #tpu.memory_space<hbm>> -> memref<3x8192xf32, #tpu.memory_space<hbm>>
    tpu.enqueue_dma source(%dma_start3A_385 : memref<3x8192xf32, #tpu.memory_space<hbm>>) target(%arg9 : memref<3x8192xf32, #tpu.memory_space<vmem>>) target_semaphore(%arg14 : memref<!tpu.dma_semaphore, #tpu.memory_space<semaphore_mem>>)
    %dma_start3A_386 = tpu.memref_slice %arg3[%add3A_381] : memref<3200000xf32, #tpu.memory_space<hbm>> -> memref<8192xf32, #tpu.memory_space<hbm>>
    %dma_start3A_387 = tpu.memref_slice %arg3[%add3A_381] : memref<3200000xf32, #tpu.memory_space<hbm>> -> memref<8192xf32, #tpu.memory_space<hbm>>
    tpu.enqueue_dma source(%dma_start3A_387 : memref<8192xf32, #tpu.memory_space<hbm>>) target(%arg10 : memref<8192xf32, #tpu.memory_space<vmem>>) target_semaphore(%arg14 : memref<!tpu.dma_semaphore, #tpu.memory_space<semaphore_mem>>)
    %dma_start3A_388 = arith.constant 0 : i32
    %dma_start3A_389 = tpu.memref_slice %arg11[%dma_start3A_388] : memref<8208xi32, #tpu.memory_space<vmem>> -> memref<8192xi32, #tpu.memory_space<vmem>>
    %dma_start3A_390 = tpu.memref_slice %arg4[%add3A_381] : memref<3200000xi32, #tpu.memory_space<hbm>> -> memref<8192xi32, #tpu.memory_space<hbm>>
    %dma_start3A_391 = arith.constant 0 : i32
    %dma_start3A_392 = tpu.memref_slice %arg11[%dma_start3A_391] : memref<8208xi32, #tpu.memory_space<vmem>> -> memref<8192xi32, #tpu.memory_space<vmem>>
    %dma_start3A_393 = tpu.memref_slice %arg4[%add3A_381] : memref<3200000xi32, #tpu.memory_space<hbm>> -> memref<8192xi32, #tpu.memory_space<hbm>>
    tpu.enqueue_dma source(%dma_start3A_393 : memref<8192xi32, #tpu.memory_space<hbm>>) target(%dma_start3A_392 : memref<8192xi32, #tpu.memory_space<vmem>>) target_semaphore(%arg14 : memref<!tpu.dma_semaphore, #tpu.memory_space<semaphore_mem>>)
    %dma_wait3A_394 = arith.constant 0 : i32
    %dma_wait3A_395 = tpu.memref_slice %arg2[%dma_wait3A_394, %add3A_352] : memref<3x3200000xf32, #tpu.memory_space<hbm>> -> memref<3x8192xf32, #tpu.memory_space<hbm>>
    %dma_wait3A_396 = arith.constant 0 : i32
    %dma_wait3A_397 = tpu.memref_slice %arg2[%dma_wait3A_396, %add3A_352] : memref<3x3200000xf32, #tpu.memory_space<hbm>> -> memref<3x8192xf32, #tpu.memory_space<hbm>>
    tpu.wait_dma2 semaphore(%arg13 : memref<!tpu.dma_semaphore, #tpu.memory_space<semaphore_mem>>) src(%dma_wait3A_397 : memref<3x8192xf32, #tpu.memory_space<hbm>>) dst(%arg6 : memref<3x8192xf32, #tpu.memory_space<vmem>>)
    %dma_wait3A_398 = tpu.memref_slice %arg3[%add3A_352] : memref<3200000xf32, #tpu.memory_space<hbm>> -> memref<8192xf32, #tpu.memory_space<hbm>>
    %dma_wait3A_399 = tpu.memref_slice %arg3[%add3A_352] : memref<3200000xf32, #tpu.memory_space<hbm>> -> memref<8192xf32, #tpu.memory_space<hbm>>
    tpu.wait_dma2 semaphore(%arg13 : memref<!tpu.dma_semaphore, #tpu.memory_space<semaphore_mem>>) src(%dma_wait3A_399 : memref<8192xf32, #tpu.memory_space<hbm>>) dst(%arg7 : memref<8192xf32, #tpu.memory_space<vmem>>)
    %dma_wait3A_400 = arith.constant 0 : i32
    %dma_wait3A_401 = tpu.memref_slice %arg8[%dma_wait3A_400] : memref<8208xi32, #tpu.memory_space<vmem>> -> memref<8192xi32, #tpu.memory_space<vmem>>
    %dma_wait3A_402 = tpu.memref_slice %arg4[%add3A_352] : memref<3200000xi32, #tpu.memory_space<hbm>> -> memref<8192xi32, #tpu.memory_space<hbm>>
    %dma_wait3A_403 = arith.constant 0 : i32
    %dma_wait3A_404 = tpu.memref_slice %arg8[%dma_wait3A_403] : memref<8208xi32, #tpu.memory_space<vmem>> -> memref<8192xi32, #tpu.memory_space<vmem>>
    %dma_wait3A_405 = tpu.memref_slice %arg4[%add3A_352] : memref<3200000xi32, #tpu.memory_space<hbm>> -> memref<8192xi32, #tpu.memory_space<hbm>>
    tpu.wait_dma2 semaphore(%arg13 : memref<!tpu.dma_semaphore, #tpu.memory_space<semaphore_mem>>) src(%dma_wait3A_405 : memref<8192xi32, #tpu.memory_space<hbm>>) dst(%dma_wait3A_404 : memref<8192xi32, #tpu.memory_space<vmem>>)
    %parallel_loop3A_406 = arith.constant 0 : i32
    %parallel_loop3A_407 = arith.constant 512 : i32
    %parallel_loop3A_408 = arith.constant 1 : i32
    scf.for %parallel_loop3A_453 = %parallel_loop3A_406 to %parallel_loop3A_407 step %parallel_loop3A_408  : i32 {
      %parallel_loop3A_454 = arith.constant 16 : i32
      %parallel_loop3A_455 = arith.muli %parallel_loop3A_453, %parallel_loop3A_454 : i32
      %parallel_loop3A_456 = vector.broadcast %parallel_loop3A_455 : i32 to vector<16xi32>
      %parallel_loop3A_457 = arith.addi %parallel_loop3A_456, %iota3A : vector<16xi32>
      %parallel_loop3A_458 = tpu.vector_load_idx %arg6[%broadcast_in_dim3A_83, %parallel_loop3A_457] : memref<3x8192xf32, #tpu.memory_space<vmem>>[vector<16xi32>, vector<16xi32>], vector<16xf32>,
      %parallel_loop3A_459 = tpu.vector_load_idx %arg6[%broadcast_in_dim3A_85, %parallel_loop3A_457] : memref<3x8192xf32, #tpu.memory_space<vmem>>[vector<16xi32>, vector<16xi32>], vector<16xf32>,
      %parallel_loop3A_460 = tpu.vector_load_idx %arg6[%broadcast_in_dim3A_87, %parallel_loop3A_457] : memref<3x8192xf32, #tpu.memory_space<vmem>>[vector<16xi32>, vector<16xi32>], vector<16xf32>,
      %parallel_loop3A_461 = arith.index_cast %parallel_loop3A_455 : i32 to index
      %parallel_loop3A_462 = tpu.vector_load %arg7[%parallel_loop3A_461] {strides = array<i32>} : memref<8192xf32, #tpu.memory_space<vmem>>, vector<16xf32>,
      %parallel_loop3A_463 = arith.index_cast %parallel_loop3A_455 : i32 to index
      %parallel_loop3A_464 = tpu.vector_load %arg8[%parallel_loop3A_463] {strides = array<i32>} : memref<8208xi32, #tpu.memory_space<vmem>>, vector<16xi32>,
      %parallel_loop3A_465 = arith.mulf %parallel_loop3A_458, %parallel_loop3A_458 : vector<16xf32>
      %parallel_loop3A_466 = arith.mulf %parallel_loop3A_459, %parallel_loop3A_459 : vector<16xf32>
      %parallel_loop3A_467 = arith.addf %parallel_loop3A_465, %parallel_loop3A_466 : vector<16xf32>
      %parallel_loop3A_468 = arith.mulf %parallel_loop3A_460, %parallel_loop3A_460 : vector<16xf32>
      %parallel_loop3A_469 = arith.addf %parallel_loop3A_467, %parallel_loop3A_468 : vector<16xf32>
      %parallel_loop3A_470 = arith.constant 9.99999991E-38 : f32
      %parallel_loop3A_471 = vector.broadcast %parallel_loop3A_470 : f32 to vector<16xf32>
      %parallel_loop3A_472 = arith.maximumf %parallel_loop3A_469, %parallel_loop3A_471 : vector<16xf32>
      %parallel_loop3A_473 = vector.bitcast %parallel_loop3A_472 : vector<16xf32> to vector<16xi32>
      %parallel_loop3A_474 = arith.constant 1 : i32
      %parallel_loop3A_475 = vector.broadcast %parallel_loop3A_474 : i32 to vector<16xi32>
      %parallel_loop3A_476 = arith.shrsi %parallel_loop3A_473, %parallel_loop3A_475 : vector<16xi32>
      %parallel_loop3A_477 = arith.constant 1597463007 : i32
      %parallel_loop3A_478 = vector.broadcast %parallel_loop3A_477 : i32 to vector<16xi32>
      %parallel_loop3A_479 = arith.subi %parallel_loop3A_478, %parallel_loop3A_476 : vector<16xi32>
      %parallel_loop3A_480 = vector.bitcast %parallel_loop3A_479 : vector<16xi32> to vector<16xf32>
      %parallel_loop3A_481 = arith.constant 5.000000e-01 : f32
      %parallel_loop3A_482 = vector.broadcast %parallel_loop3A_481 : f32 to vector<16xf32>
      %parallel_loop3A_483 = arith.mulf %parallel_loop3A_482, %parallel_loop3A_472 : vector<16xf32>
      %parallel_loop3A_484 = arith.mulf %parallel_loop3A_483, %parallel_loop3A_480 : vector<16xf32>
      %parallel_loop3A_485 = arith.mulf %parallel_loop3A_484, %parallel_loop3A_480 : vector<16xf32>
      %parallel_loop3A_486 = arith.constant 1.500000e+00 : f32
      %parallel_loop3A_487 = vector.broadcast %parallel_loop3A_486 : f32 to vector<16xf32>
      %parallel_loop3A_488 = arith.subf %parallel_loop3A_487, %parallel_loop3A_485 : vector<16xf32>
      %parallel_loop3A_489 = arith.mulf %parallel_loop3A_480, %parallel_loop3A_488 : vector<16xf32>
      %parallel_loop3A_490 = arith.mulf %parallel_loop3A_483, %parallel_loop3A_489 : vector<16xf32>
      %parallel_loop3A_491 = arith.mulf %parallel_loop3A_490, %parallel_loop3A_489 : vector<16xf32>
      %parallel_loop3A_492 = arith.constant 1.500000e+00 : f32
      %parallel_loop3A_493 = vector.broadcast %parallel_loop3A_492 : f32 to vector<16xf32>
      %parallel_loop3A_494 = arith.subf %parallel_loop3A_493, %parallel_loop3A_491 : vector<16xf32>
      %parallel_loop3A_495 = arith.mulf %parallel_loop3A_489, %parallel_loop3A_494 : vector<16xf32>
      %parallel_loop3A_496 = arith.mulf %parallel_loop3A_472, %parallel_loop3A_495 : vector<16xf32>
      %parallel_loop3A_497 = arith.mulf %parallel_loop3A_462, %parallel_loop3A_496 : vector<16xf32>
      %parallel_loop3A_498 = arith.constant true
      %parallel_loop3A_499 = vector.broadcast %parallel_loop3A_498 : i1 to vector<16xi1>
      %parallel_loop3A_500 = tpu.scan <sum>, %parallel_loop3A_497 masked %parallel_loop3A_499 : vector<16xf32>, vector<16xi1> -> vector<16xf32>
      %parallel_loop3A_501 = arith.constant 1 : i32
      %parallel_loop3A_502 = arith.addi %parallel_loop3A_455, %parallel_loop3A_501 : i32
      %parallel_loop3A_503 = vector.broadcast %parallel_loop3A_502 : i32 to vector<16xi32>
      %parallel_loop3A_504 = arith.addi %parallel_loop3A_503, %iota3A : vector<16xi32>
      %parallel_loop3A_505 = tpu.vector_load_idx %arg8[%parallel_loop3A_504] : memref<8208xi32, #tpu.memory_space<vmem>>[vector<16xi32>], vector<16xi32>,
      %parallel_loop3A_506 = arith.cmpi ne, %parallel_loop3A_464, %parallel_loop3A_505 : vector<16xi32>
      %parallel_loop3A_507 = arith.ori %parallel_loop3A_506, %eq3A_78 : vector<16xi1>
      tpu.vector_store_idx %arg12[%parallel_loop3A_464], %parallel_loop3A_500 masked %parallel_loop3A_507 {add = true} : memref<10000xf32, #tpu.memory_space<vmem>>[vector<16xi32>], vector<16xf32>, vector<16xi1>
      %parallel_loop3A_508 = arith.constant 0.000000e+00 : f32
      %parallel_loop3A_509 = vector.broadcast %parallel_loop3A_508 : f32 to vector<16xf32>
      %parallel_loop3A_510 = arith.subf %parallel_loop3A_509, %parallel_loop3A_500 : vector<16xf32>
      %parallel_loop3A_511 = arith.andi %parallel_loop3A_506, %ne3A_81 : vector<16xi1>
      tpu.vector_store_idx %arg12[%parallel_loop3A_505], %parallel_loop3A_510 masked %parallel_loop3A_511 {add = true} : memref<10000xf32, #tpu.memory_space<vmem>>[vector<16xi32>], vector<16xf32>, vector<16xi1>
    } {sc.loop_unroll_factor = 4 : i64, sc.parallel_access}
    %dma_start3A_409 = arith.constant 0 : i32
    %dma_start3A_410 = tpu.memref_slice %arg2[%dma_start3A_409, %sub3A_52] : memref<3x3200000xf32, #tpu.memory_space<hbm>> -> memref<3x8192xf32, #tpu.memory_space<hbm>>
    %dma_start3A_411 = arith.constant 0 : i32
    %dma_start3A_412 = tpu.memref_slice %arg2[%dma_start3A_411, %sub3A_52] : memref<3x3200000xf32, #tpu.memory_space<hbm>> -> memref<3x8192xf32, #tpu.memory_space<hbm>>
    tpu.enqueue_dma source(%dma_start3A_412 : memref<3x8192xf32, #tpu.memory_space<hbm>>) target(%arg6 : memref<3x8192xf32, #tpu.memory_space<vmem>>) target_semaphore(%arg13 : memref<!tpu.dma_semaphore, #tpu.memory_space<semaphore_mem>>)
    %dma_start3A_413 = tpu.memref_slice %arg3[%sub3A_52] : memref<3200000xf32, #tpu.memory_space<hbm>> -> memref<8192xf32, #tpu.memory_space<hbm>>
    %dma_start3A_414 = tpu.memref_slice %arg3[%sub3A_52] : memref<3200000xf32, #tpu.memory_space<hbm>> -> memref<8192xf32, #tpu.memory_space<hbm>>
    tpu.enqueue_dma source(%dma_start3A_414 : memref<8192xf32, #tpu.memory_space<hbm>>) target(%arg7 : memref<8192xf32, #tpu.memory_space<vmem>>) target_semaphore(%arg13 : memref<!tpu.dma_semaphore, #tpu.memory_space<semaphore_mem>>)
    %dma_start3A_415 = arith.constant 0 : i32
    %dma_start3A_416 = tpu.memref_slice %arg8[%dma_start3A_415] : memref<8208xi32, #tpu.memory_space<vmem>> -> memref<8192xi32, #tpu.memory_space<vmem>>
    %dma_start3A_417 = tpu.memref_slice %arg4[%sub3A_52] : memref<3200000xi32, #tpu.memory_space<hbm>> -> memref<8192xi32, #tpu.memory_space<hbm>>
    %dma_start3A_418 = arith.constant 0 : i32
    %dma_start3A_419 = tpu.memref_slice %arg8[%dma_start3A_418] : memref<8208xi32, #tpu.memory_space<vmem>> -> memref<8192xi32, #tpu.memory_space<vmem>>
    %dma_start3A_420 = tpu.memref_slice %arg4[%sub3A_52] : memref<3200000xi32, #tpu.memory_space<hbm>> -> memref<8192xi32, #tpu.memory_space<hbm>>
    tpu.enqueue_dma source(%dma_start3A_420 : memref<8192xi32, #tpu.memory_space<hbm>>) target(%dma_start3A_419 : memref<8192xi32, #tpu.memory_space<vmem>>) target_semaphore(%arg13 : memref<!tpu.dma_semaphore, #tpu.memory_space<semaphore_mem>>)
    %dma_wait3A_421 = arith.constant 0 : i32
    %dma_wait3A_422 = tpu.memref_slice %arg2[%dma_wait3A_421, %add3A_381] : memref<3x3200000xf32, #tpu.memory_space<hbm>> -> memref<3x8192xf32, #tpu.memory_space<hbm>>
    %dma_wait3A_423 = arith.constant 0 : i32
    %dma_wait3A_424 = tpu.memref_slice %arg2[%dma_wait3A_423, %add3A_381] : memref<3x3200000xf32, #tpu.memory_space<hbm>> -> memref<3x8192xf32, #tpu.memory_space<hbm>>
    tpu.wait_dma2 semaphore(%arg14 : memref<!tpu.dma_semaphore, #tpu.memory_space<semaphore_mem>>) src(%dma_wait3A_424 : memref<3x8192xf32, #tpu.memory_space<hbm>>) dst(%arg9 : memref<3x8192xf32, #tpu.memory_space<vmem>>)
    %dma_wait3A_425 = tpu.memref_slice %arg3[%add3A_381] : memref<3200000xf32, #tpu.memory_space<hbm>> -> memref<8192xf32, #tpu.memory_space<hbm>>
    %dma_wait3A_426 = tpu.memref_slice %arg3[%add3A_381] : memref<3200000xf32, #tpu.memory_space<hbm>> -> memref<8192xf32, #tpu.memory_space<hbm>>
    tpu.wait_dma2 semaphore(%arg14 : memref<!tpu.dma_semaphore, #tpu.memory_space<semaphore_mem>>) src(%dma_wait3A_426 : memref<8192xf32, #tpu.memory_space<hbm>>) dst(%arg10 : memref<8192xf32, #tpu.memory_space<vmem>>)
    %dma_wait3A_427 = arith.constant 0 : i32
    %dma_wait3A_428 = tpu.memref_slice %arg11[%dma_wait3A_427] : memref<8208xi32, #tpu.memory_space<vmem>> -> memref<8192xi32, #tpu.memory_space<vmem>>
    %dma_wait3A_429 = tpu.memref_slice %arg4[%add3A_381] : memref<3200000xi32, #tpu.memory_space<hbm>> -> memref<8192xi32, #tpu.memory_space<hbm>>
    %dma_wait3A_430 = arith.constant 0 : i32
    %dma_wait3A_431 = tpu.memref_slice %arg11[%dma_wait3A_430] : memref<8208xi32, #tpu.memory_space<vmem>> -> memref<8192xi32, #tpu.memory_space<vmem>>
    %dma_wait3A_432 = tpu.memref_slice %arg4[%add3A_381] : memref<3200000xi32, #tpu.memory_space<hbm>> -> memref<8192xi32, #tpu.memory_space<hbm>>
    tpu.wait_dma2 semaphore(%arg14 : memref<!tpu.dma_semaphore, #tpu.memory_space<semaphore_mem>>) src(%dma_wait3A_432 : memref<8192xi32, #tpu.memory_space<hbm>>) dst(%dma_wait3A_431 : memref<8192xi32, #tpu.memory_space<vmem>>)
    %parallel_loop3A_433 = arith.constant 0 : i32
    %parallel_loop3A_434 = arith.constant 512 : i32
    %parallel_loop3A_435 = arith.constant 1 : i32
    scf.for %parallel_loop3A_453 = %parallel_loop3A_433 to %parallel_loop3A_434 step %parallel_loop3A_435  : i32 {
      %parallel_loop3A_454 = arith.constant 16 : i32
      %parallel_loop3A_455 = arith.muli %parallel_loop3A_453, %parallel_loop3A_454 : i32
      %parallel_loop3A_456 = vector.broadcast %parallel_loop3A_455 : i32 to vector<16xi32>
      %parallel_loop3A_457 = arith.addi %parallel_loop3A_456, %iota3A : vector<16xi32>
      %parallel_loop3A_458 = tpu.vector_load_idx %arg9[%broadcast_in_dim3A_83, %parallel_loop3A_457] : memref<3x8192xf32, #tpu.memory_space<vmem>>[vector<16xi32>, vector<16xi32>], vector<16xf32>,
      %parallel_loop3A_459 = tpu.vector_load_idx %arg9[%broadcast_in_dim3A_85, %parallel_loop3A_457] : memref<3x8192xf32, #tpu.memory_space<vmem>>[vector<16xi32>, vector<16xi32>], vector<16xf32>,
      %parallel_loop3A_460 = tpu.vector_load_idx %arg9[%broadcast_in_dim3A_87, %parallel_loop3A_457] : memref<3x8192xf32, #tpu.memory_space<vmem>>[vector<16xi32>, vector<16xi32>], vector<16xf32>,
      %parallel_loop3A_461 = arith.index_cast %parallel_loop3A_455 : i32 to index
      %parallel_loop3A_462 = tpu.vector_load %arg10[%parallel_loop3A_461] {strides = array<i32>} : memref<8192xf32, #tpu.memory_space<vmem>>, vector<16xf32>,
      %parallel_loop3A_463 = arith.index_cast %parallel_loop3A_455 : i32 to index
      %parallel_loop3A_464 = tpu.vector_load %arg11[%parallel_loop3A_463] {strides = array<i32>} : memref<8208xi32, #tpu.memory_space<vmem>>, vector<16xi32>,
      %parallel_loop3A_465 = arith.mulf %parallel_loop3A_458, %parallel_loop3A_458 : vector<16xf32>
      %parallel_loop3A_466 = arith.mulf %parallel_loop3A_459, %parallel_loop3A_459 : vector<16xf32>
      %parallel_loop3A_467 = arith.addf %parallel_loop3A_465, %parallel_loop3A_466 : vector<16xf32>
      %parallel_loop3A_468 = arith.mulf %parallel_loop3A_460, %parallel_loop3A_460 : vector<16xf32>
      %parallel_loop3A_469 = arith.addf %parallel_loop3A_467, %parallel_loop3A_468 : vector<16xf32>
      %parallel_loop3A_470 = arith.constant 9.99999991E-38 : f32
      %parallel_loop3A_471 = vector.broadcast %parallel_loop3A_470 : f32 to vector<16xf32>
      %parallel_loop3A_472 = arith.maximumf %parallel_loop3A_469, %parallel_loop3A_471 : vector<16xf32>
      %parallel_loop3A_473 = vector.bitcast %parallel_loop3A_472 : vector<16xf32> to vector<16xi32>
      %parallel_loop3A_474 = arith.constant 1 : i32
      %parallel_loop3A_475 = vector.broadcast %parallel_loop3A_474 : i32 to vector<16xi32>
      %parallel_loop3A_476 = arith.shrsi %parallel_loop3A_473, %parallel_loop3A_475 : vector<16xi32>
      %parallel_loop3A_477 = arith.constant 1597463007 : i32
      %parallel_loop3A_478 = vector.broadcast %parallel_loop3A_477 : i32 to vector<16xi32>
      %parallel_loop3A_479 = arith.subi %parallel_loop3A_478, %parallel_loop3A_476 : vector<16xi32>
      %parallel_loop3A_480 = vector.bitcast %parallel_loop3A_479 : vector<16xi32> to vector<16xf32>
      %parallel_loop3A_481 = arith.constant 5.000000e-01 : f32
      %parallel_loop3A_482 = vector.broadcast %parallel_loop3A_481 : f32 to vector<16xf32>
      %parallel_loop3A_483 = arith.mulf %parallel_loop3A_482, %parallel_loop3A_472 : vector<16xf32>
      %parallel_loop3A_484 = arith.mulf %parallel_loop3A_483, %parallel_loop3A_480 : vector<16xf32>
      %parallel_loop3A_485 = arith.mulf %parallel_loop3A_484, %parallel_loop3A_480 : vector<16xf32>
      %parallel_loop3A_486 = arith.constant 1.500000e+00 : f32
      %parallel_loop3A_487 = vector.broadcast %parallel_loop3A_486 : f32 to vector<16xf32>
      %parallel_loop3A_488 = arith.subf %parallel_loop3A_487, %parallel_loop3A_485 : vector<16xf32>
      %parallel_loop3A_489 = arith.mulf %parallel_loop3A_480, %parallel_loop3A_488 : vector<16xf32>
      %parallel_loop3A_490 = arith.mulf %parallel_loop3A_483, %parallel_loop3A_489 : vector<16xf32>
      %parallel_loop3A_491 = arith.mulf %parallel_loop3A_490, %parallel_loop3A_489 : vector<16xf32>
      %parallel_loop3A_492 = arith.constant 1.500000e+00 : f32
      %parallel_loop3A_493 = vector.broadcast %parallel_loop3A_492 : f32 to vector<16xf32>
      %parallel_loop3A_494 = arith.subf %parallel_loop3A_493, %parallel_loop3A_491 : vector<16xf32>
      %parallel_loop3A_495 = arith.mulf %parallel_loop3A_489, %parallel_loop3A_494 : vector<16xf32>
      %parallel_loop3A_496 = arith.mulf %parallel_loop3A_472, %parallel_loop3A_495 : vector<16xf32>
      %parallel_loop3A_497 = arith.mulf %parallel_loop3A_462, %parallel_loop3A_496 : vector<16xf32>
      %parallel_loop3A_498 = arith.constant true
      %parallel_loop3A_499 = vector.broadcast %parallel_loop3A_498 : i1 to vector<16xi1>
      %parallel_loop3A_500 = tpu.scan <sum>, %parallel_loop3A_497 masked %parallel_loop3A_499 : vector<16xf32>, vector<16xi1> -> vector<16xf32>
      %parallel_loop3A_501 = arith.constant 1 : i32
      %parallel_loop3A_502 = arith.addi %parallel_loop3A_455, %parallel_loop3A_501 : i32
      %parallel_loop3A_503 = vector.broadcast %parallel_loop3A_502 : i32 to vector<16xi32>
      %parallel_loop3A_504 = arith.addi %parallel_loop3A_503, %iota3A : vector<16xi32>
      %parallel_loop3A_505 = tpu.vector_load_idx %arg11[%parallel_loop3A_504] : memref<8208xi32, #tpu.memory_space<vmem>>[vector<16xi32>], vector<16xi32>,
      %parallel_loop3A_506 = arith.cmpi ne, %parallel_loop3A_464, %parallel_loop3A_505 : vector<16xi32>
      %parallel_loop3A_507 = arith.ori %parallel_loop3A_506, %eq3A_78 : vector<16xi1>
      tpu.vector_store_idx %arg12[%parallel_loop3A_464], %parallel_loop3A_500 masked %parallel_loop3A_507 {add = true} : memref<10000xf32, #tpu.memory_space<vmem>>[vector<16xi32>], vector<16xf32>, vector<16xi1>
      %parallel_loop3A_508 = arith.constant 0.000000e+00 : f32
      %parallel_loop3A_509 = vector.broadcast %parallel_loop3A_508 : f32 to vector<16xf32>
      %parallel_loop3A_510 = arith.subf %parallel_loop3A_509, %parallel_loop3A_500 : vector<16xf32>
      %parallel_loop3A_511 = arith.andi %parallel_loop3A_506, %ne3A_81 : vector<16xi1>
      tpu.vector_store_idx %arg12[%parallel_loop3A_505], %parallel_loop3A_510 masked %parallel_loop3A_511 {add = true} : memref<10000xf32, #tpu.memory_space<vmem>>[vector<16xi32>], vector<16xf32>, vector<16xi1>
    } {sc.loop_unroll_factor = 4 : i64, sc.parallel_access}
    %dma_wait3A_436 = arith.constant 0 : i32
    %dma_wait3A_437 = tpu.memref_slice %arg2[%dma_wait3A_436, %sub3A_52] : memref<3x3200000xf32, #tpu.memory_space<hbm>> -> memref<3x8192xf32, #tpu.memory_space<hbm>>
    %dma_wait3A_438 = arith.constant 0 : i32
    %dma_wait3A_439 = tpu.memref_slice %arg2[%dma_wait3A_438, %sub3A_52] : memref<3x3200000xf32, #tpu.memory_space<hbm>> -> memref<3x8192xf32, #tpu.memory_space<hbm>>
    tpu.wait_dma2 semaphore(%arg13 : memref<!tpu.dma_semaphore, #tpu.memory_space<semaphore_mem>>) src(%dma_wait3A_439 : memref<3x8192xf32, #tpu.memory_space<hbm>>) dst(%arg6 : memref<3x8192xf32, #tpu.memory_space<vmem>>)
    %dma_wait3A_440 = tpu.memref_slice %arg3[%sub3A_52] : memref<3200000xf32, #tpu.memory_space<hbm>> -> memref<8192xf32, #tpu.memory_space<hbm>>
    %dma_wait3A_441 = tpu.memref_slice %arg3[%sub3A_52] : memref<3200000xf32, #tpu.memory_space<hbm>> -> memref<8192xf32, #tpu.memory_space<hbm>>
    tpu.wait_dma2 semaphore(%arg13 : memref<!tpu.dma_semaphore, #tpu.memory_space<semaphore_mem>>) src(%dma_wait3A_441 : memref<8192xf32, #tpu.memory_space<hbm>>) dst(%arg7 : memref<8192xf32, #tpu.memory_space<vmem>>)
    %dma_wait3A_442 = arith.constant 0 : i32
    %dma_wait3A_443 = tpu.memref_slice %arg8[%dma_wait3A_442] : memref<8208xi32, #tpu.memory_space<vmem>> -> memref<8192xi32, #tpu.memory_space<vmem>>
    %dma_wait3A_444 = tpu.memref_slice %arg4[%sub3A_52] : memref<3200000xi32, #tpu.memory_space<hbm>> -> memref<8192xi32, #tpu.memory_space<hbm>>
    %dma_wait3A_445 = arith.constant 0 : i32
    %dma_wait3A_446 = tpu.memref_slice %arg8[%dma_wait3A_445] : memref<8208xi32, #tpu.memory_space<vmem>> -> memref<8192xi32, #tpu.memory_space<vmem>>
    %dma_wait3A_447 = tpu.memref_slice %arg4[%sub3A_52] : memref<3200000xi32, #tpu.memory_space<hbm>> -> memref<8192xi32, #tpu.memory_space<hbm>>
    tpu.wait_dma2 semaphore(%arg13 : memref<!tpu.dma_semaphore, #tpu.memory_space<semaphore_mem>>) src(%dma_wait3A_447 : memref<8192xi32, #tpu.memory_space<hbm>>) dst(%dma_wait3A_446 : memref<8192xi32, #tpu.memory_space<vmem>>)
    %parallel_loop3A_448 = arith.constant 0 : i32
    %parallel_loop3A_449 = arith.constant 512 : i32
    %parallel_loop3A_450 = arith.constant 1 : i32
    scf.for %parallel_loop3A_453 = %parallel_loop3A_448 to %parallel_loop3A_449 step %parallel_loop3A_450  : i32 {
      %parallel_loop3A_454 = arith.constant 16 : i32
      %parallel_loop3A_455 = arith.muli %parallel_loop3A_453, %parallel_loop3A_454 : i32
      %parallel_loop3A_456 = vector.broadcast %parallel_loop3A_455 : i32 to vector<16xi32>
      %parallel_loop3A_457 = arith.addi %parallel_loop3A_456, %iota3A : vector<16xi32>
      %parallel_loop3A_458 = tpu.vector_load_idx %arg6[%broadcast_in_dim3A_83, %parallel_loop3A_457] : memref<3x8192xf32, #tpu.memory_space<vmem>>[vector<16xi32>, vector<16xi32>], vector<16xf32>,
      %parallel_loop3A_459 = tpu.vector_load_idx %arg6[%broadcast_in_dim3A_85, %parallel_loop3A_457] : memref<3x8192xf32, #tpu.memory_space<vmem>>[vector<16xi32>, vector<16xi32>], vector<16xf32>,
      %parallel_loop3A_460 = tpu.vector_load_idx %arg6[%broadcast_in_dim3A_87, %parallel_loop3A_457] : memref<3x8192xf32, #tpu.memory_space<vmem>>[vector<16xi32>, vector<16xi32>], vector<16xf32>,
      %parallel_loop3A_461 = arith.index_cast %parallel_loop3A_455 : i32 to index
      %parallel_loop3A_462 = tpu.vector_load %arg7[%parallel_loop3A_461] {strides = array<i32>} : memref<8192xf32, #tpu.memory_space<vmem>>, vector<16xf32>,
      %parallel_loop3A_463 = arith.index_cast %parallel_loop3A_455 : i32 to index
      %parallel_loop3A_464 = tpu.vector_load %arg8[%parallel_loop3A_463] {strides = array<i32>} : memref<8208xi32, #tpu.memory_space<vmem>>, vector<16xi32>,
      %parallel_loop3A_465 = arith.mulf %parallel_loop3A_458, %parallel_loop3A_458 : vector<16xf32>
      %parallel_loop3A_466 = arith.mulf %parallel_loop3A_459, %parallel_loop3A_459 : vector<16xf32>
      %parallel_loop3A_467 = arith.addf %parallel_loop3A_465, %parallel_loop3A_466 : vector<16xf32>
      %parallel_loop3A_468 = arith.mulf %parallel_loop3A_460, %parallel_loop3A_460 : vector<16xf32>
      %parallel_loop3A_469 = arith.addf %parallel_loop3A_467, %parallel_loop3A_468 : vector<16xf32>
      %parallel_loop3A_470 = arith.constant 9.99999991E-38 : f32
      %parallel_loop3A_471 = vector.broadcast %parallel_loop3A_470 : f32 to vector<16xf32>
      %parallel_loop3A_472 = arith.maximumf %parallel_loop3A_469, %parallel_loop3A_471 : vector<16xf32>
      %parallel_loop3A_473 = vector.bitcast %parallel_loop3A_472 : vector<16xf32> to vector<16xi32>
      %parallel_loop3A_474 = arith.constant 1 : i32
      %parallel_loop3A_475 = vector.broadcast %parallel_loop3A_474 : i32 to vector<16xi32>
      %parallel_loop3A_476 = arith.shrsi %parallel_loop3A_473, %parallel_loop3A_475 : vector<16xi32>
      %parallel_loop3A_477 = arith.constant 1597463007 : i32
      %parallel_loop3A_478 = vector.broadcast %parallel_loop3A_477 : i32 to vector<16xi32>
      %parallel_loop3A_479 = arith.subi %parallel_loop3A_478, %parallel_loop3A_476 : vector<16xi32>
      %parallel_loop3A_480 = vector.bitcast %parallel_loop3A_479 : vector<16xi32> to vector<16xf32>
      %parallel_loop3A_481 = arith.constant 5.000000e-01 : f32
      %parallel_loop3A_482 = vector.broadcast %parallel_loop3A_481 : f32 to vector<16xf32>
      %parallel_loop3A_483 = arith.mulf %parallel_loop3A_482, %parallel_loop3A_472 : vector<16xf32>
      %parallel_loop3A_484 = arith.mulf %parallel_loop3A_483, %parallel_loop3A_480 : vector<16xf32>
      %parallel_loop3A_485 = arith.mulf %parallel_loop3A_484, %parallel_loop3A_480 : vector<16xf32>
      %parallel_loop3A_486 = arith.constant 1.500000e+00 : f32
      %parallel_loop3A_487 = vector.broadcast %parallel_loop3A_486 : f32 to vector<16xf32>
      %parallel_loop3A_488 = arith.subf %parallel_loop3A_487, %parallel_loop3A_485 : vector<16xf32>
      %parallel_loop3A_489 = arith.mulf %parallel_loop3A_480, %parallel_loop3A_488 : vector<16xf32>
      %parallel_loop3A_490 = arith.mulf %parallel_loop3A_483, %parallel_loop3A_489 : vector<16xf32>
      %parallel_loop3A_491 = arith.mulf %parallel_loop3A_490, %parallel_loop3A_489 : vector<16xf32>
      %parallel_loop3A_492 = arith.constant 1.500000e+00 : f32
      %parallel_loop3A_493 = vector.broadcast %parallel_loop3A_492 : f32 to vector<16xf32>
      %parallel_loop3A_494 = arith.subf %parallel_loop3A_493, %parallel_loop3A_491 : vector<16xf32>
      %parallel_loop3A_495 = arith.mulf %parallel_loop3A_489, %parallel_loop3A_494 : vector<16xf32>
      %parallel_loop3A_496 = arith.mulf %parallel_loop3A_472, %parallel_loop3A_495 : vector<16xf32>
      %parallel_loop3A_497 = arith.mulf %parallel_loop3A_462, %parallel_loop3A_496 : vector<16xf32>
      %parallel_loop3A_498 = arith.cmpi sge, %parallel_loop3A_457, %mul3A_91 : vector<16xi32>
      %parallel_loop3A_499 = arith.constant 0.000000e+00 : f32
      %parallel_loop3A_500 = vector.broadcast %parallel_loop3A_499 : f32 to vector<16xf32>
      %parallel_loop3A_501 = arith.select %parallel_loop3A_498, %parallel_loop3A_497, %parallel_loop3A_500 : vector<16xi1>, vector<16xf32>
      %parallel_loop3A_502 = arith.constant true
      %parallel_loop3A_503 = vector.broadcast %parallel_loop3A_502 : i1 to vector<16xi1>
      %parallel_loop3A_504 = tpu.scan <sum>, %parallel_loop3A_501 masked %parallel_loop3A_503 : vector<16xf32>, vector<16xi1> -> vector<16xf32>
      %parallel_loop3A_505 = arith.constant 1 : i32
      %parallel_loop3A_506 = arith.addi %parallel_loop3A_455, %parallel_loop3A_505 : i32
      %parallel_loop3A_507 = vector.broadcast %parallel_loop3A_506 : i32 to vector<16xi32>
      %parallel_loop3A_508 = arith.addi %parallel_loop3A_507, %iota3A : vector<16xi32>
      %parallel_loop3A_509 = tpu.vector_load_idx %arg8[%parallel_loop3A_508] : memref<8208xi32, #tpu.memory_space<vmem>>[vector<16xi32>], vector<16xi32>,
      %parallel_loop3A_510 = arith.cmpi ne, %parallel_loop3A_464, %parallel_loop3A_509 : vector<16xi32>
      %parallel_loop3A_511 = arith.ori %parallel_loop3A_510, %eq3A_78 : vector<16xi1>
      tpu.vector_store_idx %arg12[%parallel_loop3A_464], %parallel_loop3A_504 masked %parallel_loop3A_511 {add = true} : memref<10000xf32, #tpu.memory_space<vmem>>[vector<16xi32>], vector<16xf32>, vector<16xi1>
      %parallel_loop3A_512 = arith.constant 0.000000e+00 : f32
      %parallel_loop3A_513 = vector.broadcast %parallel_loop3A_512 : f32 to vector<16xf32>
      %parallel_loop3A_514 = arith.subf %parallel_loop3A_513, %parallel_loop3A_504 : vector<16xf32>
      %parallel_loop3A_515 = arith.andi %parallel_loop3A_510, %ne3A_81 : vector<16xi1>
      tpu.vector_store_idx %arg12[%parallel_loop3A_509], %parallel_loop3A_514 masked %parallel_loop3A_515 {add = true} : memref<10000xf32, #tpu.memory_space<vmem>>[vector<16xi32>], vector<16xf32>, vector<16xi1>
    } {sc.loop_unroll_factor = 4 : i64, sc.parallel_access}
    %mul3A_451 = arith.constant 10000 : i32
    %mul3A_452 = arith.muli %add3A, %mul3A_451 : i32
    "tpu.region"() ({
      %run_scoped3A = tpu.sem_alloc : memref<!tpu.dma_semaphore, #tpu.memory_space<semaphore_mem>>
      %dma_start3A_453 = tpu.memref_slice %arg5[%mul3A_452] : memref<320000xf32, #tpu.memory_space<hbm>> -> memref<10000xf32, #tpu.memory_space<hbm>>
      %dma_start3A_454 = tpu.memref_slice %arg5[%mul3A_452] : memref<320000xf32, #tpu.memory_space<hbm>> -> memref<10000xf32, #tpu.memory_space<hbm>>
      tpu.enqueue_dma source(%arg12 : memref<10000xf32, #tpu.memory_space<vmem>>) target(%dma_start3A_454 : memref<10000xf32, #tpu.memory_space<hbm>>) target_semaphore(%run_scoped3A : memref<!tpu.dma_semaphore, #tpu.memory_space<semaphore_mem>>)
      %dma_wait3A_455 = tpu.memref_slice %arg5[%mul3A_452] : memref<320000xf32, #tpu.memory_space<hbm>> -> memref<10000xf32, #tpu.memory_space<hbm>>
      %dma_wait3A_456 = tpu.memref_slice %arg5[%mul3A_452] : memref<320000xf32, #tpu.memory_space<hbm>> -> memref<10000xf32, #tpu.memory_space<hbm>>
      tpu.wait_dma2 semaphore(%run_scoped3A : memref<!tpu.dma_semaphore, #tpu.memory_space<semaphore_mem>>) src(%arg12 : memref<10000xf32, #tpu.memory_space<vmem>>) dst(%dma_wait3A_456 : memref<10000xf32, #tpu.memory_space<hbm>>)
      tpu.yield
    }) : () -> ()
    return
  }
}

module attributes {stable_mosaic.version = 14 : i64} {
  func.func @_combine_body(%arg0: memref<320000xf32, #tpu.memory_space<vmem>>, %arg1: memref<10000xf32, #tpu.memory_space<vmem>>) attributes {dimension_semantics = [], scalar_prefetch = 0 : i64, scratch_operands = 0 : i64, tpu.core_type = #tpu.core_type<tc>} {
    %get3A = arith.constant 0 : index
    %get3A_0 = vector.load %arg0[%get3A] : memref<320000xf32, #tpu.memory_space<vmem>>, vector<10000xf32>
    %get3A_1 = arith.constant 10000 : index
    %get3A_2 = vector.load %arg0[%get3A_1] : memref<320000xf32, #tpu.memory_space<vmem>>, vector<10000xf32>
    %add3A = arith.addf %get3A_0, %get3A_2 : vector<10000xf32>
    %get3A_3 = arith.constant 20000 : index
    %get3A_4 = vector.load %arg0[%get3A_3] : memref<320000xf32, #tpu.memory_space<vmem>>, vector<10000xf32>
    %add3A_5 = arith.addf %add3A, %get3A_4 : vector<10000xf32>
    %get3A_6 = arith.constant 30000 : index
    %get3A_7 = vector.load %arg0[%get3A_6] : memref<320000xf32, #tpu.memory_space<vmem>>, vector<10000xf32>
    %add3A_8 = arith.addf %add3A_5, %get3A_7 : vector<10000xf32>
    %get3A_9 = arith.constant 40000 : index
    %get3A_10 = vector.load %arg0[%get3A_9] : memref<320000xf32, #tpu.memory_space<vmem>>, vector<10000xf32>
    %add3A_11 = arith.addf %add3A_8, %get3A_10 : vector<10000xf32>
    %get3A_12 = arith.constant 50000 : index
    %get3A_13 = vector.load %arg0[%get3A_12] : memref<320000xf32, #tpu.memory_space<vmem>>, vector<10000xf32>
    %add3A_14 = arith.addf %add3A_11, %get3A_13 : vector<10000xf32>
    %get3A_15 = arith.constant 60000 : index
    %get3A_16 = vector.load %arg0[%get3A_15] : memref<320000xf32, #tpu.memory_space<vmem>>, vector<10000xf32>
    %add3A_17 = arith.addf %add3A_14, %get3A_16 : vector<10000xf32>
    %get3A_18 = arith.constant 70000 : index
    %get3A_19 = vector.load %arg0[%get3A_18] : memref<320000xf32, #tpu.memory_space<vmem>>, vector<10000xf32>
    %add3A_20 = arith.addf %add3A_17, %get3A_19 : vector<10000xf32>
    %get3A_21 = arith.constant 80000 : index
    %get3A_22 = vector.load %arg0[%get3A_21] : memref<320000xf32, #tpu.memory_space<vmem>>, vector<10000xf32>
    %add3A_23 = arith.addf %add3A_20, %get3A_22 : vector<10000xf32>
    %get3A_24 = arith.constant 90000 : index
    %get3A_25 = vector.load %arg0[%get3A_24] : memref<320000xf32, #tpu.memory_space<vmem>>, vector<10000xf32>
    %add3A_26 = arith.addf %add3A_23, %get3A_25 : vector<10000xf32>
    %get3A_27 = arith.constant 100000 : index
    %get3A_28 = vector.load %arg0[%get3A_27] : memref<320000xf32, #tpu.memory_space<vmem>>, vector<10000xf32>
    %add3A_29 = arith.addf %add3A_26, %get3A_28 : vector<10000xf32>
    %get3A_30 = arith.constant 110000 : index
    %get3A_31 = vector.load %arg0[%get3A_30] : memref<320000xf32, #tpu.memory_space<vmem>>, vector<10000xf32>
    %add3A_32 = arith.addf %add3A_29, %get3A_31 : vector<10000xf32>
    %get3A_33 = arith.constant 120000 : index
    %get3A_34 = vector.load %arg0[%get3A_33] : memref<320000xf32, #tpu.memory_space<vmem>>, vector<10000xf32>
    %add3A_35 = arith.addf %add3A_32, %get3A_34 : vector<10000xf32>
    %get3A_36 = arith.constant 130000 : index
    %get3A_37 = vector.load %arg0[%get3A_36] : memref<320000xf32, #tpu.memory_space<vmem>>, vector<10000xf32>
    %add3A_38 = arith.addf %add3A_35, %get3A_37 : vector<10000xf32>
    %get3A_39 = arith.constant 140000 : index
    %get3A_40 = vector.load %arg0[%get3A_39] : memref<320000xf32, #tpu.memory_space<vmem>>, vector<10000xf32>
    %add3A_41 = arith.addf %add3A_38, %get3A_40 : vector<10000xf32>
    %get3A_42 = arith.constant 150000 : index
    %get3A_43 = vector.load %arg0[%get3A_42] : memref<320000xf32, #tpu.memory_space<vmem>>, vector<10000xf32>
    %add3A_44 = arith.addf %add3A_41, %get3A_43 : vector<10000xf32>
    %get3A_45 = arith.constant 160000 : index
    %get3A_46 = vector.load %arg0[%get3A_45] : memref<320000xf32, #tpu.memory_space<vmem>>, vector<10000xf32>
    %add3A_47 = arith.addf %add3A_44, %get3A_46 : vector<10000xf32>
    %get3A_48 = arith.constant 170000 : index
    %get3A_49 = vector.load %arg0[%get3A_48] : memref<320000xf32, #tpu.memory_space<vmem>>, vector<10000xf32>
    %add3A_50 = arith.addf %add3A_47, %get3A_49 : vector<10000xf32>
    %get3A_51 = arith.constant 180000 : index
    %get3A_52 = vector.load %arg0[%get3A_51] : memref<320000xf32, #tpu.memory_space<vmem>>, vector<10000xf32>
    %add3A_53 = arith.addf %add3A_50, %get3A_52 : vector<10000xf32>
    %get3A_54 = arith.constant 190000 : index
    %get3A_55 = vector.load %arg0[%get3A_54] : memref<320000xf32, #tpu.memory_space<vmem>>, vector<10000xf32>
    %add3A_56 = arith.addf %add3A_53, %get3A_55 : vector<10000xf32>
    %get3A_57 = arith.constant 200000 : index
    %get3A_58 = vector.load %arg0[%get3A_57] : memref<320000xf32, #tpu.memory_space<vmem>>, vector<10000xf32>
    %add3A_59 = arith.addf %add3A_56, %get3A_58 : vector<10000xf32>
    %get3A_60 = arith.constant 210000 : index
    %get3A_61 = vector.load %arg0[%get3A_60] : memref<320000xf32, #tpu.memory_space<vmem>>, vector<10000xf32>
    %add3A_62 = arith.addf %add3A_59, %get3A_61 : vector<10000xf32>
    %get3A_63 = arith.constant 220000 : index
    %get3A_64 = vector.load %arg0[%get3A_63] : memref<320000xf32, #tpu.memory_space<vmem>>, vector<10000xf32>
    %add3A_65 = arith.addf %add3A_62, %get3A_64 : vector<10000xf32>
    %get3A_66 = arith.constant 230000 : index
    %get3A_67 = vector.load %arg0[%get3A_66] : memref<320000xf32, #tpu.memory_space<vmem>>, vector<10000xf32>
    %add3A_68 = arith.addf %add3A_65, %get3A_67 : vector<10000xf32>
    %get3A_69 = arith.constant 240000 : index
    %get3A_70 = vector.load %arg0[%get3A_69] : memref<320000xf32, #tpu.memory_space<vmem>>, vector<10000xf32>
    %add3A_71 = arith.addf %add3A_68, %get3A_70 : vector<10000xf32>
    %get3A_72 = arith.constant 250000 : index
    %get3A_73 = vector.load %arg0[%get3A_72] : memref<320000xf32, #tpu.memory_space<vmem>>, vector<10000xf32>
    %add3A_74 = arith.addf %add3A_71, %get3A_73 : vector<10000xf32>
    %get3A_75 = arith.constant 260000 : index
    %get3A_76 = vector.load %arg0[%get3A_75] : memref<320000xf32, #tpu.memory_space<vmem>>, vector<10000xf32>
    %add3A_77 = arith.addf %add3A_74, %get3A_76 : vector<10000xf32>
    %get3A_78 = arith.constant 270000 : index
    %get3A_79 = vector.load %arg0[%get3A_78] : memref<320000xf32, #tpu.memory_space<vmem>>, vector<10000xf32>
    %add3A_80 = arith.addf %add3A_77, %get3A_79 : vector<10000xf32>
    %get3A_81 = arith.constant 280000 : index
    %get3A_82 = vector.load %arg0[%get3A_81] : memref<320000xf32, #tpu.memory_space<vmem>>, vector<10000xf32>
    %add3A_83 = arith.addf %add3A_80, %get3A_82 : vector<10000xf32>
    %get3A_84 = arith.constant 290000 : index
    %get3A_85 = vector.load %arg0[%get3A_84] : memref<320000xf32, #tpu.memory_space<vmem>>, vector<10000xf32>
    %add3A_86 = arith.addf %add3A_83, %get3A_85 : vector<10000xf32>
    %get3A_87 = arith.constant 300000 : index
    %get3A_88 = vector.load %arg0[%get3A_87] : memref<320000xf32, #tpu.memory_space<vmem>>, vector<10000xf32>
    %add3A_89 = arith.addf %add3A_86, %get3A_88 : vector<10000xf32>
    %get3A_90 = arith.constant 310000 : index
    %get3A_91 = vector.load %arg0[%get3A_90] : memref<320000xf32, #tpu.memory_space<vmem>>, vector<10000xf32>
    %add3A_92 = arith.addf %add3A_89, %get3A_91 : vector<10000xf32>
    %swap3A = arith.constant 0 : index
    %swap3A_93 = vector.load %arg1[%swap3A] : memref<10000xf32, #tpu.memory_space<vmem>>, vector<10000xf32>
    tpu.vector_store %arg1[%swap3A], %add3A_92 {strides = array<i32>} : memref<10000xf32, #tpu.memory_space<vmem>>, vector<10000xf32>,
    return
  }
}

</mosaic_0001>

<sc_bundles>
// kernel: kernel.4.cloned.1.call-start
scs
__scs_entry_jumppad:
0x0: {  	(pc) =	sbr.rel $0x88, $3  }
0x1: {  	(tag) =	ssettag $0x0;
	lr =	simm.s32 $0x1  }
0x2: {  	[smem:$0x3F9E] =	sst lr;
	_ =	strace $0xD0000000  }
0x3: {  	_ = 	snop  }
0x4: {  	_ = 	snop  }
0x5: {  	_ = 	snop  }
0x6: {  	_ = 	snop  }
0x7: {  	_ = 	snop  }
__scs_overlays_trampoline_lowered:
0x8: {  	[smem:$0x3FAD] =	sst s0  }
0x9: {  	[smem:$0x3FAE] =	sst s1  }
0xa: {  	[smem:$0x3FAF] =	sst s2  }
0xb: {  	[smem:$0x3FB0] =	sst s3  }
0xc: {  	[smem:$0x3FB1] =	sst s4  }
0xd: {  	[smem:$0x3FB2] =	sst s5  }
0xe: {  	[smem:$0x3FB3] =	sst s6  }
0xf: {  	[smem:$0x3FB4] =	sst s7  }
0x10: {  	[smem:$0x3FB5] =	sst s8  }
0x11: {  	[smem:$0x3FB6] =	sst s9;
	s0 =	simm.s32 @!p0 $0x0  }
0x12: {  	s1 =	sld [smem:$0x3F9C];
	s0 =	simm.s32 @p0 $0x1  }
0x13: {  	[smem:$0x3FB7] =	sst s0;
	s0 =	simm.s32 @!p1 $0x0  }
0x14: {  	s2 =	sld [smem:$0x3F9B];
	s0 =	simm.s32 @p1 $0x1  }
0x15: {  	[smem:$0x3FB8] =	sst s0;
	s0 =	simm.s32 @!p2 $0x0  }
0x16: {  	s3 =	sld [smem:$0x3FDB];
	s0 =	simm.s32 @p2 $0x1  }
0x17: {  	s4 =	simm.s32 $0x1BF5;
	[smem:$0x3FBA] =	sst s0  }
0x18: {  	s0 =	sld [smem:$0x3F9D];
	_ =	swait.ge [sflag:s4], $0x0  }
0x19: {  	s7 =	sld [smem:$0x3F9E]  }
0x1a: {  	s8 =	sadd.s32 $0xFFFFE003, lr  }
0x1b: {  	s9 =	sadd.s32 $0xFFFFFEF7, lr;
	s5 =	simm.s32 $0xFFFFFFFF;
	p2 =	slt.u32 s8, $0xFFFFF086  }
0x1c: {  	p1 =	slt.u32 s9, $0xF7A;
	s5 =	simm.s32 @!p2 $0x0  }
0x1d: {  	s5 =	simm.s32 @p1 $0x1;
	p0 =	seq.s32 s7, s2  }
0x1e: {  	s7 =	smul.u32 @!p0 $0xF7A, s2;
	p2 =	seq.s32 @!p0 s5, $0x0  }
0x1f: {  	s9 =	smul.u32 $0xF7A, s1;
	s8 =	simm.s32 @!p0 $0x1BF5;
	p2 =	por !p2, p0  }
0x20: {  	[sflag:s8] =	ssyncset.s32 @!p0 $0xFFFFF086;
	s6 =	sadd.s32 @!p0 s3, s7;
	s7 =	simm.s32 @!p0 $0x108  }
0x21: {  	s3 =	sadd.s32 s3, s9;
	s6 =	sadd.s32 @!p0 $0x88, s6;
	s7 =	simm.s32 @p2 $0x1082  }
0x22: {  	[simem:s7], [sflag:s8] =	dma.local @!p0 [hbm:s6], $0xF7A  }
0x23: {  	s9 =	sor.u32 $0xD0000000, s2;
	s6 =	simm.s32 $0x108;
	_ =	swait.ge @!p0 [sflag:s8], $0x0  }
0x24: {  	s3 =	sadd.s32 $0x88, s3;
	s6 =	simm.s32 @!p1 $0x1082;
	[sflag:s4] =	ssyncset.s32 $0xFFFFF086  }
0x25: {  	[simem:s6], [sflag:s4] =	dma.local [hbm:s3], $0xF7A  }
0x26: {  	[smem:$0x3F9E] =	sst s1;
	(tag) =	ssettag s2;
	_ =	strace s9  }
0x27: {  	s1 =	sld [smem:$0x3FAE]  }
0x28: {  	s2 =	sld [smem:$0x3FAF]  }
0x29: {  	s4 =	sld [smem:$0x3FB1]  }
0x2a: {  	p0 =	seq.s32 s5, $0x0;
	s5 =	sld [smem:$0x3FB2]  }
0x2b: {  	s6 =	sld [smem:$0x3FB3]  }
0x2c: {  	s7 =	sld [smem:$0x3FB4]  }
0x2d: {  	s3 =	simm.s32 $0x108;
	s8 =	sld [smem:$0x3FB5]  }
0x2e: {  	s3 =	simm.s32 @!p0 $0x1082;
	s9 =	sld [smem:$0x3FB6]  }
0x2f: {  	lr =	sadd.s32 s0, s3;
	s0 =	sld [smem:$0x3FAD]  }
0x30: {  	s3 =	sld [smem:$0x3FB0]  }
0x31: {  	[smem:$0x3FB9] =	sst s10  }
0x32: {  	s10 =	sld [smem:$0x3FB7];
	_ =	sdelay $0x3  }
0x33: {  	p0 =	seq.s32 s10, $0x1;
	s10 =	sld [smem:$0x3FB9];
	_ =	sdelay $0x3  }
0x34: {  	[smem:$0x3FB9] =	sst s10  }
0x35: {  	s10 =	sld [smem:$0x3FB8];
	_ =	sdelay $0x3  }
0x36: {  	p1 =	seq.s32 s10, $0x1;
	s10 =	sld [smem:$0x3FB9];
	_ =	sdelay $0x3  }
0x37: {  	[smem:$0x3FB9] =	sst s10  }
0x38: {  	s10 =	sld [smem:$0x3FBA]  }
0x39: {  	_ = 	snop;
	(pc) =	sbr.ind lr, $3  }
0x3a: {  	_ = 	snop  }
0x3b: {  	_ = 	snop  }
0x3c: {  	p2 =	seq.s32 s10, $0x1;
	s10 =	sld [smem:$0x3FB9]  }
0x3d: {  	_ =	shalt  }
0x3e: {  	_ =	shalt  }
0x3f: {  	_ =	shalt  }
0x40: {  	_ =	shalt  }
0x41: {  	_ =	shalt  }
0x42: {  	_ =	shalt  }
0x43: {  	_ =	shalt  }
0x44: {  	_ =	shalt  }
0x45: {  	_ =	shalt  }
0x46: {  	_ =	shalt  }
0x47: {  	_ =	shalt  }
0x48: {  	_ =	shalt  }
0x49: {  	_ =	shalt  }
0x4a: {  	_ =	shalt  }
0x4b: {  	_ =	shalt  }
0x4c: {  	_ =	shalt  }
0x4d: {  	_ =	shalt  }
0x4e: {  	_ =	shalt  }
0x4f: {  	_ =	shalt  }
0x50: {  	_ =	shalt  }
0x51: {  	_ =	shalt  }
0x52: {  	_ =	shalt  }
0x53: {  	_ =	shalt  }
0x54: {  	_ =	shalt  }
0x55: {  	_ =	shalt  }
0x56: {  	_ =	shalt  }
0x57: {  	_ =	shalt  }
0x58: {  	_ =	shalt  }
0x59: {  	_ =	shalt  }
0x5a: {  	_ =	shalt  }
0x5b: {  	_ =	shalt  }
0x5c: {  	_ =	shalt  }
0x5d: {  	_ =	shalt  }
0x5e: {  	_ =	shalt  }
0x5f: {  	_ =	shalt  }
0x60: {  	_ =	shalt  }
0x61: {  	_ =	shalt  }
0x62: {  	_ =	shalt  }
0x63: {  	_ =	shalt  }
0x64: {  	_ =	shalt  }
0x65: {  	_ =	shalt  }
0x66: {  	_ =	shalt  }
0x67: {  	_ =	shalt  }
0x68: {  	_ =	shalt  }
0x69: {  	_ =	shalt  }
0x6a: {  	_ =	shalt  }
0x6b: {  	_ =	shalt  }
0x6c: {  	_ =	shalt  }
0x6d: {  	_ =	shalt  }
0x6e: {  	_ =	shalt  }
0x6f: {  	_ =	shalt  }
0x70: {  	_ =	shalt  }
0x71: {  	_ =	shalt  }
0x72: {  	_ =	shalt  }
0x73: {  	_ =	shalt  }
0x74: {  	_ =	shalt  }
0x75: {  	_ =	shalt  }
0x76: {  	_ =	shalt  }
0x77: {  	_ =	shalt  }
0x78: {  	_ =	shalt  }
0x79: {  	_ =	shalt  }
0x7a: {  	_ =	shalt  }
0x7b: {  	_ =	shalt  }
0x7c: {  	_ =	shalt  }
0x7d: {  	_ =	shalt  }
0x7e: {  	_ =	shalt  }
0x7f: {  	_ =	shalt  }
0x80: {  	_ =	shalt  }
0x81: {  	_ =	shalt  }
0x82: {  	_ =	shalt  }
0x83: {  	_ =	shalt  }
0x84: {  	_ =	shalt  }
0x85: {  	_ =	shalt  }
0x86: {  	_ =	shalt  }
0x87: {  	_ =	shalt  }
.Lfunc_end0:
.L_simem_size_0:
called_computation_lowered:
.L_overlay_start_0:
0x88: {  	s2 =	sld [smem:$0x3FD9]  }
0x89: {  	s3 =	sld [smem:$0x3FFE];
	_ =	sdelay $0x1  }
0x8a: {  	s1 =	srdreg.scid  }
0x8b: {  	s0 =	sand.u32 $0x1, s1  }
0x8c: {  	s17 =	sshll.u32 s0, $0xA;
	s2 =	sadd.s32 s3, s2  }
0x8d: {  	s2 =	sadd.s32 s2, s17  }
0x8e: {  	[smem:$0x3FC5] =	sst s2  }
0x8f: {  	_ = 	snop  }
0x90: {  	s2 =	sld [smem:$0x3FC9]  }
0x91: {  	s18 =	sld [smem:$0x3FC8]  }
0x92: {  	s4 =	sld [smem:$0x3FC7];
	(tm) =	ssettm $0x1  }
0x93: {  	s5 =	sld [smem:$0x3FFB];
	_ =	sdelay $0x3  }
0x94: {  	_ =	strace s5  }
0x95: {  	s5 =	sld [smem:$0x3FFC];
	_ =	sdelay $0x3  }
0x96: {  	_ =	strace s5  }
0x97: {  	s5 =	sld [smem:$0x3FFD];
	_ =	sdelay $0x3  }
0x98: {  	_ =	strace s5  }
0x99: {  	_ =	strace $0x8FFFFFFF  }
0x9a: {  	s19 =	sld [smem:$0x3FDB];
	_ =	sdelay $0x1  }
0x9b: {  	s6 =	simm.s32 $_scs_section_size  }
0x9c: {  	s7 =	simm.s32 $_size__tile_overlayer_lowered;
	s8 =	simm.s32 $_tile_overlayer_lowered  }
0x9d: {  	s22 =	simm.s32 $0x1BFF;
	s21 =	sshll.u32 s8, $0x1;
	s5 =	sadd.s32 s6, s19  }
0x9e: {  	s9 =	simm.s32 $0x0;
	s20 =	sshll.u32 s7, $0x1;
	s7 =	sadd.s32 s21, s5  }
0x9f: {  	[timem:s9], [sflag:s22] =	dma.local [hbm:s7], s20  }
0xa0: {  	_ =	swait.ge [sflag:s22], s20  }
0xa1: {  	s6 =	ssub.s32 $0x0, s20;
	[sflag:s22] =	ssyncset.done $0x0  }
0xa2: {  	[sflag:s22] =	ssyncadd.s32 s6;
	_ =	sdelay $0x1  }
0xa3: {  	s23 =	simm.s32 $0x1B8B  }
0xa4: {  	_ =	swait.ge [sflag:s23], $0x1  }
0xa5: {  	[sflag:s23] =	ssyncset.done $0x0  }
0xa6: {  	s25 =	simm.s32 $0x1B8E;
	s24 =	sld [smem:$0x3FFE];
	[sflag:s23] =	ssyncadd.s32 $0xFFFFFFFF  }
0xa7: {  	s26 =	simm.s32 $execute0_lowered;
	[smem:$0x3FD2] =	sst s25  }
0xa8: {  	s7 =	sshll.u32 s26, $0x1;
	_ =	strace $0x80000046;
	[dreg:$0x1] =	wrdreg $0xFFFFFFFF  }
0xa9: {  	s28 =	simm.s32 $_size_execute0_lowered;
	s5 =	sadd.s32 s5, s7;
	[dreg:$0x0] =	wrdreg $0x0  }
0xaa: {  	s7 =	sshll.u32 s28, $0x1;
	[dreg:$0x2] =	wrdreg s5  }
0xab: {  	[dreg:$0x3] =	wrdreg s7  }
0xac: {  	[dreg:$0x4] =	wrdreg $0xC0  }
0xad: {  	_ =	task [dreg:s9], $0x5FFFF  }
0xae: {  	[dreg:$0x1] =	wrdreg $0xFFFFFFFF  }
0xaf: {  	[dreg:$0x0] =	wrdreg $0x60  }
0xb0: {  	[dreg:$0x2] =	wrdreg s2  }
0xb1: {  	[dreg:$0x3] =	wrdreg s18  }
0xb2: {  	[dreg:$0x4] =	wrdreg s4  }
0xb3: {  	[dreg:$0x5] =	wrdreg s24  }
0xb4: {  	[dreg:$0x6] =	wrdreg $0x9  }
0xb5: {  	_ =	task.clear_ibuf [dreg:s9], $0x7FFFF;
	_ =	strace $0x90000046  }
0xb6: {  	s29 =	simm.s32 $0x9;
	_ =	strace $0x80000048  }
0xb7: {  	_ =	swait.ge [sflag:s29], $0x1  }
0xb8: {  	[sflag:s29] =	ssyncadd.s32 $0xFFFFFFFF  }
0xb9: {  	_ =	strace $0x90000048  }
0xba: {  	_ =	sfence  }
0xbb: {  	s30 =	sld [smem:$0x0];
	_ =	sdelay $0x2  }
0xbc: {  	s31 =	sshll.u32 s1, $0xD;
	s1 =	sshrl.u32 s1, $0x2  }
0xbd: {  	s3 =	sand.u32 $0x4000, s31;
	s1 =	sadd.s32 s1, s30  }
0xbe: {  	s0 =	sor.u32 s3, s0;
	s1 =	sshll.u32 s1, $0x11  }
0xbf: {  	s0 =	sor.u32 s1, s0  }
0xc0: {  	s0 =	sadd.s32 $0x8F2B, s0  }
0xc1: {  	[sflag:s0] =	ssyncadd.remote.s32 $0x1  }
0xc2: {  	_ =	sfence.sel $0xFFFF  }
0xc3: {  	[dreg:$0x0] =	wrdreg $0xFFFFFFFF;
	(pc) =	sbr.abs _section_cstart, $3  }
0xc4: {  	[dreg:$0x1] =	wrdreg $0xFFFFFFFF  }
0xc5: {  	_ =	task.clear_ibuf [dreg:s9], $0x2FFFF;
	_ =	strace $0x9FFFFFFF  }
0xc6: {  	(tm) =	ssettm $0x7FFFFFFF  }
0xc7: {  	_ =	shalt  }
tec
execute0_lowered:
.L_overlay_start_1:
0x0: {  	(tag) =	ssettag $0x1  }
0x1: {  	s0 =	srdreg.scid  }
0x2: {  	s0 =	sand.u32 $0x1, s0  }
0x3: {  	s2 =	stileid.u32;
	s1 =	sshll.u32 s0, $0x4  }
0x4: {  	s2 =	sor.u32 s2, s1  }
0x5: {  	s4 =	rddreg [dreg:$0x0];
	s3 =	smul.u32 $0x4E2, s2  }
0x6: {  	s6 =	rddreg [dreg:$0x3];
	s0 =	ssub.s32 $0x2, s0;
	s5 =	smul.u32 $0x61A8, s2  }
0x7: {  	s1 =	simm.s32 $0x0;
	s23 =	sshrl.u32 s0, $0x1;
	s2 =	smul.u32 $0x186A0, s2  }
0x8: {  	[smem:$0x7FF] =	sst s1;
	s12 =	ssub.s32 s0, s23  }
0x9: {  	s12 =	smax.u32 s12, $0x1;
	s11 =	sadd.s32 s3, s6;
	s2 =	sadd.s32 $0x186A0, s2  }
0xa: {  	s6 =	sshrl.u32 s5, $0x5;
	s25 =	sshll.u32 s5, $0x1;
	s2 =	sand.u32 $0x7FFF80, s2  }
0xb: {  	s24 =	sshll.u32 s6, $0x7;
	s11 =	sadd.s32 $0x600, s11;
	s7 =	sadd.s32 $0xFFFFE000, s2  }
0xc: {  	s13 =	ssub.s32 s24, s2;
	s2 =	sand.u32 $0x1FFFC0, s25;
	s26 =	sadd.s32 $0x2000, s24  }
0xd: {  	s28 =	sadd.s32 $0x4000, s24;
	s31 =	sadd.s32 $0x6000, s24;
	s9 =	sadd.s32 $0x8000, s24  }
0xe: {  	s10 =	sadd.s32 $0xA000, s24;
	s25 =	sshll.u32 s6, $0x4;
	s2 =	sadd.s32 s4, s2  }
0xf: {  	s29 =	sshrl.u32 s26, $0x1;
	s8 =	sshrl.u32 s28, $0x1;
	s15 =	sshrl.u32 s31, $0x1  }
0x10: {  	s16 =	sshrl.u32 s9, $0x1;
	s14 =	sshrl.u32 s10, $0x1;
	s3 =	sshrl.u32 s26, $0x3  }
0x11: {  	s28 =	sshrl.u32 s28, $0x3;
	[dreg:$0x5] =	wrdreg s2;
	s2 =	sadd.s32 s4, s29  }
0x12: {  	s5 =	sshrl.u32 s10, $0x3;
	s30 =	sadd.s32 s4, s8;
	[dreg:$0x6] =	wrdreg s2  }
0x13: {  	s8 =	sadd.s32 s4, s15;
	s17 =	sadd.s32 s4, s14;
	[dreg:$0x7] =	wrdreg s30  }
0x14: {  	s15 =	sadd.s32 $0xE000, s24;
	[dreg:$0x8] =	wrdreg s8;
	s8 =	sadd.s32 s4, s16  }
0x15: {  	[dreg:$0xa] =	wrdreg s17;
	s16 =	sadd.s32 $0x10000, s24;
	s19 =	sshrl.u32 s15, $0x1  }
0x16: {  	s2 =	sshrl.u32 s31, $0x3;
	s31 =	sshrl.u32 s9, $0x3;
	s17 =	sshrl.u32 s16, $0x1  }
0x17: {  	[dreg:$0x9] =	wrdreg s8;
	s8 =	sadd.s32 $0xC000, s24;
	s20 =	sadd.s32 s4, s17  }
0x18: {  	s10 =	sshrl.u32 s15, $0x3;
	s18 =	sshrl.u32 s8, $0x1;
	[dreg:$0xd] =	wrdreg s20  }
0x19: {  	s16 =	sshrl.u32 s16, $0x3;
	s14 =	sadd.s32 s4, s18;
	s20 =	rddreg [dreg:$0x2]  }
0x1a: {  	s18 =	sadd.s32 $0x16000, s24;
	[dreg:$0xb] =	wrdreg s14;
	s14 =	sadd.s32 s4, s19  }
0x1b: {  	s17 =	sadd.s32 $0x14000, s24;
	s19 =	sshrl.u32 s18, $0x1;
	[dreg:$0xc] =	wrdreg s14  }
0x1c: {  	s8 =	sshrl.u32 s8, $0x3;
	s23 =	sadd.s32 s4, s19;
	s19 =	rddreg [dreg:$0x1]  }
0x1d: {  	s22 =	sshrl.u32 s17, $0x1;
	[dreg:$0x10] =	wrdreg s23;
	s26 =	sadd.s32 s19, s25  }
0x1e: {  	s14 =	sadd.s32 $0x12000, s24;
	s29 =	sadd.s32 s19, s3;
	[dreg:$0x12] =	wrdreg s26  }
0x1f: {  	s24 =	sshrl.u32 s7, $0x1;
	s3 =	sadd.s32 s20, s3;
	[dreg:$0x14] =	wrdreg s29  }
0x20: {  	s21 =	sshrl.u32 s14, $0x1;
	s30 =	sadd.s32 s19, s28;
	[dreg:$0x15] =	wrdreg s3  }
0x21: {  	s6 =	sadd.s32 s19, s31;
	s9 =	sadd.s32 s19, s5;
	[dreg:$0x16] =	wrdreg s30  }
0x22: {  	s15 =	sadd.s32 s19, s8;
	s23 =	sshrl.u32 s14, $0x3;
	[dreg:$0x1a] =	wrdreg s6  }
0x23: {  	s14 =	simm.s32 $0xA000;
	s0 =	sadd.s32 s4, s21;
	[dreg:$0x1c] =	wrdreg s9  }
0x24: {  	[dreg:$0x1e] =	wrdreg s15;
	s21 =	sadd.s32 s19, s10;
	s26 =	sshrl.u32 s17, $0x3  }
0x25: {  	s29 =	sshrl.u32 s18, $0x3;
	s30 =	sshrl.u32 s7, $0x3;
	[dreg:$0xe] =	wrdreg s0  }
0x26: {  	s15 =	simm.s32 $0xC080;
	s0 =	sadd.s32 s4, s22;
	[smem:$0x7F9] =	sst s21  }
0x27: {  	s17 =	simm.s32 $0x16080;
	s22 =	sadd.s32 s20, s10;
	[dreg:$0xf] =	wrdreg s0  }
0x28: {  	s18 =	simm.s32 $0x1;
	s0 =	sadd.s32 s4, s24;
	[smem:$0x7FA] =	sst s22  }
0x29: {  	s6 =	sadd.s32 s20, s26;
	s4 =	sadd.s32 s19, s2;
	[dreg:$0x11] =	wrdreg s0  }
0x2a: {  	s7 =	sadd.s32 s19, s29;
	s2 =	sadd.s32 s20, s2;
	[dreg:$0x18] =	wrdreg s4  }
0x2b: {  	s9 =	sadd.s32 s19, s30;
	s24 =	sadd.s32 s19, s16;
	[dreg:$0x19] =	wrdreg s2  }
0x2c: {  	s10 =	sadd.s32 s20, s30;
	s0 =	sadd.s32 s20, s25;
	[smem:$0x7FB] =	sst s24  }
0x2d: {  	s21 =	simm.s32 $0x3;
	s2 =	sadd.s32 s20, s5;
	[dreg:$0x13] =	wrdreg s0  }
0x2e: {  	s22 =	simm.s32 $0x0;
	s25 =	sadd.s32 s20, s16;
	[dreg:$0x1d] =	wrdreg s2  }
0x2f: {  	s4 =	sadd.s32 s20, s23;
	s0 =	sadd.s32 s20, s28;
	[smem:$0x7FC] =	sst s25  }
0x30: {  	s5 =	sadd.s32 s19, s26;
	s28 =	sadd.s32 s19, s23;
	[dreg:$0x17] =	wrdreg s0  }
0x31: {  	s16 =	simm.s32 $0x14080;
	s0 =	sadd.s32 s20, s31;
	[smem:$0x7FD] =	sst s28  }
0x32: {  	s19 =	simm.s32 $0x18100;
	[dreg:$0x1b] =	wrdreg s0;
	s0 =	sadd.s32 s20, s8  }
0x33: {  	v1 =	vimm.f32 $0.0e+00;
	v2 =	vimm.s32 $0x0;
	v3 =	vlaneseq.u32;
	s31 =	sadd.s32 $0x1A000, s13;
	s13 =	simm.s32 $0x8000;
	[dreg:$0x1f] =	wrdreg s0  }
0x34: {  	vm0 =	vcmask $0x3F3C;
	vm1 =	vmmov $0x7fff;
	s8 =	sadd.s32 s20, s29;
	v0 =	vmov s31;
	s20 =	simm.s32 $0x2;
	_ =	strace $0x80000047  }
.LBB2_1:
0x35: {  	s0 =	rddreg [dreg:$0x5]  }
0x36: {  	[tilespmem:s1], [sflag:$0x1] =	stream.linear.gather [hbm4b:s0+s1], $0x8000, $0x38;
	[tilespmem:$0x1A880] =	vst v63  }
0x37: {  	s30 =	rddreg [dreg:$0x12]  }
0x38: {  	[tilespmem:s13], [sflag:$0x1] =	stream.linear.gather [hbm4b:s30+s1], $0x2000, $0x38;
	[tilespmem:$0x1A880] =	vst v63  }
0x39: {  	s31 =	rddreg [dreg:$0x13];
	s23 =	simm.s32 $0x40;
	s24 =	simm.s32 $0x0  }
0x3a: {  	[tilespmem:s14], [sflag:$0x1] =	stream.linear.gather [hbm4b:s31+s1], $0x2000, $0x38;
	[tilespmem:$0x1A880] =	vst v63  }
.LBB2_2:
0x3b: {  	p0 =	sne.s32 s23, $0x9C00;
	[tilespmem:s24+$0x18100] =	vst v1;
	s24 =	smov.u32 s23;
	s23 =	sadd.s32 $0x40, s23  }
.Ltmp0:
0x3c: {  	(pc) =	sbr.rel @p0 .LBB2_2-.Ltmp0, $2  }
0x3d: {  	_ =	sdelay $0x2  }
0x3e: {  	s24 =	sshra.s32 s24, $0x2  }
0x3f: {  	[tilespmem:s24+$0x18100] =	vst v1  }
0x40: {  	[tilespmem:$0xC000] =	vst v2  }
0x41: {  	s0 =	rddreg [dreg:$0x6];
	[tilespmem:$0x18080] =	vst v2  }
0x42: {  	[tilespmem:s15], [sflag:$0x2] =	stream.linear.gather [hbm4b:s0+s1], $0x8000, $0x38;
	[tilespmem:$0x1A880] =	vst v63  }
0x43: {  	s3 =	rddreg [dreg:$0x14]  }
0x44: {  	[tilespmem:s16], [sflag:$0x2] =	stream.linear.gather [hbm4b:s3+s1], $0x2000, $0x38;
	[tilespmem:$0x1A880] =	vst v63  }
0x45: {  	s23 =	rddreg [dreg:$0x15]  }
0x46: {  	[tilespmem:s17], [sflag:$0x2] =	stream.linear.gather [hbm4b:s23+s1], $0x2000, $0x38;
	[tilespmem:$0x1A880] =	vst v63  }
0x47: {  	s23 =	simm.s32 $0x30;
	_ =	swait.ge [sflag:s18], $0x8000  }
0x48: {  	v4 =	vmov s23;
	[sflag:s18] =	ssyncset.done $0x0  }
0x49: {  	v5 =	vor.u32 s23, v3;
	v4 =	vshll.u32 v4, $0x2;
	[sflag:s18] =	ssyncadd.s32 $0xFFFF8000  }
0x4a: {  	v5 =	vand.u32 $0x7F, v5;
	v4 =	vand.u32 $0x7E00, v4;
	_ =	swait.ge [sflag:s18], $0x2000  }
0x4b: {  	v4 =	vor.u32 v5, v4;
	[sflag:s18] =	ssyncset.done $0x0  }
0x4c: {  	v6 =	vor.u32 $0x80, v4;
	[sflag:s18] =	ssyncadd.s32 $0xFFFFE000  }
0x4d: {  	s25 =	simm.s32 $0x0;
	_ =	swait.ge [sflag:s18], $0x2000  }
0x4e: {  	v9 =	vmov s25;
	v10 =	vor.u32 $0x100, v4;
	[sflag:s18] =	ssyncset.done $0x0  }
0x4f: {  	s24 =	simm.s32 $0x10;
	v11 =	vor.u32 s25, v3;
	v9 =	vshll.u32 v9, $0x2;
	[sflag:s18] =	ssyncadd.s32 $0xFFFFE000  }
0x50: {  	s26 =	simm.s32 $0x20;
	v7 =	vor.u32 s24, v3;
	v11 =	vand.u32 $0x4F, v11;
	v12 =	vand.u32 $0x7E00, v9;
	v4 =	vld.idx.msk [tilespmem:v4+s1+$0x0], $0xffff  }
0x51: {  	v8 =	vmov s26;
	v12 =	vor.u32 v11, v12;
	v5 =	vmov s24;
	v6 =	vld.idx.msk [tilespmem:v6+s1+$0x0], $0xffff  }
0x52: {  	v13 =	vor.u32 s26, v3;
	v14 =	vor.u32 $0x80, v12;
	v5 =	vshll.u32 v5, $0x2  }
0x53: {  	v8 =	vshll.u32 v8, $0x2;
	v7 =	vand.u32 $0x5F, v7;
	v5 =	vand.u32 $0x7E00, v5;
	v10 =	vld.idx.msk [tilespmem:v10+s1+$0x0], $0xffff  }
0x54: {  	v13 =	vand.u32 $0x6F, v13;
	v8 =	vand.u32 $0x7E00, v8;
	v5 =	vor.u32 v7, v5  }
0x55: {  	v7 =	vor.u32 v13, v8;
	v8 =	vor.u32 $0x80, v5  }
0x56: {  	v13 =	vor.u32 $0x80, v7;
	v4 =	vmul.f32 v4, v4;
	v6 =	vmul.f32 v6, v6  }
0x57: {  	v14 =	vld.idx.msk [tilespmem:v14+s1+$0x0], $0xffff  }
0x58: {  	v15 =	vor.u32 $0x100, v5;
	v12 =	vld.idx.msk [tilespmem:v12+s1+$0x0], $0xffff;
	v4 =	vadd.f32 v6, v4;
	v6 =	vmul.f32 v10, v10  }
0x59: {  	v9 =	vor.u32 v11, v9;
	v5 =	vld.idx.msk [tilespmem:v5+s1+$0x0], $0xffff;
	v10 =	vor.u32 $0x100, v7  }
0x5a: {  	v9 =	vor.u32 $0x100, v9;
	v8 =	vld.idx.msk [tilespmem:v8+s1+$0x0], $0xffff;
	v4 =	vadd.f32 v6, v4  }
0x5b: {  	v11 =	vld.idx.msk [tilespmem:v13+s1+$0x0], $0xffff  }
0x5c: {  	v6 =	vld.idx.msk [tilespmem:v7+s1+$0x0], $0xffff;
	v4 =	vmax.f32 v4, $9.999999910e-38  }
0x5d: {  	v7 =	vld.idx.msk [tilespmem:v15+s1+$0x0], $0xffff;
	v13 =	vshra.s32 v4, $0x1;
	v15 =	vmul.f32 $5.000000000e-01, v4  }
0x5e: {  	v14 =	vmul.f32 v14, v14;
	v10 =	vld.idx.msk [tilespmem:v10+s1+$0x0], $0xffff;
	v13 =	vsub.s32 $0x5F3759DF, v13  }
0x5f: {  	v9 =	vld.idx.msk [tilespmem:v9+s1+$0x0], $0xffff;
	v5 =	vmul.f32 v5, v5;
	v16 =	vmul.f32 v13, v15  }
0x60: {  	s29 =	simm.s32 $0x1;
	v8 =	vmul.f32 v8, v8;
	v11 =	vmul.f32 v11, v11  }
0x61: {  	v20 =	vadd.s32 s29, v3;
	v6 =	vmul.f32 v6, v6;
	v16 =	vmul.f32 v13, v16  }
0x62: {  	v12 =	vmul.f32 v12, v12;
	v5 =	vadd.f32 v8, v5;
	v7 =	vmul.f32 v7, v7  }
0x63: {  	v6 =	vadd.f32 v11, v6;
	v8 =	vmul.f32 v10, v10;
	v10 =	vsub.f32 $1.500000000e+00, v16  }
0x64: {  	s30 =	simm.s32 $0x11;
	v9 =	vmul.f32 v9, v9;
	v11 =	vadd.f32 v14, v12;
	v5 =	vadd.f32 v7, v5  }
0x65: {  	s31 =	simm.s32 $0x21;
	v21 =	vadd.s32 s30, v3;
	v6 =	vadd.f32 v8, v6;
	v7 =	vmul.f32 v13, v10  }
0x66: {  	v22 =	vadd.s32 s31, v3;
	v8 =	vadd.f32 v9, v11;
	v11 =	vmax.f32 v5, $9.999999910e-38  }
0x67: {  	v5 =	vshra.s32 v11, $0x1;
	v10 =	vmax.f32 v6, $9.999999910e-38;
	v6 =	vmul.f32 v7, v15  }
0x68: {  	v9 =	vmul.f32 $5.000000000e-01, v11;
	v12 =	vmax.f32 v8, $9.999999910e-38;
	v16 =	vsub.s32 $0x5F3759DF, v5  }
0x69: {  	v13 =	vshra.s32 v12, $0x1;
	v14 =	vmul.f32 $5.000000000e-01, v12;
	v6 =	vmul.f32 v6, v7  }
0x6a: {  	v8 =	vshra.s32 v10, $0x1;
	v17 =	vmul.f32 $5.000000000e-01, v10;
	v13 =	vsub.s32 $0x5F3759DF, v13  }
0x6b: {  	s2 =	simm.s32 $0x60;
	v8 =	vsub.s32 $0x5F3759DF, v8;
	v5 =	vmul.f32 v13, v14;
	v6 =	vsub.f32 $1.500000000e+00, v6  }
0x6c: {  	s28 =	simm.s32 $0x31;
	v25 =	vmov s2;
	v15 =	vmul.f32 v16, v9;
	v18 =	vmul.f32 v8, v17  }
0x6d: {  	s24 =	simm.s32 $0x8020;
	v5 =	vmul.f32 v13, v5;
	v6 =	vmul.f32 v6, v7;
	v7 =	vadd.s32 s28, v3  }
0x6e: {  	v29 =	vor.u32 s2, v3;
	v19 =	vld [tilespmem:s24+$0x10];
	v15 =	vmul.f32 v16, v15;
	v18 =	vmul.f32 v8, v18  }
0x6f: {  	v25 =	vshll.u32 v25, $0x2;
	v29 =	vand.u32 $0x6F, v29;
	v5 =	vsub.f32 $1.500000000e+00, v5  }
0x70: {  	s0 =	simm.s32 $0x70;
	v25 =	vand.u32 $0x7E00, v25;
	v23 =	vsub.f32 $1.500000000e+00, v15;
	v18 =	vsub.f32 $1.500000000e+00, v18  }
0x71: {  	v4 =	vmul.f32 v6, v4;
	v13 =	vmul.f32 v13, v5;
	v5 =	vmov s0  }
0x72: {  	v16 =	vmul.f32 v16, v23;
	v5 =	vshll.u32 v5, $0x2;
	v15 =	vld.idx.msk [tilespmem:v7+s14+$0x0], $0xffff;
	v7 =	vor.u32 s0, v3  }
0x73: {  	s26 =	simm.s32 $0x50;
	s23 =	simm.s32 $0xA020;
	v4 =	vmul.f32 v4, v19;
	v5 =	vand.u32 $0x7E00, v5;
	v7 =	vand.u32 $0x7F, v7  }
0x74: {  	s3 =	simm.s32 $0x40;
	v24 =	vld [tilespmem:s23+$0x10];
	v6 =	vmov s26;
	v9 =	vmul.f32 v16, v9;
	v5 =	vor.u32 v7, v5  }
0x75: {  	v18 =	vmul.f32 v8, v18;
	v8 =	vld [tilespmem:s23+$0xFFFFFFE0];
	(xrf2) =	vadd.scan.msk.f32 $0xffff, v4;
	v4 =	vmov s3;
	v26 =	vor.u32 $0x80, v5  }
0x76: {  	v9 =	vmul.f32 v9, v16;
	v7 =	vshll.u32 v4, $0x2;
	v4 =	vshll.u32 v6, $0x2;
	v6 =	vld.idx.msk [tilespmem:v20+s14+$0x0], $0xffff  }
0x77: {  	v27 =	vor.u32 s3, v3;
	v20 =	vand.u32 $0x7E00, v4;
	v4 =	vld.idx.msk [tilespmem:v21+s14+$0x0], $0xffff;
	v21 =	vor.u32 $0x100, v5  }
0x78: {  	v27 =	vand.u32 $0x4F, v27;
	v19 =	vor.u32 s26, v3;
	v37 =	vsub.f32 $1.500000000e+00, v9;
	v9 =	vld [tilespmem:s23+$0x0]  }
0x79: {  	v14 =	vmul.f32 v13, v14;
	v17 =	vmul.f32 v18, v17;
	v28 =	vand.u32 $0x7E00, v7;
	v30 =	vld.idx.msk [tilespmem:v5+s1+$0x0], $0xffff  }
0x7a: {  	v19 =	vand.u32 $0x5F, v19;
	v7 =	vor.u32 v27, v7;
	v28 =	vor.u32 v27, v28;
	v26 =	vld.idx.msk [tilespmem:v26+s1+$0x0], $0xffff  }
0x7b: {  	v16 =	vmul.f32 v37, v16;
	v19 =	vor.u32 v19, v20;
	v23 =	vor.u32 $0x100, v7;
	v7 =	vld [tilespmem:s23+$0xFFFFFFF0]  }
0x7c: {  	s29 =	simm.s32 $0x51;
	v14 =	vmul.f32 v14, v13;
	v20 =	vor.u32 v29, v25;
	v25 =	vor.u32 $0x80, v19;
	v21 =	vld.idx.msk [tilespmem:v21+s1+$0x0], $0xffff  }
0x7d: {  	v36 =	vadd.s32 s29, v3;
	v11 =	vmul.f32 v16, v11;
	v16 =	vld [tilespmem:s24+$0xFFFFFFF0]  }
0x7e: {  	v17 =	vmul.f32 v17, v18;
	v14 =	vsub.f32 $1.500000000e+00, v14;
	v31 =	vor.u32 $0x80, v28;
	v5 =	vld.idx.msk [tilespmem:v22+s14+$0x0], $0xffff  }
0x7f: {  	v27 =	vor.u32 $0x80, v20;
	v28 =	vld.idx.msk [tilespmem:v28+s1+$0x0], $0xffff;
	v30 =	vmul.f32 v30, v30;
	v26 =	vmul.f32 v26, v26  }
0x80: {  	v17 =	vsub.f32 $1.500000000e+00, v17;
	v29 =	vor.u32 $0x100, v19;
	v13 =	vmul.f32 v14, v13;
	v14 =	vld.idx.msk [tilespmem:v19+s1+$0x0], $0xffff  }
0x81: {  	s28 =	simm.s32 $0x41;
	v32 =	vor.u32 $0x100, v20;
	v25 =	vld.idx.msk [tilespmem:v25+s1+$0x0], $0xffff;
	v21 =	vmul.f32 v21, v21;
	v26 =	vadd.f32 v26, v30  }
0x82: {  	v35 =	vadd.s32 s28, v3;
	vm3 =	vne.s32 v24, v15;
	v17 =	vmul.f32 v17, v18;
	v20 =	vld.idx.msk [tilespmem:v20+s1+$0x0], $0xffff  }
0x83: {  	vm2 =	vmor vm3, vm0;
	vm3 =	vmand vm3, vm1;
	v31 =	vld.idx.msk [tilespmem:v31+s1+$0x0], $0xffff;
	v21 =	vadd.f32 v21, v26  }
0x84: {  	vm4 =	vne.s32 v8, v6;
	v12 =	vmul.f32 v13, v12;
	v10 =	vmul.f32 v17, v10;
	v27 =	vld.idx.msk [tilespmem:v27+s1+$0x0], $0xffff  }
0x85: {  	vm5 =	vmor vm4, vm0;
	v16 =	vmul.f32 v11, v16;
	v62 =	vmax.f32 v21, $9.999999910e-38;
	v21 =	vld.idx.msk [tilespmem:v29+s1+$0x0], $0xffff  }
0x86: {  	v18 =	vmul.f32 v25, v25;
	v29 =	vld.idx.msk [tilespmem:v32+s1+$0x0], $0xffff;
	v25 =	vshra.s32 v62, $0x1;
	v26 =	vmul.f32 $5.000000000e-01, v62  }
0x87: {  	v23 =	vld.idx.msk [tilespmem:v23+s1+$0x0], $0xffff;
	v13 =	vmul.f32 v28, v28;
	v14 =	vmul.f32 v14, v14;
	v25 =	vsub.s32 $0x5F3759DF, v25  }
0x88: {  	v22 =	vld [tilespmem:s24+$0xFFFFFFE0];
	vm7 =	vne.s32 v7, v4;
	v33, _, _ =	vpop (xrf2);
	v19 =	vmul.f32 v31, v31;
	v28 =	vmul.f32 v25, v26  }
0x89: {  	v34 =	vsub.f32 $0.0e+00, v33;
	v20 =	vmul.f32 v20, v20;
	v27 =	vmul.f32 v27, v27  }
0x8a: {  	v13 =	vadd.f32 v19, v13;
	v19 =	vld [tilespmem:s24+$0x0];
	v14 =	vadd.f32 v18, v14;
	v28 =	vmul.f32 v25, v28  }
0x8b: {  	v17 =	vadd.f32 v27, v20;
	v18 =	vmul.f32 v21, v21;
	v20 =	vmul.f32 v29, v29  }
0x8c: {  	vm8 =	vne.s32 v9, v5;
	v23 =	vmul.f32 v23, v23;
	v21 =	vsub.f32 $1.500000000e+00, v28  }
0x8d: {  	s30 =	simm.s32 $0x61;
	v12 =	vmul.f32 v12, v22;
	v14 =	vadd.f32 v18, v14;
	v17 =	vadd.f32 v20, v17  }
0x8e: {  	v30 =	vadd.s32 s30, v3;
	v11 =	vadd.f32 v23, v13;
	v18 =	vmul.f32 v25, v21  }
0x8f: {  	(xrf2) =	vadd.scan.msk.f32 $0xffff, v12;
	v13 =	vmax.f32 v14, $9.999999910e-38;
	v25 =	vmul.f32 v10, v19;
	v12 =	vmax.f32 v17, $9.999999910e-38  }
0x90: {  	[tilespmem:v24+s19+$0x0] =	vst.idx.add.f32.msk vm2, v33;
	v14 =	vmax.f32 v11, $9.999999910e-38;
	v10 =	vshra.s32 v13, $0x1;
	v17 =	vmul.f32 v18, v26  }
0x91: {  	[tilespmem:v15+s19+$0x0] =	vst.idx.add.f32.msk vm3, v34;
	v19 =	vmul.f32 $5.000000000e-01, v13;
	v11 =	vshra.s32 v12, $0x1;
	v21 =	vshra.s32 v14, $0x1  }
0x92: {  	(xrf2) =	vadd.scan.msk.f32 $0xffff, v16;
	v20 =	vmul.f32 $5.000000000e-01, v14;
	v22 =	vsub.s32 $0x5F3759DF, v10;
	v17 =	vmul.f32 v17, v18  }
0x93: {  	v15 =	vld.idx.msk [tilespmem:v35+s14+$0x0], $0xffff;
	s24 =	simm.s32 $0x8060;
	v26 =	vsub.s32 $0x5F3759DF, v21;
	v21 =	vmul.f32 $5.000000000e-01, v12;
	v29 =	vmul.f32 v22, v19  }
0x94: {  	v28 =	vld [tilespmem:s24+$0x10];
	v23 =	vsub.s32 $0x5F3759DF, v11;
	v24 =	vmul.f32 v26, v20;
	v17 =	vsub.f32 $1.500000000e+00, v17  }
0x95: {  	s31 =	simm.s32 $0x71;
	vm4 =	vmand vm4, vm1;
	v11 =	vld.idx.msk [tilespmem:v30+s14+$0x0], $0xffff;
	(xrf2) =	vadd.scan.msk.f32 $0xffff, v25;
	v30 =	vmul.f32 v23, v21;
	v29 =	vmul.f32 v22, v29  }
0x96: {  	v27 =	vadd.s32 s31, v3;
	v16 =	vld [tilespmem:s24+$0xFFFFFFF0];
	v24 =	vmul.f32 v26, v24;
	v18 =	vmul.f32 v17, v18  }
0x97: {  	vm6 =	vmor vm7, vm0;
	vm2 =	vmand vm8, vm1;
	v10 =	vld.idx.msk [tilespmem:v36+s14+$0x0], $0xffff;
	v63 =	vmul.f32 v23, v30  }
0x98: {  	vm3 =	vmand vm7, vm1;
	v31 =	vsub.f32 $1.500000000e+00, v24;
	v17 =	vld [tilespmem:s24+$0xFFFFFFE0];
	v30 =	vmul.f32 v18, v62  }
0x99: {  	s25 =	simm.s32 $0x4;
	s26 =	simm.s32 $0xB1;
	vm7 =	vmor vm8, vm0;
	v24 =	vsub.f32 $1.500000000e+00, v29;
	v25 =	vsub.f32 $1.500000000e+00, v63;
	v29, _, _ =	vpop (xrf2);
	v18 =	vld [tilespmem:s24+$0x0]  }
.LBB2_4:
0x9a: {  	s28 =	sadd.s32 $0xFFFFFFDF, s26;
	s30 =	sadd.s32 $0xFFFFFFFF, s26;
	s25 =	sadd.s32 $0x4, s25;
	v26 =	vmul.f32 v26, v31;
	v35 =	vmul.f32 v30, v28;
	[tilespmem:v8+s19+$0x0] =	vst.idx.add.f32.msk vm5, v29;
	v29 =	vsub.f32 $0.0e+00, v29  }
0x9b: {  	s31 =	sadd.s32 $0xFFFFFFEF, s26;
	s23 =	sadd.s32 $0x40, s23;
	v30 =	vmov s28;
	v31 =	vor.u32 s28, v3;
	v8 =	vmov s30;
	p0 =	slt.u32 s25, $0x1FC;
	v27 =	vld.idx.msk [tilespmem:v27+s14+$0x0], $0xffff  }
0x9c: {  	s0 =	sadd.s32 $0xFFFFFFCF, s26;
	s29 =	sadd.s32 $0xFFFFFFE0, s26;
	s28 =	sadd.s32 $0xFFFFFFD0, s26;
	v32 =	vmov s31;
	v33 =	vor.u32 s30, v3;
	v8 =	vshll.u32 v8, $0x2;
	v34 =	vld [tilespmem:s23+$0x10];
	(xrf2) =	vadd.scan.msk.f32 $0xffff, v35;
	v28, _, _ =	vpop (xrf2)  }
0x9d: {  	s30 =	sadd.s32 $0xFFFFFFF0, s26;
	v35 =	vmov s0;
	v33 =	vand.u32 $0x7F, v33;
	v36 =	vand.u32 $0x7E00, v8;
	v8 =	vld [tilespmem:s23+$0xFFFFFFE0]  }
0x9e: {  	v30 =	vshll.u32 v30, $0x2;
	v35 =	vshll.u32 v35, $0x2;
	v33 =	vor.u32 v33, v36;
	v36 =	vld [tilespmem:s23+$0xFFFFFFF0]  }
0x9f: {  	v37 =	vor.u32 s0, v3;
	v32 =	vshll.u32 v32, $0x2;
	v38 =	vor.u32 $0x80, v33;
	v39 =	vld [tilespmem:s23+$0x0];
	v40, _, _ =	vpop (xrf2)  }
0xa0: {  	v42 =	vor.u32 s31, v3;
	v30 =	vand.u32 $0x7E00, v30;
	v41 =	vand.u32 $0x7E00, v35;
	[tilespmem:v6+s19+$0x0] =	vst.idx.add.f32.msk vm4, v29;
	v6 =	vmovc v15  }
0xa1: {  	v15 =	vand.u32 $0x7E00, v32;
	v29 =	vor.u32 $0x100, v33;
	vm4 =	vne.s32 v34, v27;
	[tilespmem:v7+s19+$0x0] =	vst.idx.add.f32.msk vm6, v28  }
0xa2: {  	v31 =	vand.u32 $0x5F, v31;
	v32 =	vand.u32 $0x4F, v37;
	vm5 =	vmor vm4, vm0;
	[tilespmem:v9+s19+$0x0] =	vst.idx.add.f32.msk vm7, v40  }
0xa3: {  	v37 =	vor.u32 v32, v41;
	v41 =	vand.u32 $0x6F, v42;
	vm4 =	vmand vm4, vm1;
	v33 =	vld.idx.msk [tilespmem:v33+s1+$0x0], $0xffff;
	v7 =	vmovc v36  }
0xa4: {  	v30 =	vor.u32 v31, v30;
	v15 =	vor.u32 v41, v15;
	v36 =	vor.u32 $0x80, v37;
	v31 =	vld.idx.msk [tilespmem:v38+s1+$0x0], $0xffff;
	v9 =	vmovc v39  }
0xa5: {  	v32 =	vor.u32 v32, v35;
	v35 =	vor.u32 $0x80, v30;
	v38 =	vor.u32 $0x80, v15  }
0xa6: {  	v32 =	vor.u32 $0x100, v32;
	v41 =	vor.u32 $0x100, v15;
	v39 =	vor.u32 $0x100, v30;
	v29 =	vld.idx.msk [tilespmem:v29+s1+$0x0], $0xffff;
	v42, _, _ =	vpop (xrf2)  }
0xa7: {  	v22 =	vmul.f32 v22, v24;
	v23 =	vmul.f32 v23, v25;
	v24 =	vsub.f32 $0.0e+00, v42  }
0xa8: {  	v43 =	vadd.s32 s29, v3;
	v25 =	vadd.s32 s28, v3;
	v20 =	vmul.f32 v26, v20;
	[tilespmem:v34+s19+$0x0] =	vst.idx.add.f32.msk vm5, v42  }
0xa9: {  	v19 =	vmul.f32 v22, v19;
	v21 =	vmul.f32 v23, v21;
	v34 =	vadd.s32 s30, v3;
	[tilespmem:v27+s19+$0x0] =	vst.idx.add.f32.msk vm4, v24  }
0xaa: {  	v28 =	vsub.f32 $0.0e+00, v28;
	v27 =	vmul.f32 v33, v33;
	v31 =	vmul.f32 v31, v31;
	v24 =	vld.idx.msk [tilespmem:v36+s1+$0x0], $0xffff  }
0xab: {  	v20 =	vmul.f32 v20, v26;
	v19 =	vmul.f32 v19, v22;
	v33 =	vld.idx.msk [tilespmem:v35+s1+$0x0], $0xffff;
	v35 =	vsub.f32 $0.0e+00, v40  }
0xac: {  	v21 =	vmul.f32 v21, v23;
	v27 =	vadd.f32 v31, v27;
	v29 =	vmul.f32 v29, v29;
	v36 =	vld.idx.msk [tilespmem:v38+s1+$0x0], $0xffff  }
0xad: {  	v20 =	vsub.f32 $1.500000000e+00, v20;
	v19 =	vsub.f32 $1.500000000e+00, v19;
	vm4 =	vne.s32 v8, v6;
	v31 =	vld.idx.msk [tilespmem:v37+s1+$0x0], $0xffff  }
0xae: {  	v21 =	vsub.f32 $1.500000000e+00, v21;
	vm7 =	vne.s32 v7, v10;
	v27 =	vadd.f32 v29, v27;
	v30 =	vld.idx.msk [tilespmem:v30+s1+$0x0], $0xffff  }
0xaf: {  	v19 =	vmul.f32 v19, v22;
	vm8 =	vne.s32 v9, v11;
	v29 =	vld.idx.msk [tilespmem:v15+s1+$0x0], $0xffff;
	v15 =	vmul.f32 v20, v26  }
0xb0: {  	v21 =	vmul.f32 v21, v23;
	v20 =	vmul.f32 v24, v24;
	v24 =	vmax.f32 v27, $9.999999910e-38;
	v22 =	vld.idx.msk [tilespmem:v39+s1+$0x0], $0xffff  }
0xb1: {  	v23 =	vmul.f32 v33, v33;
	v27 =	vshra.s32 v24, $0x1;
	v33 =	vmul.f32 $5.000000000e-01, v24;
	v26 =	vld.idx.msk [tilespmem:v41+s1+$0x0], $0xffff  }
0xb2: {  	v36 =	vmul.f32 v36, v36;
	v27 =	vsub.s32 $0x5F3759DF, v27;
	v14 =	vmul.f32 v15, v14;
	v32 =	vld.idx.msk [tilespmem:v32+s1+$0x0], $0xffff  }
0xb3: {  	vm5 =	vmor vm4, vm0;
	v31 =	vmul.f32 v31, v31;
	v15 =	vld.idx.msk [tilespmem:v25+s14+$0x0], $0xffff;
	v25 =	vmul.f32 v27, v33  }
0xb4: {  	v13 =	vmul.f32 v19, v13;
	vm4 =	vmand vm4, vm1;
	v30 =	vmul.f32 v30, v30;
	v37 =	vld.idx.msk [tilespmem:v43+s14+$0x0], $0xffff  }
0xb5: {  	v19 =	vadd.f32 v20, v31;
	v20 =	vmul.f32 v29, v29;
	v29 =	vld.idx.msk [tilespmem:v34+s14+$0x0], $0xffff;
	v25 =	vmul.f32 v27, v25  }
0xb6: {  	v12 =	vmul.f32 v21, v12;
	v23 =	vadd.f32 v23, v30;
	v22 =	vmul.f32 v22, v22  }
0xb7: {  	v20 =	vadd.f32 v36, v20;
	v21 =	vmul.f32 v26, v26;
	v25 =	vsub.f32 $1.500000000e+00, v25;
	[tilespmem:v4+s19+$0x0] =	vst.idx.add.f32.msk vm3, v28  }
0xb8: {  	v14 =	vmul.f32 v14, v17;
	v26 =	vmul.f32 v32, v32;
	v22 =	vadd.f32 v22, v23;
	v4 =	vmovc v10  }
0xb9: {  	v16 =	vmul.f32 v13, v16;
	v17 =	vadd.f32 v21, v20;
	v25 =	vmul.f32 v27, v25;
	v10 =	vmovc v37  }
0xba: {  	v18 =	vmul.f32 v12, v18;
	v19 =	vadd.f32 v26, v19;
	v13 =	vmax.f32 v22, $9.999999910e-38;
	(xrf2) =	vadd.scan.msk.f32 $0xffff, v14  }
0xbb: {  	v21 =	vshra.s32 v13, $0x1;
	v12 =	vmax.f32 v17, $9.999999910e-38;
	v17 =	vmul.f32 v25, v33;
	[tilespmem:v5+s19+$0x0] =	vst.idx.add.f32.msk vm2, v35;
	v5 =	vmovc v11  }
0xbc: {  	v14 =	vmax.f32 v19, $9.999999910e-38;
	v19 =	vmul.f32 $5.000000000e-01, v13;
	v23 =	vshra.s32 v12, $0x1;
	v11 =	vmovc v29  }
0xbd: {  	v22 =	vshra.s32 v14, $0x1;
	v20 =	vmul.f32 $5.000000000e-01, v14;
	v17 =	vmul.f32 v17, v25;
	(xrf2) =	vadd.scan.msk.f32 $0xffff, v16  }
0xbe: {  	v26 =	vsub.s32 $0x5F3759DF, v22;
	v22 =	vsub.s32 $0x5F3759DF, v21;
	v21 =	vmul.f32 $5.000000000e-01, v12  }
0xbf: {  	s24 =	sadd.s32 $0x40, s24;
	v23 =	vsub.s32 $0x5F3759DF, v23;
	v16 =	vmul.f32 v26, v20;
	v27 =	vsub.f32 $1.500000000e+00, v17  }
.Ltmp1:
0xc0: {  	vm6 =	vmor vm7, vm0;
	v29 =	vmul.f32 v22, v19;
	v30 =	vmul.f32 v23, v21;
	v28 =	vld [tilespmem:s24+$0x10];
	(xrf2) =	vadd.scan.msk.f32 $0xffff, v18;
	(pc) =	sbr.rel @p0 .LBB2_4-.Ltmp1, $4  }
0xc1: {  	v18 =	vmul.f32 v26, v16;
	v17 =	vld [tilespmem:s24+$0xFFFFFFE0];
	v25 =	vmul.f32 v27, v25;
	v27 =	vadd.s32 s26, v3  }
0xc2: {  	vm3 =	vmand vm7, vm1;
	v33 =	vmul.f32 v22, v29;
	v32 =	vmul.f32 v23, v30;
	v16 =	vld [tilespmem:s24+$0xFFFFFFF0]  }
0xc3: {  	vm7 =	vmor vm8, vm0;
	v31 =	vsub.f32 $1.500000000e+00, v18;
	v18 =	vld [tilespmem:s24+$0x0];
	v30 =	vmul.f32 v25, v24  }
0xc4: {  	vm2 =	vmand vm8, vm1;
	s26 =	sadd.s32 $0x40, s26;
	v24 =	vsub.f32 $1.500000000e+00, v33;
	v25 =	vsub.f32 $1.500000000e+00, v32;
	v29, _, _ =	vpop (xrf2)  }
0xc5: {  	v26 =	vmul.f32 v26, v31;
	_ =	sdelay $0x1  }
0xc6: {  	v20 =	vmul.f32 v26, v20  }
0xc7: {  	v22 =	vmul.f32 v22, v24;
	v23 =	vmul.f32 v23, v25  }
0xc8: {  	v20 =	vmul.f32 v20, v26  }
0xc9: {  	v19 =	vmul.f32 v22, v19;
	v21 =	vmul.f32 v23, v21  }
0xca: {  	v20 =	vsub.f32 $1.500000000e+00, v20  }
0xcb: {  	v19 =	vmul.f32 v19, v22;
	v21 =	vmul.f32 v21, v23  }
0xcc: {  	v24 =	vmul.f32 v30, v28;
	v20 =	vmul.f32 v20, v26  }
0xcd: {  	s0 =	sadd.s32 $0x40, s23;
	v25 =	vld.idx.msk [tilespmem:v27+s14+$0x0], $0xffff;
	v19 =	vsub.f32 $1.500000000e+00, v19;
	v21 =	vsub.f32 $1.500000000e+00, v21  }
0xce: {  	(xrf2) =	vadd.scan.msk.f32 $0xffff, v24;
	v26 =	vld [tilespmem:s0+$0x10];
	v14 =	vmul.f32 v20, v14  }
0xcf: {  	v19 =	vmul.f32 v19, v22;
	v20 =	vmul.f32 v21, v23  }
0xd0: {  	v14 =	vmul.f32 v14, v17  }
0xd1: {  	v13 =	vmul.f32 v19, v13;
	v12 =	vmul.f32 v20, v12  }
0xd2: {  	(xrf2) =	vadd.scan.msk.f32 $0xffff, v14  }
0xd3: {  	v17 =	vld [tilespmem:s0+$0xFFFFFFE0];
	vm8 =	vne.s32 v26, v25;
	v13 =	vmul.f32 v13, v16;
	v12 =	vmul.f32 v12, v18  }
0xd4: {  	v14 =	vld [tilespmem:s0+$0xFFFFFFF0];
	vm9 =	vmor vm8, vm0  }
0xd5: {  	[tilespmem:v8+s19+$0x0] =	vst.idx.add.f32.msk vm5, v29;
	vm8 =	vmand vm8, vm1;
	(xrf2) =	vadd.scan.msk.f32 $0xffff, v13  }
0xd6: {  	v8, _, _ =	vpop (xrf2);
	v16 =	vsub.f32 $0.0e+00, v29;
	v18 =	vld [tilespmem:s0+$0x0]  }
0xd7: {  	[tilespmem:v7+s19+$0x0] =	vst.idx.add.f32.msk vm6, v8;
	(xrf2) =	vadd.scan.msk.f32 $0xffff, v12;
	v12, _, _ =	vpop (xrf2)  }
0xd8: {  	[tilespmem:v6+s19+$0x0] =	vst.idx.add.f32.msk vm4, v16;
	vm4 =	vne.s32 v17, v15;
	v6, _, _ =	vpop (xrf2)  }
0xd9: {  	vm5 =	vmor vm4, vm0;
	[tilespmem:v9+s19+$0x0] =	vst.idx.add.f32.msk vm7, v12;
	vm6 =	vne.s32 v14, v10;
	v7 =	vsub.f32 $0.0e+00, v6  }
0xda: {  	[tilespmem:v26+s19+$0x0] =	vst.idx.add.f32.msk vm9, v6;
	v6 =	vsub.f32 $0.0e+00, v8;
	vm15 =	vmor vm6, vm0  }
0xdb: {  	vm4 =	vmand vm4, vm1;
	vm7 =	vne.s32 v18, v11;
	[tilespmem:v25+s19+$0x0] =	vst.idx.add.f32.msk vm8, v7;
	v7 =	vsub.f32 $0.0e+00, v12  }
0xdc: {  	vm8 =	vmor vm7, vm0;
	[tilespmem:v4+s19+$0x0] =	vst.idx.add.f32.msk vm3, v6;
	v4, _, _ =	vpop (xrf2)  }
0xdd: {  	vm3 =	vmand vm6, vm1;
	[tilespmem:v5+s19+$0x0] =	vst.idx.add.f32.msk vm2, v7;
	v5 =	vsub.f32 $0.0e+00, v4  }
0xde: {  	vm2 =	vmand vm7, vm1  }
0xdf: {  	[tilespmem:v17+s19+$0x0] =	vst.idx.add.f32.msk vm5, v4;
	v4, _, _ =	vpop (xrf2)  }
0xe0: {  	[tilespmem:v14+s19+$0x0] =	vst.idx.add.f32.msk vm15, v4  }
0xe1: {  	v4 =	vsub.f32 $0.0e+00, v4;
	[tilespmem:v15+s19+$0x0] =	vst.idx.add.f32.msk vm4, v5;
	v5, _, _ =	vpop (xrf2)  }
0xe2: {  	[tilespmem:v18+s19+$0x0] =	vst.idx.add.f32.msk vm8, v5;
	v5 =	vsub.f32 $0.0e+00, v5  }
0xe3: {  	[tilespmem:v10+s19+$0x0] =	vst.idx.add.f32.msk vm3, v4  }
0xe4: {  	[tilespmem:v11+s19+$0x0] =	vst.idx.add.f32.msk vm2, v5  }
0xe5: {  	s2 =	rddreg [dreg:$0x7]  }
0xe6: {  	[tilespmem:s1], [sflag:$0x1] =	stream.linear.gather [hbm4b:s2+s1], $0x8000, $0x38;
	[tilespmem:$0x1A880] =	vst v63  }
0xe7: {  	s3 =	rddreg [dreg:$0x16]  }
0xe8: {  	[tilespmem:s13], [sflag:$0x1] =	stream.linear.gather [hbm4b:s3+s1], $0x2000, $0x38;
	[tilespmem:$0x1A880] =	vst v63  }
0xe9: {  	s23 =	rddreg [dreg:$0x17]  }
0xea: {  	[tilespmem:s14], [sflag:$0x1] =	stream.linear.gather [hbm4b:s23+s1], $0x2000, $0x38;
	[tilespmem:$0x1A880] =	vst v63  }
0xeb: {  	s24 =	simm.s32 $0x30;
	_ =	swait.ge [sflag:s20], $0x8000  }
0xec: {  	v4 =	vmov s24;
	[sflag:s20] =	ssyncset.done $0x0  }
0xed: {  	v4 =	vshll.u32 v4, $0x2;
	v5 =	vor.u32 s24, v3;
	[sflag:s20] =	ssyncadd.s32 $0xFFFF8000  }
0xee: {  	v4 =	vand.u32 $0x7E00, v4;
	v5 =	vand.u32 $0x7F, v5;
	_ =	swait.ge [sflag:s20], $0x2000  }
0xef: {  	s26 =	simm.s32 $0x20;
	v4 =	vor.u32 v5, v4;
	[sflag:s20] =	ssyncset.done $0x0  }
0xf0: {  	v13 =	vor.u32 s26, v3;
	v8 =	vmov s26;
	v6 =	vor.u32 $0x80, v4;
	[sflag:s20] =	ssyncadd.s32 $0xFFFFE000  }
0xf1: {  	s25 =	simm.s32 $0x10;
	v13 =	vand.u32 $0x6F, v13;
	v8 =	vshll.u32 v8, $0x2;
	s24 =	simm.s32 $0x0;
	_ =	swait.ge [sflag:s20], $0x2000  }
0xf2: {  	v7 =	vor.u32 s25, v3;
	v9 =	vmov s24;
	v10 =	vor.u32 $0x100, v4;
	[sflag:s20] =	ssyncset.done $0x0  }
0xf3: {  	v11 =	vor.u32 s24, v3;
	v5 =	vmov s25;
	v9 =	vshll.u32 v9, $0x2;
	[sflag:s20] =	ssyncadd.s32 $0xFFFFE000  }
0xf4: {  	v11 =	vand.u32 $0x4F, v11;
	v5 =	vshll.u32 v5, $0x2;
	v12 =	vand.u32 $0x7E00, v9;
	v4 =	vld.idx.msk [tilespmem:v4+s15+$0x0], $0xffff  }
0xf5: {  	v7 =	vand.u32 $0x5F, v7;
	v5 =	vand.u32 $0x7E00, v5;
	v12 =	vor.u32 v11, v12;
	v6 =	vld.idx.msk [tilespmem:v6+s15+$0x0], $0xffff  }
0xf6: {  	v8 =	vand.u32 $0x7E00, v8;
	v14 =	vor.u32 $0x80, v12;
	v5 =	vor.u32 v7, v5  }
0xf7: {  	v7 =	vor.u32 v13, v8;
	v8 =	vor.u32 $0x80, v5;
	v10 =	vld.idx.msk [tilespmem:v10+s15+$0x0], $0xffff  }
0xf8: {  	v13 =	vor.u32 $0x80, v7;
	_ =	sdelay $0x1  }
0xf9: {  	v4 =	vmul.f32 v4, v4;
	v6 =	vmul.f32 v6, v6  }
0xfa: {  	v14 =	vld.idx.msk [tilespmem:v14+s15+$0x0], $0xffff  }
0xfb: {  	v15 =	vor.u32 $0x100, v5;
	v8 =	vld.idx.msk [tilespmem:v8+s15+$0x0], $0xffff;
	v4 =	vadd.f32 v6, v4;
	v6 =	vmul.f32 v10, v10  }
0xfc: {  	v9 =	vor.u32 v11, v9;
	v11 =	vld.idx.msk [tilespmem:v13+s15+$0x0], $0xffff;
	v10 =	vor.u32 $0x100, v7  }
0xfd: {  	v9 =	vor.u32 $0x100, v9;
	v12 =	vld.idx.msk [tilespmem:v12+s15+$0x0], $0xffff;
	v4 =	vadd.f32 v6, v4  }
0xfe: {  	v5 =	vld.idx.msk [tilespmem:v5+s15+$0x0], $0xffff  }
0xff: {  	v6 =	vld.idx.msk [tilespmem:v7+s15+$0x0], $0xffff;
	v4 =	vmax.f32 v4, $9.999999910e-38  }
0x100: {  	v7 =	vld.idx.msk [tilespmem:v15+s15+$0x0], $0xffff;
	v13 =	vshra.s32 v4, $0x1;
	v15 =	vmul.f32 $5.000000000e-01, v4  }
0x101: {  	v14 =	vmul.f32 v14, v14;
	v10 =	vld.idx.msk [tilespmem:v10+s15+$0x0], $0xffff;
	v13 =	vsub.s32 $0x5F3759DF, v13  }
0x102: {  	v9 =	vld.idx.msk [tilespmem:v9+s15+$0x0], $0xffff;
	v8 =	vmul.f32 v8, v8;
	v16 =	vmul.f32 v13, v15  }
0x103: {  	s31 =	simm.s32 $0x21;
	v11 =	vmul.f32 v11, v11;
	v5 =	vmul.f32 v5, v5  }
0x104: {  	v22 =	vadd.s32 s31, v3;
	v6 =	vmul.f32 v6, v6;
	v16 =	vmul.f32 v13, v16  }
0x105: {  	v12 =	vmul.f32 v12, v12;
	v5 =	vadd.f32 v8, v5;
	v7 =	vmul.f32 v7, v7  }
0x106: {  	v6 =	vadd.f32 v11, v6;
	v8 =	vmul.f32 v10, v10;
	v10 =	vsub.f32 $1.500000000e+00, v16  }
0x107: {  	s30 =	simm.s32 $0x11;
	v9 =	vmul.f32 v9, v9;
	v11 =	vadd.f32 v14, v12;
	v5 =	vadd.f32 v7, v5  }
0x108: {  	s29 =	simm.s32 $0x1;
	v21 =	vadd.s32 s30, v3;
	v6 =	vadd.f32 v8, v6;
	v7 =	vmul.f32 v13, v10  }
0x109: {  	v20 =	vadd.s32 s29, v3;
	v8 =	vadd.f32 v9, v11;
	v11 =	vmax.f32 v5, $9.999999910e-38  }
0x10a: {  	v5 =	vshra.s32 v11, $0x1;
	v10 =	vmax.f32 v6, $9.999999910e-38;
	v6 =	vmul.f32 v7, v15  }
0x10b: {  	v9 =	vmul.f32 $5.000000000e-01, v11;
	v12 =	vmax.f32 v8, $9.999999910e-38;
	v16 =	vsub.s32 $0x5F3759DF, v5  }
0x10c: {  	v13 =	vshra.s32 v12, $0x1;
	v14 =	vmul.f32 $5.000000000e-01, v12;
	v6 =	vmul.f32 v6, v7  }
0x10d: {  	v8 =	vshra.s32 v10, $0x1;
	v17 =	vmul.f32 $5.000000000e-01, v10;
	v13 =	vsub.s32 $0x5F3759DF, v13  }
0x10e: {  	s26 =	simm.s32 $0x40;
	v8 =	vsub.s32 $0x5F3759DF, v8;
	v5 =	vmul.f32 v13, v14;
	v6 =	vsub.f32 $1.500000000e+00, v6  }
0x10f: {  	s28 =	simm.s32 $0x31;
	v27 =	vor.u32 s26, v3;
	v15 =	vmul.f32 v16, v9;
	v18 =	vmul.f32 v8, v17  }
0x110: {  	s24 =	simm.s32 $0x140A0;
	v5 =	vmul.f32 v13, v5;
	v6 =	vmul.f32 v6, v7;
	v7 =	vadd.s32 s28, v3  }
0x111: {  	v27 =	vand.u32 $0x4F, v27;
	s3 =	simm.s32 $0x60;
	v19 =	vld [tilespmem:s24+$0x10];
	v15 =	vmul.f32 v16, v15;
	v18 =	vmul.f32 v8, v18  }
0x112: {  	v25 =	vmov s3;
	v29 =	vor.u32 s3, v3;
	v5 =	vsub.f32 $1.500000000e+00, v5  }
0x113: {  	s2 =	simm.s32 $0x70;
	v25 =	vshll.u32 v25, $0x2;
	v23 =	vsub.f32 $1.500000000e+00, v15;
	v18 =	vsub.f32 $1.500000000e+00, v18  }
0x114: {  	v4 =	vmul.f32 v6, v4;
	v13 =	vmul.f32 v13, v5;
	v5 =	vmov s2  }
0x115: {  	v16 =	vmul.f32 v16, v23;
	v5 =	vshll.u32 v5, $0x2;
	v15 =	vld.idx.msk [tilespmem:v7+s17+$0x0], $0xffff;
	v7 =	vor.u32 s2, v3  }
0x116: {  	s25 =	simm.s32 $0x50;
	s23 =	simm.s32 $0x160A0;
	v4 =	vmul.f32 v4, v19;
	v5 =	vand.u32 $0x7E00, v5;
	v7 =	vand.u32 $0x7F, v7  }
0x117: {  	v24 =	vld [tilespmem:s23+$0x10];
	v6 =	vmov s25;
	v9 =	vmul.f32 v16, v9;
	v5 =	vor.u32 v7, v5  }
0x118: {  	v18 =	vmul.f32 v8, v18;
	v8 =	vld [tilespmem:s23+$0xFFFFFFE0];
	(xrf2) =	vadd.scan.msk.f32 $0xffff, v4;
	v4 =	vmov s26;
	v26 =	vor.u32 $0x80, v5  }
0x119: {  	v9 =	vmul.f32 v9, v16;
	v7 =	vshll.u32 v4, $0x2;
	v4 =	vshll.u32 v6, $0x2;
	v6 =	vld.idx.msk [tilespmem:v20+s17+$0x0], $0xffff  }
0x11a: {  	v29 =	vand.u32 $0x6F, v29;
	v20 =	vand.u32 $0x7E00, v4;
	v4 =	vld.idx.msk [tilespmem:v21+s17+$0x0], $0xffff;
	v21 =	vor.u32 $0x100, v5  }
0x11b: {  	v25 =	vand.u32 $0x7E00, v25;
	v19 =	vor.u32 s25, v3;
	v37 =	vsub.f32 $1.500000000e+00, v9;
	v9 =	vld [tilespmem:s23+$0x0]  }
0x11c: {  	v14 =	vmul.f32 v13, v14;
	v17 =	vmul.f32 v18, v17;
	v28 =	vand.u32 $0x7E00, v7;
	v30 =	vld.idx.msk [tilespmem:v5+s15+$0x0], $0xffff  }
0x11d: {  	v19 =	vand.u32 $0x5F, v19;
	v7 =	vor.u32 v27, v7;
	v28 =	vor.u32 v27, v28;
	v26 =	vld.idx.msk [tilespmem:v26+s15+$0x0], $0xffff  }
0x11e: {  	v16 =	vmul.f32 v37, v16;
	v19 =	vor.u32 v19, v20;
	v23 =	vor.u32 $0x100, v7;
	v7 =	vld [tilespmem:s23+$0xFFFFFFF0]  }
0x11f: {  	s29 =	simm.s32 $0x51;
	v14 =	vmul.f32 v14, v13;
	v20 =	vor.u32 v29, v25;
	v25 =	vor.u32 $0x80, v19;
	v21 =	vld.idx.msk [tilespmem:v21+s15+$0x0], $0xffff  }
0x120: {  	v36 =	vadd.s32 s29, v3;
	v11 =	vmul.f32 v16, v11;
	v16 =	vld [tilespmem:s24+$0xFFFFFFF0]  }
0x121: {  	v17 =	vmul.f32 v17, v18;
	v14 =	vsub.f32 $1.500000000e+00, v14;
	v31 =	vor.u32 $0x80, v28;
	v5 =	vld.idx.msk [tilespmem:v22+s17+$0x0], $0xffff  }
0x122: {  	v27 =	vor.u32 $0x80, v20;
	v28 =	vld.idx.msk [tilespmem:v28+s15+$0x0], $0xffff;
	v30 =	vmul.f32 v30, v30;
	v26 =	vmul.f32 v26, v26  }
0x123: {  	v17 =	vsub.f32 $1.500000000e+00, v17;
	v29 =	vor.u32 $0x100, v19;
	v13 =	vmul.f32 v14, v13;
	v14 =	vld.idx.msk [tilespmem:v19+s15+$0x0], $0xffff  }
0x124: {  	s28 =	simm.s32 $0x41;
	v32 =	vor.u32 $0x100, v20;
	v25 =	vld.idx.msk [tilespmem:v25+s15+$0x0], $0xffff;
	v21 =	vmul.f32 v21, v21;
	v26 =	vadd.f32 v26, v30  }
0x125: {  	v35 =	vadd.s32 s28, v3;
	vm3 =	vne.s32 v24, v15;
	v17 =	vmul.f32 v17, v18;
	v20 =	vld.idx.msk [tilespmem:v20+s15+$0x0], $0xffff  }
0x126: {  	vm2 =	vmor vm3, vm0;
	vm3 =	vmand vm3, vm1;
	v31 =	vld.idx.msk [tilespmem:v31+s15+$0x0], $0xffff;
	v21 =	vadd.f32 v21, v26  }
0x127: {  	vm4 =	vne.s32 v8, v6;
	v12 =	vmul.f32 v13, v12;
	v10 =	vmul.f32 v17, v10;
	v27 =	vld.idx.msk [tilespmem:v27+s15+$0x0], $0xffff  }
0x128: {  	vm5 =	vmor vm4, vm0;
	v16 =	vmul.f32 v11, v16;
	v62 =	vmax.f32 v21, $9.999999910e-38;
	v21 =	vld.idx.msk [tilespmem:v29+s15+$0x0], $0xffff  }
0x129: {  	v18 =	vmul.f32 v25, v25;
	v29 =	vld.idx.msk [tilespmem:v32+s15+$0x0], $0xffff;
	v25 =	vshra.s32 v62, $0x1;
	v26 =	vmul.f32 $5.000000000e-01, v62  }
0x12a: {  	v23 =	vld.idx.msk [tilespmem:v23+s15+$0x0], $0xffff;
	v13 =	vmul.f32 v28, v28;
	v14 =	vmul.f32 v14, v14;
	v25 =	vsub.s32 $0x5F3759DF, v25  }
0x12b: {  	v22 =	vld [tilespmem:s24+$0xFFFFFFE0];
	vm7 =	vne.s32 v7, v4;
	v33, _, _ =	vpop (xrf2);
	v19 =	vmul.f32 v31, v31;
	v28 =	vmul.f32 v25, v26  }
0x12c: {  	v34 =	vsub.f32 $0.0e+00, v33;
	v20 =	vmul.f32 v20, v20;
	v27 =	vmul.f32 v27, v27  }
0x12d: {  	v13 =	vadd.f32 v19, v13;
	v19 =	vld [tilespmem:s24+$0x0];
	v14 =	vadd.f32 v18, v14;
	v28 =	vmul.f32 v25, v28  }
0x12e: {  	v17 =	vadd.f32 v27, v20;
	v18 =	vmul.f32 v21, v21;
	v20 =	vmul.f32 v29, v29  }
0x12f: {  	vm8 =	vne.s32 v9, v5;
	v23 =	vmul.f32 v23, v23;
	v21 =	vsub.f32 $1.500000000e+00, v28  }
0x130: {  	s30 =	simm.s32 $0x61;
	v12 =	vmul.f32 v12, v22;
	v14 =	vadd.f32 v18, v14;
	v17 =	vadd.f32 v20, v17  }
0x131: {  	v30 =	vadd.s32 s30, v3;
	v11 =	vadd.f32 v23, v13;
	v18 =	vmul.f32 v25, v21  }
0x132: {  	(xrf2) =	vadd.scan.msk.f32 $0xffff, v12;
	v13 =	vmax.f32 v14, $9.999999910e-38;
	v25 =	vmul.f32 v10, v19;
	v12 =	vmax.f32 v17, $9.999999910e-38  }
0x133: {  	[tilespmem:v24+s19+$0x0] =	vst.idx.add.f32.msk vm2, v33;
	v14 =	vmax.f32 v11, $9.999999910e-38;
	v10 =	vshra.s32 v13, $0x1;
	v17 =	vmul.f32 v18, v26  }
0x134: {  	[tilespmem:v15+s19+$0x0] =	vst.idx.add.f32.msk vm3, v34;
	v19 =	vmul.f32 $5.000000000e-01, v13;
	v11 =	vshra.s32 v12, $0x1;
	v21 =	vshra.s32 v14, $0x1  }
0x135: {  	(xrf2) =	vadd.scan.msk.f32 $0xffff, v16;
	v20 =	vmul.f32 $5.000000000e-01, v14;
	v22 =	vsub.s32 $0x5F3759DF, v10;
	v17 =	vmul.f32 v17, v18  }
0x136: {  	v15 =	vld.idx.msk [tilespmem:v35+s17+$0x0], $0xffff;
	s24 =	simm.s32 $0x140E0;
	v26 =	vsub.s32 $0x5F3759DF, v21;
	v21 =	vmul.f32 $5.000000000e-01, v12;
	v29 =	vmul.f32 v22, v19  }
0x137: {  	v28 =	vld [tilespmem:s24+$0x10];
	v23 =	vsub.s32 $0x5F3759DF, v11;
	v24 =	vmul.f32 v26, v20;
	v17 =	vsub.f32 $1.500000000e+00, v17  }
0x138: {  	s31 =	simm.s32 $0x71;
	vm4 =	vmand vm4, vm1;
	v11 =	vld.idx.msk [tilespmem:v30+s17+$0x0], $0xffff;
	(xrf2) =	vadd.scan.msk.f32 $0xffff, v25;
	v30 =	vmul.f32 v23, v21;
	v29 =	vmul.f32 v22, v29  }
0x139: {  	v27 =	vadd.s32 s31, v3;
	v16 =	vld [tilespmem:s24+$0xFFFFFFF0];
	v24 =	vmul.f32 v26, v24;
	v18 =	vmul.f32 v17, v18  }
0x13a: {  	vm6 =	vmor vm7, vm0;
	vm2 =	vmand vm8, vm1;
	v10 =	vld.idx.msk [tilespmem:v36+s17+$0x0], $0xffff;
	v63 =	vmul.f32 v23, v30  }
0x13b: {  	vm3 =	vmand vm7, vm1;
	v31 =	vsub.f32 $1.500000000e+00, v24;
	v17 =	vld [tilespmem:s24+$0xFFFFFFE0];
	v30 =	vmul.f32 v18, v62  }
0x13c: {  	s25 =	simm.s32 $0x4;
	s26 =	simm.s32 $0xB1;
	vm7 =	vmor vm8, vm0;
	v24 =	vsub.f32 $1.500000000e+00, v29;
	v25 =	vsub.f32 $1.500000000e+00, v63;
	v29, _, _ =	vpop (xrf2);
	v18 =	vld [tilespmem:s24+$0x0]  }
.LBB2_6:
0x13d: {  	s0 =	sadd.s32 $0xFFFFFFDF, s26;
	s30 =	sadd.s32 $0xFFFFFFFF, s26;
	s25 =	sadd.s32 $0x4, s25;
	v26 =	vmul.f32 v26, v31;
	v35 =	vmul.f32 v30, v28;
	[tilespmem:v8+s19+$0x0] =	vst.idx.add.f32.msk vm5, v29;
	v29 =	vsub.f32 $0.0e+00, v29  }
0x13e: {  	s23 =	sadd.s32 $0x40, s23;
	v30 =	vmov s0;
	v31 =	vor.u32 s0, v3;
	s0 =	sadd.s32 $0xFFFFFFEF, s26;
	v8 =	vmov s30;
	p0 =	slt.u32 s25, $0x1FC;
	v27 =	vld.idx.msk [tilespmem:v27+s17+$0x0], $0xffff  }
0x13f: {  	s31 =	sadd.s32 $0xFFFFFFCF, s26;
	s28 =	sadd.s32 $0xFFFFFFD0, s26;
	s29 =	sadd.s32 $0xFFFFFFE0, s26;
	v33 =	vor.u32 s30, v3;
	v32 =	vmov s0;
	v8 =	vshll.u32 v8, $0x2;
	v34 =	vld [tilespmem:s23+$0x10];
	(xrf2) =	vadd.scan.msk.f32 $0xffff, v35;
	v28, _, _ =	vpop (xrf2)  }
0x140: {  	s30 =	sadd.s32 $0xFFFFFFF0, s26;
	v35 =	vmov s31;
	v33 =	vand.u32 $0x7F, v33;
	v36 =	vand.u32 $0x7E00, v8;
	v8 =	vld [tilespmem:s23+$0xFFFFFFE0]  }
0x141: {  	v30 =	vshll.u32 v30, $0x2;
	v35 =	vshll.u32 v35, $0x2;
	v33 =	vor.u32 v33, v36;
	v36 =	vld [tilespmem:s23+$0xFFFFFFF0]  }
0x142: {  	v37 =	vor.u32 s31, v3;
	v32 =	vshll.u32 v32, $0x2;
	v38 =	vor.u32 $0x80, v33;
	v39 =	vld [tilespmem:s23+$0x0];
	v40, _, _ =	vpop (xrf2)  }
0x143: {  	v42 =	vor.u32 s0, v3;
	v30 =	vand.u32 $0x7E00, v30;
	v41 =	vand.u32 $0x7E00, v35;
	[tilespmem:v6+s19+$0x0] =	vst.idx.add.f32.msk vm4, v29;
	v6 =	vmovc v15  }
0x144: {  	v15 =	vand.u32 $0x7E00, v32;
	v29 =	vor.u32 $0x100, v33;
	vm4 =	vne.s32 v34, v27;
	[tilespmem:v7+s19+$0x0] =	vst.idx.add.f32.msk vm6, v28  }
0x145: {  	v31 =	vand.u32 $0x5F, v31;
	v32 =	vand.u32 $0x4F, v37;
	vm5 =	vmor vm4, vm0;
	[tilespmem:v9+s19+$0x0] =	vst.idx.add.f32.msk vm7, v40  }
0x146: {  	v37 =	vor.u32 v32, v41;
	v41 =	vand.u32 $0x6F, v42;
	vm4 =	vmand vm4, vm1;
	v33 =	vld.idx.msk [tilespmem:v33+s15+$0x0], $0xffff;
	v7 =	vmovc v36  }
0x147: {  	v30 =	vor.u32 v31, v30;
	v15 =	vor.u32 v41, v15;
	v36 =	vor.u32 $0x80, v37;
	v31 =	vld.idx.msk [tilespmem:v38+s15+$0x0], $0xffff;
	v9 =	vmovc v39  }
0x148: {  	v32 =	vor.u32 v32, v35;
	v35 =	vor.u32 $0x80, v30;
	v38 =	vor.u32 $0x80, v15  }
0x149: {  	v32 =	vor.u32 $0x100, v32;
	v41 =	vor.u32 $0x100, v15;
	v39 =	vor.u32 $0x100, v30;
	v29 =	vld.idx.msk [tilespmem:v29+s15+$0x0], $0xffff;
	v42, _, _ =	vpop (xrf2)  }
0x14a: {  	v22 =	vmul.f32 v22, v24;
	v23 =	vmul.f32 v23, v25;
	v24 =	vsub.f32 $0.0e+00, v42  }
0x14b: {  	v25 =	vadd.s32 s28, v3;
	v43 =	vadd.s32 s29, v3;
	v20 =	vmul.f32 v26, v20;
	[tilespmem:v34+s19+$0x0] =	vst.idx.add.f32.msk vm5, v42  }
0x14c: {  	v19 =	vmul.f32 v22, v19;
	v21 =	vmul.f32 v23, v21;
	v34 =	vadd.s32 s30, v3;
	[tilespmem:v27+s19+$0x0] =	vst.idx.add.f32.msk vm4, v24  }
0x14d: {  	v28 =	vsub.f32 $0.0e+00, v28;
	v27 =	vmul.f32 v33, v33;
	v31 =	vmul.f32 v31, v31;
	v24 =	vld.idx.msk [tilespmem:v36+s15+$0x0], $0xffff  }
0x14e: {  	v20 =	vmul.f32 v20, v26;
	v19 =	vmul.f32 v19, v22;
	v33 =	vld.idx.msk [tilespmem:v35+s15+$0x0], $0xffff;
	v35 =	vsub.f32 $0.0e+00, v40  }
0x14f: {  	v21 =	vmul.f32 v21, v23;
	v27 =	vadd.f32 v31, v27;
	v29 =	vmul.f32 v29, v29;
	v36 =	vld.idx.msk [tilespmem:v38+s15+$0x0], $0xffff  }
0x150: {  	v20 =	vsub.f32 $1.500000000e+00, v20;
	v19 =	vsub.f32 $1.500000000e+00, v19;
	vm4 =	vne.s32 v8, v6;
	v31 =	vld.idx.msk [tilespmem:v37+s15+$0x0], $0xffff  }
0x151: {  	v21 =	vsub.f32 $1.500000000e+00, v21;
	vm7 =	vne.s32 v7, v10;
	v27 =	vadd.f32 v29, v27;
	v30 =	vld.idx.msk [tilespmem:v30+s15+$0x0], $0xffff  }
0x152: {  	v19 =	vmul.f32 v19, v22;
	vm8 =	vne.s32 v9, v11;
	v29 =	vld.idx.msk [tilespmem:v15+s15+$0x0], $0xffff;
	v15 =	vmul.f32 v20, v26  }
0x153: {  	v21 =	vmul.f32 v21, v23;
	v20 =	vmul.f32 v24, v24;
	v24 =	vmax.f32 v27, $9.999999910e-38;
	v22 =	vld.idx.msk [tilespmem:v39+s15+$0x0], $0xffff  }
0x154: {  	v23 =	vmul.f32 v33, v33;
	v27 =	vshra.s32 v24, $0x1;
	v33 =	vmul.f32 $5.000000000e-01, v24;
	v26 =	vld.idx.msk [tilespmem:v41+s15+$0x0], $0xffff  }
0x155: {  	v36 =	vmul.f32 v36, v36;
	v27 =	vsub.s32 $0x5F3759DF, v27;
	v14 =	vmul.f32 v15, v14;
	v32 =	vld.idx.msk [tilespmem:v32+s15+$0x0], $0xffff  }
0x156: {  	vm5 =	vmor vm4, vm0;
	v31 =	vmul.f32 v31, v31;
	v15 =	vld.idx.msk [tilespmem:v25+s17+$0x0], $0xffff;
	v25 =	vmul.f32 v27, v33  }
0x157: {  	v13 =	vmul.f32 v19, v13;
	vm4 =	vmand vm4, vm1;
	v30 =	vmul.f32 v30, v30;
	v37 =	vld.idx.msk [tilespmem:v43+s17+$0x0], $0xffff  }
0x158: {  	v19 =	vadd.f32 v20, v31;
	v20 =	vmul.f32 v29, v29;
	v29 =	vld.idx.msk [tilespmem:v34+s17+$0x0], $0xffff;
	v25 =	vmul.f32 v27, v25  }
0x159: {  	v12 =	vmul.f32 v21, v12;
	v23 =	vadd.f32 v23, v30;
	v22 =	vmul.f32 v22, v22  }
0x15a: {  	v20 =	vadd.f32 v36, v20;
	v21 =	vmul.f32 v26, v26;
	v25 =	vsub.f32 $1.500000000e+00, v25;
	[tilespmem:v4+s19+$0x0] =	vst.idx.add.f32.msk vm3, v28  }
0x15b: {  	v14 =	vmul.f32 v14, v17;
	v26 =	vmul.f32 v32, v32;
	v22 =	vadd.f32 v22, v23;
	v4 =	vmovc v10  }
0x15c: {  	v16 =	vmul.f32 v13, v16;
	v17 =	vadd.f32 v21, v20;
	v25 =	vmul.f32 v27, v25;
	v10 =	vmovc v37  }
0x15d: {  	v18 =	vmul.f32 v12, v18;
	v19 =	vadd.f32 v26, v19;
	v13 =	vmax.f32 v22, $9.999999910e-38;
	(xrf2) =	vadd.scan.msk.f32 $0xffff, v14  }
0x15e: {  	v21 =	vshra.s32 v13, $0x1;
	v12 =	vmax.f32 v17, $9.999999910e-38;
	v17 =	vmul.f32 v25, v33;
	[tilespmem:v5+s19+$0x0] =	vst.idx.add.f32.msk vm2, v35;
	v5 =	vmovc v11  }
0x15f: {  	v14 =	vmax.f32 v19, $9.999999910e-38;
	v19 =	vmul.f32 $5.000000000e-01, v13;
	v23 =	vshra.s32 v12, $0x1;
	v11 =	vmovc v29  }
0x160: {  	v22 =	vshra.s32 v14, $0x1;
	v20 =	vmul.f32 $5.000000000e-01, v14;
	v17 =	vmul.f32 v17, v25;
	(xrf2) =	vadd.scan.msk.f32 $0xffff, v16  }
0x161: {  	v26 =	vsub.s32 $0x5F3759DF, v22;
	v22 =	vsub.s32 $0x5F3759DF, v21;
	v21 =	vmul.f32 $5.000000000e-01, v12  }
0x162: {  	s24 =	sadd.s32 $0x40, s24;
	v23 =	vsub.s32 $0x5F3759DF, v23;
	v16 =	vmul.f32 v26, v20;
	v27 =	vsub.f32 $1.500000000e+00, v17  }
.Ltmp2:
0x163: {  	vm6 =	vmor vm7, vm0;
	v29 =	vmul.f32 v22, v19;
	v30 =	vmul.f32 v23, v21;
	v28 =	vld [tilespmem:s24+$0x10];
	(xrf2) =	vadd.scan.msk.f32 $0xffff, v18;
	(pc) =	sbr.rel @p0 .LBB2_6-.Ltmp2, $4  }
0x164: {  	v18 =	vmul.f32 v26, v16;
	v17 =	vld [tilespmem:s24+$0xFFFFFFE0];
	v25 =	vmul.f32 v27, v25;
	v27 =	vadd.s32 s26, v3  }
0x165: {  	vm3 =	vmand vm7, vm1;
	v33 =	vmul.f32 v22, v29;
	v32 =	vmul.f32 v23, v30;
	v16 =	vld [tilespmem:s24+$0xFFFFFFF0]  }
0x166: {  	vm7 =	vmor vm8, vm0;
	v31 =	vsub.f32 $1.500000000e+00, v18;
	v18 =	vld [tilespmem:s24+$0x0];
	v30 =	vmul.f32 v25, v24  }
0x167: {  	vm2 =	vmand vm8, vm1;
	s26 =	sadd.s32 $0x40, s26;
	v24 =	vsub.f32 $1.500000000e+00, v33;
	v25 =	vsub.f32 $1.500000000e+00, v32;
	v29, _, _ =	vpop (xrf2)  }
0x168: {  	v26 =	vmul.f32 v26, v31;
	_ =	sdelay $0x1  }
0x169: {  	v20 =	vmul.f32 v26, v20  }
0x16a: {  	v22 =	vmul.f32 v22, v24;
	v23 =	vmul.f32 v23, v25  }
0x16b: {  	v20 =	vmul.f32 v20, v26  }
0x16c: {  	v19 =	vmul.f32 v22, v19;
	v21 =	vmul.f32 v23, v21  }
0x16d: {  	v20 =	vsub.f32 $1.500000000e+00, v20  }
0x16e: {  	v19 =	vmul.f32 v19, v22;
	v21 =	vmul.f32 v21, v23  }
0x16f: {  	v24 =	vmul.f32 v30, v28;
	v20 =	vmul.f32 v20, v26  }
0x170: {  	s0 =	sadd.s32 $0x40, s23;
	v25 =	vld.idx.msk [tilespmem:v27+s17+$0x0], $0xffff;
	v19 =	vsub.f32 $1.500000000e+00, v19;
	v21 =	vsub.f32 $1.500000000e+00, v21  }
0x171: {  	(xrf2) =	vadd.scan.msk.f32 $0xffff, v24;
	v26 =	vld [tilespmem:s0+$0x10];
	v14 =	vmul.f32 v20, v14  }
0x172: {  	v19 =	vmul.f32 v19, v22;
	v20 =	vmul.f32 v21, v23  }
0x173: {  	v14 =	vmul.f32 v14, v17  }
0x174: {  	v13 =	vmul.f32 v19, v13;
	v12 =	vmul.f32 v20, v12  }
0x175: {  	(xrf2) =	vadd.scan.msk.f32 $0xffff, v14  }
0x176: {  	v17 =	vld [tilespmem:s0+$0xFFFFFFE0];
	vm8 =	vne.s32 v26, v25;
	v13 =	vmul.f32 v13, v16;
	v12 =	vmul.f32 v12, v18  }
0x177: {  	v14 =	vld [tilespmem:s0+$0xFFFFFFF0];
	vm9 =	vmor vm8, vm0  }
0x178: {  	[tilespmem:v8+s19+$0x0] =	vst.idx.add.f32.msk vm5, v29;
	vm8 =	vmand vm8, vm1;
	(xrf2) =	vadd.scan.msk.f32 $0xffff, v13  }
0x179: {  	v8, _, _ =	vpop (xrf2);
	v16 =	vsub.f32 $0.0e+00, v29;
	v18 =	vld [tilespmem:s0+$0x0]  }
0x17a: {  	[tilespmem:v7+s19+$0x0] =	vst.idx.add.f32.msk vm6, v8;
	(xrf2) =	vadd.scan.msk.f32 $0xffff, v12;
	v12, _, _ =	vpop (xrf2)  }
0x17b: {  	[tilespmem:v6+s19+$0x0] =	vst.idx.add.f32.msk vm4, v16;
	vm4 =	vne.s32 v17, v15;
	v6, _, _ =	vpop (xrf2)  }
0x17c: {  	vm5 =	vmor vm4, vm0;
	[tilespmem:v9+s19+$0x0] =	vst.idx.add.f32.msk vm7, v12;
	vm6 =	vne.s32 v14, v10;
	v7 =	vsub.f32 $0.0e+00, v6  }
0x17d: {  	[tilespmem:v26+s19+$0x0] =	vst.idx.add.f32.msk vm9, v6;
	v6 =	vsub.f32 $0.0e+00, v8;
	vm15 =	vmor vm6, vm0  }
0x17e: {  	vm4 =	vmand vm4, vm1;
	vm7 =	vne.s32 v18, v11;
	[tilespmem:v25+s19+$0x0] =	vst.idx.add.f32.msk vm8, v7;
	v7 =	vsub.f32 $0.0e+00, v12  }
0x17f: {  	vm8 =	vmor vm7, vm0;
	[tilespmem:v4+s19+$0x0] =	vst.idx.add.f32.msk vm3, v6;
	v4, _, _ =	vpop (xrf2)  }
0x180: {  	vm3 =	vmand vm6, vm1;
	[tilespmem:v5+s19+$0x0] =	vst.idx.add.f32.msk vm2, v7;
	v5 =	vsub.f32 $0.0e+00, v4  }
0x181: {  	vm2 =	vmand vm7, vm1  }
0x182: {  	[tilespmem:v17+s19+$0x0] =	vst.idx.add.f32.msk vm5, v4;
	v4, _, _ =	vpop (xrf2)  }
0x183: {  	[tilespmem:v14+s19+$0x0] =	vst.idx.add.f32.msk vm15, v4  }
0x184: {  	v4 =	vsub.f32 $0.0e+00, v4;
	[tilespmem:v15+s19+$0x0] =	vst.idx.add.f32.msk vm4, v5;
	v5, _, _ =	vpop (xrf2)  }
0x185: {  	[tilespmem:v18+s19+$0x0] =	vst.idx.add.f32.msk vm8, v5;
	v5 =	vsub.f32 $0.0e+00, v5  }
0x186: {  	[tilespmem:v10+s19+$0x0] =	vst.idx.add.f32.msk vm3, v4  }
0x187: {  	[tilespmem:v11+s19+$0x0] =	vst.idx.add.f32.msk vm2, v5  }
0x188: {  	s2 =	rddreg [dreg:$0x8]  }
0x189: {  	[tilespmem:s15], [sflag:$0x2] =	stream.linear.gather [hbm4b:s2+s1], $0x8000, $0x38;
	[tilespmem:$0x1A880] =	vst v63  }
0x18a: {  	s3 =	rddreg [dreg:$0x18]  }
0x18b: {  	[tilespmem:s16], [sflag:$0x2] =	stream.linear.gather [hbm4b:s3+s1], $0x2000, $0x38;
	[tilespmem:$0x1A880] =	vst v63  }
0x18c: {  	s23 =	rddreg [dreg:$0x19]  }
0x18d: {  	[tilespmem:s17], [sflag:$0x2] =	stream.linear.gather [hbm4b:s23+s1], $0x2000, $0x38;
	[tilespmem:$0x1A880] =	vst v63  }
0x18e: {  	s24 =	simm.s32 $0x30;
	_ =	swait.ge [sflag:s18], $0x8000  }
0x18f: {  	v4 =	vmov s24;
	[sflag:s18] =	ssyncset.done $0x0  }
0x190: {  	v4 =	vshll.u32 v4, $0x2;
	v5 =	vor.u32 s24, v3;
	[sflag:s18] =	ssyncadd.s32 $0xFFFF8000  }
0x191: {  	v4 =	vand.u32 $0x7E00, v4;
	v5 =	vand.u32 $0x7F, v5;
	_ =	swait.ge [sflag:s18], $0x2000  }
0x192: {  	s26 =	simm.s32 $0x20;
	v4 =	vor.u32 v5, v4;
	[sflag:s18] =	ssyncset.done $0x0  }
0x193: {  	v13 =	vor.u32 s26, v3;
	v8 =	vmov s26;
	v6 =	vor.u32 $0x80, v4;
	[sflag:s18] =	ssyncadd.s32 $0xFFFFE000  }
0x194: {  	s25 =	simm.s32 $0x10;
	v13 =	vand.u32 $0x6F, v13;
	v8 =	vshll.u32 v8, $0x2;
	s24 =	simm.s32 $0x0;
	_ =	swait.ge [sflag:s18], $0x2000  }
0x195: {  	v7 =	vor.u32 s25, v3;
	v9 =	vmov s24;
	v10 =	vor.u32 $0x100, v4;
	[sflag:s18] =	ssyncset.done $0x0  }
0x196: {  	v11 =	vor.u32 s24, v3;
	v5 =	vmov s25;
	v9 =	vshll.u32 v9, $0x2;
	[sflag:s18] =	ssyncadd.s32 $0xFFFFE000  }
0x197: {  	v11 =	vand.u32 $0x4F, v11;
	v5 =	vshll.u32 v5, $0x2;
	v12 =	vand.u32 $0x7E00, v9;
	v4 =	vld.idx.msk [tilespmem:v4+s1+$0x0], $0xffff  }
0x198: {  	v7 =	vand.u32 $0x5F, v7;
	v5 =	vand.u32 $0x7E00, v5;
	v12 =	vor.u32 v11, v12;
	v6 =	vld.idx.msk [tilespmem:v6+s1+$0x0], $0xffff  }
0x199: {  	v8 =	vand.u32 $0x7E00, v8;
	v14 =	vor.u32 $0x80, v12;
	v5 =	vor.u32 v7, v5  }
0x19a: {  	v7 =	vor.u32 v13, v8;
	v8 =	vor.u32 $0x80, v5;
	v10 =	vld.idx.msk [tilespmem:v10+s1+$0x0], $0xffff  }
0x19b: {  	v13 =	vor.u32 $0x80, v7;
	_ =	sdelay $0x1  }
0x19c: {  	v4 =	vmul.f32 v4, v4;
	v6 =	vmul.f32 v6, v6  }
0x19d: {  	v14 =	vld.idx.msk [tilespmem:v14+s1+$0x0], $0xffff  }
0x19e: {  	v15 =	vor.u32 $0x100, v5;
	v8 =	vld.idx.msk [tilespmem:v8+s1+$0x0], $0xffff;
	v4 =	vadd.f32 v6, v4;
	v6 =	vmul.f32 v10, v10  }
0x19f: {  	v9 =	vor.u32 v11, v9;
	v11 =	vld.idx.msk [tilespmem:v13+s1+$0x0], $0xffff;
	v10 =	vor.u32 $0x100, v7  }
0x1a0: {  	v9 =	vor.u32 $0x100, v9;
	v12 =	vld.idx.msk [tilespmem:v12+s1+$0x0], $0xffff;
	v4 =	vadd.f32 v6, v4  }
0x1a1: {  	v5 =	vld.idx.msk [tilespmem:v5+s1+$0x0], $0xffff  }
0x1a2: {  	v6 =	vld.idx.msk [tilespmem:v7+s1+$0x0], $0xffff;
	v4 =	vmax.f32 v4, $9.999999910e-38  }
0x1a3: {  	v7 =	vld.idx.msk [tilespmem:v15+s1+$0x0], $0xffff;
	v13 =	vshra.s32 v4, $0x1;
	v15 =	vmul.f32 $5.000000000e-01, v4  }
0x1a4: {  	v14 =	vmul.f32 v14, v14;
	v10 =	vld.idx.msk [tilespmem:v10+s1+$0x0], $0xffff;
	v13 =	vsub.s32 $0x5F3759DF, v13  }
0x1a5: {  	v9 =	vld.idx.msk [tilespmem:v9+s1+$0x0], $0xffff;
	v8 =	vmul.f32 v8, v8;
	v16 =	vmul.f32 v13, v15  }
0x1a6: {  	s31 =	simm.s32 $0x21;
	v11 =	vmul.f32 v11, v11;
	v5 =	vmul.f32 v5, v5  }
0x1a7: {  	v22 =	vadd.s32 s31, v3;
	v6 =	vmul.f32 v6, v6;
	v16 =	vmul.f32 v13, v16  }
0x1a8: {  	v12 =	vmul.f32 v12, v12;
	v5 =	vadd.f32 v8, v5;
	v7 =	vmul.f32 v7, v7  }
0x1a9: {  	v6 =	vadd.f32 v11, v6;
	v8 =	vmul.f32 v10, v10;
	v10 =	vsub.f32 $1.500000000e+00, v16  }
0x1aa: {  	s30 =	simm.s32 $0x11;
	v9 =	vmul.f32 v9, v9;
	v11 =	vadd.f32 v14, v12;
	v5 =	vadd.f32 v7, v5  }
0x1ab: {  	s29 =	simm.s32 $0x1;
	v21 =	vadd.s32 s30, v3;
	v6 =	vadd.f32 v8, v6;
	v7 =	vmul.f32 v13, v10  }
0x1ac: {  	v20 =	vadd.s32 s29, v3;
	v8 =	vadd.f32 v9, v11;
	v11 =	vmax.f32 v5, $9.999999910e-38  }
0x1ad: {  	v5 =	vshra.s32 v11, $0x1;
	v10 =	vmax.f32 v6, $9.999999910e-38;
	v6 =	vmul.f32 v7, v15  }
0x1ae: {  	v9 =	vmul.f32 $5.000000000e-01, v11;
	v12 =	vmax.f32 v8, $9.999999910e-38;
	v16 =	vsub.s32 $0x5F3759DF, v5  }
0x1af: {  	v13 =	vshra.s32 v12, $0x1;
	v14 =	vmul.f32 $5.000000000e-01, v12;
	v6 =	vmul.f32 v6, v7  }
0x1b0: {  	v8 =	vshra.s32 v10, $0x1;
	v17 =	vmul.f32 $5.000000000e-01, v10;
	v13 =	vsub.s32 $0x5F3759DF, v13  }
0x1b1: {  	s26 =	simm.s32 $0x40;
	v8 =	vsub.s32 $0x5F3759DF, v8;
	v5 =	vmul.f32 v13, v14;
	v6 =	vsub.f32 $1.500000000e+00, v6  }
0x1b2: {  	s28 =	simm.s32 $0x31;
	v27 =	vor.u32 s26, v3;
	v15 =	vmul.f32 v16, v9;
	v18 =	vmul.f32 v8, v17  }
0x1b3: {  	s24 =	simm.s32 $0x8020;
	v5 =	vmul.f32 v13, v5;
	v6 =	vmul.f32 v6, v7;
	v7 =	vadd.s32 s28, v3  }
0x1b4: {  	v27 =	vand.u32 $0x4F, v27;
	s3 =	simm.s32 $0x60;
	v19 =	vld [tilespmem:s24+$0x10];
	v15 =	vmul.f32 v16, v15;
	v18 =	vmul.f32 v8, v18  }
0x1b5: {  	v25 =	vmov s3;
	v29 =	vor.u32 s3, v3;
	v5 =	vsub.f32 $1.500000000e+00, v5  }
0x1b6: {  	s2 =	simm.s32 $0x70;
	v25 =	vshll.u32 v25, $0x2;
	v23 =	vsub.f32 $1.500000000e+00, v15;
	v18 =	vsub.f32 $1.500000000e+00, v18  }
0x1b7: {  	v4 =	vmul.f32 v6, v4;
	v13 =	vmul.f32 v13, v5;
	v5 =	vmov s2  }
0x1b8: {  	v16 =	vmul.f32 v16, v23;
	v5 =	vshll.u32 v5, $0x2;
	v15 =	vld.idx.msk [tilespmem:v7+s14+$0x0], $0xffff;
	v7 =	vor.u32 s2, v3  }
0x1b9: {  	s25 =	simm.s32 $0x50;
	s23 =	simm.s32 $0xA020;
	v4 =	vmul.f32 v4, v19;
	v5 =	vand.u32 $0x7E00, v5;
	v7 =	vand.u32 $0x7F, v7  }
0x1ba: {  	v24 =	vld [tilespmem:s23+$0x10];
	v6 =	vmov s25;
	v9 =	vmul.f32 v16, v9;
	v5 =	vor.u32 v7, v5  }
0x1bb: {  	v18 =	vmul.f32 v8, v18;
	v8 =	vld [tilespmem:s23+$0xFFFFFFE0];
	(xrf2) =	vadd.scan.msk.f32 $0xffff, v4;
	v4 =	vmov s26;
	v26 =	vor.u32 $0x80, v5  }
0x1bc: {  	v9 =	vmul.f32 v9, v16;
	v7 =	vshll.u32 v4, $0x2;
	v4 =	vshll.u32 v6, $0x2;
	v6 =	vld.idx.msk [tilespmem:v20+s14+$0x0], $0xffff  }
0x1bd: {  	v29 =	vand.u32 $0x6F, v29;
	v20 =	vand.u32 $0x7E00, v4;
	v4 =	vld.idx.msk [tilespmem:v21+s14+$0x0], $0xffff;
	v21 =	vor.u32 $0x100, v5  }
0x1be: {  	v25 =	vand.u32 $0x7E00, v25;
	v19 =	vor.u32 s25, v3;
	v37 =	vsub.f32 $1.500000000e+00, v9;
	v9 =	vld [tilespmem:s23+$0x0]  }
0x1bf: {  	v14 =	vmul.f32 v13, v14;
	v17 =	vmul.f32 v18, v17;
	v28 =	vand.u32 $0x7E00, v7;
	v30 =	vld.idx.msk [tilespmem:v5+s1+$0x0], $0xffff  }
0x1c0: {  	v19 =	vand.u32 $0x5F, v19;
	v7 =	vor.u32 v27, v7;
	v28 =	vor.u32 v27, v28;
	v26 =	vld.idx.msk [tilespmem:v26+s1+$0x0], $0xffff  }
0x1c1: {  	v16 =	vmul.f32 v37, v16;
	v19 =	vor.u32 v19, v20;
	v23 =	vor.u32 $0x100, v7;
	v7 =	vld [tilespmem:s23+$0xFFFFFFF0]  }
0x1c2: {  	s29 =	simm.s32 $0x51;
	v14 =	vmul.f32 v14, v13;
	v20 =	vor.u32 v29, v25;
	v25 =	vor.u32 $0x80, v19;
	v21 =	vld.idx.msk [tilespmem:v21+s1+$0x0], $0xffff  }
0x1c3: {  	v36 =	vadd.s32 s29, v3;
	v11 =	vmul.f32 v16, v11;
	v16 =	vld [tilespmem:s24+$0xFFFFFFF0]  }
0x1c4: {  	v17 =	vmul.f32 v17, v18;
	v14 =	vsub.f32 $1.500000000e+00, v14;
	v31 =	vor.u32 $0x80, v28;
	v5 =	vld.idx.msk [tilespmem:v22+s14+$0x0], $0xffff  }
0x1c5: {  	v27 =	vor.u32 $0x80, v20;
	v28 =	vld.idx.msk [tilespmem:v28+s1+$0x0], $0xffff;
	v30 =	vmul.f32 v30, v30;
	v26 =	vmul.f32 v26, v26  }
0x1c6: {  	v17 =	vsub.f32 $1.500000000e+00, v17;
	v29 =	vor.u32 $0x100, v19;
	v13 =	vmul.f32 v14, v13;
	v14 =	vld.idx.msk [tilespmem:v19+s1+$0x0], $0xffff  }
0x1c7: {  	s28 =	simm.s32 $0x41;
	v32 =	vor.u32 $0x100, v20;
	v25 =	vld.idx.msk [tilespmem:v25+s1+$0x0], $0xffff;
	v21 =	vmul.f32 v21, v21;
	v26 =	vadd.f32 v26, v30  }
0x1c8: {  	v35 =	vadd.s32 s28, v3;
	vm3 =	vne.s32 v24, v15;
	v17 =	vmul.f32 v17, v18;
	v20 =	vld.idx.msk [tilespmem:v20+s1+$0x0], $0xffff  }
0x1c9: {  	vm2 =	vmor vm3, vm0;
	vm3 =	vmand vm3, vm1;
	v31 =	vld.idx.msk [tilespmem:v31+s1+$0x0], $0xffff;
	v21 =	vadd.f32 v21, v26  }
0x1ca: {  	vm4 =	vne.s32 v8, v6;
	v12 =	vmul.f32 v13, v12;
	v10 =	vmul.f32 v17, v10;
	v27 =	vld.idx.msk [tilespmem:v27+s1+$0x0], $0xffff  }
0x1cb: {  	vm5 =	vmor vm4, vm0;
	v16 =	vmul.f32 v11, v16;
	v62 =	vmax.f32 v21, $9.999999910e-38;
	v21 =	vld.idx.msk [tilespmem:v29+s1+$0x0], $0xffff  }
0x1cc: {  	v18 =	vmul.f32 v25, v25;
	v29 =	vld.idx.msk [tilespmem:v32+s1+$0x0], $0xffff;
	v25 =	vshra.s32 v62, $0x1;
	v26 =	vmul.f32 $5.000000000e-01, v62  }
0x1cd: {  	v23 =	vld.idx.msk [tilespmem:v23+s1+$0x0], $0xffff;
	v13 =	vmul.f32 v28, v28;
	v14 =	vmul.f32 v14, v14;
	v25 =	vsub.s32 $0x5F3759DF, v25  }
0x1ce: {  	v22 =	vld [tilespmem:s24+$0xFFFFFFE0];
	vm7 =	vne.s32 v7, v4;
	v33, _, _ =	vpop (xrf2);
	v19 =	vmul.f32 v31, v31;
	v28 =	vmul.f32 v25, v26  }
0x1cf: {  	v34 =	vsub.f32 $0.0e+00, v33;
	v20 =	vmul.f32 v20, v20;
	v27 =	vmul.f32 v27, v27  }
0x1d0: {  	v13 =	vadd.f32 v19, v13;
	v19 =	vld [tilespmem:s24+$0x0];
	v14 =	vadd.f32 v18, v14;
	v28 =	vmul.f32 v25, v28  }
0x1d1: {  	v17 =	vadd.f32 v27, v20;
	v18 =	vmul.f32 v21, v21;
	v20 =	vmul.f32 v29, v29  }
0x1d2: {  	vm8 =	vne.s32 v9, v5;
	v23 =	vmul.f32 v23, v23;
	v21 =	vsub.f32 $1.500000000e+00, v28  }
0x1d3: {  	s30 =	simm.s32 $0x61;
	v12 =	vmul.f32 v12, v22;
	v14 =	vadd.f32 v18, v14;
	v17 =	vadd.f32 v20, v17  }
0x1d4: {  	v30 =	vadd.s32 s30, v3;
	v11 =	vadd.f32 v23, v13;
	v18 =	vmul.f32 v25, v21  }
0x1d5: {  	(xrf2) =	vadd.scan.msk.f32 $0xffff, v12;
	v13 =	vmax.f32 v14, $9.999999910e-38;
	v25 =	vmul.f32 v10, v19;
	v12 =	vmax.f32 v17, $9.999999910e-38  }
0x1d6: {  	[tilespmem:v24+s19+$0x0] =	vst.idx.add.f32.msk vm2, v33;
	v14 =	vmax.f32 v11, $9.999999910e-38;
	v10 =	vshra.s32 v13, $0x1;
	v17 =	vmul.f32 v18, v26  }
0x1d7: {  	[tilespmem:v15+s19+$0x0] =	vst.idx.add.f32.msk vm3, v34;
	v19 =	vmul.f32 $5.000000000e-01, v13;
	v11 =	vshra.s32 v12, $0x1;
	v21 =	vshra.s32 v14, $0x1  }
0x1d8: {  	(xrf2) =	vadd.scan.msk.f32 $0xffff, v16;
	v20 =	vmul.f32 $5.000000000e-01, v14;
	v22 =	vsub.s32 $0x5F3759DF, v10;
	v17 =	vmul.f32 v17, v18  }
0x1d9: {  	v15 =	vld.idx.msk [tilespmem:v35+s14+$0x0], $0xffff;
	s24 =	simm.s32 $0x8060;
	v26 =	vsub.s32 $0x5F3759DF, v21;
	v21 =	vmul.f32 $5.000000000e-01, v12;
	v29 =	vmul.f32 v22, v19  }
0x1da: {  	v28 =	vld [tilespmem:s24+$0x10];
	v23 =	vsub.s32 $0x5F3759DF, v11;
	v24 =	vmul.f32 v26, v20;
	v17 =	vsub.f32 $1.500000000e+00, v17  }
0x1db: {  	s31 =	simm.s32 $0x71;
	vm4 =	vmand vm4, vm1;
	v11 =	vld.idx.msk [tilespmem:v30+s14+$0x0], $0xffff;
	(xrf2) =	vadd.scan.msk.f32 $0xffff, v25;
	v30 =	vmul.f32 v23, v21;
	v29 =	vmul.f32 v22, v29  }
0x1dc: {  	v27 =	vadd.s32 s31, v3;
	v16 =	vld [tilespmem:s24+$0xFFFFFFF0];
	v24 =	vmul.f32 v26, v24;
	v18 =	vmul.f32 v17, v18  }
0x1dd: {  	vm6 =	vmor vm7, vm0;
	vm2 =	vmand vm8, vm1;
	v10 =	vld.idx.msk [tilespmem:v36+s14+$0x0], $0xffff;
	v63 =	vmul.f32 v23, v30  }
0x1de: {  	vm3 =	vmand vm7, vm1;
	v31 =	vsub.f32 $1.500000000e+00, v24;
	v17 =	vld [tilespmem:s24+$0xFFFFFFE0];
	v30 =	vmul.f32 v18, v62  }
0x1df: {  	s25 =	simm.s32 $0x4;
	s26 =	simm.s32 $0xB1;
	vm7 =	vmor vm8, vm0;
	v24 =	vsub.f32 $1.500000000e+00, v29;
	v25 =	vsub.f32 $1.500000000e+00, v63;
	v29, _, _ =	vpop (xrf2);
	v18 =	vld [tilespmem:s24+$0x0]  }
.LBB2_8:
0x1e0: {  	s0 =	sadd.s32 $0xFFFFFFDF, s26;
	s30 =	sadd.s32 $0xFFFFFFFF, s26;
	s25 =	sadd.s32 $0x4, s25;
	v26 =	vmul.f32 v26, v31;
	v35 =	vmul.f32 v30, v28;
	[tilespmem:v8+s19+$0x0] =	vst.idx.add.f32.msk vm5, v29;
	v29 =	vsub.f32 $0.0e+00, v29  }
0x1e1: {  	s23 =	sadd.s32 $0x40, s23;
	v30 =	vmov s0;
	v31 =	vor.u32 s0, v3;
	s0 =	sadd.s32 $0xFFFFFFEF, s26;
	v8 =	vmov s30;
	p0 =	slt.u32 s25, $0x1FC;
	v27 =	vld.idx.msk [tilespmem:v27+s14+$0x0], $0xffff  }
0x1e2: {  	s31 =	sadd.s32 $0xFFFFFFCF, s26;
	s28 =	sadd.s32 $0xFFFFFFD0, s26;
	s29 =	sadd.s32 $0xFFFFFFE0, s26;
	v33 =	vor.u32 s30, v3;
	v32 =	vmov s0;
	v8 =	vshll.u32 v8, $0x2;
	v34 =	vld [tilespmem:s23+$0x10];
	(xrf2) =	vadd.scan.msk.f32 $0xffff, v35;
	v28, _, _ =	vpop (xrf2)  }
0x1e3: {  	s30 =	sadd.s32 $0xFFFFFFF0, s26;
	v35 =	vmov s31;
	v33 =	vand.u32 $0x7F, v33;
	v36 =	vand.u32 $0x7E00, v8;
	v8 =	vld [tilespmem:s23+$0xFFFFFFE0]  }
0x1e4: {  	v30 =	vshll.u32 v30, $0x2;
	v35 =	vshll.u32 v35, $0x2;
	v33 =	vor.u32 v33, v36;
	v36 =	vld [tilespmem:s23+$0xFFFFFFF0]  }
0x1e5: {  	v37 =	vor.u32 s31, v3;
	v32 =	vshll.u32 v32, $0x2;
	v38 =	vor.u32 $0x80, v33;
	v39 =	vld [tilespmem:s23+$0x0];
	v40, _, _ =	vpop (xrf2)  }
0x1e6: {  	v42 =	vor.u32 s0, v3;
	v30 =	vand.u32 $0x7E00, v30;
	v41 =	vand.u32 $0x7E00, v35;
	[tilespmem:v6+s19+$0x0] =	vst.idx.add.f32.msk vm4, v29;
	v6 =	vmovc v15  }
0x1e7: {  	v15 =	vand.u32 $0x7E00, v32;
	v29 =	vor.u32 $0x100, v33;
	vm4 =	vne.s32 v34, v27;
	[tilespmem:v7+s19+$0x0] =	vst.idx.add.f32.msk vm6, v28  }
0x1e8: {  	v31 =	vand.u32 $0x5F, v31;
	v32 =	vand.u32 $0x4F, v37;
	vm5 =	vmor vm4, vm0;
	[tilespmem:v9+s19+$0x0] =	vst.idx.add.f32.msk vm7, v40  }
0x1e9: {  	v37 =	vor.u32 v32, v41;
	v41 =	vand.u32 $0x6F, v42;
	vm4 =	vmand vm4, vm1;
	v33 =	vld.idx.msk [tilespmem:v33+s1+$0x0], $0xffff;
	v7 =	vmovc v36  }
0x1ea: {  	v30 =	vor.u32 v31, v30;
	v15 =	vor.u32 v41, v15;
	v36 =	vor.u32 $0x80, v37;
	v31 =	vld.idx.msk [tilespmem:v38+s1+$0x0], $0xffff;
	v9 =	vmovc v39  }
0x1eb: {  	v32 =	vor.u32 v32, v35;
	v35 =	vor.u32 $0x80, v30;
	v38 =	vor.u32 $0x80, v15  }
0x1ec: {  	v32 =	vor.u32 $0x100, v32;
	v41 =	vor.u32 $0x100, v15;
	v39 =	vor.u32 $0x100, v30;
	v29 =	vld.idx.msk [tilespmem:v29+s1+$0x0], $0xffff;
	v42, _, _ =	vpop (xrf2)  }
0x1ed: {  	v22 =	vmul.f32 v22, v24;
	v23 =	vmul.f32 v23, v25;
	v24 =	vsub.f32 $0.0e+00, v42  }
0x1ee: {  	v25 =	vadd.s32 s28, v3;
	v43 =	vadd.s32 s29, v3;
	v20 =	vmul.f32 v26, v20;
	[tilespmem:v34+s19+$0x0] =	vst.idx.add.f32.msk vm5, v42  }
0x1ef: {  	v19 =	vmul.f32 v22, v19;
	v21 =	vmul.f32 v23, v21;
	v34 =	vadd.s32 s30, v3;
	[tilespmem:v27+s19+$0x0] =	vst.idx.add.f32.msk vm4, v24  }
0x1f0: {  	v28 =	vsub.f32 $0.0e+00, v28;
	v27 =	vmul.f32 v33, v33;
	v31 =	vmul.f32 v31, v31;
	v24 =	vld.idx.msk [tilespmem:v36+s1+$0x0], $0xffff  }
0x1f1: {  	v20 =	vmul.f32 v20, v26;
	v19 =	vmul.f32 v19, v22;
	v33 =	vld.idx.msk [tilespmem:v35+s1+$0x0], $0xffff;
	v35 =	vsub.f32 $0.0e+00, v40  }
0x1f2: {  	v21 =	vmul.f32 v21, v23;
	v27 =	vadd.f32 v31, v27;
	v29 =	vmul.f32 v29, v29;
	v36 =	vld.idx.msk [tilespmem:v38+s1+$0x0], $0xffff  }
0x1f3: {  	v20 =	vsub.f32 $1.500000000e+00, v20;
	v19 =	vsub.f32 $1.500000000e+00, v19;
	vm4 =	vne.s32 v8, v6;
	v31 =	vld.idx.msk [tilespmem:v37+s1+$0x0], $0xffff  }
0x1f4: {  	v21 =	vsub.f32 $1.500000000e+00, v21;
	vm7 =	vne.s32 v7, v10;
	v27 =	vadd.f32 v29, v27;
	v30 =	vld.idx.msk [tilespmem:v30+s1+$0x0], $0xffff  }
0x1f5: {  	v19 =	vmul.f32 v19, v22;
	vm8 =	vne.s32 v9, v11;
	v29 =	vld.idx.msk [tilespmem:v15+s1+$0x0], $0xffff;
	v15 =	vmul.f32 v20, v26  }
0x1f6: {  	v21 =	vmul.f32 v21, v23;
	v20 =	vmul.f32 v24, v24;
	v24 =	vmax.f32 v27, $9.999999910e-38;
	v22 =	vld.idx.msk [tilespmem:v39+s1+$0x0], $0xffff  }
0x1f7: {  	v23 =	vmul.f32 v33, v33;
	v27 =	vshra.s32 v24, $0x1;
	v33 =	vmul.f32 $5.000000000e-01, v24;
	v26 =	vld.idx.msk [tilespmem:v41+s1+$0x0], $0xffff  }
0x1f8: {  	v36 =	vmul.f32 v36, v36;
	v27 =	vsub.s32 $0x5F3759DF, v27;
	v14 =	vmul.f32 v15, v14;
	v32 =	vld.idx.msk [tilespmem:v32+s1+$0x0], $0xffff  }
0x1f9: {  	vm5 =	vmor vm4, vm0;
	v31 =	vmul.f32 v31, v31;
	v15 =	vld.idx.msk [tilespmem:v25+s14+$0x0], $0xffff;
	v25 =	vmul.f32 v27, v33  }
0x1fa: {  	v13 =	vmul.f32 v19, v13;
	vm4 =	vmand vm4, vm1;
	v30 =	vmul.f32 v30, v30;
	v37 =	vld.idx.msk [tilespmem:v43+s14+$0x0], $0xffff  }
0x1fb: {  	v19 =	vadd.f32 v20, v31;
	v20 =	vmul.f32 v29, v29;
	v29 =	vld.idx.msk [tilespmem:v34+s14+$0x0], $0xffff;
	v25 =	vmul.f32 v27, v25  }
0x1fc: {  	v12 =	vmul.f32 v21, v12;
	v23 =	vadd.f32 v23, v30;
	v22 =	vmul.f32 v22, v22  }
0x1fd: {  	v20 =	vadd.f32 v36, v20;
	v21 =	vmul.f32 v26, v26;
	v25 =	vsub.f32 $1.500000000e+00, v25;
	[tilespmem:v4+s19+$0x0] =	vst.idx.add.f32.msk vm3, v28  }
0x1fe: {  	v14 =	vmul.f32 v14, v17;
	v26 =	vmul.f32 v32, v32;
	v22 =	vadd.f32 v22, v23;
	v4 =	vmovc v10  }
0x1ff: {  	v16 =	vmul.f32 v13, v16;
	v17 =	vadd.f32 v21, v20;
	v25 =	vmul.f32 v27, v25;
	v10 =	vmovc v37  }
0x200: {  	v18 =	vmul.f32 v12, v18;
	v19 =	vadd.f32 v26, v19;
	v13 =	vmax.f32 v22, $9.999999910e-38;
	(xrf2) =	vadd.scan.msk.f32 $0xffff, v14  }
0x201: {  	v21 =	vshra.s32 v13, $0x1;
	v12 =	vmax.f32 v17, $9.999999910e-38;
	v17 =	vmul.f32 v25, v33;
	[tilespmem:v5+s19+$0x0] =	vst.idx.add.f32.msk vm2, v35;
	v5 =	vmovc v11  }
0x202: {  	v14 =	vmax.f32 v19, $9.999999910e-38;
	v19 =	vmul.f32 $5.000000000e-01, v13;
	v23 =	vshra.s32 v12, $0x1;
	v11 =	vmovc v29  }
0x203: {  	v22 =	vshra.s32 v14, $0x1;
	v20 =	vmul.f32 $5.000000000e-01, v14;
	v17 =	vmul.f32 v17, v25;
	(xrf2) =	vadd.scan.msk.f32 $0xffff, v16  }
0x204: {  	v26 =	vsub.s32 $0x5F3759DF, v22;
	v22 =	vsub.s32 $0x5F3759DF, v21;
	v21 =	vmul.f32 $5.000000000e-01, v12  }
0x205: {  	s24 =	sadd.s32 $0x40, s24;
	v23 =	vsub.s32 $0x5F3759DF, v23;
	v16 =	vmul.f32 v26, v20;
	v27 =	vsub.f32 $1.500000000e+00, v17  }
.Ltmp3:
0x206: {  	vm6 =	vmor vm7, vm0;
	v29 =	vmul.f32 v22, v19;
	v30 =	vmul.f32 v23, v21;
	v28 =	vld [tilespmem:s24+$0x10];
	(xrf2) =	vadd.scan.msk.f32 $0xffff, v18;
	(pc) =	sbr.rel @p0 .LBB2_8-.Ltmp3, $4  }
0x207: {  	v18 =	vmul.f32 v26, v16;
	v17 =	vld [tilespmem:s24+$0xFFFFFFE0];
	v25 =	vmul.f32 v27, v25;
	v27 =	vadd.s32 s26, v3  }
0x208: {  	vm3 =	vmand vm7, vm1;
	v33 =	vmul.f32 v22, v29;
	v32 =	vmul.f32 v23, v30;
	v16 =	vld [tilespmem:s24+$0xFFFFFFF0]  }
0x209: {  	vm7 =	vmor vm8, vm0;
	v31 =	vsub.f32 $1.500000000e+00, v18;
	v18 =	vld [tilespmem:s24+$0x0];
	v30 =	vmul.f32 v25, v24  }
0x20a: {  	vm2 =	vmand vm8, vm1;
	s26 =	sadd.s32 $0x40, s26;
	v24 =	vsub.f32 $1.500000000e+00, v33;
	v25 =	vsub.f32 $1.500000000e+00, v32;
	v29, _, _ =	vpop (xrf2)  }
0x20b: {  	v26 =	vmul.f32 v26, v31;
	_ =	sdelay $0x1  }
0x20c: {  	v20 =	vmul.f32 v26, v20  }
0x20d: {  	v22 =	vmul.f32 v22, v24;
	v23 =	vmul.f32 v23, v25  }
0x20e: {  	v20 =	vmul.f32 v20, v26  }
0x20f: {  	v19 =	vmul.f32 v22, v19;
	v21 =	vmul.f32 v23, v21  }
0x210: {  	v20 =	vsub.f32 $1.500000000e+00, v20  }
0x211: {  	v19 =	vmul.f32 v19, v22;
	v21 =	vmul.f32 v21, v23  }
0x212: {  	v24 =	vmul.f32 v30, v28;
	v20 =	vmul.f32 v20, v26  }
0x213: {  	s0 =	sadd.s32 $0x40, s23;
	v25 =	vld.idx.msk [tilespmem:v27+s14+$0x0], $0xffff;
	v19 =	vsub.f32 $1.500000000e+00, v19;
	v21 =	vsub.f32 $1.500000000e+00, v21  }
0x214: {  	(xrf2) =	vadd.scan.msk.f32 $0xffff, v24;
	v26 =	vld [tilespmem:s0+$0x10];
	v14 =	vmul.f32 v20, v14  }
0x215: {  	v19 =	vmul.f32 v19, v22;
	v20 =	vmul.f32 v21, v23  }
0x216: {  	v14 =	vmul.f32 v14, v17  }
0x217: {  	v13 =	vmul.f32 v19, v13;
	v12 =	vmul.f32 v20, v12  }
0x218: {  	(xrf2) =	vadd.scan.msk.f32 $0xffff, v14  }
0x219: {  	v17 =	vld [tilespmem:s0+$0xFFFFFFE0];
	vm8 =	vne.s32 v26, v25;
	v13 =	vmul.f32 v13, v16;
	v12 =	vmul.f32 v12, v18  }
0x21a: {  	v14 =	vld [tilespmem:s0+$0xFFFFFFF0];
	vm9 =	vmor vm8, vm0  }
0x21b: {  	[tilespmem:v8+s19+$0x0] =	vst.idx.add.f32.msk vm5, v29;
	vm8 =	vmand vm8, vm1;
	(xrf2) =	vadd.scan.msk.f32 $0xffff, v13  }
0x21c: {  	v8, _, _ =	vpop (xrf2);
	v16 =	vsub.f32 $0.0e+00, v29;
	v18 =	vld [tilespmem:s0+$0x0]  }
0x21d: {  	[tilespmem:v7+s19+$0x0] =	vst.idx.add.f32.msk vm6, v8;
	(xrf2) =	vadd.scan.msk.f32 $0xffff, v12;
	v12, _, _ =	vpop (xrf2)  }
0x21e: {  	[tilespmem:v6+s19+$0x0] =	vst.idx.add.f32.msk vm4, v16;
	vm4 =	vne.s32 v17, v15;
	v6, _, _ =	vpop (xrf2)  }
0x21f: {  	vm5 =	vmor vm4, vm0;
	[tilespmem:v9+s19+$0x0] =	vst.idx.add.f32.msk vm7, v12;
	vm6 =	vne.s32 v14, v10;
	v7 =	vsub.f32 $0.0e+00, v6  }
0x220: {  	[tilespmem:v26+s19+$0x0] =	vst.idx.add.f32.msk vm9, v6;
	v6 =	vsub.f32 $0.0e+00, v8;
	vm15 =	vmor vm6, vm0  }
0x221: {  	vm4 =	vmand vm4, vm1;
	vm7 =	vne.s32 v18, v11;
	[tilespmem:v25+s19+$0x0] =	vst.idx.add.f32.msk vm8, v7;
	v7 =	vsub.f32 $0.0e+00, v12  }
0x222: {  	vm8 =	vmor vm7, vm0;
	[tilespmem:v4+s19+$0x0] =	vst.idx.add.f32.msk vm3, v6;
	v4, _, _ =	vpop (xrf2)  }
0x223: {  	vm3 =	vmand vm6, vm1;
	[tilespmem:v5+s19+$0x0] =	vst.idx.add.f32.msk vm2, v7;
	v5 =	vsub.f32 $0.0e+00, v4  }
0x224: {  	vm2 =	vmand vm7, vm1  }
0x225: {  	[tilespmem:v17+s19+$0x0] =	vst.idx.add.f32.msk vm5, v4;
	v4, _, _ =	vpop (xrf2)  }
0x226: {  	[tilespmem:v14+s19+$0x0] =	vst.idx.add.f32.msk vm15, v4  }
0x227: {  	v4 =	vsub.f32 $0.0e+00, v4;
	[tilespmem:v15+s19+$0x0] =	vst.idx.add.f32.msk vm4, v5;
	v5, _, _ =	vpop (xrf2)  }
0x228: {  	[tilespmem:v18+s19+$0x0] =	vst.idx.add.f32.msk vm8, v5;
	v5 =	vsub.f32 $0.0e+00, v5  }
0x229: {  	[tilespmem:v10+s19+$0x0] =	vst.idx.add.f32.msk vm3, v4  }
0x22a: {  	[tilespmem:v11+s19+$0x0] =	vst.idx.add.f32.msk vm2, v5  }
0x22b: {  	s2 =	rddreg [dreg:$0x9]  }
0x22c: {  	[tilespmem:s1], [sflag:$0x1] =	stream.linear.gather [hbm4b:s2+s1], $0x8000, $0x38;
	[tilespmem:$0x1A880] =	vst v63  }
0x22d: {  	s3 =	rddreg [dreg:$0x1a]  }
0x22e: {  	[tilespmem:s13], [sflag:$0x1] =	stream.linear.gather [hbm4b:s3+s1], $0x2000, $0x38;
	[tilespmem:$0x1A880] =	vst v63  }
0x22f: {  	s23 =	rddreg [dreg:$0x1b]  }
0x230: {  	[tilespmem:s14], [sflag:$0x1] =	stream.linear.gather [hbm4b:s23+s1], $0x2000, $0x38;
	[tilespmem:$0x1A880] =	vst v63  }
0x231: {  	s24 =	simm.s32 $0x30;
	_ =	swait.ge [sflag:s20], $0x8000  }
0x232: {  	v4 =	vmov s24;
	[sflag:s20] =	ssyncset.done $0x0  }
0x233: {  	v4 =	vshll.u32 v4, $0x2;
	v5 =	vor.u32 s24, v3;
	[sflag:s20] =	ssyncadd.s32 $0xFFFF8000  }
0x234: {  	v4 =	vand.u32 $0x7E00, v4;
	v5 =	vand.u32 $0x7F, v5;
	_ =	swait.ge [sflag:s20], $0x2000  }
0x235: {  	s26 =	simm.s32 $0x20;
	v4 =	vor.u32 v5, v4;
	[sflag:s20] =	ssyncset.done $0x0  }
0x236: {  	v13 =	vor.u32 s26, v3;
	v8 =	vmov s26;
	v6 =	vor.u32 $0x80, v4;
	[sflag:s20] =	ssyncadd.s32 $0xFFFFE000  }
0x237: {  	s25 =	simm.s32 $0x10;
	v13 =	vand.u32 $0x6F, v13;
	v8 =	vshll.u32 v8, $0x2;
	s24 =	simm.s32 $0x0;
	_ =	swait.ge [sflag:s20], $0x2000  }
0x238: {  	v7 =	vor.u32 s25, v3;
	v9 =	vmov s24;
	v10 =	vor.u32 $0x100, v4;
	[sflag:s20] =	ssyncset.done $0x0  }
0x239: {  	v11 =	vor.u32 s24, v3;
	v5 =	vmov s25;
	v9 =	vshll.u32 v9, $0x2;
	[sflag:s20] =	ssyncadd.s32 $0xFFFFE000  }
0x23a: {  	v11 =	vand.u32 $0x4F, v11;
	v5 =	vshll.u32 v5, $0x2;
	v12 =	vand.u32 $0x7E00, v9;
	v4 =	vld.idx.msk [tilespmem:v4+s15+$0x0], $0xffff  }
0x23b: {  	v7 =	vand.u32 $0x5F, v7;
	v5 =	vand.u32 $0x7E00, v5;
	v12 =	vor.u32 v11, v12;
	v6 =	vld.idx.msk [tilespmem:v6+s15+$0x0], $0xffff  }
0x23c: {  	v8 =	vand.u32 $0x7E00, v8;
	v14 =	vor.u32 $0x80, v12;
	v5 =	vor.u32 v7, v5  }
0x23d: {  	v7 =	vor.u32 v13, v8;
	v8 =	vor.u32 $0x80, v5;
	v10 =	vld.idx.msk [tilespmem:v10+s15+$0x0], $0xffff  }
0x23e: {  	v13 =	vor.u32 $0x80, v7;
	_ =	sdelay $0x1  }
0x23f: {  	v4 =	vmul.f32 v4, v4;
	v6 =	vmul.f32 v6, v6  }
0x240: {  	v14 =	vld.idx.msk [tilespmem:v14+s15+$0x0], $0xffff  }
0x241: {  	v15 =	vor.u32 $0x100, v5;
	v8 =	vld.idx.msk [tilespmem:v8+s15+$0x0], $0xffff;
	v4 =	vadd.f32 v6, v4;
	v6 =	vmul.f32 v10, v10  }
0x242: {  	v9 =	vor.u32 v11, v9;
	v11 =	vld.idx.msk [tilespmem:v13+s15+$0x0], $0xffff;
	v10 =	vor.u32 $0x100, v7  }
0x243: {  	v9 =	vor.u32 $0x100, v9;
	v12 =	vld.idx.msk [tilespmem:v12+s15+$0x0], $0xffff;
	v4 =	vadd.f32 v6, v4  }
0x244: {  	v5 =	vld.idx.msk [tilespmem:v5+s15+$0x0], $0xffff  }
0x245: {  	v6 =	vld.idx.msk [tilespmem:v7+s15+$0x0], $0xffff;
	v4 =	vmax.f32 v4, $9.999999910e-38  }
0x246: {  	v7 =	vld.idx.msk [tilespmem:v15+s15+$0x0], $0xffff;
	v13 =	vshra.s32 v4, $0x1;
	v15 =	vmul.f32 $5.000000000e-01, v4  }
0x247: {  	v14 =	vmul.f32 v14, v14;
	v10 =	vld.idx.msk [tilespmem:v10+s15+$0x0], $0xffff;
	v13 =	vsub.s32 $0x5F3759DF, v13  }
0x248: {  	v9 =	vld.idx.msk [tilespmem:v9+s15+$0x0], $0xffff;
	v8 =	vmul.f32 v8, v8;
	v16 =	vmul.f32 v13, v15  }
0x249: {  	s31 =	simm.s32 $0x21;
	v11 =	vmul.f32 v11, v11;
	v5 =	vmul.f32 v5, v5  }
0x24a: {  	v22 =	vadd.s32 s31, v3;
	v6 =	vmul.f32 v6, v6;
	v16 =	vmul.f32 v13, v16  }
0x24b: {  	v12 =	vmul.f32 v12, v12;
	v5 =	vadd.f32 v8, v5;
	v7 =	vmul.f32 v7, v7  }
0x24c: {  	v6 =	vadd.f32 v11, v6;
	v8 =	vmul.f32 v10, v10;
	v10 =	vsub.f32 $1.500000000e+00, v16  }
0x24d: {  	s30 =	simm.s32 $0x11;
	v9 =	vmul.f32 v9, v9;
	v11 =	vadd.f32 v14, v12;
	v5 =	vadd.f32 v7, v5  }
0x24e: {  	s29 =	simm.s32 $0x1;
	v21 =	vadd.s32 s30, v3;
	v6 =	vadd.f32 v8, v6;
	v7 =	vmul.f32 v13, v10  }
0x24f: {  	v20 =	vadd.s32 s29, v3;
	v8 =	vadd.f32 v9, v11;
	v11 =	vmax.f32 v5, $9.999999910e-38  }
0x250: {  	v5 =	vshra.s32 v11, $0x1;
	v10 =	vmax.f32 v6, $9.999999910e-38;
	v6 =	vmul.f32 v7, v15  }
0x251: {  	v9 =	vmul.f32 $5.000000000e-01, v11;
	v12 =	vmax.f32 v8, $9.999999910e-38;
	v16 =	vsub.s32 $0x5F3759DF, v5  }
0x252: {  	v13 =	vshra.s32 v12, $0x1;
	v14 =	vmul.f32 $5.000000000e-01, v12;
	v6 =	vmul.f32 v6, v7  }
0x253: {  	v8 =	vshra.s32 v10, $0x1;
	v17 =	vmul.f32 $5.000000000e-01, v10;
	v13 =	vsub.s32 $0x5F3759DF, v13  }
0x254: {  	s26 =	simm.s32 $0x40;
	v8 =	vsub.s32 $0x5F3759DF, v8;
	v5 =	vmul.f32 v13, v14;
	v6 =	vsub.f32 $1.500000000e+00, v6  }
0x255: {  	s28 =	simm.s32 $0x31;
	v27 =	vor.u32 s26, v3;
	v15 =	vmul.f32 v16, v9;
	v18 =	vmul.f32 v8, v17  }
0x256: {  	s24 =	simm.s32 $0x140A0;
	v5 =	vmul.f32 v13, v5;
	v6 =	vmul.f32 v6, v7;
	v7 =	vadd.s32 s28, v3  }
0x257: {  	v27 =	vand.u32 $0x4F, v27;
	s3 =	simm.s32 $0x60;
	v19 =	vld [tilespmem:s24+$0x10];
	v15 =	vmul.f32 v16, v15;
	v18 =	vmul.f32 v8, v18  }
0x258: {  	v25 =	vmov s3;
	v29 =	vor.u32 s3, v3;
	v5 =	vsub.f32 $1.500000000e+00, v5  }
0x259: {  	s2 =	simm.s32 $0x70;
	v25 =	vshll.u32 v25, $0x2;
	v23 =	vsub.f32 $1.500000000e+00, v15;
	v18 =	vsub.f32 $1.500000000e+00, v18  }
0x25a: {  	v4 =	vmul.f32 v6, v4;
	v13 =	vmul.f32 v13, v5;
	v5 =	vmov s2  }
0x25b: {  	v16 =	vmul.f32 v16, v23;
	v5 =	vshll.u32 v5, $0x2;
	v15 =	vld.idx.msk [tilespmem:v7+s17+$0x0], $0xffff;
	v7 =	vor.u32 s2, v3  }
0x25c: {  	s25 =	simm.s32 $0x50;
	s23 =	simm.s32 $0x160A0;
	v4 =	vmul.f32 v4, v19;
	v5 =	vand.u32 $0x7E00, v5;
	v7 =	vand.u32 $0x7F, v7  }
0x25d: {  	v24 =	vld [tilespmem:s23+$0x10];
	v6 =	vmov s25;
	v9 =	vmul.f32 v16, v9;
	v5 =	vor.u32 v7, v5  }
0x25e: {  	v18 =	vmul.f32 v8, v18;
	v8 =	vld [tilespmem:s23+$0xFFFFFFE0];
	(xrf2) =	vadd.scan.msk.f32 $0xffff, v4;
	v4 =	vmov s26;
	v26 =	vor.u32 $0x80, v5  }
0x25f: {  	v9 =	vmul.f32 v9, v16;
	v7 =	vshll.u32 v4, $0x2;
	v4 =	vshll.u32 v6, $0x2;
	v6 =	vld.idx.msk [tilespmem:v20+s17+$0x0], $0xffff  }
0x260: {  	v29 =	vand.u32 $0x6F, v29;
	v20 =	vand.u32 $0x7E00, v4;
	v4 =	vld.idx.msk [tilespmem:v21+s17+$0x0], $0xffff;
	v21 =	vor.u32 $0x100, v5  }
0x261: {  	v25 =	vand.u32 $0x7E00, v25;
	v19 =	vor.u32 s25, v3;
	v37 =	vsub.f32 $1.500000000e+00, v9;
	v9 =	vld [tilespmem:s23+$0x0]  }
0x262: {  	v14 =	vmul.f32 v13, v14;
	v17 =	vmul.f32 v18, v17;
	v28 =	vand.u32 $0x7E00, v7;
	v30 =	vld.idx.msk [tilespmem:v5+s15+$0x0], $0xffff  }
0x263: {  	v19 =	vand.u32 $0x5F, v19;
	v7 =	vor.u32 v27, v7;
	v28 =	vor.u32 v27, v28;
	v26 =	vld.idx.msk [tilespmem:v26+s15+$0x0], $0xffff  }
0x264: {  	v16 =	vmul.f32 v37, v16;
	v19 =	vor.u32 v19, v20;
	v23 =	vor.u32 $0x100, v7;
	v7 =	vld [tilespmem:s23+$0xFFFFFFF0]  }
0x265: {  	s29 =	simm.s32 $0x51;
	v14 =	vmul.f32 v14, v13;
	v20 =	vor.u32 v29, v25;
	v25 =	vor.u32 $0x80, v19;
	v21 =	vld.idx.msk [tilespmem:v21+s15+$0x0], $0xffff  }
0x266: {  	v36 =	vadd.s32 s29, v3;
	v11 =	vmul.f32 v16, v11;
	v16 =	vld [tilespmem:s24+$0xFFFFFFF0]  }
0x267: {  	v17 =	vmul.f32 v17, v18;
	v14 =	vsub.f32 $1.500000000e+00, v14;
	v31 =	vor.u32 $0x80, v28;
	v5 =	vld.idx.msk [tilespmem:v22+s17+$0x0], $0xffff  }
0x268: {  	v27 =	vor.u32 $0x80, v20;
	v28 =	vld.idx.msk [tilespmem:v28+s15+$0x0], $0xffff;
	v30 =	vmul.f32 v30, v30;
	v26 =	vmul.f32 v26, v26  }
0x269: {  	v17 =	vsub.f32 $1.500000000e+00, v17;
	v29 =	vor.u32 $0x100, v19;
	v13 =	vmul.f32 v14, v13;
	v14 =	vld.idx.msk [tilespmem:v19+s15+$0x0], $0xffff  }
0x26a: {  	s28 =	simm.s32 $0x41;
	v32 =	vor.u32 $0x100, v20;
	v25 =	vld.idx.msk [tilespmem:v25+s15+$0x0], $0xffff;
	v21 =	vmul.f32 v21, v21;
	v26 =	vadd.f32 v26, v30  }
0x26b: {  	v35 =	vadd.s32 s28, v3;
	vm3 =	vne.s32 v24, v15;
	v17 =	vmul.f32 v17, v18;
	v20 =	vld.idx.msk [tilespmem:v20+s15+$0x0], $0xffff  }
0x26c: {  	vm2 =	vmor vm3, vm0;
	vm3 =	vmand vm3, vm1;
	v31 =	vld.idx.msk [tilespmem:v31+s15+$0x0], $0xffff;
	v21 =	vadd.f32 v21, v26  }
0x26d: {  	vm4 =	vne.s32 v8, v6;
	v12 =	vmul.f32 v13, v12;
	v10 =	vmul.f32 v17, v10;
	v27 =	vld.idx.msk [tilespmem:v27+s15+$0x0], $0xffff  }
0x26e: {  	vm5 =	vmor vm4, vm0;
	v16 =	vmul.f32 v11, v16;
	v62 =	vmax.f32 v21, $9.999999910e-38;
	v21 =	vld.idx.msk [tilespmem:v29+s15+$0x0], $0xffff  }
0x26f: {  	v18 =	vmul.f32 v25, v25;
	v29 =	vld.idx.msk [tilespmem:v32+s15+$0x0], $0xffff;
	v25 =	vshra.s32 v62, $0x1;
	v26 =	vmul.f32 $5.000000000e-01, v62  }
0x270: {  	v23 =	vld.idx.msk [tilespmem:v23+s15+$0x0], $0xffff;
	v13 =	vmul.f32 v28, v28;
	v14 =	vmul.f32 v14, v14;
	v25 =	vsub.s32 $0x5F3759DF, v25  }
0x271: {  	v22 =	vld [tilespmem:s24+$0xFFFFFFE0];
	vm7 =	vne.s32 v7, v4;
	v33, _, _ =	vpop (xrf2);
	v19 =	vmul.f32 v31, v31;
	v28 =	vmul.f32 v25, v26  }
0x272: {  	v34 =	vsub.f32 $0.0e+00, v33;
	v20 =	vmul.f32 v20, v20;
	v27 =	vmul.f32 v27, v27  }
0x273: {  	v13 =	vadd.f32 v19, v13;
	v19 =	vld [tilespmem:s24+$0x0];
	v14 =	vadd.f32 v18, v14;
	v28 =	vmul.f32 v25, v28  }
0x274: {  	v17 =	vadd.f32 v27, v20;
	v18 =	vmul.f32 v21, v21;
	v20 =	vmul.f32 v29, v29  }
0x275: {  	vm8 =	vne.s32 v9, v5;
	v23 =	vmul.f32 v23, v23;
	v21 =	vsub.f32 $1.500000000e+00, v28  }
0x276: {  	s30 =	simm.s32 $0x61;
	v12 =	vmul.f32 v12, v22;
	v14 =	vadd.f32 v18, v14;
	v17 =	vadd.f32 v20, v17  }
0x277: {  	v30 =	vadd.s32 s30, v3;
	v11 =	vadd.f32 v23, v13;
	v18 =	vmul.f32 v25, v21  }
0x278: {  	(xrf2) =	vadd.scan.msk.f32 $0xffff, v12;
	v13 =	vmax.f32 v14, $9.999999910e-38;
	v25 =	vmul.f32 v10, v19;
	v12 =	vmax.f32 v17, $9.999999910e-38  }
0x279: {  	[tilespmem:v24+s19+$0x0] =	vst.idx.add.f32.msk vm2, v33;
	v14 =	vmax.f32 v11, $9.999999910e-38;
	v10 =	vshra.s32 v13, $0x1;
	v17 =	vmul.f32 v18, v26  }
0x27a: {  	[tilespmem:v15+s19+$0x0] =	vst.idx.add.f32.msk vm3, v34;
	v19 =	vmul.f32 $5.000000000e-01, v13;
	v11 =	vshra.s32 v12, $0x1;
	v21 =	vshra.s32 v14, $0x1  }
0x27b: {  	(xrf2) =	vadd.scan.msk.f32 $0xffff, v16;
	v20 =	vmul.f32 $5.000000000e-01, v14;
	v22 =	vsub.s32 $0x5F3759DF, v10;
	v17 =	vmul.f32 v17, v18  }
0x27c: {  	v15 =	vld.idx.msk [tilespmem:v35+s17+$0x0], $0xffff;
	s24 =	simm.s32 $0x140E0;
	v26 =	vsub.s32 $0x5F3759DF, v21;
	v21 =	vmul.f32 $5.000000000e-01, v12;
	v29 =	vmul.f32 v22, v19  }
0x27d: {  	v28 =	vld [tilespmem:s24+$0x10];
	v23 =	vsub.s32 $0x5F3759DF, v11;
	v24 =	vmul.f32 v26, v20;
	v17 =	vsub.f32 $1.500000000e+00, v17  }
0x27e: {  	s31 =	simm.s32 $0x71;
	vm4 =	vmand vm4, vm1;
	v11 =	vld.idx.msk [tilespmem:v30+s17+$0x0], $0xffff;
	(xrf2) =	vadd.scan.msk.f32 $0xffff, v25;
	v30 =	vmul.f32 v23, v21;
	v29 =	vmul.f32 v22, v29  }
0x27f: {  	v27 =	vadd.s32 s31, v3;
	v16 =	vld [tilespmem:s24+$0xFFFFFFF0];
	v24 =	vmul.f32 v26, v24;
	v18 =	vmul.f32 v17, v18  }
0x280: {  	vm6 =	vmor vm7, vm0;
	vm2 =	vmand vm8, vm1;
	v10 =	vld.idx.msk [tilespmem:v36+s17+$0x0], $0xffff;
	v63 =	vmul.f32 v23, v30  }
0x281: {  	vm3 =	vmand vm7, vm1;
	v31 =	vsub.f32 $1.500000000e+00, v24;
	v17 =	vld [tilespmem:s24+$0xFFFFFFE0];
	v30 =	vmul.f32 v18, v62  }
0x282: {  	s25 =	simm.s32 $0x4;
	s26 =	simm.s32 $0xB1;
	vm7 =	vmor vm8, vm0;
	v24 =	vsub.f32 $1.500000000e+00, v29;
	v25 =	vsub.f32 $1.500000000e+00, v63;
	v29, _, _ =	vpop (xrf2);
	v18 =	vld [tilespmem:s24+$0x0]  }
.LBB2_10:
0x283: {  	s0 =	sadd.s32 $0xFFFFFFDF, s26;
	s30 =	sadd.s32 $0xFFFFFFFF, s26;
	s25 =	sadd.s32 $0x4, s25;
	v26 =	vmul.f32 v26, v31;
	v35 =	vmul.f32 v30, v28;
	[tilespmem:v8+s19+$0x0] =	vst.idx.add.f32.msk vm5, v29;
	v29 =	vsub.f32 $0.0e+00, v29  }
0x284: {  	s23 =	sadd.s32 $0x40, s23;
	v30 =	vmov s0;
	v31 =	vor.u32 s0, v3;
	s0 =	sadd.s32 $0xFFFFFFEF, s26;
	v8 =	vmov s30;
	p0 =	slt.u32 s25, $0x1FC;
	v27 =	vld.idx.msk [tilespmem:v27+s17+$0x0], $0xffff  }
0x285: {  	s31 =	sadd.s32 $0xFFFFFFCF, s26;
	s28 =	sadd.s32 $0xFFFFFFD0, s26;
	s29 =	sadd.s32 $0xFFFFFFE0, s26;
	v33 =	vor.u32 s30, v3;
	v32 =	vmov s0;
	v8 =	vshll.u32 v8, $0x2;
	v34 =	vld [tilespmem:s23+$0x10];
	(xrf2) =	vadd.scan.msk.f32 $0xffff, v35;
	v28, _, _ =	vpop (xrf2)  }
0x286: {  	s30 =	sadd.s32 $0xFFFFFFF0, s26;
	v35 =	vmov s31;
	v33 =	vand.u32 $0x7F, v33;
	v36 =	vand.u32 $0x7E00, v8;
	v8 =	vld [tilespmem:s23+$0xFFFFFFE0]  }
0x287: {  	v30 =	vshll.u32 v30, $0x2;
	v35 =	vshll.u32 v35, $0x2;
	v33 =	vor.u32 v33, v36;
	v36 =	vld [tilespmem:s23+$0xFFFFFFF0]  }
0x288: {  	v37 =	vor.u32 s31, v3;
	v32 =	vshll.u32 v32, $0x2;
	v38 =	vor.u32 $0x80, v33;
	v39 =	vld [tilespmem:s23+$0x0];
	v40, _, _ =	vpop (xrf2)  }
0x289: {  	v42 =	vor.u32 s0, v3;
	v30 =	vand.u32 $0x7E00, v30;
	v41 =	vand.u32 $0x7E00, v35;
	[tilespmem:v6+s19+$0x0] =	vst.idx.add.f32.msk vm4, v29;
	v6 =	vmovc v15  }
0x28a: {  	v15 =	vand.u32 $0x7E00, v32;
	v29 =	vor.u32 $0x100, v33;
	vm4 =	vne.s32 v34, v27;
	[tilespmem:v7+s19+$0x0] =	vst.idx.add.f32.msk vm6, v28  }
0x28b: {  	v31 =	vand.u32 $0x5F, v31;
	v32 =	vand.u32 $0x4F, v37;
	vm5 =	vmor vm4, vm0;
	[tilespmem:v9+s19+$0x0] =	vst.idx.add.f32.msk vm7, v40  }
0x28c: {  	v37 =	vor.u32 v32, v41;
	v41 =	vand.u32 $0x6F, v42;
	vm4 =	vmand vm4, vm1;
	v33 =	vld.idx.msk [tilespmem:v33+s15+$0x0], $0xffff;
	v7 =	vmovc v36  }
0x28d: {  	v30 =	vor.u32 v31, v30;
	v15 =	vor.u32 v41, v15;
	v36 =	vor.u32 $0x80, v37;
	v31 =	vld.idx.msk [tilespmem:v38+s15+$0x0], $0xffff;
	v9 =	vmovc v39  }
0x28e: {  	v32 =	vor.u32 v32, v35;
	v35 =	vor.u32 $0x80, v30;
	v38 =	vor.u32 $0x80, v15  }
0x28f: {  	v32 =	vor.u32 $0x100, v32;
	v41 =	vor.u32 $0x100, v15;
	v39 =	vor.u32 $0x100, v30;
	v29 =	vld.idx.msk [tilespmem:v29+s15+$0x0], $0xffff;
	v42, _, _ =	vpop (xrf2)  }
0x290: {  	v22 =	vmul.f32 v22, v24;
	v23 =	vmul.f32 v23, v25;
	v24 =	vsub.f32 $0.0e+00, v42  }
0x291: {  	v25 =	vadd.s32 s28, v3;
	v43 =	vadd.s32 s29, v3;
	v20 =	vmul.f32 v26, v20;
	[tilespmem:v34+s19+$0x0] =	vst.idx.add.f32.msk vm5, v42  }
0x292: {  	v19 =	vmul.f32 v22, v19;
	v21 =	vmul.f32 v23, v21;
	v34 =	vadd.s32 s30, v3;
	[tilespmem:v27+s19+$0x0] =	vst.idx.add.f32.msk vm4, v24  }
0x293: {  	v28 =	vsub.f32 $0.0e+00, v28;
	v27 =	vmul.f32 v33, v33;
	v31 =	vmul.f32 v31, v31;
	v24 =	vld.idx.msk [tilespmem:v36+s15+$0x0], $0xffff  }
0x294: {  	v20 =	vmul.f32 v20, v26;
	v19 =	vmul.f32 v19, v22;
	v33 =	vld.idx.msk [tilespmem:v35+s15+$0x0], $0xffff;
	v35 =	vsub.f32 $0.0e+00, v40  }
0x295: {  	v21 =	vmul.f32 v21, v23;
	v27 =	vadd.f32 v31, v27;
	v29 =	vmul.f32 v29, v29;
	v36 =	vld.idx.msk [tilespmem:v38+s15+$0x0], $0xffff  }
0x296: {  	v20 =	vsub.f32 $1.500000000e+00, v20;
	v19 =	vsub.f32 $1.500000000e+00, v19;
	vm4 =	vne.s32 v8, v6;
	v31 =	vld.idx.msk [tilespmem:v37+s15+$0x0], $0xffff  }
0x297: {  	v21 =	vsub.f32 $1.500000000e+00, v21;
	vm7 =	vne.s32 v7, v10;
	v27 =	vadd.f32 v29, v27;
	v30 =	vld.idx.msk [tilespmem:v30+s15+$0x0], $0xffff  }
0x298: {  	v19 =	vmul.f32 v19, v22;
	vm8 =	vne.s32 v9, v11;
	v29 =	vld.idx.msk [tilespmem:v15+s15+$0x0], $0xffff;
	v15 =	vmul.f32 v20, v26  }
0x299: {  	v21 =	vmul.f32 v21, v23;
	v20 =	vmul.f32 v24, v24;
	v24 =	vmax.f32 v27, $9.999999910e-38;
	v22 =	vld.idx.msk [tilespmem:v39+s15+$0x0], $0xffff  }
0x29a: {  	v23 =	vmul.f32 v33, v33;
	v27 =	vshra.s32 v24, $0x1;
	v33 =	vmul.f32 $5.000000000e-01, v24;
	v26 =	vld.idx.msk [tilespmem:v41+s15+$0x0], $0xffff  }
0x29b: {  	v36 =	vmul.f32 v36, v36;
	v27 =	vsub.s32 $0x5F3759DF, v27;
	v14 =	vmul.f32 v15, v14;
	v32 =	vld.idx.msk [tilespmem:v32+s15+$0x0], $0xffff  }
0x29c: {  	vm5 =	vmor vm4, vm0;
	v31 =	vmul.f32 v31, v31;
	v15 =	vld.idx.msk [tilespmem:v25+s17+$0x0], $0xffff;
	v25 =	vmul.f32 v27, v33  }
0x29d: {  	v13 =	vmul.f32 v19, v13;
	vm4 =	vmand vm4, vm1;
	v30 =	vmul.f32 v30, v30;
	v37 =	vld.idx.msk [tilespmem:v43+s17+$0x0], $0xffff  }
0x29e: {  	v19 =	vadd.f32 v20, v31;
	v20 =	vmul.f32 v29, v29;
	v29 =	vld.idx.msk [tilespmem:v34+s17+$0x0], $0xffff;
	v25 =	vmul.f32 v27, v25  }
0x29f: {  	v12 =	vmul.f32 v21, v12;
	v23 =	vadd.f32 v23, v30;
	v22 =	vmul.f32 v22, v22  }
0x2a0: {  	v20 =	vadd.f32 v36, v20;
	v21 =	vmul.f32 v26, v26;
	v25 =	vsub.f32 $1.500000000e+00, v25;
	[tilespmem:v4+s19+$0x0] =	vst.idx.add.f32.msk vm3, v28  }
0x2a1: {  	v14 =	vmul.f32 v14, v17;
	v26 =	vmul.f32 v32, v32;
	v22 =	vadd.f32 v22, v23;
	v4 =	vmovc v10  }
0x2a2: {  	v16 =	vmul.f32 v13, v16;
	v17 =	vadd.f32 v21, v20;
	v25 =	vmul.f32 v27, v25;
	v10 =	vmovc v37  }
0x2a3: {  	v18 =	vmul.f32 v12, v18;
	v19 =	vadd.f32 v26, v19;
	v13 =	vmax.f32 v22, $9.999999910e-38;
	(xrf2) =	vadd.scan.msk.f32 $0xffff, v14  }
0x2a4: {  	v21 =	vshra.s32 v13, $0x1;
	v12 =	vmax.f32 v17, $9.999999910e-38;
	v17 =	vmul.f32 v25, v33;
	[tilespmem:v5+s19+$0x0] =	vst.idx.add.f32.msk vm2, v35;
	v5 =	vmovc v11  }
0x2a5: {  	v14 =	vmax.f32 v19, $9.999999910e-38;
	v19 =	vmul.f32 $5.000000000e-01, v13;
	v23 =	vshra.s32 v12, $0x1;
	v11 =	vmovc v29  }
0x2a6: {  	v22 =	vshra.s32 v14, $0x1;
	v20 =	vmul.f32 $5.000000000e-01, v14;
	v17 =	vmul.f32 v17, v25;
	(xrf2) =	vadd.scan.msk.f32 $0xffff, v16  }
0x2a7: {  	v26 =	vsub.s32 $0x5F3759DF, v22;
	v22 =	vsub.s32 $0x5F3759DF, v21;
	v21 =	vmul.f32 $5.000000000e-01, v12  }
0x2a8: {  	s24 =	sadd.s32 $0x40, s24;
	v23 =	vsub.s32 $0x5F3759DF, v23;
	v16 =	vmul.f32 v26, v20;
	v27 =	vsub.f32 $1.500000000e+00, v17  }
.Ltmp4:
0x2a9: {  	vm6 =	vmor vm7, vm0;
	v29 =	vmul.f32 v22, v19;
	v30 =	vmul.f32 v23, v21;
	v28 =	vld [tilespmem:s24+$0x10];
	(xrf2) =	vadd.scan.msk.f32 $0xffff, v18;
	(pc) =	sbr.rel @p0 .LBB2_10-.Ltmp4, $4  }
0x2aa: {  	v18 =	vmul.f32 v26, v16;
	v17 =	vld [tilespmem:s24+$0xFFFFFFE0];
	v25 =	vmul.f32 v27, v25;
	v27 =	vadd.s32 s26, v3  }
0x2ab: {  	vm3 =	vmand vm7, vm1;
	v33 =	vmul.f32 v22, v29;
	v32 =	vmul.f32 v23, v30;
	v16 =	vld [tilespmem:s24+$0xFFFFFFF0]  }
0x2ac: {  	vm7 =	vmor vm8, vm0;
	v31 =	vsub.f32 $1.500000000e+00, v18;
	v18 =	vld [tilespmem:s24+$0x0];
	v30 =	vmul.f32 v25, v24  }
0x2ad: {  	vm2 =	vmand vm8, vm1;
	s26 =	sadd.s32 $0x40, s26;
	v24 =	vsub.f32 $1.500000000e+00, v33;
	v25 =	vsub.f32 $1.500000000e+00, v32;
	v29, _, _ =	vpop (xrf2)  }
0x2ae: {  	v26 =	vmul.f32 v26, v31;
	_ =	sdelay $0x1  }
0x2af: {  	v20 =	vmul.f32 v26, v20  }
0x2b0: {  	v22 =	vmul.f32 v22, v24;
	v23 =	vmul.f32 v23, v25  }
0x2b1: {  	v20 =	vmul.f32 v20, v26  }
0x2b2: {  	v19 =	vmul.f32 v22, v19;
	v21 =	vmul.f32 v23, v21  }
0x2b3: {  	v20 =	vsub.f32 $1.500000000e+00, v20  }
0x2b4: {  	v19 =	vmul.f32 v19, v22;
	v21 =	vmul.f32 v21, v23  }
0x2b5: {  	v24 =	vmul.f32 v30, v28;
	v20 =	vmul.f32 v20, v26  }
0x2b6: {  	s0 =	sadd.s32 $0x40, s23;
	v25 =	vld.idx.msk [tilespmem:v27+s17+$0x0], $0xffff;
	v19 =	vsub.f32 $1.500000000e+00, v19;
	v21 =	vsub.f32 $1.500000000e+00, v21  }
0x2b7: {  	(xrf2) =	vadd.scan.msk.f32 $0xffff, v24;
	v26 =	vld [tilespmem:s0+$0x10];
	v14 =	vmul.f32 v20, v14  }
0x2b8: {  	v19 =	vmul.f32 v19, v22;
	v20 =	vmul.f32 v21, v23  }
0x2b9: {  	v14 =	vmul.f32 v14, v17  }
0x2ba: {  	v13 =	vmul.f32 v19, v13;
	v12 =	vmul.f32 v20, v12  }
0x2bb: {  	(xrf2) =	vadd.scan.msk.f32 $0xffff, v14  }
0x2bc: {  	v17 =	vld [tilespmem:s0+$0xFFFFFFE0];
	vm8 =	vne.s32 v26, v25;
	v13 =	vmul.f32 v13, v16;
	v12 =	vmul.f32 v12, v18  }
0x2bd: {  	v14 =	vld [tilespmem:s0+$0xFFFFFFF0];
	vm9 =	vmor vm8, vm0  }
0x2be: {  	[tilespmem:v8+s19+$0x0] =	vst.idx.add.f32.msk vm5, v29;
	vm8 =	vmand vm8, vm1;
	(xrf2) =	vadd.scan.msk.f32 $0xffff, v13  }
0x2bf: {  	v8, _, _ =	vpop (xrf2);
	v16 =	vsub.f32 $0.0e+00, v29;
	v18 =	vld [tilespmem:s0+$0x0]  }
0x2c0: {  	[tilespmem:v7+s19+$0x0] =	vst.idx.add.f32.msk vm6, v8;
	(xrf2) =	vadd.scan.msk.f32 $0xffff, v12;
	v12, _, _ =	vpop (xrf2)  }
0x2c1: {  	[tilespmem:v6+s19+$0x0] =	vst.idx.add.f32.msk vm4, v16;
	vm4 =	vne.s32 v17, v15;
	v6, _, _ =	vpop (xrf2)  }
0x2c2: {  	vm5 =	vmor vm4, vm0;
	[tilespmem:v9+s19+$0x0] =	vst.idx.add.f32.msk vm7, v12;
	vm6 =	vne.s32 v14, v10;
	v7 =	vsub.f32 $0.0e+00, v6  }
0x2c3: {  	[tilespmem:v26+s19+$0x0] =	vst.idx.add.f32.msk vm9, v6;
	v6 =	vsub.f32 $0.0e+00, v8;
	vm15 =	vmor vm6, vm0  }
0x2c4: {  	vm4 =	vmand vm4, vm1;
	vm7 =	vne.s32 v18, v11;
	[tilespmem:v25+s19+$0x0] =	vst.idx.add.f32.msk vm8, v7;
	v7 =	vsub.f32 $0.0e+00, v12  }
0x2c5: {  	vm8 =	vmor vm7, vm0;
	[tilespmem:v4+s19+$0x0] =	vst.idx.add.f32.msk vm3, v6;
	v4, _, _ =	vpop (xrf2)  }
0x2c6: {  	vm3 =	vmand vm6, vm1;
	[tilespmem:v5+s19+$0x0] =	vst.idx.add.f32.msk vm2, v7;
	v5 =	vsub.f32 $0.0e+00, v4  }
0x2c7: {  	vm2 =	vmand vm7, vm1  }
0x2c8: {  	[tilespmem:v17+s19+$0x0] =	vst.idx.add.f32.msk vm5, v4;
	v4, _, _ =	vpop (xrf2)  }
0x2c9: {  	[tilespmem:v14+s19+$0x0] =	vst.idx.add.f32.msk vm15, v4  }
0x2ca: {  	v4 =	vsub.f32 $0.0e+00, v4;
	[tilespmem:v15+s19+$0x0] =	vst.idx.add.f32.msk vm4, v5;
	v5, _, _ =	vpop (xrf2)  }
0x2cb: {  	[tilespmem:v18+s19+$0x0] =	vst.idx.add.f32.msk vm8, v5;
	v5 =	vsub.f32 $0.0e+00, v5  }
0x2cc: {  	[tilespmem:v10+s19+$0x0] =	vst.idx.add.f32.msk vm3, v4  }
0x2cd: {  	[tilespmem:v11+s19+$0x0] =	vst.idx.add.f32.msk vm2, v5  }
0x2ce: {  	s2 =	rddreg [dreg:$0xa]  }
0x2cf: {  	[tilespmem:s15], [sflag:$0x2] =	stream.linear.gather [hbm4b:s2+s1], $0x8000, $0x38;
	[tilespmem:$0x1A880] =	vst v63  }
0x2d0: {  	s3 =	rddreg [dreg:$0x1c]  }
0x2d1: {  	[tilespmem:s16], [sflag:$0x2] =	stream.linear.gather [hbm4b:s3+s1], $0x2000, $0x38;
	[tilespmem:$0x1A880] =	vst v63  }
0x2d2: {  	s23 =	rddreg [dreg:$0x1d]  }
0x2d3: {  	[tilespmem:s17], [sflag:$0x2] =	stream.linear.gather [hbm4b:s23+s1], $0x2000, $0x38;
	[tilespmem:$0x1A880] =	vst v63  }
0x2d4: {  	s24 =	simm.s32 $0x30;
	_ =	swait.ge [sflag:s18], $0x8000  }
0x2d5: {  	v4 =	vmov s24;
	[sflag:s18] =	ssyncset.done $0x0  }
0x2d6: {  	v4 =	vshll.u32 v4, $0x2;
	v5 =	vor.u32 s24, v3;
	[sflag:s18] =	ssyncadd.s32 $0xFFFF8000  }
0x2d7: {  	v4 =	vand.u32 $0x7E00, v4;
	v5 =	vand.u32 $0x7F, v5;
	_ =	swait.ge [sflag:s18], $0x2000  }
0x2d8: {  	s26 =	simm.s32 $0x20;
	v4 =	vor.u32 v5, v4;
	[sflag:s18] =	ssyncset.done $0x0  }
0x2d9: {  	v13 =	vor.u32 s26, v3;
	v8 =	vmov s26;
	v6 =	vor.u32 $0x80, v4;
	[sflag:s18] =	ssyncadd.s32 $0xFFFFE000  }
0x2da: {  	s25 =	simm.s32 $0x10;
	v13 =	vand.u32 $0x6F, v13;
	v8 =	vshll.u32 v8, $0x2;
	s24 =	simm.s32 $0x0;
	_ =	swait.ge [sflag:s18], $0x2000  }
0x2db: {  	v7 =	vor.u32 s25, v3;
	v9 =	vmov s24;
	v10 =	vor.u32 $0x100, v4;
	[sflag:s18] =	ssyncset.done $0x0  }
0x2dc: {  	v11 =	vor.u32 s24, v3;
	v5 =	vmov s25;
	v9 =	vshll.u32 v9, $0x2;
	[sflag:s18] =	ssyncadd.s32 $0xFFFFE000  }
0x2dd: {  	v11 =	vand.u32 $0x4F, v11;
	v5 =	vshll.u32 v5, $0x2;
	v12 =	vand.u32 $0x7E00, v9;
	v4 =	vld.idx.msk [tilespmem:v4+s1+$0x0], $0xffff  }
0x2de: {  	v7 =	vand.u32 $0x5F, v7;
	v5 =	vand.u32 $0x7E00, v5;
	v12 =	vor.u32 v11, v12;
	v6 =	vld.idx.msk [tilespmem:v6+s1+$0x0], $0xffff  }
0x2df: {  	v8 =	vand.u32 $0x7E00, v8;
	v14 =	vor.u32 $0x80, v12;
	v5 =	vor.u32 v7, v5  }
0x2e0: {  	v7 =	vor.u32 v13, v8;
	v8 =	vor.u32 $0x80, v5;
	v10 =	vld.idx.msk [tilespmem:v10+s1+$0x0], $0xffff  }
0x2e1: {  	v13 =	vor.u32 $0x80, v7;
	_ =	sdelay $0x1  }
0x2e2: {  	v4 =	vmul.f32 v4, v4;
	v6 =	vmul.f32 v6, v6  }
0x2e3: {  	v14 =	vld.idx.msk [tilespmem:v14+s1+$0x0], $0xffff  }
0x2e4: {  	v15 =	vor.u32 $0x100, v5;
	v8 =	vld.idx.msk [tilespmem:v8+s1+$0x0], $0xffff;
	v4 =	vadd.f32 v6, v4;
	v6 =	vmul.f32 v10, v10  }
0x2e5: {  	v9 =	vor.u32 v11, v9;
	v11 =	vld.idx.msk [tilespmem:v13+s1+$0x0], $0xffff;
	v10 =	vor.u32 $0x100, v7  }
0x2e6: {  	v9 =	vor.u32 $0x100, v9;
	v12 =	vld.idx.msk [tilespmem:v12+s1+$0x0], $0xffff;
	v4 =	vadd.f32 v6, v4  }
0x2e7: {  	v5 =	vld.idx.msk [tilespmem:v5+s1+$0x0], $0xffff  }
0x2e8: {  	v6 =	vld.idx.msk [tilespmem:v7+s1+$0x0], $0xffff;
	v4 =	vmax.f32 v4, $9.999999910e-38  }
0x2e9: {  	v7 =	vld.idx.msk [tilespmem:v15+s1+$0x0], $0xffff;
	v13 =	vshra.s32 v4, $0x1;
	v15 =	vmul.f32 $5.000000000e-01, v4  }
0x2ea: {  	v14 =	vmul.f32 v14, v14;
	v10 =	vld.idx.msk [tilespmem:v10+s1+$0x0], $0xffff;
	v13 =	vsub.s32 $0x5F3759DF, v13  }
0x2eb: {  	v9 =	vld.idx.msk [tilespmem:v9+s1+$0x0], $0xffff;
	v8 =	vmul.f32 v8, v8;
	v16 =	vmul.f32 v13, v15  }
0x2ec: {  	s31 =	simm.s32 $0x21;
	v11 =	vmul.f32 v11, v11;
	v5 =	vmul.f32 v5, v5  }
0x2ed: {  	v22 =	vadd.s32 s31, v3;
	v6 =	vmul.f32 v6, v6;
	v16 =	vmul.f32 v13, v16  }
0x2ee: {  	v12 =	vmul.f32 v12, v12;
	v5 =	vadd.f32 v8, v5;
	v7 =	vmul.f32 v7, v7  }
0x2ef: {  	v6 =	vadd.f32 v11, v6;
	v8 =	vmul.f32 v10, v10;
	v10 =	vsub.f32 $1.500000000e+00, v16  }
0x2f0: {  	s30 =	simm.s32 $0x11;
	v9 =	vmul.f32 v9, v9;
	v11 =	vadd.f32 v14, v12;
	v5 =	vadd.f32 v7, v5  }
0x2f1: {  	s29 =	simm.s32 $0x1;
	v21 =	vadd.s32 s30, v3;
	v6 =	vadd.f32 v8, v6;
	v7 =	vmul.f32 v13, v10  }
0x2f2: {  	v20 =	vadd.s32 s29, v3;
	v8 =	vadd.f32 v9, v11;
	v11 =	vmax.f32 v5, $9.999999910e-38  }
0x2f3: {  	v5 =	vshra.s32 v11, $0x1;
	v10 =	vmax.f32 v6, $9.999999910e-38;
	v6 =	vmul.f32 v7, v15  }
0x2f4: {  	v9 =	vmul.f32 $5.000000000e-01, v11;
	v12 =	vmax.f32 v8, $9.999999910e-38;
	v16 =	vsub.s32 $0x5F3759DF, v5  }
0x2f5: {  	v13 =	vshra.s32 v12, $0x1;
	v14 =	vmul.f32 $5.000000000e-01, v12;
	v6 =	vmul.f32 v6, v7  }
0x2f6: {  	v8 =	vshra.s32 v10, $0x1;
	v17 =	vmul.f32 $5.000000000e-01, v10;
	v13 =	vsub.s32 $0x5F3759DF, v13  }
0x2f7: {  	s26 =	simm.s32 $0x40;
	v8 =	vsub.s32 $0x5F3759DF, v8;
	v5 =	vmul.f32 v13, v14;
	v6 =	vsub.f32 $1.500000000e+00, v6  }
0x2f8: {  	s28 =	simm.s32 $0x31;
	v27 =	vor.u32 s26, v3;
	v15 =	vmul.f32 v16, v9;
	v18 =	vmul.f32 v8, v17  }
0x2f9: {  	s24 =	simm.s32 $0x8020;
	v5 =	vmul.f32 v13, v5;
	v6 =	vmul.f32 v6, v7;
	v7 =	vadd.s32 s28, v3  }
0x2fa: {  	v27 =	vand.u32 $0x4F, v27;
	s3 =	simm.s32 $0x60;
	v19 =	vld [tilespmem:s24+$0x10];
	v15 =	vmul.f32 v16, v15;
	v18 =	vmul.f32 v8, v18  }
0x2fb: {  	v25 =	vmov s3;
	v29 =	vor.u32 s3, v3;
	v5 =	vsub.f32 $1.500000000e+00, v5  }
0x2fc: {  	s2 =	simm.s32 $0x70;
	v25 =	vshll.u32 v25, $0x2;
	v23 =	vsub.f32 $1.500000000e+00, v15;
	v18 =	vsub.f32 $1.500000000e+00, v18  }
0x2fd: {  	v4 =	vmul.f32 v6, v4;
	v13 =	vmul.f32 v13, v5;
	v5 =	vmov s2  }
0x2fe: {  	v16 =	vmul.f32 v16, v23;
	v5 =	vshll.u32 v5, $0x2;
	v15 =	vld.idx.msk [tilespmem:v7+s14+$0x0], $0xffff;
	v7 =	vor.u32 s2, v3  }
0x2ff: {  	s25 =	simm.s32 $0x50;
	s23 =	simm.s32 $0xA020;
	v4 =	vmul.f32 v4, v19;
	v5 =	vand.u32 $0x7E00, v5;
	v7 =	vand.u32 $0x7F, v7  }
0x300: {  	v24 =	vld [tilespmem:s23+$0x10];
	v6 =	vmov s25;
	v9 =	vmul.f32 v16, v9;
	v5 =	vor.u32 v7, v5  }
0x301: {  	v18 =	vmul.f32 v8, v18;
	v8 =	vld [tilespmem:s23+$0xFFFFFFE0];
	(xrf2) =	vadd.scan.msk.f32 $0xffff, v4;
	v4 =	vmov s26;
	v26 =	vor.u32 $0x80, v5  }
0x302: {  	v9 =	vmul.f32 v9, v16;
	v7 =	vshll.u32 v4, $0x2;
	v4 =	vshll.u32 v6, $0x2;
	v6 =	vld.idx.msk [tilespmem:v20+s14+$0x0], $0xffff  }
0x303: {  	v29 =	vand.u32 $0x6F, v29;
	v20 =	vand.u32 $0x7E00, v4;
	v4 =	vld.idx.msk [tilespmem:v21+s14+$0x0], $0xffff;
	v21 =	vor.u32 $0x100, v5  }
0x304: {  	v25 =	vand.u32 $0x7E00, v25;
	v19 =	vor.u32 s25, v3;
	v37 =	vsub.f32 $1.500000000e+00, v9;
	v9 =	vld [tilespmem:s23+$0x0]  }
0x305: {  	v14 =	vmul.f32 v13, v14;
	v17 =	vmul.f32 v18, v17;
	v28 =	vand.u32 $0x7E00, v7;
	v30 =	vld.idx.msk [tilespmem:v5+s1+$0x0], $0xffff  }
0x306: {  	v19 =	vand.u32 $0x5F, v19;
	v7 =	vor.u32 v27, v7;
	v28 =	vor.u32 v27, v28;
	v26 =	vld.idx.msk [tilespmem:v26+s1+$0x0], $0xffff  }
0x307: {  	v16 =	vmul.f32 v37, v16;
	v19 =	vor.u32 v19, v20;
	v23 =	vor.u32 $0x100, v7;
	v7 =	vld [tilespmem:s23+$0xFFFFFFF0]  }
0x308: {  	s29 =	simm.s32 $0x51;
	v14 =	vmul.f32 v14, v13;
	v20 =	vor.u32 v29, v25;
	v25 =	vor.u32 $0x80, v19;
	v21 =	vld.idx.msk [tilespmem:v21+s1+$0x0], $0xffff  }
0x309: {  	v36 =	vadd.s32 s29, v3;
	v11 =	vmul.f32 v16, v11;
	v16 =	vld [tilespmem:s24+$0xFFFFFFF0]  }
0x30a: {  	v17 =	vmul.f32 v17, v18;
	v14 =	vsub.f32 $1.500000000e+00, v14;
	v31 =	vor.u32 $0x80, v28;
	v5 =	vld.idx.msk [tilespmem:v22+s14+$0x0], $0xffff  }
0x30b: {  	v27 =	vor.u32 $0x80, v20;
	v28 =	vld.idx.msk [tilespmem:v28+s1+$0x0], $0xffff;
	v30 =	vmul.f32 v30, v30;
	v26 =	vmul.f32 v26, v26  }
0x30c: {  	v17 =	vsub.f32 $1.500000000e+00, v17;
	v29 =	vor.u32 $0x100, v19;
	v13 =	vmul.f32 v14, v13;
	v14 =	vld.idx.msk [tilespmem:v19+s1+$0x0], $0xffff  }
0x30d: {  	s28 =	simm.s32 $0x41;
	v32 =	vor.u32 $0x100, v20;
	v25 =	vld.idx.msk [tilespmem:v25+s1+$0x0], $0xffff;
	v21 =	vmul.f32 v21, v21;
	v26 =	vadd.f32 v26, v30  }
0x30e: {  	v35 =	vadd.s32 s28, v3;
	vm3 =	vne.s32 v24, v15;
	v17 =	vmul.f32 v17, v18;
	v20 =	vld.idx.msk [tilespmem:v20+s1+$0x0], $0xffff  }
0x30f: {  	vm2 =	vmor vm3, vm0;
	vm3 =	vmand vm3, vm1;
	v31 =	vld.idx.msk [tilespmem:v31+s1+$0x0], $0xffff;
	v21 =	vadd.f32 v21, v26  }
0x310: {  	vm4 =	vne.s32 v8, v6;
	v12 =	vmul.f32 v13, v12;
	v10 =	vmul.f32 v17, v10;
	v27 =	vld.idx.msk [tilespmem:v27+s1+$0x0], $0xffff  }
0x311: {  	vm5 =	vmor vm4, vm0;
	v16 =	vmul.f32 v11, v16;
	v62 =	vmax.f32 v21, $9.999999910e-38;
	v21 =	vld.idx.msk [tilespmem:v29+s1+$0x0], $0xffff  }
0x312: {  	v18 =	vmul.f32 v25, v25;
	v29 =	vld.idx.msk [tilespmem:v32+s1+$0x0], $0xffff;
	v25 =	vshra.s32 v62, $0x1;
	v26 =	vmul.f32 $5.000000000e-01, v62  }
0x313: {  	v23 =	vld.idx.msk [tilespmem:v23+s1+$0x0], $0xffff;
	v13 =	vmul.f32 v28, v28;
	v14 =	vmul.f32 v14, v14;
	v25 =	vsub.s32 $0x5F3759DF, v25  }
0x314: {  	v22 =	vld [tilespmem:s24+$0xFFFFFFE0];
	vm7 =	vne.s32 v7, v4;
	v33, _, _ =	vpop (xrf2);
	v19 =	vmul.f32 v31, v31;
	v28 =	vmul.f32 v25, v26  }
0x315: {  	v34 =	vsub.f32 $0.0e+00, v33;
	v20 =	vmul.f32 v20, v20;
	v27 =	vmul.f32 v27, v27  }
0x316: {  	v13 =	vadd.f32 v19, v13;
	v19 =	vld [tilespmem:s24+$0x0];
	v14 =	vadd.f32 v18, v14;
	v28 =	vmul.f32 v25, v28  }
0x317: {  	v17 =	vadd.f32 v27, v20;
	v18 =	vmul.f32 v21, v21;
	v20 =	vmul.f32 v29, v29  }
0x318: {  	vm8 =	vne.s32 v9, v5;
	v23 =	vmul.f32 v23, v23;
	v21 =	vsub.f32 $1.500000000e+00, v28  }
0x319: {  	s30 =	simm.s32 $0x61;
	v12 =	vmul.f32 v12, v22;
	v14 =	vadd.f32 v18, v14;
	v17 =	vadd.f32 v20, v17  }
0x31a: {  	v30 =	vadd.s32 s30, v3;
	v11 =	vadd.f32 v23, v13;
	v18 =	vmul.f32 v25, v21  }
0x31b: {  	(xrf2) =	vadd.scan.msk.f32 $0xffff, v12;
	v13 =	vmax.f32 v14, $9.999999910e-38;
	v25 =	vmul.f32 v10, v19;
	v12 =	vmax.f32 v17, $9.999999910e-38  }
0x31c: {  	[tilespmem:v24+s19+$0x0] =	vst.idx.add.f32.msk vm2, v33;
	v14 =	vmax.f32 v11, $9.999999910e-38;
	v10 =	vshra.s32 v13, $0x1;
	v17 =	vmul.f32 v18, v26  }
0x31d: {  	[tilespmem:v15+s19+$0x0] =	vst.idx.add.f32.msk vm3, v34;
	v19 =	vmul.f32 $5.000000000e-01, v13;
	v11 =	vshra.s32 v12, $0x1;
	v21 =	vshra.s32 v14, $0x1  }
0x31e: {  	(xrf2) =	vadd.scan.msk.f32 $0xffff, v16;
	v20 =	vmul.f32 $5.000000000e-01, v14;
	v22 =	vsub.s32 $0x5F3759DF, v10;
	v17 =	vmul.f32 v17, v18  }
0x31f: {  	v15 =	vld.idx.msk [tilespmem:v35+s14+$0x0], $0xffff;
	s24 =	simm.s32 $0x8060;
	v26 =	vsub.s32 $0x5F3759DF, v21;
	v21 =	vmul.f32 $5.000000000e-01, v12;
	v29 =	vmul.f32 v22, v19  }
0x320: {  	v28 =	vld [tilespmem:s24+$0x10];
	v23 =	vsub.s32 $0x5F3759DF, v11;
	v24 =	vmul.f32 v26, v20;
	v17 =	vsub.f32 $1.500000000e+00, v17  }
0x321: {  	s31 =	simm.s32 $0x71;
	vm4 =	vmand vm4, vm1;
	v11 =	vld.idx.msk [tilespmem:v30+s14+$0x0], $0xffff;
	(xrf2) =	vadd.scan.msk.f32 $0xffff, v25;
	v30 =	vmul.f32 v23, v21;
	v29 =	vmul.f32 v22, v29  }
0x322: {  	v27 =	vadd.s32 s31, v3;
	v16 =	vld [tilespmem:s24+$0xFFFFFFF0];
	v24 =	vmul.f32 v26, v24;
	v18 =	vmul.f32 v17, v18  }
0x323: {  	vm6 =	vmor vm7, vm0;
	vm2 =	vmand vm8, vm1;
	v10 =	vld.idx.msk [tilespmem:v36+s14+$0x0], $0xffff;
	v63 =	vmul.f32 v23, v30  }
0x324: {  	vm3 =	vmand vm7, vm1;
	v31 =	vsub.f32 $1.500000000e+00, v24;
	v17 =	vld [tilespmem:s24+$0xFFFFFFE0];
	v30 =	vmul.f32 v18, v62  }
0x325: {  	s25 =	simm.s32 $0x4;
	s26 =	simm.s32 $0xB1;
	vm7 =	vmor vm8, vm0;
	v24 =	vsub.f32 $1.500000000e+00, v29;
	v25 =	vsub.f32 $1.500000000e+00, v63;
	v29, _, _ =	vpop (xrf2);
	v18 =	vld [tilespmem:s24+$0x0]  }
.LBB2_12:
0x326: {  	s0 =	sadd.s32 $0xFFFFFFDF, s26;
	s30 =	sadd.s32 $0xFFFFFFFF, s26;
	s25 =	sadd.s32 $0x4, s25;
	v26 =	vmul.f32 v26, v31;
	v35 =	vmul.f32 v30, v28;
	[tilespmem:v8+s19+$0x0] =	vst.idx.add.f32.msk vm5, v29;
	v29 =	vsub.f32 $0.0e+00, v29  }
0x327: {  	s23 =	sadd.s32 $0x40, s23;
	v30 =	vmov s0;
	v31 =	vor.u32 s0, v3;
	s0 =	sadd.s32 $0xFFFFFFEF, s26;
	v8 =	vmov s30;
	p0 =	slt.u32 s25, $0x1FC;
	v27 =	vld.idx.msk [tilespmem:v27+s14+$0x0], $0xffff  }
0x328: {  	s31 =	sadd.s32 $0xFFFFFFCF, s26;
	s28 =	sadd.s32 $0xFFFFFFD0, s26;
	s29 =	sadd.s32 $0xFFFFFFE0, s26;
	v33 =	vor.u32 s30, v3;
	v32 =	vmov s0;
	v8 =	vshll.u32 v8, $0x2;
	v34 =	vld [tilespmem:s23+$0x10];
	(xrf2) =	vadd.scan.msk.f32 $0xffff, v35;
	v28, _, _ =	vpop (xrf2)  }
0x329: {  	s30 =	sadd.s32 $0xFFFFFFF0, s26;
	v35 =	vmov s31;
	v33 =	vand.u32 $0x7F, v33;
	v36 =	vand.u32 $0x7E00, v8;
	v8 =	vld [tilespmem:s23+$0xFFFFFFE0]  }
0x32a: {  	v30 =	vshll.u32 v30, $0x2;
	v35 =	vshll.u32 v35, $0x2;
	v33 =	vor.u32 v33, v36;
	v36 =	vld [tilespmem:s23+$0xFFFFFFF0]  }
0x32b: {  	v37 =	vor.u32 s31, v3;
	v32 =	vshll.u32 v32, $0x2;
	v38 =	vor.u32 $0x80, v33;
	v39 =	vld [tilespmem:s23+$0x0];
	v40, _, _ =	vpop (xrf2)  }
0x32c: {  	v42 =	vor.u32 s0, v3;
	v30 =	vand.u32 $0x7E00, v30;
	v41 =	vand.u32 $0x7E00, v35;
	[tilespmem:v6+s19+$0x0] =	vst.idx.add.f32.msk vm4, v29;
	v6 =	vmovc v15  }
0x32d: {  	v15 =	vand.u32 $0x7E00, v32;
	v29 =	vor.u32 $0x100, v33;
	vm4 =	vne.s32 v34, v27;
	[tilespmem:v7+s19+$0x0] =	vst.idx.add.f32.msk vm6, v28  }
0x32e: {  	v31 =	vand.u32 $0x5F, v31;
	v32 =	vand.u32 $0x4F, v37;
	vm5 =	vmor vm4, vm0;
	[tilespmem:v9+s19+$0x0] =	vst.idx.add.f32.msk vm7, v40  }
0x32f: {  	v37 =	vor.u32 v32, v41;
	v41 =	vand.u32 $0x6F, v42;
	vm4 =	vmand vm4, vm1;
	v33 =	vld.idx.msk [tilespmem:v33+s1+$0x0], $0xffff;
	v7 =	vmovc v36  }
0x330: {  	v30 =	vor.u32 v31, v30;
	v15 =	vor.u32 v41, v15;
	v36 =	vor.u32 $0x80, v37;
	v31 =	vld.idx.msk [tilespmem:v38+s1+$0x0], $0xffff;
	v9 =	vmovc v39  }
0x331: {  	v32 =	vor.u32 v32, v35;
	v35 =	vor.u32 $0x80, v30;
	v38 =	vor.u32 $0x80, v15  }
0x332: {  	v32 =	vor.u32 $0x100, v32;
	v41 =	vor.u32 $0x100, v15;
	v39 =	vor.u32 $0x100, v30;
	v29 =	vld.idx.msk [tilespmem:v29+s1+$0x0], $0xffff;
	v42, _, _ =	vpop (xrf2)  }
0x333: {  	v22 =	vmul.f32 v22, v24;
	v23 =	vmul.f32 v23, v25;
	v24 =	vsub.f32 $0.0e+00, v42  }
0x334: {  	v25 =	vadd.s32 s28, v3;
	v43 =	vadd.s32 s29, v3;
	v20 =	vmul.f32 v26, v20;
	[tilespmem:v34+s19+$0x0] =	vst.idx.add.f32.msk vm5, v42  }
0x335: {  	v19 =	vmul.f32 v22, v19;
	v21 =	vmul.f32 v23, v21;
	v34 =	vadd.s32 s30, v3;
	[tilespmem:v27+s19+$0x0] =	vst.idx.add.f32.msk vm4, v24  }
0x336: {  	v28 =	vsub.f32 $0.0e+00, v28;
	v27 =	vmul.f32 v33, v33;
	v31 =	vmul.f32 v31, v31;
	v24 =	vld.idx.msk [tilespmem:v36+s1+$0x0], $0xffff  }
0x337: {  	v20 =	vmul.f32 v20, v26;
	v19 =	vmul.f32 v19, v22;
	v33 =	vld.idx.msk [tilespmem:v35+s1+$0x0], $0xffff;
	v35 =	vsub.f32 $0.0e+00, v40  }
0x338: {  	v21 =	vmul.f32 v21, v23;
	v27 =	vadd.f32 v31, v27;
	v29 =	vmul.f32 v29, v29;
	v36 =	vld.idx.msk [tilespmem:v38+s1+$0x0], $0xffff  }
0x339: {  	v20 =	vsub.f32 $1.500000000e+00, v20;
	v19 =	vsub.f32 $1.500000000e+00, v19;
	vm4 =	vne.s32 v8, v6;
	v31 =	vld.idx.msk [tilespmem:v37+s1+$0x0], $0xffff  }
0x33a: {  	v21 =	vsub.f32 $1.500000000e+00, v21;
	vm7 =	vne.s32 v7, v10;
	v27 =	vadd.f32 v29, v27;
	v30 =	vld.idx.msk [tilespmem:v30+s1+$0x0], $0xffff  }
0x33b: {  	v19 =	vmul.f32 v19, v22;
	vm8 =	vne.s32 v9, v11;
	v29 =	vld.idx.msk [tilespmem:v15+s1+$0x0], $0xffff;
	v15 =	vmul.f32 v20, v26  }
0x33c: {  	v21 =	vmul.f32 v21, v23;
	v20 =	vmul.f32 v24, v24;
	v24 =	vmax.f32 v27, $9.999999910e-38;
	v22 =	vld.idx.msk [tilespmem:v39+s1+$0x0], $0xffff  }
0x33d: {  	v23 =	vmul.f32 v33, v33;
	v27 =	vshra.s32 v24, $0x1;
	v33 =	vmul.f32 $5.000000000e-01, v24;
	v26 =	vld.idx.msk [tilespmem:v41+s1+$0x0], $0xffff  }
0x33e: {  	v36 =	vmul.f32 v36, v36;
	v27 =	vsub.s32 $0x5F3759DF, v27;
	v14 =	vmul.f32 v15, v14;
	v32 =	vld.idx.msk [tilespmem:v32+s1+$0x0], $0xffff  }
0x33f: {  	vm5 =	vmor vm4, vm0;
	v31 =	vmul.f32 v31, v31;
	v15 =	vld.idx.msk [tilespmem:v25+s14+$0x0], $0xffff;
	v25 =	vmul.f32 v27, v33  }
0x340: {  	v13 =	vmul.f32 v19, v13;
	vm4 =	vmand vm4, vm1;
	v30 =	vmul.f32 v30, v30;
	v37 =	vld.idx.msk [tilespmem:v43+s14+$0x0], $0xffff  }
0x341: {  	v19 =	vadd.f32 v20, v31;
	v20 =	vmul.f32 v29, v29;
	v29 =	vld.idx.msk [tilespmem:v34+s14+$0x0], $0xffff;
	v25 =	vmul.f32 v27, v25  }
0x342: {  	v12 =	vmul.f32 v21, v12;
	v23 =	vadd.f32 v23, v30;
	v22 =	vmul.f32 v22, v22  }
0x343: {  	v20 =	vadd.f32 v36, v20;
	v21 =	vmul.f32 v26, v26;
	v25 =	vsub.f32 $1.500000000e+00, v25;
	[tilespmem:v4+s19+$0x0] =	vst.idx.add.f32.msk vm3, v28  }
0x344: {  	v14 =	vmul.f32 v14, v17;
	v26 =	vmul.f32 v32, v32;
	v22 =	vadd.f32 v22, v23;
	v4 =	vmovc v10  }
0x345: {  	v16 =	vmul.f32 v13, v16;
	v17 =	vadd.f32 v21, v20;
	v25 =	vmul.f32 v27, v25;
	v10 =	vmovc v37  }
0x346: {  	v18 =	vmul.f32 v12, v18;
	v19 =	vadd.f32 v26, v19;
	v13 =	vmax.f32 v22, $9.999999910e-38;
	(xrf2) =	vadd.scan.msk.f32 $0xffff, v14  }
0x347: {  	v21 =	vshra.s32 v13, $0x1;
	v12 =	vmax.f32 v17, $9.999999910e-38;
	v17 =	vmul.f32 v25, v33;
	[tilespmem:v5+s19+$0x0] =	vst.idx.add.f32.msk vm2, v35;
	v5 =	vmovc v11  }
0x348: {  	v14 =	vmax.f32 v19, $9.999999910e-38;
	v19 =	vmul.f32 $5.000000000e-01, v13;
	v23 =	vshra.s32 v12, $0x1;
	v11 =	vmovc v29  }
0x349: {  	v22 =	vshra.s32 v14, $0x1;
	v20 =	vmul.f32 $5.000000000e-01, v14;
	v17 =	vmul.f32 v17, v25;
	(xrf2) =	vadd.scan.msk.f32 $0xffff, v16  }
0x34a: {  	v26 =	vsub.s32 $0x5F3759DF, v22;
	v22 =	vsub.s32 $0x5F3759DF, v21;
	v21 =	vmul.f32 $5.000000000e-01, v12  }
0x34b: {  	s24 =	sadd.s32 $0x40, s24;
	v23 =	vsub.s32 $0x5F3759DF, v23;
	v16 =	vmul.f32 v26, v20;
	v27 =	vsub.f32 $1.500000000e+00, v17  }
.Ltmp5:
0x34c: {  	vm6 =	vmor vm7, vm0;
	v29 =	vmul.f32 v22, v19;
	v30 =	vmul.f32 v23, v21;
	v28 =	vld [tilespmem:s24+$0x10];
	(xrf2) =	vadd.scan.msk.f32 $0xffff, v18;
	(pc) =	sbr.rel @p0 .LBB2_12-.Ltmp5, $4  }
0x34d: {  	v18 =	vmul.f32 v26, v16;
	v17 =	vld [tilespmem:s24+$0xFFFFFFE0];
	v25 =	vmul.f32 v27, v25;
	v27 =	vadd.s32 s26, v3  }
0x34e: {  	vm3 =	vmand vm7, vm1;
	v33 =	vmul.f32 v22, v29;
	v32 =	vmul.f32 v23, v30;
	v16 =	vld [tilespmem:s24+$0xFFFFFFF0]  }
0x34f: {  	vm7 =	vmor vm8, vm0;
	v31 =	vsub.f32 $1.500000000e+00, v18;
	v18 =	vld [tilespmem:s24+$0x0];
	v30 =	vmul.f32 v25, v24  }
0x350: {  	vm2 =	vmand vm8, vm1;
	s26 =	sadd.s32 $0x40, s26;
	v24 =	vsub.f32 $1.500000000e+00, v33;
	v25 =	vsub.f32 $1.500000000e+00, v32;
	v29, _, _ =	vpop (xrf2)  }
0x351: {  	v26 =	vmul.f32 v26, v31;
	_ =	sdelay $0x1  }
0x352: {  	v20 =	vmul.f32 v26, v20  }
0x353: {  	v22 =	vmul.f32 v22, v24;
	v23 =	vmul.f32 v23, v25  }
0x354: {  	v20 =	vmul.f32 v20, v26  }
0x355: {  	v19 =	vmul.f32 v22, v19;
	v21 =	vmul.f32 v23, v21  }
0x356: {  	v20 =	vsub.f32 $1.500000000e+00, v20  }
0x357: {  	v19 =	vmul.f32 v19, v22;
	v21 =	vmul.f32 v21, v23  }
0x358: {  	v24 =	vmul.f32 v30, v28;
	v20 =	vmul.f32 v20, v26  }
0x359: {  	s0 =	sadd.s32 $0x40, s23;
	v25 =	vld.idx.msk [tilespmem:v27+s14+$0x0], $0xffff;
	v19 =	vsub.f32 $1.500000000e+00, v19;
	v21 =	vsub.f32 $1.500000000e+00, v21  }
0x35a: {  	(xrf2) =	vadd.scan.msk.f32 $0xffff, v24;
	v26 =	vld [tilespmem:s0+$0x10];
	v14 =	vmul.f32 v20, v14  }
0x35b: {  	v19 =	vmul.f32 v19, v22;
	v20 =	vmul.f32 v21, v23  }
0x35c: {  	v14 =	vmul.f32 v14, v17  }
0x35d: {  	v13 =	vmul.f32 v19, v13;
	v12 =	vmul.f32 v20, v12  }
0x35e: {  	(xrf2) =	vadd.scan.msk.f32 $0xffff, v14  }
0x35f: {  	v17 =	vld [tilespmem:s0+$0xFFFFFFE0];
	vm8 =	vne.s32 v26, v25;
	v13 =	vmul.f32 v13, v16;
	v12 =	vmul.f32 v12, v18  }
0x360: {  	v14 =	vld [tilespmem:s0+$0xFFFFFFF0];
	vm9 =	vmor vm8, vm0  }
0x361: {  	[tilespmem:v8+s19+$0x0] =	vst.idx.add.f32.msk vm5, v29;
	vm8 =	vmand vm8, vm1;
	(xrf2) =	vadd.scan.msk.f32 $0xffff, v13  }
0x362: {  	v8, _, _ =	vpop (xrf2);
	v16 =	vsub.f32 $0.0e+00, v29;
	v18 =	vld [tilespmem:s0+$0x0]  }
0x363: {  	[tilespmem:v7+s19+$0x0] =	vst.idx.add.f32.msk vm6, v8;
	(xrf2) =	vadd.scan.msk.f32 $0xffff, v12;
	v12, _, _ =	vpop (xrf2)  }
0x364: {  	[tilespmem:v6+s19+$0x0] =	vst.idx.add.f32.msk vm4, v16;
	vm4 =	vne.s32 v17, v15;
	v6, _, _ =	vpop (xrf2)  }
0x365: {  	vm5 =	vmor vm4, vm0;
	[tilespmem:v9+s19+$0x0] =	vst.idx.add.f32.msk vm7, v12;
	vm6 =	vne.s32 v14, v10;
	v7 =	vsub.f32 $0.0e+00, v6  }
0x366: {  	[tilespmem:v26+s19+$0x0] =	vst.idx.add.f32.msk vm9, v6;
	v6 =	vsub.f32 $0.0e+00, v8;
	vm15 =	vmor vm6, vm0  }
0x367: {  	vm4 =	vmand vm4, vm1;
	vm7 =	vne.s32 v18, v11;
	[tilespmem:v25+s19+$0x0] =	vst.idx.add.f32.msk vm8, v7;
	v7 =	vsub.f32 $0.0e+00, v12  }
0x368: {  	vm8 =	vmor vm7, vm0;
	[tilespmem:v4+s19+$0x0] =	vst.idx.add.f32.msk vm3, v6;
	v4, _, _ =	vpop (xrf2)  }
0x369: {  	vm3 =	vmand vm6, vm1;
	[tilespmem:v5+s19+$0x0] =	vst.idx.add.f32.msk vm2, v7;
	v5 =	vsub.f32 $0.0e+00, v4  }
0x36a: {  	vm2 =	vmand vm7, vm1  }
0x36b: {  	[tilespmem:v17+s19+$0x0] =	vst.idx.add.f32.msk vm5, v4;
	v4, _, _ =	vpop (xrf2)  }
0x36c: {  	[tilespmem:v14+s19+$0x0] =	vst.idx.add.f32.msk vm15, v4  }
0x36d: {  	v4 =	vsub.f32 $0.0e+00, v4;
	[tilespmem:v15+s19+$0x0] =	vst.idx.add.f32.msk vm4, v5;
	v5, _, _ =	vpop (xrf2)  }
0x36e: {  	[tilespmem:v18+s19+$0x0] =	vst.idx.add.f32.msk vm8, v5;
	v5 =	vsub.f32 $0.0e+00, v5  }
0x36f: {  	[tilespmem:v10+s19+$0x0] =	vst.idx.add.f32.msk vm3, v4  }
0x370: {  	[tilespmem:v11+s19+$0x0] =	vst.idx.add.f32.msk vm2, v5  }
0x371: {  	s2 =	rddreg [dreg:$0xb]  }
0x372: {  	[tilespmem:s1], [sflag:$0x1] =	stream.linear.gather [hbm4b:s2+s1], $0x8000, $0x38;
	[tilespmem:$0x1A880] =	vst v63  }
0x373: {  	s3 =	rddreg [dreg:$0x1e]  }
0x374: {  	[tilespmem:s13], [sflag:$0x1] =	stream.linear.gather [hbm4b:s3+s1], $0x2000, $0x38;
	[tilespmem:$0x1A880] =	vst v63  }
0x375: {  	s23 =	rddreg [dreg:$0x1f]  }
0x376: {  	[tilespmem:s14], [sflag:$0x1] =	stream.linear.gather [hbm4b:s23+s1], $0x2000, $0x38;
	[tilespmem:$0x1A880] =	vst v63  }
0x377: {  	s24 =	simm.s32 $0x30;
	_ =	swait.ge [sflag:s20], $0x8000  }
0x378: {  	v4 =	vmov s24;
	[sflag:s20] =	ssyncset.done $0x0  }
0x379: {  	v4 =	vshll.u32 v4, $0x2;
	v5 =	vor.u32 s24, v3;
	[sflag:s20] =	ssyncadd.s32 $0xFFFF8000  }
0x37a: {  	v4 =	vand.u32 $0x7E00, v4;
	v5 =	vand.u32 $0x7F, v5;
	_ =	swait.ge [sflag:s20], $0x2000  }
0x37b: {  	s26 =	simm.s32 $0x20;
	v4 =	vor.u32 v5, v4;
	[sflag:s20] =	ssyncset.done $0x0  }
0x37c: {  	v13 =	vor.u32 s26, v3;
	v8 =	vmov s26;
	v6 =	vor.u32 $0x80, v4;
	[sflag:s20] =	ssyncadd.s32 $0xFFFFE000  }
0x37d: {  	s25 =	simm.s32 $0x10;
	v13 =	vand.u32 $0x6F, v13;
	v8 =	vshll.u32 v8, $0x2;
	s24 =	simm.s32 $0x0;
	_ =	swait.ge [sflag:s20], $0x2000  }
0x37e: {  	v7 =	vor.u32 s25, v3;
	v9 =	vmov s24;
	v10 =	vor.u32 $0x100, v4;
	[sflag:s20] =	ssyncset.done $0x0  }
0x37f: {  	v11 =	vor.u32 s24, v3;
	v5 =	vmov s25;
	v9 =	vshll.u32 v9, $0x2;
	[sflag:s20] =	ssyncadd.s32 $0xFFFFE000  }
0x380: {  	v11 =	vand.u32 $0x4F, v11;
	v5 =	vshll.u32 v5, $0x2;
	v12 =	vand.u32 $0x7E00, v9;
	v4 =	vld.idx.msk [tilespmem:v4+s15+$0x0], $0xffff  }
0x381: {  	v7 =	vand.u32 $0x5F, v7;
	v5 =	vand.u32 $0x7E00, v5;
	v12 =	vor.u32 v11, v12;
	v6 =	vld.idx.msk [tilespmem:v6+s15+$0x0], $0xffff  }
0x382: {  	v8 =	vand.u32 $0x7E00, v8;
	v14 =	vor.u32 $0x80, v12;
	v5 =	vor.u32 v7, v5  }
0x383: {  	v7 =	vor.u32 v13, v8;
	v8 =	vor.u32 $0x80, v5;
	v10 =	vld.idx.msk [tilespmem:v10+s15+$0x0], $0xffff  }
0x384: {  	v13 =	vor.u32 $0x80, v7;
	_ =	sdelay $0x1  }
0x385: {  	v4 =	vmul.f32 v4, v4;
	v6 =	vmul.f32 v6, v6  }
0x386: {  	v14 =	vld.idx.msk [tilespmem:v14+s15+$0x0], $0xffff  }
0x387: {  	v15 =	vor.u32 $0x100, v5;
	v8 =	vld.idx.msk [tilespmem:v8+s15+$0x0], $0xffff;
	v4 =	vadd.f32 v6, v4;
	v6 =	vmul.f32 v10, v10  }
0x388: {  	v9 =	vor.u32 v11, v9;
	v11 =	vld.idx.msk [tilespmem:v13+s15+$0x0], $0xffff;
	v10 =	vor.u32 $0x100, v7  }
0x389: {  	v9 =	vor.u32 $0x100, v9;
	v12 =	vld.idx.msk [tilespmem:v12+s15+$0x0], $0xffff;
	v4 =	vadd.f32 v6, v4  }
0x38a: {  	v5 =	vld.idx.msk [tilespmem:v5+s15+$0x0], $0xffff  }
0x38b: {  	v6 =	vld.idx.msk [tilespmem:v7+s15+$0x0], $0xffff;
	v4 =	vmax.f32 v4, $9.999999910e-38  }
0x38c: {  	v7 =	vld.idx.msk [tilespmem:v15+s15+$0x0], $0xffff;
	v13 =	vshra.s32 v4, $0x1;
	v15 =	vmul.f32 $5.000000000e-01, v4  }
0x38d: {  	v14 =	vmul.f32 v14, v14;
	v10 =	vld.idx.msk [tilespmem:v10+s15+$0x0], $0xffff;
	v13 =	vsub.s32 $0x5F3759DF, v13  }
0x38e: {  	v9 =	vld.idx.msk [tilespmem:v9+s15+$0x0], $0xffff;
	v8 =	vmul.f32 v8, v8;
	v16 =	vmul.f32 v13, v15  }
0x38f: {  	s31 =	simm.s32 $0x21;
	v11 =	vmul.f32 v11, v11;
	v5 =	vmul.f32 v5, v5  }
0x390: {  	v22 =	vadd.s32 s31, v3;
	v6 =	vmul.f32 v6, v6;
	v16 =	vmul.f32 v13, v16  }
0x391: {  	v12 =	vmul.f32 v12, v12;
	v5 =	vadd.f32 v8, v5;
	v7 =	vmul.f32 v7, v7  }
0x392: {  	v6 =	vadd.f32 v11, v6;
	v8 =	vmul.f32 v10, v10;
	v10 =	vsub.f32 $1.500000000e+00, v16  }
0x393: {  	s30 =	simm.s32 $0x11;
	v9 =	vmul.f32 v9, v9;
	v11 =	vadd.f32 v14, v12;
	v5 =	vadd.f32 v7, v5  }
0x394: {  	s29 =	simm.s32 $0x1;
	v21 =	vadd.s32 s30, v3;
	v6 =	vadd.f32 v8, v6;
	v7 =	vmul.f32 v13, v10  }
0x395: {  	v20 =	vadd.s32 s29, v3;
	v8 =	vadd.f32 v9, v11;
	v11 =	vmax.f32 v5, $9.999999910e-38  }
0x396: {  	v5 =	vshra.s32 v11, $0x1;
	v10 =	vmax.f32 v6, $9.999999910e-38;
	v6 =	vmul.f32 v7, v15  }
0x397: {  	v9 =	vmul.f32 $5.000000000e-01, v11;
	v12 =	vmax.f32 v8, $9.999999910e-38;
	v16 =	vsub.s32 $0x5F3759DF, v5  }
0x398: {  	v13 =	vshra.s32 v12, $0x1;
	v14 =	vmul.f32 $5.000000000e-01, v12;
	v6 =	vmul.f32 v6, v7  }
0x399: {  	v8 =	vshra.s32 v10, $0x1;
	v17 =	vmul.f32 $5.000000000e-01, v10;
	v13 =	vsub.s32 $0x5F3759DF, v13  }
0x39a: {  	s26 =	simm.s32 $0x40;
	v8 =	vsub.s32 $0x5F3759DF, v8;
	v5 =	vmul.f32 v13, v14;
	v6 =	vsub.f32 $1.500000000e+00, v6  }
0x39b: {  	s28 =	simm.s32 $0x31;
	v27 =	vor.u32 s26, v3;
	v15 =	vmul.f32 v16, v9;
	v18 =	vmul.f32 v8, v17  }
0x39c: {  	s24 =	simm.s32 $0x140A0;
	v5 =	vmul.f32 v13, v5;
	v6 =	vmul.f32 v6, v7;
	v7 =	vadd.s32 s28, v3  }
0x39d: {  	v27 =	vand.u32 $0x4F, v27;
	s3 =	simm.s32 $0x60;
	v19 =	vld [tilespmem:s24+$0x10];
	v15 =	vmul.f32 v16, v15;
	v18 =	vmul.f32 v8, v18  }
0x39e: {  	v25 =	vmov s3;
	v29 =	vor.u32 s3, v3;
	v5 =	vsub.f32 $1.500000000e+00, v5  }
0x39f: {  	s2 =	simm.s32 $0x70;
	v25 =	vshll.u32 v25, $0x2;
	v23 =	vsub.f32 $1.500000000e+00, v15;
	v18 =	vsub.f32 $1.500000000e+00, v18  }
0x3a0: {  	v4 =	vmul.f32 v6, v4;
	v13 =	vmul.f32 v13, v5;
	v5 =	vmov s2  }
0x3a1: {  	v16 =	vmul.f32 v16, v23;
	v5 =	vshll.u32 v5, $0x2;
	v15 =	vld.idx.msk [tilespmem:v7+s17+$0x0], $0xffff;
	v7 =	vor.u32 s2, v3  }
0x3a2: {  	s25 =	simm.s32 $0x50;
	s23 =	simm.s32 $0x160A0;
	v4 =	vmul.f32 v4, v19;
	v5 =	vand.u32 $0x7E00, v5;
	v7 =	vand.u32 $0x7F, v7  }
0x3a3: {  	v24 =	vld [tilespmem:s23+$0x10];
	v6 =	vmov s25;
	v9 =	vmul.f32 v16, v9;
	v5 =	vor.u32 v7, v5  }
0x3a4: {  	v18 =	vmul.f32 v8, v18;
	v8 =	vld [tilespmem:s23+$0xFFFFFFE0];
	(xrf2) =	vadd.scan.msk.f32 $0xffff, v4;
	v4 =	vmov s26;
	v26 =	vor.u32 $0x80, v5  }
0x3a5: {  	v9 =	vmul.f32 v9, v16;
	v7 =	vshll.u32 v4, $0x2;
	v4 =	vshll.u32 v6, $0x2;
	v6 =	vld.idx.msk [tilespmem:v20+s17+$0x0], $0xffff  }
0x3a6: {  	v29 =	vand.u32 $0x6F, v29;
	v20 =	vand.u32 $0x7E00, v4;
	v4 =	vld.idx.msk [tilespmem:v21+s17+$0x0], $0xffff;
	v21 =	vor.u32 $0x100, v5  }
0x3a7: {  	v25 =	vand.u32 $0x7E00, v25;
	v19 =	vor.u32 s25, v3;
	v37 =	vsub.f32 $1.500000000e+00, v9;
	v9 =	vld [tilespmem:s23+$0x0]  }
0x3a8: {  	v14 =	vmul.f32 v13, v14;
	v17 =	vmul.f32 v18, v17;
	v28 =	vand.u32 $0x7E00, v7;
	v30 =	vld.idx.msk [tilespmem:v5+s15+$0x0], $0xffff  }
0x3a9: {  	v19 =	vand.u32 $0x5F, v19;
	v7 =	vor.u32 v27, v7;
	v28 =	vor.u32 v27, v28;
	v26 =	vld.idx.msk [tilespmem:v26+s15+$0x0], $0xffff  }
0x3aa: {  	v16 =	vmul.f32 v37, v16;
	v19 =	vor.u32 v19, v20;
	v23 =	vor.u32 $0x100, v7;
	v7 =	vld [tilespmem:s23+$0xFFFFFFF0]  }
0x3ab: {  	s29 =	simm.s32 $0x51;
	v14 =	vmul.f32 v14, v13;
	v20 =	vor.u32 v29, v25;
	v25 =	vor.u32 $0x80, v19;
	v21 =	vld.idx.msk [tilespmem:v21+s15+$0x0], $0xffff  }
0x3ac: {  	v36 =	vadd.s32 s29, v3;
	v11 =	vmul.f32 v16, v11;
	v16 =	vld [tilespmem:s24+$0xFFFFFFF0]  }
0x3ad: {  	v17 =	vmul.f32 v17, v18;
	v14 =	vsub.f32 $1.500000000e+00, v14;
	v31 =	vor.u32 $0x80, v28;
	v5 =	vld.idx.msk [tilespmem:v22+s17+$0x0], $0xffff  }
0x3ae: {  	v27 =	vor.u32 $0x80, v20;
	v28 =	vld.idx.msk [tilespmem:v28+s15+$0x0], $0xffff;
	v30 =	vmul.f32 v30, v30;
	v26 =	vmul.f32 v26, v26  }
0x3af: {  	v17 =	vsub.f32 $1.500000000e+00, v17;
	v29 =	vor.u32 $0x100, v19;
	v13 =	vmul.f32 v14, v13;
	v14 =	vld.idx.msk [tilespmem:v19+s15+$0x0], $0xffff  }
0x3b0: {  	s28 =	simm.s32 $0x41;
	v32 =	vor.u32 $0x100, v20;
	v25 =	vld.idx.msk [tilespmem:v25+s15+$0x0], $0xffff;
	v21 =	vmul.f32 v21, v21;
	v26 =	vadd.f32 v26, v30  }
0x3b1: {  	v35 =	vadd.s32 s28, v3;
	vm3 =	vne.s32 v24, v15;
	v17 =	vmul.f32 v17, v18;
	v20 =	vld.idx.msk [tilespmem:v20+s15+$0x0], $0xffff  }
0x3b2: {  	vm2 =	vmor vm3, vm0;
	vm3 =	vmand vm3, vm1;
	v31 =	vld.idx.msk [tilespmem:v31+s15+$0x0], $0xffff;
	v21 =	vadd.f32 v21, v26  }
0x3b3: {  	vm4 =	vne.s32 v8, v6;
	v12 =	vmul.f32 v13, v12;
	v10 =	vmul.f32 v17, v10;
	v27 =	vld.idx.msk [tilespmem:v27+s15+$0x0], $0xffff  }
0x3b4: {  	vm5 =	vmor vm4, vm0;
	v16 =	vmul.f32 v11, v16;
	v62 =	vmax.f32 v21, $9.999999910e-38;
	v21 =	vld.idx.msk [tilespmem:v29+s15+$0x0], $0xffff  }
0x3b5: {  	v18 =	vmul.f32 v25, v25;
	v29 =	vld.idx.msk [tilespmem:v32+s15+$0x0], $0xffff;
	v25 =	vshra.s32 v62, $0x1;
	v26 =	vmul.f32 $5.000000000e-01, v62  }
0x3b6: {  	v23 =	vld.idx.msk [tilespmem:v23+s15+$0x0], $0xffff;
	v13 =	vmul.f32 v28, v28;
	v14 =	vmul.f32 v14, v14;
	v25 =	vsub.s32 $0x5F3759DF, v25  }
0x3b7: {  	v22 =	vld [tilespmem:s24+$0xFFFFFFE0];
	vm7 =	vne.s32 v7, v4;
	v33, _, _ =	vpop (xrf2);
	v19 =	vmul.f32 v31, v31;
	v28 =	vmul.f32 v25, v26  }
0x3b8: {  	v34 =	vsub.f32 $0.0e+00, v33;
	v20 =	vmul.f32 v20, v20;
	v27 =	vmul.f32 v27, v27  }
0x3b9: {  	v13 =	vadd.f32 v19, v13;
	v19 =	vld [tilespmem:s24+$0x0];
	v14 =	vadd.f32 v18, v14;
	v28 =	vmul.f32 v25, v28  }
0x3ba: {  	v17 =	vadd.f32 v27, v20;
	v18 =	vmul.f32 v21, v21;
	v20 =	vmul.f32 v29, v29  }
0x3bb: {  	vm8 =	vne.s32 v9, v5;
	v23 =	vmul.f32 v23, v23;
	v21 =	vsub.f32 $1.500000000e+00, v28  }
0x3bc: {  	s30 =	simm.s32 $0x61;
	v12 =	vmul.f32 v12, v22;
	v14 =	vadd.f32 v18, v14;
	v17 =	vadd.f32 v20, v17  }
0x3bd: {  	v30 =	vadd.s32 s30, v3;
	v11 =	vadd.f32 v23, v13;
	v18 =	vmul.f32 v25, v21  }
0x3be: {  	(xrf2) =	vadd.scan.msk.f32 $0xffff, v12;
	v13 =	vmax.f32 v14, $9.999999910e-38;
	v25 =	vmul.f32 v10, v19;
	v12 =	vmax.f32 v17, $9.999999910e-38  }
0x3bf: {  	[tilespmem:v24+s19+$0x0] =	vst.idx.add.f32.msk vm2, v33;
	v14 =	vmax.f32 v11, $9.999999910e-38;
	v10 =	vshra.s32 v13, $0x1;
	v17 =	vmul.f32 v18, v26  }
0x3c0: {  	[tilespmem:v15+s19+$0x0] =	vst.idx.add.f32.msk vm3, v34;
	v19 =	vmul.f32 $5.000000000e-01, v13;
	v11 =	vshra.s32 v12, $0x1;
	v21 =	vshra.s32 v14, $0x1  }
0x3c1: {  	(xrf2) =	vadd.scan.msk.f32 $0xffff, v16;
	v20 =	vmul.f32 $5.000000000e-01, v14;
	v22 =	vsub.s32 $0x5F3759DF, v10;
	v17 =	vmul.f32 v17, v18  }
0x3c2: {  	v15 =	vld.idx.msk [tilespmem:v35+s17+$0x0], $0xffff;
	s24 =	simm.s32 $0x140E0;
	v26 =	vsub.s32 $0x5F3759DF, v21;
	v21 =	vmul.f32 $5.000000000e-01, v12;
	v29 =	vmul.f32 v22, v19  }
0x3c3: {  	v28 =	vld [tilespmem:s24+$0x10];
	v23 =	vsub.s32 $0x5F3759DF, v11;
	v24 =	vmul.f32 v26, v20;
	v17 =	vsub.f32 $1.500000000e+00, v17  }
0x3c4: {  	s31 =	simm.s32 $0x71;
	vm4 =	vmand vm4, vm1;
	v11 =	vld.idx.msk [tilespmem:v30+s17+$0x0], $0xffff;
	(xrf2) =	vadd.scan.msk.f32 $0xffff, v25;
	v30 =	vmul.f32 v23, v21;
	v29 =	vmul.f32 v22, v29  }
0x3c5: {  	v27 =	vadd.s32 s31, v3;
	v16 =	vld [tilespmem:s24+$0xFFFFFFF0];
	v24 =	vmul.f32 v26, v24;
	v18 =	vmul.f32 v17, v18  }
0x3c6: {  	vm6 =	vmor vm7, vm0;
	vm2 =	vmand vm8, vm1;
	v10 =	vld.idx.msk [tilespmem:v36+s17+$0x0], $0xffff;
	v63 =	vmul.f32 v23, v30  }
0x3c7: {  	vm3 =	vmand vm7, vm1;
	v31 =	vsub.f32 $1.500000000e+00, v24;
	v17 =	vld [tilespmem:s24+$0xFFFFFFE0];
	v30 =	vmul.f32 v18, v62  }
0x3c8: {  	s25 =	simm.s32 $0x4;
	s26 =	simm.s32 $0xB1;
	vm7 =	vmor vm8, vm0;
	v24 =	vsub.f32 $1.500000000e+00, v29;
	v25 =	vsub.f32 $1.500000000e+00, v63;
	v29, _, _ =	vpop (xrf2);
	v18 =	vld [tilespmem:s24+$0x0]  }
.LBB2_14:
0x3c9: {  	s0 =	sadd.s32 $0xFFFFFFDF, s26;
	s30 =	sadd.s32 $0xFFFFFFFF, s26;
	s25 =	sadd.s32 $0x4, s25;
	v26 =	vmul.f32 v26, v31;
	v35 =	vmul.f32 v30, v28;
	[tilespmem:v8+s19+$0x0] =	vst.idx.add.f32.msk vm5, v29;
	v29 =	vsub.f32 $0.0e+00, v29  }
0x3ca: {  	s23 =	sadd.s32 $0x40, s23;
	v30 =	vmov s0;
	v31 =	vor.u32 s0, v3;
	s0 =	sadd.s32 $0xFFFFFFEF, s26;
	v8 =	vmov s30;
	p0 =	slt.u32 s25, $0x1FC;
	v27 =	vld.idx.msk [tilespmem:v27+s17+$0x0], $0xffff  }
0x3cb: {  	s31 =	sadd.s32 $0xFFFFFFCF, s26;
	s28 =	sadd.s32 $0xFFFFFFD0, s26;
	s29 =	sadd.s32 $0xFFFFFFE0, s26;
	v33 =	vor.u32 s30, v3;
	v32 =	vmov s0;
	v8 =	vshll.u32 v8, $0x2;
	v34 =	vld [tilespmem:s23+$0x10];
	(xrf2) =	vadd.scan.msk.f32 $0xffff, v35;
	v28, _, _ =	vpop (xrf2)  }
0x3cc: {  	s30 =	sadd.s32 $0xFFFFFFF0, s26;
	v35 =	vmov s31;
	v33 =	vand.u32 $0x7F, v33;
	v36 =	vand.u32 $0x7E00, v8;
	v8 =	vld [tilespmem:s23+$0xFFFFFFE0]  }
0x3cd: {  	v30 =	vshll.u32 v30, $0x2;
	v35 =	vshll.u32 v35, $0x2;
	v33 =	vor.u32 v33, v36;
	v36 =	vld [tilespmem:s23+$0xFFFFFFF0]  }
0x3ce: {  	v37 =	vor.u32 s31, v3;
	v32 =	vshll.u32 v32, $0x2;
	v38 =	vor.u32 $0x80, v33;
	v39 =	vld [tilespmem:s23+$0x0];
	v40, _, _ =	vpop (xrf2)  }
0x3cf: {  	v42 =	vor.u32 s0, v3;
	v30 =	vand.u32 $0x7E00, v30;
	v41 =	vand.u32 $0x7E00, v35;
	[tilespmem:v6+s19+$0x0] =	vst.idx.add.f32.msk vm4, v29;
	v6 =	vmovc v15  }
0x3d0: {  	v15 =	vand.u32 $0x7E00, v32;
	v29 =	vor.u32 $0x100, v33;
	vm4 =	vne.s32 v34, v27;
	[tilespmem:v7+s19+$0x0] =	vst.idx.add.f32.msk vm6, v28  }
0x3d1: {  	v31 =	vand.u32 $0x5F, v31;
	v32 =	vand.u32 $0x4F, v37;
	vm5 =	vmor vm4, vm0;
	[tilespmem:v9+s19+$0x0] =	vst.idx.add.f32.msk vm7, v40  }
0x3d2: {  	v37 =	vor.u32 v32, v41;
	v41 =	vand.u32 $0x6F, v42;
	vm4 =	vmand vm4, vm1;
	v33 =	vld.idx.msk [tilespmem:v33+s15+$0x0], $0xffff;
	v7 =	vmovc v36  }
0x3d3: {  	v30 =	vor.u32 v31, v30;
	v15 =	vor.u32 v41, v15;
	v36 =	vor.u32 $0x80, v37;
	v31 =	vld.idx.msk [tilespmem:v38+s15+$0x0], $0xffff;
	v9 =	vmovc v39  }
0x3d4: {  	v32 =	vor.u32 v32, v35;
	v35 =	vor.u32 $0x80, v30;
	v38 =	vor.u32 $0x80, v15  }
0x3d5: {  	v32 =	vor.u32 $0x100, v32;
	v41 =	vor.u32 $0x100, v15;
	v39 =	vor.u32 $0x100, v30;
	v29 =	vld.idx.msk [tilespmem:v29+s15+$0x0], $0xffff;
	v42, _, _ =	vpop (xrf2)  }
0x3d6: {  	v22 =	vmul.f32 v22, v24;
	v23 =	vmul.f32 v23, v25;
	v24 =	vsub.f32 $0.0e+00, v42  }
0x3d7: {  	v25 =	vadd.s32 s28, v3;
	v43 =	vadd.s32 s29, v3;
	v20 =	vmul.f32 v26, v20;
	[tilespmem:v34+s19+$0x0] =	vst.idx.add.f32.msk vm5, v42  }
0x3d8: {  	v19 =	vmul.f32 v22, v19;
	v21 =	vmul.f32 v23, v21;
	v34 =	vadd.s32 s30, v3;
	[tilespmem:v27+s19+$0x0] =	vst.idx.add.f32.msk vm4, v24  }
0x3d9: {  	v28 =	vsub.f32 $0.0e+00, v28;
	v27 =	vmul.f32 v33, v33;
	v31 =	vmul.f32 v31, v31;
	v24 =	vld.idx.msk [tilespmem:v36+s15+$0x0], $0xffff  }
0x3da: {  	v20 =	vmul.f32 v20, v26;
	v19 =	vmul.f32 v19, v22;
	v33 =	vld.idx.msk [tilespmem:v35+s15+$0x0], $0xffff;
	v35 =	vsub.f32 $0.0e+00, v40  }
0x3db: {  	v21 =	vmul.f32 v21, v23;
	v27 =	vadd.f32 v31, v27;
	v29 =	vmul.f32 v29, v29;
	v36 =	vld.idx.msk [tilespmem:v38+s15+$0x0], $0xffff  }
0x3dc: {  	v20 =	vsub.f32 $1.500000000e+00, v20;
	v19 =	vsub.f32 $1.500000000e+00, v19;
	vm4 =	vne.s32 v8, v6;
	v31 =	vld.idx.msk [tilespmem:v37+s15+$0x0], $0xffff  }
0x3dd: {  	v21 =	vsub.f32 $1.500000000e+00, v21;
	vm7 =	vne.s32 v7, v10;
	v27 =	vadd.f32 v29, v27;
	v30 =	vld.idx.msk [tilespmem:v30+s15+$0x0], $0xffff  }
0x3de: {  	v19 =	vmul.f32 v19, v22;
	vm8 =	vne.s32 v9, v11;
	v29 =	vld.idx.msk [tilespmem:v15+s15+$0x0], $0xffff;
	v15 =	vmul.f32 v20, v26  }
0x3df: {  	v21 =	vmul.f32 v21, v23;
	v20 =	vmul.f32 v24, v24;
	v24 =	vmax.f32 v27, $9.999999910e-38;
	v22 =	vld.idx.msk [tilespmem:v39+s15+$0x0], $0xffff  }
0x3e0: {  	v23 =	vmul.f32 v33, v33;
	v27 =	vshra.s32 v24, $0x1;
	v33 =	vmul.f32 $5.000000000e-01, v24;
	v26 =	vld.idx.msk [tilespmem:v41+s15+$0x0], $0xffff  }
0x3e1: {  	v36 =	vmul.f32 v36, v36;
	v27 =	vsub.s32 $0x5F3759DF, v27;
	v14 =	vmul.f32 v15, v14;
	v32 =	vld.idx.msk [tilespmem:v32+s15+$0x0], $0xffff  }
0x3e2: {  	vm5 =	vmor vm4, vm0;
	v31 =	vmul.f32 v31, v31;
	v15 =	vld.idx.msk [tilespmem:v25+s17+$0x0], $0xffff;
	v25 =	vmul.f32 v27, v33  }
0x3e3: {  	v13 =	vmul.f32 v19, v13;
	vm4 =	vmand vm4, vm1;
	v30 =	vmul.f32 v30, v30;
	v37 =	vld.idx.msk [tilespmem:v43+s17+$0x0], $0xffff  }
0x3e4: {  	v19 =	vadd.f32 v20, v31;
	v20 =	vmul.f32 v29, v29;
	v29 =	vld.idx.msk [tilespmem:v34+s17+$0x0], $0xffff;
	v25 =	vmul.f32 v27, v25  }
0x3e5: {  	v12 =	vmul.f32 v21, v12;
	v23 =	vadd.f32 v23, v30;
	v22 =	vmul.f32 v22, v22  }
0x3e6: {  	v20 =	vadd.f32 v36, v20;
	v21 =	vmul.f32 v26, v26;
	v25 =	vsub.f32 $1.500000000e+00, v25;
	[tilespmem:v4+s19+$0x0] =	vst.idx.add.f32.msk vm3, v28  }
0x3e7: {  	v14 =	vmul.f32 v14, v17;
	v26 =	vmul.f32 v32, v32;
	v22 =	vadd.f32 v22, v23;
	v4 =	vmovc v10  }
0x3e8: {  	v16 =	vmul.f32 v13, v16;
	v17 =	vadd.f32 v21, v20;
	v25 =	vmul.f32 v27, v25;
	v10 =	vmovc v37  }
0x3e9: {  	v18 =	vmul.f32 v12, v18;
	v19 =	vadd.f32 v26, v19;
	v13 =	vmax.f32 v22, $9.999999910e-38;
	(xrf2) =	vadd.scan.msk.f32 $0xffff, v14  }
0x3ea: {  	v21 =	vshra.s32 v13, $0x1;
	v12 =	vmax.f32 v17, $9.999999910e-38;
	v17 =	vmul.f32 v25, v33;
	[tilespmem:v5+s19+$0x0] =	vst.idx.add.f32.msk vm2, v35;
	v5 =	vmovc v11  }
0x3eb: {  	v14 =	vmax.f32 v19, $9.999999910e-38;
	v19 =	vmul.f32 $5.000000000e-01, v13;
	v23 =	vshra.s32 v12, $0x1;
	v11 =	vmovc v29  }
0x3ec: {  	v22 =	vshra.s32 v14, $0x1;
	v20 =	vmul.f32 $5.000000000e-01, v14;
	v17 =	vmul.f32 v17, v25;
	(xrf2) =	vadd.scan.msk.f32 $0xffff, v16  }
0x3ed: {  	v26 =	vsub.s32 $0x5F3759DF, v22;
	v22 =	vsub.s32 $0x5F3759DF, v21;
	v21 =	vmul.f32 $5.000000000e-01, v12  }
0x3ee: {  	s24 =	sadd.s32 $0x40, s24;
	v23 =	vsub.s32 $0x5F3759DF, v23;
	v16 =	vmul.f32 v26, v20;
	v27 =	vsub.f32 $1.500000000e+00, v17  }
.Ltmp6:
0x3ef: {  	vm6 =	vmor vm7, vm0;
	v29 =	vmul.f32 v22, v19;
	v30 =	vmul.f32 v23, v21;
	v28 =	vld [tilespmem:s24+$0x10];
	(xrf2) =	vadd.scan.msk.f32 $0xffff, v18;
	(pc) =	sbr.rel @p0 .LBB2_14-.Ltmp6, $4  }
0x3f0: {  	v18 =	vmul.f32 v26, v16;
	v17 =	vld [tilespmem:s24+$0xFFFFFFE0];
	v25 =	vmul.f32 v27, v25;
	v27 =	vadd.s32 s26, v3  }
0x3f1: {  	vm3 =	vmand vm7, vm1;
	v33 =	vmul.f32 v22, v29;
	v32 =	vmul.f32 v23, v30;
	v16 =	vld [tilespmem:s24+$0xFFFFFFF0]  }
0x3f2: {  	vm7 =	vmor vm8, vm0;
	v31 =	vsub.f32 $1.500000000e+00, v18;
	v18 =	vld [tilespmem:s24+$0x0];
	v30 =	vmul.f32 v25, v24  }
0x3f3: {  	vm2 =	vmand vm8, vm1;
	s26 =	sadd.s32 $0x40, s26;
	v24 =	vsub.f32 $1.500000000e+00, v33;
	v25 =	vsub.f32 $1.500000000e+00, v32;
	v29, _, _ =	vpop (xrf2)  }
0x3f4: {  	v26 =	vmul.f32 v26, v31;
	_ =	sdelay $0x1  }
0x3f5: {  	v20 =	vmul.f32 v26, v20  }
0x3f6: {  	v22 =	vmul.f32 v22, v24;
	v23 =	vmul.f32 v23, v25  }
0x3f7: {  	v20 =	vmul.f32 v20, v26  }
0x3f8: {  	v19 =	vmul.f32 v22, v19;
	v21 =	vmul.f32 v23, v21  }
0x3f9: {  	v20 =	vsub.f32 $1.500000000e+00, v20  }
0x3fa: {  	v19 =	vmul.f32 v19, v22;
	v21 =	vmul.f32 v21, v23  }
0x3fb: {  	v24 =	vmul.f32 v30, v28;
	v20 =	vmul.f32 v20, v26  }
0x3fc: {  	s0 =	sadd.s32 $0x40, s23;
	v25 =	vld.idx.msk [tilespmem:v27+s17+$0x0], $0xffff;
	v19 =	vsub.f32 $1.500000000e+00, v19;
	v21 =	vsub.f32 $1.500000000e+00, v21  }
0x3fd: {  	(xrf2) =	vadd.scan.msk.f32 $0xffff, v24;
	v26 =	vld [tilespmem:s0+$0x10];
	v14 =	vmul.f32 v20, v14  }
0x3fe: {  	v19 =	vmul.f32 v19, v22;
	v20 =	vmul.f32 v21, v23  }
0x3ff: {  	v14 =	vmul.f32 v14, v17  }
0x400: {  	v13 =	vmul.f32 v19, v13;
	v12 =	vmul.f32 v20, v12  }
0x401: {  	(xrf2) =	vadd.scan.msk.f32 $0xffff, v14  }
0x402: {  	v17 =	vld [tilespmem:s0+$0xFFFFFFE0];
	vm8 =	vne.s32 v26, v25;
	v13 =	vmul.f32 v13, v16;
	v12 =	vmul.f32 v12, v18  }
0x403: {  	v14 =	vld [tilespmem:s0+$0xFFFFFFF0];
	vm9 =	vmor vm8, vm0  }
0x404: {  	[tilespmem:v8+s19+$0x0] =	vst.idx.add.f32.msk vm5, v29;
	vm8 =	vmand vm8, vm1;
	(xrf2) =	vadd.scan.msk.f32 $0xffff, v13  }
0x405: {  	v8, _, _ =	vpop (xrf2);
	v16 =	vsub.f32 $0.0e+00, v29;
	v18 =	vld [tilespmem:s0+$0x0]  }
0x406: {  	[tilespmem:v7+s19+$0x0] =	vst.idx.add.f32.msk vm6, v8;
	(xrf2) =	vadd.scan.msk.f32 $0xffff, v12;
	v12, _, _ =	vpop (xrf2)  }
0x407: {  	[tilespmem:v6+s19+$0x0] =	vst.idx.add.f32.msk vm4, v16;
	vm4 =	vne.s32 v17, v15;
	v6, _, _ =	vpop (xrf2)  }
0x408: {  	vm5 =	vmor vm4, vm0;
	[tilespmem:v9+s19+$0x0] =	vst.idx.add.f32.msk vm7, v12;
	vm6 =	vne.s32 v14, v10;
	v7 =	vsub.f32 $0.0e+00, v6  }
0x409: {  	[tilespmem:v26+s19+$0x0] =	vst.idx.add.f32.msk vm9, v6;
	v6 =	vsub.f32 $0.0e+00, v8;
	vm15 =	vmor vm6, vm0  }
0x40a: {  	vm4 =	vmand vm4, vm1;
	vm7 =	vne.s32 v18, v11;
	[tilespmem:v25+s19+$0x0] =	vst.idx.add.f32.msk vm8, v7;
	v7 =	vsub.f32 $0.0e+00, v12  }
0x40b: {  	vm8 =	vmor vm7, vm0;
	[tilespmem:v4+s19+$0x0] =	vst.idx.add.f32.msk vm3, v6;
	v4, _, _ =	vpop (xrf2)  }
0x40c: {  	vm3 =	vmand vm6, vm1;
	[tilespmem:v5+s19+$0x0] =	vst.idx.add.f32.msk vm2, v7;
	v5 =	vsub.f32 $0.0e+00, v4  }
0x40d: {  	vm2 =	vmand vm7, vm1  }
0x40e: {  	[tilespmem:v17+s19+$0x0] =	vst.idx.add.f32.msk vm5, v4;
	v4, _, _ =	vpop (xrf2)  }
0x40f: {  	[tilespmem:v14+s19+$0x0] =	vst.idx.add.f32.msk vm15, v4  }
0x410: {  	v4 =	vsub.f32 $0.0e+00, v4;
	[tilespmem:v15+s19+$0x0] =	vst.idx.add.f32.msk vm4, v5;
	v5, _, _ =	vpop (xrf2)  }
0x411: {  	[tilespmem:v18+s19+$0x0] =	vst.idx.add.f32.msk vm8, v5;
	v5 =	vsub.f32 $0.0e+00, v5  }
0x412: {  	[tilespmem:v10+s19+$0x0] =	vst.idx.add.f32.msk vm3, v4  }
0x413: {  	[tilespmem:v11+s19+$0x0] =	vst.idx.add.f32.msk vm2, v5  }
0x414: {  	s2 =	rddreg [dreg:$0xc]  }
0x415: {  	s3 =	sld [smem:$0x7F9]  }
0x416: {  	[tilespmem:s15], [sflag:$0x2] =	stream.linear.gather [hbm4b:s2+s1], $0x8000, $0x38;
	[tilespmem:$0x1A880] =	vst v63  }
0x417: {  	s23 =	sld [smem:$0x7FA]  }
0x418: {  	[tilespmem:s16], [sflag:$0x2] =	stream.linear.gather [hbm4b:s3+s1], $0x2000, $0x38;
	[tilespmem:$0x1A880] =	vst v63  }
0x419: {  	_ = 	snop  }
0x41a: {  	[tilespmem:s17], [sflag:$0x2] =	stream.linear.gather [hbm4b:s23+s1], $0x2000, $0x38;
	[tilespmem:$0x1A880] =	vst v63  }
0x41b: {  	s24 =	simm.s32 $0x30;
	_ =	swait.ge [sflag:s18], $0x8000  }
0x41c: {  	v4 =	vmov s24;
	[sflag:s18] =	ssyncset.done $0x0  }
0x41d: {  	v4 =	vshll.u32 v4, $0x2;
	v5 =	vor.u32 s24, v3;
	[sflag:s18] =	ssyncadd.s32 $0xFFFF8000  }
0x41e: {  	v4 =	vand.u32 $0x7E00, v4;
	v5 =	vand.u32 $0x7F, v5;
	_ =	swait.ge [sflag:s18], $0x2000  }
0x41f: {  	s26 =	simm.s32 $0x20;
	v4 =	vor.u32 v5, v4;
	[sflag:s18] =	ssyncset.done $0x0  }
0x420: {  	v13 =	vor.u32 s26, v3;
	v8 =	vmov s26;
	v6 =	vor.u32 $0x80, v4;
	[sflag:s18] =	ssyncadd.s32 $0xFFFFE000  }
0x421: {  	s25 =	simm.s32 $0x10;
	v13 =	vand.u32 $0x6F, v13;
	v8 =	vshll.u32 v8, $0x2;
	s24 =	simm.s32 $0x0;
	_ =	swait.ge [sflag:s18], $0x2000  }
0x422: {  	v7 =	vor.u32 s25, v3;
	v9 =	vmov s24;
	v10 =	vor.u32 $0x100, v4;
	[sflag:s18] =	ssyncset.done $0x0  }
0x423: {  	v11 =	vor.u32 s24, v3;
	v5 =	vmov s25;
	v9 =	vshll.u32 v9, $0x2;
	[sflag:s18] =	ssyncadd.s32 $0xFFFFE000  }
0x424: {  	v11 =	vand.u32 $0x4F, v11;
	v5 =	vshll.u32 v5, $0x2;
	v12 =	vand.u32 $0x7E00, v9;
	v4 =	vld.idx.msk [tilespmem:v4+s1+$0x0], $0xffff  }
0x425: {  	v7 =	vand.u32 $0x5F, v7;
	v5 =	vand.u32 $0x7E00, v5;
	v12 =	vor.u32 v11, v12;
	v6 =	vld.idx.msk [tilespmem:v6+s1+$0x0], $0xffff  }
0x426: {  	v8 =	vand.u32 $0x7E00, v8;
	v14 =	vor.u32 $0x80, v12;
	v5 =	vor.u32 v7, v5  }
0x427: {  	v7 =	vor.u32 v13, v8;
	v8 =	vor.u32 $0x80, v5;
	v10 =	vld.idx.msk [tilespmem:v10+s1+$0x0], $0xffff  }
0x428: {  	v13 =	vor.u32 $0x80, v7;
	_ =	sdelay $0x1  }
0x429: {  	v4 =	vmul.f32 v4, v4;
	v6 =	vmul.f32 v6, v6  }
0x42a: {  	v14 =	vld.idx.msk [tilespmem:v14+s1+$0x0], $0xffff  }
0x42b: {  	v15 =	vor.u32 $0x100, v5;
	v8 =	vld.idx.msk [tilespmem:v8+s1+$0x0], $0xffff;
	v4 =	vadd.f32 v6, v4;
	v6 =	vmul.f32 v10, v10  }
0x42c: {  	v9 =	vor.u32 v11, v9;
	v11 =	vld.idx.msk [tilespmem:v13+s1+$0x0], $0xffff;
	v10 =	vor.u32 $0x100, v7  }
0x42d: {  	v9 =	vor.u32 $0x100, v9;
	v12 =	vld.idx.msk [tilespmem:v12+s1+$0x0], $0xffff;
	v4 =	vadd.f32 v6, v4  }
0x42e: {  	v5 =	vld.idx.msk [tilespmem:v5+s1+$0x0], $0xffff  }
0x42f: {  	v6 =	vld.idx.msk [tilespmem:v7+s1+$0x0], $0xffff;
	v4 =	vmax.f32 v4, $9.999999910e-38  }
0x430: {  	v7 =	vld.idx.msk [tilespmem:v15+s1+$0x0], $0xffff;
	v13 =	vshra.s32 v4, $0x1;
	v15 =	vmul.f32 $5.000000000e-01, v4  }
0x431: {  	v14 =	vmul.f32 v14, v14;
	v10 =	vld.idx.msk [tilespmem:v10+s1+$0x0], $0xffff;
	v13 =	vsub.s32 $0x5F3759DF, v13  }
0x432: {  	v9 =	vld.idx.msk [tilespmem:v9+s1+$0x0], $0xffff;
	v8 =	vmul.f32 v8, v8;
	v16 =	vmul.f32 v13, v15  }
0x433: {  	s31 =	simm.s32 $0x21;
	v11 =	vmul.f32 v11, v11;
	v5 =	vmul.f32 v5, v5  }
0x434: {  	v22 =	vadd.s32 s31, v3;
	v6 =	vmul.f32 v6, v6;
	v16 =	vmul.f32 v13, v16  }
0x435: {  	v12 =	vmul.f32 v12, v12;
	v5 =	vadd.f32 v8, v5;
	v7 =	vmul.f32 v7, v7  }
0x436: {  	v6 =	vadd.f32 v11, v6;
	v8 =	vmul.f32 v10, v10;
	v10 =	vsub.f32 $1.500000000e+00, v16  }
0x437: {  	s30 =	simm.s32 $0x11;
	v9 =	vmul.f32 v9, v9;
	v11 =	vadd.f32 v14, v12;
	v5 =	vadd.f32 v7, v5  }
0x438: {  	s29 =	simm.s32 $0x1;
	v21 =	vadd.s32 s30, v3;
	v6 =	vadd.f32 v8, v6;
	v7 =	vmul.f32 v13, v10  }
0x439: {  	v20 =	vadd.s32 s29, v3;
	v8 =	vadd.f32 v9, v11;
	v11 =	vmax.f32 v5, $9.999999910e-38  }
0x43a: {  	v5 =	vshra.s32 v11, $0x1;
	v10 =	vmax.f32 v6, $9.999999910e-38;
	v6 =	vmul.f32 v7, v15  }
0x43b: {  	v9 =	vmul.f32 $5.000000000e-01, v11;
	v12 =	vmax.f32 v8, $9.999999910e-38;
	v16 =	vsub.s32 $0x5F3759DF, v5  }
0x43c: {  	v13 =	vshra.s32 v12, $0x1;
	v14 =	vmul.f32 $5.000000000e-01, v12;
	v6 =	vmul.f32 v6, v7  }
0x43d: {  	v8 =	vshra.s32 v10, $0x1;
	v17 =	vmul.f32 $5.000000000e-01, v10;
	v13 =	vsub.s32 $0x5F3759DF, v13  }
0x43e: {  	s26 =	simm.s32 $0x40;
	v8 =	vsub.s32 $0x5F3759DF, v8;
	v5 =	vmul.f32 v13, v14;
	v6 =	vsub.f32 $1.500000000e+00, v6  }
0x43f: {  	s28 =	simm.s32 $0x31;
	v27 =	vor.u32 s26, v3;
	v15 =	vmul.f32 v16, v9;
	v18 =	vmul.f32 v8, v17  }
0x440: {  	s24 =	simm.s32 $0x8020;
	v5 =	vmul.f32 v13, v5;
	v6 =	vmul.f32 v6, v7;
	v7 =	vadd.s32 s28, v3  }
0x441: {  	v27 =	vand.u32 $0x4F, v27;
	s3 =	simm.s32 $0x60;
	v19 =	vld [tilespmem:s24+$0x10];
	v15 =	vmul.f32 v16, v15;
	v18 =	vmul.f32 v8, v18  }
0x442: {  	v25 =	vmov s3;
	v29 =	vor.u32 s3, v3;
	v5 =	vsub.f32 $1.500000000e+00, v5  }
0x443: {  	s2 =	simm.s32 $0x70;
	v25 =	vshll.u32 v25, $0x2;
	v23 =	vsub.f32 $1.500000000e+00, v15;
	v18 =	vsub.f32 $1.500000000e+00, v18  }
0x444: {  	v4 =	vmul.f32 v6, v4;
	v13 =	vmul.f32 v13, v5;
	v5 =	vmov s2  }
0x445: {  	v16 =	vmul.f32 v16, v23;
	v5 =	vshll.u32 v5, $0x2;
	v15 =	vld.idx.msk [tilespmem:v7+s14+$0x0], $0xffff;
	v7 =	vor.u32 s2, v3  }
0x446: {  	s25 =	simm.s32 $0x50;
	s23 =	simm.s32 $0xA020;
	v4 =	vmul.f32 v4, v19;
	v5 =	vand.u32 $0x7E00, v5;
	v7 =	vand.u32 $0x7F, v7  }
0x447: {  	v24 =	vld [tilespmem:s23+$0x10];
	v6 =	vmov s25;
	v9 =	vmul.f32 v16, v9;
	v5 =	vor.u32 v7, v5  }
0x448: {  	v18 =	vmul.f32 v8, v18;
	v8 =	vld [tilespmem:s23+$0xFFFFFFE0];
	(xrf2) =	vadd.scan.msk.f32 $0xffff, v4;
	v4 =	vmov s26;
	v26 =	vor.u32 $0x80, v5  }
0x449: {  	v9 =	vmul.f32 v9, v16;
	v7 =	vshll.u32 v4, $0x2;
	v4 =	vshll.u32 v6, $0x2;
	v6 =	vld.idx.msk [tilespmem:v20+s14+$0x0], $0xffff  }
0x44a: {  	v29 =	vand.u32 $0x6F, v29;
	v20 =	vand.u32 $0x7E00, v4;
	v4 =	vld.idx.msk [tilespmem:v21+s14+$0x0], $0xffff;
	v21 =	vor.u32 $0x100, v5  }
0x44b: {  	v25 =	vand.u32 $0x7E00, v25;
	v19 =	vor.u32 s25, v3;
	v37 =	vsub.f32 $1.500000000e+00, v9;
	v9 =	vld [tilespmem:s23+$0x0]  }
0x44c: {  	v14 =	vmul.f32 v13, v14;
	v17 =	vmul.f32 v18, v17;
	v28 =	vand.u32 $0x7E00, v7;
	v30 =	vld.idx.msk [tilespmem:v5+s1+$0x0], $0xffff  }
0x44d: {  	v19 =	vand.u32 $0x5F, v19;
	v7 =	vor.u32 v27, v7;
	v28 =	vor.u32 v27, v28;
	v26 =	vld.idx.msk [tilespmem:v26+s1+$0x0], $0xffff  }
0x44e: {  	v16 =	vmul.f32 v37, v16;
	v19 =	vor.u32 v19, v20;
	v23 =	vor.u32 $0x100, v7;
	v7 =	vld [tilespmem:s23+$0xFFFFFFF0]  }
0x44f: {  	s29 =	simm.s32 $0x51;
	v14 =	vmul.f32 v14, v13;
	v20 =	vor.u32 v29, v25;
	v25 =	vor.u32 $0x80, v19;
	v21 =	vld.idx.msk [tilespmem:v21+s1+$0x0], $0xffff  }
0x450: {  	v36 =	vadd.s32 s29, v3;
	v11 =	vmul.f32 v16, v11;
	v16 =	vld [tilespmem:s24+$0xFFFFFFF0]  }
0x451: {  	v17 =	vmul.f32 v17, v18;
	v14 =	vsub.f32 $1.500000000e+00, v14;
	v31 =	vor.u32 $0x80, v28;
	v5 =	vld.idx.msk [tilespmem:v22+s14+$0x0], $0xffff  }
0x452: {  	v27 =	vor.u32 $0x80, v20;
	v28 =	vld.idx.msk [tilespmem:v28+s1+$0x0], $0xffff;
	v30 =	vmul.f32 v30, v30;
	v26 =	vmul.f32 v26, v26  }
0x453: {  	v17 =	vsub.f32 $1.500000000e+00, v17;
	v29 =	vor.u32 $0x100, v19;
	v13 =	vmul.f32 v14, v13;
	v14 =	vld.idx.msk [tilespmem:v19+s1+$0x0], $0xffff  }
0x454: {  	s28 =	simm.s32 $0x41;
	v32 =	vor.u32 $0x100, v20;
	v25 =	vld.idx.msk [tilespmem:v25+s1+$0x0], $0xffff;
	v21 =	vmul.f32 v21, v21;
	v26 =	vadd.f32 v26, v30  }
0x455: {  	v35 =	vadd.s32 s28, v3;
	vm3 =	vne.s32 v24, v15;
	v17 =	vmul.f32 v17, v18;
	v20 =	vld.idx.msk [tilespmem:v20+s1+$0x0], $0xffff  }
0x456: {  	vm2 =	vmor vm3, vm0;
	vm3 =	vmand vm3, vm1;
	v31 =	vld.idx.msk [tilespmem:v31+s1+$0x0], $0xffff;
	v21 =	vadd.f32 v21, v26  }
0x457: {  	vm4 =	vne.s32 v8, v6;
	v12 =	vmul.f32 v13, v12;
	v10 =	vmul.f32 v17, v10;
	v27 =	vld.idx.msk [tilespmem:v27+s1+$0x0], $0xffff  }
0x458: {  	vm5 =	vmor vm4, vm0;
	v16 =	vmul.f32 v11, v16;
	v62 =	vmax.f32 v21, $9.999999910e-38;
	v21 =	vld.idx.msk [tilespmem:v29+s1+$0x0], $0xffff  }
0x459: {  	v18 =	vmul.f32 v25, v25;
	v29 =	vld.idx.msk [tilespmem:v32+s1+$0x0], $0xffff;
	v25 =	vshra.s32 v62, $0x1;
	v26 =	vmul.f32 $5.000000000e-01, v62  }
0x45a: {  	v23 =	vld.idx.msk [tilespmem:v23+s1+$0x0], $0xffff;
	v13 =	vmul.f32 v28, v28;
	v14 =	vmul.f32 v14, v14;
	v25 =	vsub.s32 $0x5F3759DF, v25  }
0x45b: {  	v22 =	vld [tilespmem:s24+$0xFFFFFFE0];
	vm7 =	vne.s32 v7, v4;
	v33, _, _ =	vpop (xrf2);
	v19 =	vmul.f32 v31, v31;
	v28 =	vmul.f32 v25, v26  }
0x45c: {  	v34 =	vsub.f32 $0.0e+00, v33;
	v20 =	vmul.f32 v20, v20;
	v27 =	vmul.f32 v27, v27  }
0x45d: {  	v13 =	vadd.f32 v19, v13;
	v19 =	vld [tilespmem:s24+$0x0];
	v14 =	vadd.f32 v18, v14;
	v28 =	vmul.f32 v25, v28  }
0x45e: {  	v17 =	vadd.f32 v27, v20;
	v18 =	vmul.f32 v21, v21;
	v20 =	vmul.f32 v29, v29  }
0x45f: {  	vm8 =	vne.s32 v9, v5;
	v23 =	vmul.f32 v23, v23;
	v21 =	vsub.f32 $1.500000000e+00, v28  }
0x460: {  	s30 =	simm.s32 $0x61;
	v12 =	vmul.f32 v12, v22;
	v14 =	vadd.f32 v18, v14;
	v17 =	vadd.f32 v20, v17  }
0x461: {  	v30 =	vadd.s32 s30, v3;
	v11 =	vadd.f32 v23, v13;
	v18 =	vmul.f32 v25, v21  }
0x462: {  	(xrf2) =	vadd.scan.msk.f32 $0xffff, v12;
	v13 =	vmax.f32 v14, $9.999999910e-38;
	v25 =	vmul.f32 v10, v19;
	v12 =	vmax.f32 v17, $9.999999910e-38  }
0x463: {  	[tilespmem:v24+s19+$0x0] =	vst.idx.add.f32.msk vm2, v33;
	v14 =	vmax.f32 v11, $9.999999910e-38;
	v10 =	vshra.s32 v13, $0x1;
	v17 =	vmul.f32 v18, v26  }
0x464: {  	[tilespmem:v15+s19+$0x0] =	vst.idx.add.f32.msk vm3, v34;
	v19 =	vmul.f32 $5.000000000e-01, v13;
	v11 =	vshra.s32 v12, $0x1;
	v21 =	vshra.s32 v14, $0x1  }
0x465: {  	(xrf2) =	vadd.scan.msk.f32 $0xffff, v16;
	v20 =	vmul.f32 $5.000000000e-01, v14;
	v22 =	vsub.s32 $0x5F3759DF, v10;
	v17 =	vmul.f32 v17, v18  }
0x466: {  	v15 =	vld.idx.msk [tilespmem:v35+s14+$0x0], $0xffff;
	s24 =	simm.s32 $0x8060;
	v26 =	vsub.s32 $0x5F3759DF, v21;
	v21 =	vmul.f32 $5.000000000e-01, v12;
	v29 =	vmul.f32 v22, v19  }
0x467: {  	v28 =	vld [tilespmem:s24+$0x10];
	v23 =	vsub.s32 $0x5F3759DF, v11;
	v24 =	vmul.f32 v26, v20;
	v17 =	vsub.f32 $1.500000000e+00, v17  }
0x468: {  	s31 =	simm.s32 $0x71;
	vm4 =	vmand vm4, vm1;
	v11 =	vld.idx.msk [tilespmem:v30+s14+$0x0], $0xffff;
	(xrf2) =	vadd.scan.msk.f32 $0xffff, v25;
	v30 =	vmul.f32 v23, v21;
	v29 =	vmul.f32 v22, v29  }
0x469: {  	v27 =	vadd.s32 s31, v3;
	v16 =	vld [tilespmem:s24+$0xFFFFFFF0];
	v24 =	vmul.f32 v26, v24;
	v18 =	vmul.f32 v17, v18  }
0x46a: {  	vm6 =	vmor vm7, vm0;
	vm2 =	vmand vm8, vm1;
	v10 =	vld.idx.msk [tilespmem:v36+s14+$0x0], $0xffff;
	v63 =	vmul.f32 v23, v30  }
0x46b: {  	vm3 =	vmand vm7, vm1;
	v31 =	vsub.f32 $1.500000000e+00, v24;
	v17 =	vld [tilespmem:s24+$0xFFFFFFE0];
	v30 =	vmul.f32 v18, v62  }
0x46c: {  	s25 =	simm.s32 $0x4;
	s26 =	simm.s32 $0xB1;
	vm7 =	vmor vm8, vm0;
	v24 =	vsub.f32 $1.500000000e+00, v29;
	v25 =	vsub.f32 $1.500000000e+00, v63;
	v29, _, _ =	vpop (xrf2);
	v18 =	vld [tilespmem:s24+$0x0]  }
.LBB2_16:
0x46d: {  	s0 =	sadd.s32 $0xFFFFFFDF, s26;
	s30 =	sadd.s32 $0xFFFFFFFF, s26;
	s25 =	sadd.s32 $0x4, s25;
	v26 =	vmul.f32 v26, v31;
	v35 =	vmul.f32 v30, v28;
	[tilespmem:v8+s19+$0x0] =	vst.idx.add.f32.msk vm5, v29;
	v29 =	vsub.f32 $0.0e+00, v29  }
0x46e: {  	s23 =	sadd.s32 $0x40, s23;
	v30 =	vmov s0;
	v31 =	vor.u32 s0, v3;
	s0 =	sadd.s32 $0xFFFFFFEF, s26;
	v8 =	vmov s30;
	p0 =	slt.u32 s25, $0x1FC;
	v27 =	vld.idx.msk [tilespmem:v27+s14+$0x0], $0xffff  }
0x46f: {  	s31 =	sadd.s32 $0xFFFFFFCF, s26;
	s28 =	sadd.s32 $0xFFFFFFD0, s26;
	s29 =	sadd.s32 $0xFFFFFFE0, s26;
	v33 =	vor.u32 s30, v3;
	v32 =	vmov s0;
	v8 =	vshll.u32 v8, $0x2;
	v34 =	vld [tilespmem:s23+$0x10];
	(xrf2) =	vadd.scan.msk.f32 $0xffff, v35;
	v28, _, _ =	vpop (xrf2)  }
0x470: {  	s30 =	sadd.s32 $0xFFFFFFF0, s26;
	v35 =	vmov s31;
	v33 =	vand.u32 $0x7F, v33;
	v36 =	vand.u32 $0x7E00, v8;
	v8 =	vld [tilespmem:s23+$0xFFFFFFE0]  }
0x471: {  	v30 =	vshll.u32 v30, $0x2;
	v35 =	vshll.u32 v35, $0x2;
	v33 =	vor.u32 v33, v36;
	v36 =	vld [tilespmem:s23+$0xFFFFFFF0]  }
0x472: {  	v37 =	vor.u32 s31, v3;
	v32 =	vshll.u32 v32, $0x2;
	v38 =	vor.u32 $0x80, v33;
	v39 =	vld [tilespmem:s23+$0x0];
	v40, _, _ =	vpop (xrf2)  }
0x473: {  	v42 =	vor.u32 s0, v3;
	v30 =	vand.u32 $0x7E00, v30;
	v41 =	vand.u32 $0x7E00, v35;
	[tilespmem:v6+s19+$0x0] =	vst.idx.add.f32.msk vm4, v29;
	v6 =	vmovc v15  }
0x474: {  	v15 =	vand.u32 $0x7E00, v32;
	v29 =	vor.u32 $0x100, v33;
	vm4 =	vne.s32 v34, v27;
	[tilespmem:v7+s19+$0x0] =	vst.idx.add.f32.msk vm6, v28  }
0x475: {  	v31 =	vand.u32 $0x5F, v31;
	v32 =	vand.u32 $0x4F, v37;
	vm5 =	vmor vm4, vm0;
	[tilespmem:v9+s19+$0x0] =	vst.idx.add.f32.msk vm7, v40  }
0x476: {  	v37 =	vor.u32 v32, v41;
	v41 =	vand.u32 $0x6F, v42;
	vm4 =	vmand vm4, vm1;
	v33 =	vld.idx.msk [tilespmem:v33+s1+$0x0], $0xffff;
	v7 =	vmovc v36  }
0x477: {  	v30 =	vor.u32 v31, v30;
	v15 =	vor.u32 v41, v15;
	v36 =	vor.u32 $0x80, v37;
	v31 =	vld.idx.msk [tilespmem:v38+s1+$0x0], $0xffff;
	v9 =	vmovc v39  }
0x478: {  	v32 =	vor.u32 v32, v35;
	v35 =	vor.u32 $0x80, v30;
	v38 =	vor.u32 $0x80, v15  }
0x479: {  	v32 =	vor.u32 $0x100, v32;
	v41 =	vor.u32 $0x100, v15;
	v39 =	vor.u32 $0x100, v30;
	v29 =	vld.idx.msk [tilespmem:v29+s1+$0x0], $0xffff;
	v42, _, _ =	vpop (xrf2)  }
0x47a: {  	v22 =	vmul.f32 v22, v24;
	v23 =	vmul.f32 v23, v25;
	v24 =	vsub.f32 $0.0e+00, v42  }
0x47b: {  	v25 =	vadd.s32 s28, v3;
	v43 =	vadd.s32 s29, v3;
	v20 =	vmul.f32 v26, v20;
	[tilespmem:v34+s19+$0x0] =	vst.idx.add.f32.msk vm5, v42  }
0x47c: {  	v19 =	vmul.f32 v22, v19;
	v21 =	vmul.f32 v23, v21;
	v34 =	vadd.s32 s30, v3;
	[tilespmem:v27+s19+$0x0] =	vst.idx.add.f32.msk vm4, v24  }
0x47d: {  	v28 =	vsub.f32 $0.0e+00, v28;
	v27 =	vmul.f32 v33, v33;
	v31 =	vmul.f32 v31, v31;
	v24 =	vld.idx.msk [tilespmem:v36+s1+$0x0], $0xffff  }
0x47e: {  	v20 =	vmul.f32 v20, v26;
	v19 =	vmul.f32 v19, v22;
	v33 =	vld.idx.msk [tilespmem:v35+s1+$0x0], $0xffff;
	v35 =	vsub.f32 $0.0e+00, v40  }
0x47f: {  	v21 =	vmul.f32 v21, v23;
	v27 =	vadd.f32 v31, v27;
	v29 =	vmul.f32 v29, v29;
	v36 =	vld.idx.msk [tilespmem:v38+s1+$0x0], $0xffff  }
0x480: {  	v20 =	vsub.f32 $1.500000000e+00, v20;
	v19 =	vsub.f32 $1.500000000e+00, v19;
	vm4 =	vne.s32 v8, v6;
	v31 =	vld.idx.msk [tilespmem:v37+s1+$0x0], $0xffff  }
0x481: {  	v21 =	vsub.f32 $1.500000000e+00, v21;
	vm7 =	vne.s32 v7, v10;
	v27 =	vadd.f32 v29, v27;
	v30 =	vld.idx.msk [tilespmem:v30+s1+$0x0], $0xffff  }
0x482: {  	v19 =	vmul.f32 v19, v22;
	vm8 =	vne.s32 v9, v11;
	v29 =	vld.idx.msk [tilespmem:v15+s1+$0x0], $0xffff;
	v15 =	vmul.f32 v20, v26  }
0x483: {  	v21 =	vmul.f32 v21, v23;
	v20 =	vmul.f32 v24, v24;
	v24 =	vmax.f32 v27, $9.999999910e-38;
	v22 =	vld.idx.msk [tilespmem:v39+s1+$0x0], $0xffff  }
0x484: {  	v23 =	vmul.f32 v33, v33;
	v27 =	vshra.s32 v24, $0x1;
	v33 =	vmul.f32 $5.000000000e-01, v24;
	v26 =	vld.idx.msk [tilespmem:v41+s1+$0x0], $0xffff  }
0x485: {  	v36 =	vmul.f32 v36, v36;
	v27 =	vsub.s32 $0x5F3759DF, v27;
	v14 =	vmul.f32 v15, v14;
	v32 =	vld.idx.msk [tilespmem:v32+s1+$0x0], $0xffff  }
0x486: {  	vm5 =	vmor vm4, vm0;
	v31 =	vmul.f32 v31, v31;
	v15 =	vld.idx.msk [tilespmem:v25+s14+$0x0], $0xffff;
	v25 =	vmul.f32 v27, v33  }
0x487: {  	v13 =	vmul.f32 v19, v13;
	vm4 =	vmand vm4, vm1;
	v30 =	vmul.f32 v30, v30;
	v37 =	vld.idx.msk [tilespmem:v43+s14+$0x0], $0xffff  }
0x488: {  	v19 =	vadd.f32 v20, v31;
	v20 =	vmul.f32 v29, v29;
	v29 =	vld.idx.msk [tilespmem:v34+s14+$0x0], $0xffff;
	v25 =	vmul.f32 v27, v25  }
0x489: {  	v12 =	vmul.f32 v21, v12;
	v23 =	vadd.f32 v23, v30;
	v22 =	vmul.f32 v22, v22  }
0x48a: {  	v20 =	vadd.f32 v36, v20;
	v21 =	vmul.f32 v26, v26;
	v25 =	vsub.f32 $1.500000000e+00, v25;
	[tilespmem:v4+s19+$0x0] =	vst.idx.add.f32.msk vm3, v28  }
0x48b: {  	v14 =	vmul.f32 v14, v17;
	v26 =	vmul.f32 v32, v32;
	v22 =	vadd.f32 v22, v23;
	v4 =	vmovc v10  }
0x48c: {  	v16 =	vmul.f32 v13, v16;
	v17 =	vadd.f32 v21, v20;
	v25 =	vmul.f32 v27, v25;
	v10 =	vmovc v37  }
0x48d: {  	v18 =	vmul.f32 v12, v18;
	v19 =	vadd.f32 v26, v19;
	v13 =	vmax.f32 v22, $9.999999910e-38;
	(xrf2) =	vadd.scan.msk.f32 $0xffff, v14  }
0x48e: {  	v21 =	vshra.s32 v13, $0x1;
	v12 =	vmax.f32 v17, $9.999999910e-38;
	v17 =	vmul.f32 v25, v33;
	[tilespmem:v5+s19+$0x0] =	vst.idx.add.f32.msk vm2, v35;
	v5 =	vmovc v11  }
0x48f: {  	v14 =	vmax.f32 v19, $9.999999910e-38;
	v19 =	vmul.f32 $5.000000000e-01, v13;
	v23 =	vshra.s32 v12, $0x1;
	v11 =	vmovc v29  }
0x490: {  	v22 =	vshra.s32 v14, $0x1;
	v20 =	vmul.f32 $5.000000000e-01, v14;
	v17 =	vmul.f32 v17, v25;
	(xrf2) =	vadd.scan.msk.f32 $0xffff, v16  }
0x491: {  	v26 =	vsub.s32 $0x5F3759DF, v22;
	v22 =	vsub.s32 $0x5F3759DF, v21;
	v21 =	vmul.f32 $5.000000000e-01, v12  }
0x492: {  	s24 =	sadd.s32 $0x40, s24;
	v23 =	vsub.s32 $0x5F3759DF, v23;
	v16 =	vmul.f32 v26, v20;
	v27 =	vsub.f32 $1.500000000e+00, v17  }
.Ltmp7:
0x493: {  	vm6 =	vmor vm7, vm0;
	v29 =	vmul.f32 v22, v19;
	v30 =	vmul.f32 v23, v21;
	v28 =	vld [tilespmem:s24+$0x10];
	(xrf2) =	vadd.scan.msk.f32 $0xffff, v18;
	(pc) =	sbr.rel @p0 .LBB2_16-.Ltmp7, $4  }
0x494: {  	v18 =	vmul.f32 v26, v16;
	v17 =	vld [tilespmem:s24+$0xFFFFFFE0];
	v25 =	vmul.f32 v27, v25;
	v27 =	vadd.s32 s26, v3  }
0x495: {  	vm3 =	vmand vm7, vm1;
	v33 =	vmul.f32 v22, v29;
	v32 =	vmul.f32 v23, v30;
	v16 =	vld [tilespmem:s24+$0xFFFFFFF0]  }
0x496: {  	vm7 =	vmor vm8, vm0;
	v31 =	vsub.f32 $1.500000000e+00, v18;
	v18 =	vld [tilespmem:s24+$0x0];
	v30 =	vmul.f32 v25, v24  }
0x497: {  	vm2 =	vmand vm8, vm1;
	s26 =	sadd.s32 $0x40, s26;
	v24 =	vsub.f32 $1.500000000e+00, v33;
	v25 =	vsub.f32 $1.500000000e+00, v32;
	v29, _, _ =	vpop (xrf2)  }
0x498: {  	v26 =	vmul.f32 v26, v31;
	_ =	sdelay $0x1  }
0x499: {  	v20 =	vmul.f32 v26, v20  }
0x49a: {  	v22 =	vmul.f32 v22, v24;
	v23 =	vmul.f32 v23, v25  }
0x49b: {  	v20 =	vmul.f32 v20, v26  }
0x49c: {  	v19 =	vmul.f32 v22, v19;
	v21 =	vmul.f32 v23, v21  }
0x49d: {  	v20 =	vsub.f32 $1.500000000e+00, v20  }
0x49e: {  	v19 =	vmul.f32 v19, v22;
	v21 =	vmul.f32 v21, v23  }
0x49f: {  	v24 =	vmul.f32 v30, v28;
	v20 =	vmul.f32 v20, v26  }
0x4a0: {  	s0 =	sadd.s32 $0x40, s23;
	v25 =	vld.idx.msk [tilespmem:v27+s14+$0x0], $0xffff;
	v19 =	vsub.f32 $1.500000000e+00, v19;
	v21 =	vsub.f32 $1.500000000e+00, v21  }
0x4a1: {  	(xrf2) =	vadd.scan.msk.f32 $0xffff, v24;
	v26 =	vld [tilespmem:s0+$0x10];
	v14 =	vmul.f32 v20, v14  }
0x4a2: {  	v19 =	vmul.f32 v19, v22;
	v20 =	vmul.f32 v21, v23  }
0x4a3: {  	v14 =	vmul.f32 v14, v17  }
0x4a4: {  	v13 =	vmul.f32 v19, v13;
	v12 =	vmul.f32 v20, v12  }
0x4a5: {  	(xrf2) =	vadd.scan.msk.f32 $0xffff, v14  }
0x4a6: {  	v17 =	vld [tilespmem:s0+$0xFFFFFFE0];
	vm8 =	vne.s32 v26, v25;
	v13 =	vmul.f32 v13, v16;
	v12 =	vmul.f32 v12, v18  }
0x4a7: {  	v14 =	vld [tilespmem:s0+$0xFFFFFFF0];
	vm9 =	vmor vm8, vm0  }
0x4a8: {  	[tilespmem:v8+s19+$0x0] =	vst.idx.add.f32.msk vm5, v29;
	vm8 =	vmand vm8, vm1;
	(xrf2) =	vadd.scan.msk.f32 $0xffff, v13  }
0x4a9: {  	v8, _, _ =	vpop (xrf2);
	v16 =	vsub.f32 $0.0e+00, v29;
	v18 =	vld [tilespmem:s0+$0x0]  }
0x4aa: {  	[tilespmem:v7+s19+$0x0] =	vst.idx.add.f32.msk vm6, v8;
	(xrf2) =	vadd.scan.msk.f32 $0xffff, v12;
	v12, _, _ =	vpop (xrf2)  }
0x4ab: {  	[tilespmem:v6+s19+$0x0] =	vst.idx.add.f32.msk vm4, v16;
	vm4 =	vne.s32 v17, v15;
	v6, _, _ =	vpop (xrf2)  }
0x4ac: {  	vm5 =	vmor vm4, vm0;
	[tilespmem:v9+s19+$0x0] =	vst.idx.add.f32.msk vm7, v12;
	vm6 =	vne.s32 v14, v10;
	v7 =	vsub.f32 $0.0e+00, v6  }
0x4ad: {  	[tilespmem:v26+s19+$0x0] =	vst.idx.add.f32.msk vm9, v6;
	v6 =	vsub.f32 $0.0e+00, v8;
	vm15 =	vmor vm6, vm0  }
0x4ae: {  	vm4 =	vmand vm4, vm1;
	vm7 =	vne.s32 v18, v11;
	[tilespmem:v25+s19+$0x0] =	vst.idx.add.f32.msk vm8, v7;
	v7 =	vsub.f32 $0.0e+00, v12  }
0x4af: {  	vm8 =	vmor vm7, vm0;
	[tilespmem:v4+s19+$0x0] =	vst.idx.add.f32.msk vm3, v6;
	v4, _, _ =	vpop (xrf2)  }
0x4b0: {  	vm3 =	vmand vm6, vm1;
	[tilespmem:v5+s19+$0x0] =	vst.idx.add.f32.msk vm2, v7;
	v5 =	vsub.f32 $0.0e+00, v4  }
0x4b1: {  	vm2 =	vmand vm7, vm1  }
0x4b2: {  	[tilespmem:v17+s19+$0x0] =	vst.idx.add.f32.msk vm5, v4;
	v4, _, _ =	vpop (xrf2)  }
0x4b3: {  	[tilespmem:v14+s19+$0x0] =	vst.idx.add.f32.msk vm15, v4  }
0x4b4: {  	v4 =	vsub.f32 $0.0e+00, v4;
	[tilespmem:v15+s19+$0x0] =	vst.idx.add.f32.msk vm4, v5;
	v5, _, _ =	vpop (xrf2)  }
0x4b5: {  	[tilespmem:v18+s19+$0x0] =	vst.idx.add.f32.msk vm8, v5;
	v5 =	vsub.f32 $0.0e+00, v5  }
0x4b6: {  	[tilespmem:v10+s19+$0x0] =	vst.idx.add.f32.msk vm3, v4  }
0x4b7: {  	[tilespmem:v11+s19+$0x0] =	vst.idx.add.f32.msk vm2, v5  }
0x4b8: {  	s2 =	rddreg [dreg:$0xd]  }
0x4b9: {  	s3 =	sld [smem:$0x7FB]  }
0x4ba: {  	[tilespmem:s1], [sflag:$0x1] =	stream.linear.gather [hbm4b:s2+s1], $0x8000, $0x38;
	[tilespmem:$0x1A880] =	vst v63  }
0x4bb: {  	s23 =	sld [smem:$0x7FC]  }
0x4bc: {  	[tilespmem:s13], [sflag:$0x1] =	stream.linear.gather [hbm4b:s3+s1], $0x2000, $0x38;
	[tilespmem:$0x1A880] =	vst v63  }
0x4bd: {  	_ = 	snop  }
0x4be: {  	[tilespmem:s14], [sflag:$0x1] =	stream.linear.gather [hbm4b:s23+s1], $0x2000, $0x38;
	[tilespmem:$0x1A880] =	vst v63  }
0x4bf: {  	s24 =	simm.s32 $0x30;
	_ =	swait.ge [sflag:s20], $0x8000  }
0x4c0: {  	v4 =	vmov s24;
	[sflag:s20] =	ssyncset.done $0x0  }
0x4c1: {  	v4 =	vshll.u32 v4, $0x2;
	v5 =	vor.u32 s24, v3;
	[sflag:s20] =	ssyncadd.s32 $0xFFFF8000  }
0x4c2: {  	v4 =	vand.u32 $0x7E00, v4;
	v5 =	vand.u32 $0x7F, v5;
	_ =	swait.ge [sflag:s20], $0x2000  }
0x4c3: {  	s26 =	simm.s32 $0x20;
	v4 =	vor.u32 v5, v4;
	[sflag:s20] =	ssyncset.done $0x0  }
0x4c4: {  	v13 =	vor.u32 s26, v3;
	v8 =	vmov s26;
	v6 =	vor.u32 $0x80, v4;
	[sflag:s20] =	ssyncadd.s32 $0xFFFFE000  }
0x4c5: {  	s25 =	simm.s32 $0x10;
	v13 =	vand.u32 $0x6F, v13;
	v8 =	vshll.u32 v8, $0x2;
	s24 =	simm.s32 $0x0;
	_ =	swait.ge [sflag:s20], $0x2000  }
0x4c6: {  	v7 =	vor.u32 s25, v3;
	v9 =	vmov s24;
	v10 =	vor.u32 $0x100, v4;
	[sflag:s20] =	ssyncset.done $0x0  }
0x4c7: {  	v11 =	vor.u32 s24, v3;
	v5 =	vmov s25;
	v9 =	vshll.u32 v9, $0x2;
	[sflag:s20] =	ssyncadd.s32 $0xFFFFE000  }
0x4c8: {  	v11 =	vand.u32 $0x4F, v11;
	v5 =	vshll.u32 v5, $0x2;
	v12 =	vand.u32 $0x7E00, v9;
	v4 =	vld.idx.msk [tilespmem:v4+s15+$0x0], $0xffff  }
0x4c9: {  	v7 =	vand.u32 $0x5F, v7;
	v5 =	vand.u32 $0x7E00, v5;
	v12 =	vor.u32 v11, v12;
	v6 =	vld.idx.msk [tilespmem:v6+s15+$0x0], $0xffff  }
0x4ca: {  	v8 =	vand.u32 $0x7E00, v8;
	v14 =	vor.u32 $0x80, v12;
	v5 =	vor.u32 v7, v5  }
0x4cb: {  	v7 =	vor.u32 v13, v8;
	v8 =	vor.u32 $0x80, v5;
	v10 =	vld.idx.msk [tilespmem:v10+s15+$0x0], $0xffff  }
0x4cc: {  	v13 =	vor.u32 $0x80, v7;
	_ =	sdelay $0x1  }
0x4cd: {  	v4 =	vmul.f32 v4, v4;
	v6 =	vmul.f32 v6, v6  }
0x4ce: {  	v14 =	vld.idx.msk [tilespmem:v14+s15+$0x0], $0xffff  }
0x4cf: {  	v15 =	vor.u32 $0x100, v5;
	v8 =	vld.idx.msk [tilespmem:v8+s15+$0x0], $0xffff;
	v4 =	vadd.f32 v6, v4;
	v6 =	vmul.f32 v10, v10  }
0x4d0: {  	v9 =	vor.u32 v11, v9;
	v11 =	vld.idx.msk [tilespmem:v13+s15+$0x0], $0xffff;
	v10 =	vor.u32 $0x100, v7  }
0x4d1: {  	v9 =	vor.u32 $0x100, v9;
	v12 =	vld.idx.msk [tilespmem:v12+s15+$0x0], $0xffff;
	v4 =	vadd.f32 v6, v4  }
0x4d2: {  	v5 =	vld.idx.msk [tilespmem:v5+s15+$0x0], $0xffff  }
0x4d3: {  	v6 =	vld.idx.msk [tilespmem:v7+s15+$0x0], $0xffff;
	v4 =	vmax.f32 v4, $9.999999910e-38  }
0x4d4: {  	v7 =	vld.idx.msk [tilespmem:v15+s15+$0x0], $0xffff;
	v13 =	vshra.s32 v4, $0x1;
	v15 =	vmul.f32 $5.000000000e-01, v4  }
0x4d5: {  	v14 =	vmul.f32 v14, v14;
	v10 =	vld.idx.msk [tilespmem:v10+s15+$0x0], $0xffff;
	v13 =	vsub.s32 $0x5F3759DF, v13  }
0x4d6: {  	v9 =	vld.idx.msk [tilespmem:v9+s15+$0x0], $0xffff;
	v8 =	vmul.f32 v8, v8;
	v16 =	vmul.f32 v13, v15  }
0x4d7: {  	s31 =	simm.s32 $0x21;
	v11 =	vmul.f32 v11, v11;
	v5 =	vmul.f32 v5, v5  }
0x4d8: {  	v22 =	vadd.s32 s31, v3;
	v6 =	vmul.f32 v6, v6;
	v16 =	vmul.f32 v13, v16  }
0x4d9: {  	v12 =	vmul.f32 v12, v12;
	v5 =	vadd.f32 v8, v5;
	v7 =	vmul.f32 v7, v7  }
0x4da: {  	v6 =	vadd.f32 v11, v6;
	v8 =	vmul.f32 v10, v10;
	v10 =	vsub.f32 $1.500000000e+00, v16  }
0x4db: {  	s30 =	simm.s32 $0x11;
	v9 =	vmul.f32 v9, v9;
	v11 =	vadd.f32 v14, v12;
	v5 =	vadd.f32 v7, v5  }
0x4dc: {  	s29 =	simm.s32 $0x1;
	v21 =	vadd.s32 s30, v3;
	v6 =	vadd.f32 v8, v6;
	v7 =	vmul.f32 v13, v10  }
0x4dd: {  	v20 =	vadd.s32 s29, v3;
	v8 =	vadd.f32 v9, v11;
	v11 =	vmax.f32 v5, $9.999999910e-38  }
0x4de: {  	v5 =	vshra.s32 v11, $0x1;
	v10 =	vmax.f32 v6, $9.999999910e-38;
	v6 =	vmul.f32 v7, v15  }
0x4df: {  	v9 =	vmul.f32 $5.000000000e-01, v11;
	v12 =	vmax.f32 v8, $9.999999910e-38;
	v16 =	vsub.s32 $0x5F3759DF, v5  }
0x4e0: {  	v13 =	vshra.s32 v12, $0x1;
	v14 =	vmul.f32 $5.000000000e-01, v12;
	v6 =	vmul.f32 v6, v7  }
0x4e1: {  	v8 =	vshra.s32 v10, $0x1;
	v17 =	vmul.f32 $5.000000000e-01, v10;
	v13 =	vsub.s32 $0x5F3759DF, v13  }
0x4e2: {  	s26 =	simm.s32 $0x40;
	v8 =	vsub.s32 $0x5F3759DF, v8;
	v5 =	vmul.f32 v13, v14;
	v6 =	vsub.f32 $1.500000000e+00, v6  }
0x4e3: {  	s28 =	simm.s32 $0x31;
	v27 =	vor.u32 s26, v3;
	v15 =	vmul.f32 v16, v9;
	v18 =	vmul.f32 v8, v17  }
0x4e4: {  	s24 =	simm.s32 $0x140A0;
	v5 =	vmul.f32 v13, v5;
	v6 =	vmul.f32 v6, v7;
	v7 =	vadd.s32 s28, v3  }
0x4e5: {  	v27 =	vand.u32 $0x4F, v27;
	s3 =	simm.s32 $0x60;
	v19 =	vld [tilespmem:s24+$0x10];
	v15 =	vmul.f32 v16, v15;
	v18 =	vmul.f32 v8, v18  }
0x4e6: {  	v25 =	vmov s3;
	v29 =	vor.u32 s3, v3;
	v5 =	vsub.f32 $1.500000000e+00, v5  }
0x4e7: {  	s2 =	simm.s32 $0x70;
	v25 =	vshll.u32 v25, $0x2;
	v23 =	vsub.f32 $1.500000000e+00, v15;
	v18 =	vsub.f32 $1.500000000e+00, v18  }
0x4e8: {  	v4 =	vmul.f32 v6, v4;
	v13 =	vmul.f32 v13, v5;
	v5 =	vmov s2  }
0x4e9: {  	v16 =	vmul.f32 v16, v23;
	v5 =	vshll.u32 v5, $0x2;
	v15 =	vld.idx.msk [tilespmem:v7+s17+$0x0], $0xffff;
	v7 =	vor.u32 s2, v3  }
0x4ea: {  	s25 =	simm.s32 $0x50;
	s23 =	simm.s32 $0x160A0;
	v4 =	vmul.f32 v4, v19;
	v5 =	vand.u32 $0x7E00, v5;
	v7 =	vand.u32 $0x7F, v7  }
0x4eb: {  	v24 =	vld [tilespmem:s23+$0x10];
	v6 =	vmov s25;
	v9 =	vmul.f32 v16, v9;
	v5 =	vor.u32 v7, v5  }
0x4ec: {  	v18 =	vmul.f32 v8, v18;
	v8 =	vld [tilespmem:s23+$0xFFFFFFE0];
	(xrf2) =	vadd.scan.msk.f32 $0xffff, v4;
	v4 =	vmov s26;
	v26 =	vor.u32 $0x80, v5  }
0x4ed: {  	v9 =	vmul.f32 v9, v16;
	v7 =	vshll.u32 v4, $0x2;
	v4 =	vshll.u32 v6, $0x2;
	v6 =	vld.idx.msk [tilespmem:v20+s17+$0x0], $0xffff  }
0x4ee: {  	v29 =	vand.u32 $0x6F, v29;
	v20 =	vand.u32 $0x7E00, v4;
	v4 =	vld.idx.msk [tilespmem:v21+s17+$0x0], $0xffff;
	v21 =	vor.u32 $0x100, v5  }
0x4ef: {  	v25 =	vand.u32 $0x7E00, v25;
	v19 =	vor.u32 s25, v3;
	v37 =	vsub.f32 $1.500000000e+00, v9;
	v9 =	vld [tilespmem:s23+$0x0]  }
0x4f0: {  	v14 =	vmul.f32 v13, v14;
	v17 =	vmul.f32 v18, v17;
	v28 =	vand.u32 $0x7E00, v7;
	v30 =	vld.idx.msk [tilespmem:v5+s15+$0x0], $0xffff  }
0x4f1: {  	v19 =	vand.u32 $0x5F, v19;
	v7 =	vor.u32 v27, v7;
	v28 =	vor.u32 v27, v28;
	v26 =	vld.idx.msk [tilespmem:v26+s15+$0x0], $0xffff  }
0x4f2: {  	v16 =	vmul.f32 v37, v16;
	v19 =	vor.u32 v19, v20;
	v23 =	vor.u32 $0x100, v7;
	v7 =	vld [tilespmem:s23+$0xFFFFFFF0]  }
0x4f3: {  	s29 =	simm.s32 $0x51;
	v14 =	vmul.f32 v14, v13;
	v20 =	vor.u32 v29, v25;
	v25 =	vor.u32 $0x80, v19;
	v21 =	vld.idx.msk [tilespmem:v21+s15+$0x0], $0xffff  }
0x4f4: {  	v36 =	vadd.s32 s29, v3;
	v11 =	vmul.f32 v16, v11;
	v16 =	vld [tilespmem:s24+$0xFFFFFFF0]  }
0x4f5: {  	v17 =	vmul.f32 v17, v18;
	v14 =	vsub.f32 $1.500000000e+00, v14;
	v31 =	vor.u32 $0x80, v28;
	v5 =	vld.idx.msk [tilespmem:v22+s17+$0x0], $0xffff  }
0x4f6: {  	v27 =	vor.u32 $0x80, v20;
	v28 =	vld.idx.msk [tilespmem:v28+s15+$0x0], $0xffff;
	v30 =	vmul.f32 v30, v30;
	v26 =	vmul.f32 v26, v26  }
0x4f7: {  	v17 =	vsub.f32 $1.500000000e+00, v17;
	v29 =	vor.u32 $0x100, v19;
	v13 =	vmul.f32 v14, v13;
	v14 =	vld.idx.msk [tilespmem:v19+s15+$0x0], $0xffff  }
0x4f8: {  	s28 =	simm.s32 $0x41;
	v32 =	vor.u32 $0x100, v20;
	v25 =	vld.idx.msk [tilespmem:v25+s15+$0x0], $0xffff;
	v21 =	vmul.f32 v21, v21;
	v26 =	vadd.f32 v26, v30  }
0x4f9: {  	v35 =	vadd.s32 s28, v3;
	vm3 =	vne.s32 v24, v15;
	v17 =	vmul.f32 v17, v18;
	v20 =	vld.idx.msk [tilespmem:v20+s15+$0x0], $0xffff  }
0x4fa: {  	vm2 =	vmor vm3, vm0;
	vm3 =	vmand vm3, vm1;
	v31 =	vld.idx.msk [tilespmem:v31+s15+$0x0], $0xffff;
	v21 =	vadd.f32 v21, v26  }
0x4fb: {  	vm4 =	vne.s32 v8, v6;
	v12 =	vmul.f32 v13, v12;
	v10 =	vmul.f32 v17, v10;
	v27 =	vld.idx.msk [tilespmem:v27+s15+$0x0], $0xffff  }
0x4fc: {  	vm5 =	vmor vm4, vm0;
	v16 =	vmul.f32 v11, v16;
	v62 =	vmax.f32 v21, $9.999999910e-38;
	v21 =	vld.idx.msk [tilespmem:v29+s15+$0x0], $0xffff  }
0x4fd: {  	v18 =	vmul.f32 v25, v25;
	v29 =	vld.idx.msk [tilespmem:v32+s15+$0x0], $0xffff;
	v25 =	vshra.s32 v62, $0x1;
	v26 =	vmul.f32 $5.000000000e-01, v62  }
0x4fe: {  	v23 =	vld.idx.msk [tilespmem:v23+s15+$0x0], $0xffff;
	v13 =	vmul.f32 v28, v28;
	v14 =	vmul.f32 v14, v14;
	v25 =	vsub.s32 $0x5F3759DF, v25  }
0x4ff: {  	v22 =	vld [tilespmem:s24+$0xFFFFFFE0];
	vm7 =	vne.s32 v7, v4;
	v33, _, _ =	vpop (xrf2);
	v19 =	vmul.f32 v31, v31;
	v28 =	vmul.f32 v25, v26  }
0x500: {  	v34 =	vsub.f32 $0.0e+00, v33;
	v20 =	vmul.f32 v20, v20;
	v27 =	vmul.f32 v27, v27  }
0x501: {  	v13 =	vadd.f32 v19, v13;
	v19 =	vld [tilespmem:s24+$0x0];
	v14 =	vadd.f32 v18, v14;
	v28 =	vmul.f32 v25, v28  }
0x502: {  	v17 =	vadd.f32 v27, v20;
	v18 =	vmul.f32 v21, v21;
	v20 =	vmul.f32 v29, v29  }
0x503: {  	vm8 =	vne.s32 v9, v5;
	v23 =	vmul.f32 v23, v23;
	v21 =	vsub.f32 $1.500000000e+00, v28  }
0x504: {  	s30 =	simm.s32 $0x61;
	v12 =	vmul.f32 v12, v22;
	v14 =	vadd.f32 v18, v14;
	v17 =	vadd.f32 v20, v17  }
0x505: {  	v30 =	vadd.s32 s30, v3;
	v11 =	vadd.f32 v23, v13;
	v18 =	vmul.f32 v25, v21  }
0x506: {  	(xrf2) =	vadd.scan.msk.f32 $0xffff, v12;
	v13 =	vmax.f32 v14, $9.999999910e-38;
	v25 =	vmul.f32 v10, v19;
	v12 =	vmax.f32 v17, $9.999999910e-38  }
0x507: {  	[tilespmem:v24+s19+$0x0] =	vst.idx.add.f32.msk vm2, v33;
	v14 =	vmax.f32 v11, $9.999999910e-38;
	v10 =	vshra.s32 v13, $0x1;
	v17 =	vmul.f32 v18, v26  }
0x508: {  	[tilespmem:v15+s19+$0x0] =	vst.idx.add.f32.msk vm3, v34;
	v19 =	vmul.f32 $5.000000000e-01, v13;
	v11 =	vshra.s32 v12, $0x1;
	v21 =	vshra.s32 v14, $0x1  }
0x509: {  	(xrf2) =	vadd.scan.msk.f32 $0xffff, v16;
	v20 =	vmul.f32 $5.000000000e-01, v14;
	v22 =	vsub.s32 $0x5F3759DF, v10;
	v17 =	vmul.f32 v17, v18  }
0x50a: {  	v15 =	vld.idx.msk [tilespmem:v35+s17+$0x0], $0xffff;
	s24 =	simm.s32 $0x140E0;
	v26 =	vsub.s32 $0x5F3759DF, v21;
	v21 =	vmul.f32 $5.000000000e-01, v12;
	v29 =	vmul.f32 v22, v19  }
0x50b: {  	v28 =	vld [tilespmem:s24+$0x10];
	v23 =	vsub.s32 $0x5F3759DF, v11;
	v24 =	vmul.f32 v26, v20;
	v17 =	vsub.f32 $1.500000000e+00, v17  }
0x50c: {  	s31 =	simm.s32 $0x71;
	vm4 =	vmand vm4, vm1;
	v11 =	vld.idx.msk [tilespmem:v30+s17+$0x0], $0xffff;
	(xrf2) =	vadd.scan.msk.f32 $0xffff, v25;
	v30 =	vmul.f32 v23, v21;
	v29 =	vmul.f32 v22, v29  }
0x50d: {  	v27 =	vadd.s32 s31, v3;
	v16 =	vld [tilespmem:s24+$0xFFFFFFF0];
	v24 =	vmul.f32 v26, v24;
	v18 =	vmul.f32 v17, v18  }
0x50e: {  	vm6 =	vmor vm7, vm0;
	vm2 =	vmand vm8, vm1;
	v10 =	vld.idx.msk [tilespmem:v36+s17+$0x0], $0xffff;
	v63 =	vmul.f32 v23, v30  }
0x50f: {  	vm3 =	vmand vm7, vm1;
	v31 =	vsub.f32 $1.500000000e+00, v24;
	v17 =	vld [tilespmem:s24+$0xFFFFFFE0];
	v30 =	vmul.f32 v18, v62  }
0x510: {  	s25 =	simm.s32 $0x4;
	s26 =	simm.s32 $0xB1;
	vm7 =	vmor vm8, vm0;
	v24 =	vsub.f32 $1.500000000e+00, v29;
	v25 =	vsub.f32 $1.500000000e+00, v63;
	v29, _, _ =	vpop (xrf2);
	v18 =	vld [tilespmem:s24+$0x0]  }
.LBB2_18:
0x511: {  	s0 =	sadd.s32 $0xFFFFFFDF, s26;
	s30 =	sadd.s32 $0xFFFFFFFF, s26;
	s25 =	sadd.s32 $0x4, s25;
	v26 =	vmul.f32 v26, v31;
	v35 =	vmul.f32 v30, v28;
	[tilespmem:v8+s19+$0x0] =	vst.idx.add.f32.msk vm5, v29;
	v29 =	vsub.f32 $0.0e+00, v29  }
0x512: {  	s23 =	sadd.s32 $0x40, s23;
	v30 =	vmov s0;
	v31 =	vor.u32 s0, v3;
	s0 =	sadd.s32 $0xFFFFFFEF, s26;
	v8 =	vmov s30;
	p0 =	slt.u32 s25, $0x1FC;
	v27 =	vld.idx.msk [tilespmem:v27+s17+$0x0], $0xffff  }
0x513: {  	s31 =	sadd.s32 $0xFFFFFFCF, s26;
	s28 =	sadd.s32 $0xFFFFFFD0, s26;
	s29 =	sadd.s32 $0xFFFFFFE0, s26;
	v33 =	vor.u32 s30, v3;
	v32 =	vmov s0;
	v8 =	vshll.u32 v8, $0x2;
	v34 =	vld [tilespmem:s23+$0x10];
	(xrf2) =	vadd.scan.msk.f32 $0xffff, v35;
	v28, _, _ =	vpop (xrf2)  }
0x514: {  	s30 =	sadd.s32 $0xFFFFFFF0, s26;
	v35 =	vmov s31;
	v33 =	vand.u32 $0x7F, v33;
	v36 =	vand.u32 $0x7E00, v8;
	v8 =	vld [tilespmem:s23+$0xFFFFFFE0]  }
0x515: {  	v30 =	vshll.u32 v30, $0x2;
	v35 =	vshll.u32 v35, $0x2;
	v33 =	vor.u32 v33, v36;
	v36 =	vld [tilespmem:s23+$0xFFFFFFF0]  }
0x516: {  	v37 =	vor.u32 s31, v3;
	v32 =	vshll.u32 v32, $0x2;
	v38 =	vor.u32 $0x80, v33;
	v39 =	vld [tilespmem:s23+$0x0];
	v40, _, _ =	vpop (xrf2)  }
0x517: {  	v42 =	vor.u32 s0, v3;
	v30 =	vand.u32 $0x7E00, v30;
	v41 =	vand.u32 $0x7E00, v35;
	[tilespmem:v6+s19+$0x0] =	vst.idx.add.f32.msk vm4, v29;
	v6 =	vmovc v15  }
0x518: {  	v15 =	vand.u32 $0x7E00, v32;
	v29 =	vor.u32 $0x100, v33;
	vm4 =	vne.s32 v34, v27;
	[tilespmem:v7+s19+$0x0] =	vst.idx.add.f32.msk vm6, v28  }
0x519: {  	v31 =	vand.u32 $0x5F, v31;
	v32 =	vand.u32 $0x4F, v37;
	vm5 =	vmor vm4, vm0;
	[tilespmem:v9+s19+$0x0] =	vst.idx.add.f32.msk vm7, v40  }
0x51a: {  	v37 =	vor.u32 v32, v41;
	v41 =	vand.u32 $0x6F, v42;
	vm4 =	vmand vm4, vm1;
	v33 =	vld.idx.msk [tilespmem:v33+s15+$0x0], $0xffff;
	v7 =	vmovc v36  }
0x51b: {  	v30 =	vor.u32 v31, v30;
	v15 =	vor.u32 v41, v15;
	v36 =	vor.u32 $0x80, v37;
	v31 =	vld.idx.msk [tilespmem:v38+s15+$0x0], $0xffff;
	v9 =	vmovc v39  }
0x51c: {  	v32 =	vor.u32 v32, v35;
	v35 =	vor.u32 $0x80, v30;
	v38 =	vor.u32 $0x80, v15  }
0x51d: {  	v32 =	vor.u32 $0x100, v32;
	v41 =	vor.u32 $0x100, v15;
	v39 =	vor.u32 $0x100, v30;
	v29 =	vld.idx.msk [tilespmem:v29+s15+$0x0], $0xffff;
	v42, _, _ =	vpop (xrf2)  }
0x51e: {  	v22 =	vmul.f32 v22, v24;
	v23 =	vmul.f32 v23, v25;
	v24 =	vsub.f32 $0.0e+00, v42  }
0x51f: {  	v25 =	vadd.s32 s28, v3;
	v43 =	vadd.s32 s29, v3;
	v20 =	vmul.f32 v26, v20;
	[tilespmem:v34+s19+$0x0] =	vst.idx.add.f32.msk vm5, v42  }
0x520: {  	v19 =	vmul.f32 v22, v19;
	v21 =	vmul.f32 v23, v21;
	v34 =	vadd.s32 s30, v3;
	[tilespmem:v27+s19+$0x0] =	vst.idx.add.f32.msk vm4, v24  }
0x521: {  	v28 =	vsub.f32 $0.0e+00, v28;
	v27 =	vmul.f32 v33, v33;
	v31 =	vmul.f32 v31, v31;
	v24 =	vld.idx.msk [tilespmem:v36+s15+$0x0], $0xffff  }
0x522: {  	v20 =	vmul.f32 v20, v26;
	v19 =	vmul.f32 v19, v22;
	v33 =	vld.idx.msk [tilespmem:v35+s15+$0x0], $0xffff;
	v35 =	vsub.f32 $0.0e+00, v40  }
0x523: {  	v21 =	vmul.f32 v21, v23;
	v27 =	vadd.f32 v31, v27;
	v29 =	vmul.f32 v29, v29;
	v36 =	vld.idx.msk [tilespmem:v38+s15+$0x0], $0xffff  }
0x524: {  	v20 =	vsub.f32 $1.500000000e+00, v20;
	v19 =	vsub.f32 $1.500000000e+00, v19;
	vm4 =	vne.s32 v8, v6;
	v31 =	vld.idx.msk [tilespmem:v37+s15+$0x0], $0xffff  }
0x525: {  	v21 =	vsub.f32 $1.500000000e+00, v21;
	vm7 =	vne.s32 v7, v10;
	v27 =	vadd.f32 v29, v27;
	v30 =	vld.idx.msk [tilespmem:v30+s15+$0x0], $0xffff  }
0x526: {  	v19 =	vmul.f32 v19, v22;
	vm8 =	vne.s32 v9, v11;
	v29 =	vld.idx.msk [tilespmem:v15+s15+$0x0], $0xffff;
	v15 =	vmul.f32 v20, v26  }
0x527: {  	v21 =	vmul.f32 v21, v23;
	v20 =	vmul.f32 v24, v24;
	v24 =	vmax.f32 v27, $9.999999910e-38;
	v22 =	vld.idx.msk [tilespmem:v39+s15+$0x0], $0xffff  }
0x528: {  	v23 =	vmul.f32 v33, v33;
	v27 =	vshra.s32 v24, $0x1;
	v33 =	vmul.f32 $5.000000000e-01, v24;
	v26 =	vld.idx.msk [tilespmem:v41+s15+$0x0], $0xffff  }
0x529: {  	v36 =	vmul.f32 v36, v36;
	v27 =	vsub.s32 $0x5F3759DF, v27;
	v14 =	vmul.f32 v15, v14;
	v32 =	vld.idx.msk [tilespmem:v32+s15+$0x0], $0xffff  }
0x52a: {  	vm5 =	vmor vm4, vm0;
	v31 =	vmul.f32 v31, v31;
	v15 =	vld.idx.msk [tilespmem:v25+s17+$0x0], $0xffff;
	v25 =	vmul.f32 v27, v33  }
0x52b: {  	v13 =	vmul.f32 v19, v13;
	vm4 =	vmand vm4, vm1;
	v30 =	vmul.f32 v30, v30;
	v37 =	vld.idx.msk [tilespmem:v43+s17+$0x0], $0xffff  }
0x52c: {  	v19 =	vadd.f32 v20, v31;
	v20 =	vmul.f32 v29, v29;
	v29 =	vld.idx.msk [tilespmem:v34+s17+$0x0], $0xffff;
	v25 =	vmul.f32 v27, v25  }
0x52d: {  	v12 =	vmul.f32 v21, v12;
	v23 =	vadd.f32 v23, v30;
	v22 =	vmul.f32 v22, v22  }
0x52e: {  	v20 =	vadd.f32 v36, v20;
	v21 =	vmul.f32 v26, v26;
	v25 =	vsub.f32 $1.500000000e+00, v25;
	[tilespmem:v4+s19+$0x0] =	vst.idx.add.f32.msk vm3, v28  }
0x52f: {  	v14 =	vmul.f32 v14, v17;
	v26 =	vmul.f32 v32, v32;
	v22 =	vadd.f32 v22, v23;
	v4 =	vmovc v10  }
0x530: {  	v16 =	vmul.f32 v13, v16;
	v17 =	vadd.f32 v21, v20;
	v25 =	vmul.f32 v27, v25;
	v10 =	vmovc v37  }
0x531: {  	v18 =	vmul.f32 v12, v18;
	v19 =	vadd.f32 v26, v19;
	v13 =	vmax.f32 v22, $9.999999910e-38;
	(xrf2) =	vadd.scan.msk.f32 $0xffff, v14  }
0x532: {  	v21 =	vshra.s32 v13, $0x1;
	v12 =	vmax.f32 v17, $9.999999910e-38;
	v17 =	vmul.f32 v25, v33;
	[tilespmem:v5+s19+$0x0] =	vst.idx.add.f32.msk vm2, v35;
	v5 =	vmovc v11  }
0x533: {  	v14 =	vmax.f32 v19, $9.999999910e-38;
	v19 =	vmul.f32 $5.000000000e-01, v13;
	v23 =	vshra.s32 v12, $0x1;
	v11 =	vmovc v29  }
0x534: {  	v22 =	vshra.s32 v14, $0x1;
	v20 =	vmul.f32 $5.000000000e-01, v14;
	v17 =	vmul.f32 v17, v25;
	(xrf2) =	vadd.scan.msk.f32 $0xffff, v16  }
0x535: {  	v26 =	vsub.s32 $0x5F3759DF, v22;
	v22 =	vsub.s32 $0x5F3759DF, v21;
	v21 =	vmul.f32 $5.000000000e-01, v12  }
0x536: {  	s24 =	sadd.s32 $0x40, s24;
	v23 =	vsub.s32 $0x5F3759DF, v23;
	v16 =	vmul.f32 v26, v20;
	v27 =	vsub.f32 $1.500000000e+00, v17  }
.Ltmp8:
0x537: {  	vm6 =	vmor vm7, vm0;
	v29 =	vmul.f32 v22, v19;
	v30 =	vmul.f32 v23, v21;
	v28 =	vld [tilespmem:s24+$0x10];
	(xrf2) =	vadd.scan.msk.f32 $0xffff, v18;
	(pc) =	sbr.rel @p0 .LBB2_18-.Ltmp8, $4  }
0x538: {  	v18 =	vmul.f32 v26, v16;
	v17 =	vld [tilespmem:s24+$0xFFFFFFE0];
	v25 =	vmul.f32 v27, v25;
	v27 =	vadd.s32 s26, v3  }
0x539: {  	vm3 =	vmand vm7, vm1;
	v33 =	vmul.f32 v22, v29;
	v32 =	vmul.f32 v23, v30;
	v16 =	vld [tilespmem:s24+$0xFFFFFFF0]  }
0x53a: {  	vm7 =	vmor vm8, vm0;
	v31 =	vsub.f32 $1.500000000e+00, v18;
	v18 =	vld [tilespmem:s24+$0x0];
	v30 =	vmul.f32 v25, v24  }
0x53b: {  	vm2 =	vmand vm8, vm1;
	s26 =	sadd.s32 $0x40, s26;
	v24 =	vsub.f32 $1.500000000e+00, v33;
	v25 =	vsub.f32 $1.500000000e+00, v32;
	v29, _, _ =	vpop (xrf2)  }
0x53c: {  	v26 =	vmul.f32 v26, v31;
	_ =	sdelay $0x1  }
0x53d: {  	v20 =	vmul.f32 v26, v20  }
0x53e: {  	v22 =	vmul.f32 v22, v24;
	v23 =	vmul.f32 v23, v25  }
0x53f: {  	v20 =	vmul.f32 v20, v26  }
0x540: {  	v19 =	vmul.f32 v22, v19;
	v21 =	vmul.f32 v23, v21  }
0x541: {  	v20 =	vsub.f32 $1.500000000e+00, v20  }
0x542: {  	v19 =	vmul.f32 v19, v22;
	v21 =	vmul.f32 v21, v23  }
0x543: {  	v24 =	vmul.f32 v30, v28;
	v20 =	vmul.f32 v20, v26  }
0x544: {  	s0 =	sadd.s32 $0x40, s23;
	v25 =	vld.idx.msk [tilespmem:v27+s17+$0x0], $0xffff;
	v19 =	vsub.f32 $1.500000000e+00, v19;
	v21 =	vsub.f32 $1.500000000e+00, v21  }
0x545: {  	(xrf2) =	vadd.scan.msk.f32 $0xffff, v24;
	v26 =	vld [tilespmem:s0+$0x10];
	v14 =	vmul.f32 v20, v14  }
0x546: {  	v19 =	vmul.f32 v19, v22;
	v20 =	vmul.f32 v21, v23  }
0x547: {  	v14 =	vmul.f32 v14, v17  }
0x548: {  	v13 =	vmul.f32 v19, v13;
	v12 =	vmul.f32 v20, v12  }
0x549: {  	(xrf2) =	vadd.scan.msk.f32 $0xffff, v14  }
0x54a: {  	v17 =	vld [tilespmem:s0+$0xFFFFFFE0];
	vm8 =	vne.s32 v26, v25;
	v13 =	vmul.f32 v13, v16;
	v12 =	vmul.f32 v12, v18  }
0x54b: {  	v14 =	vld [tilespmem:s0+$0xFFFFFFF0];
	vm9 =	vmor vm8, vm0  }
0x54c: {  	[tilespmem:v8+s19+$0x0] =	vst.idx.add.f32.msk vm5, v29;
	vm8 =	vmand vm8, vm1;
	(xrf2) =	vadd.scan.msk.f32 $0xffff, v13  }
0x54d: {  	v8, _, _ =	vpop (xrf2);
	v16 =	vsub.f32 $0.0e+00, v29;
	v18 =	vld [tilespmem:s0+$0x0]  }
0x54e: {  	[tilespmem:v7+s19+$0x0] =	vst.idx.add.f32.msk vm6, v8;
	(xrf2) =	vadd.scan.msk.f32 $0xffff, v12;
	v12, _, _ =	vpop (xrf2)  }
0x54f: {  	[tilespmem:v6+s19+$0x0] =	vst.idx.add.f32.msk vm4, v16;
	vm4 =	vne.s32 v17, v15;
	v6, _, _ =	vpop (xrf2)  }
0x550: {  	vm5 =	vmor vm4, vm0;
	[tilespmem:v9+s19+$0x0] =	vst.idx.add.f32.msk vm7, v12;
	vm6 =	vne.s32 v14, v10;
	v7 =	vsub.f32 $0.0e+00, v6  }
0x551: {  	[tilespmem:v26+s19+$0x0] =	vst.idx.add.f32.msk vm9, v6;
	v6 =	vsub.f32 $0.0e+00, v8;
	vm15 =	vmor vm6, vm0  }
0x552: {  	vm4 =	vmand vm4, vm1;
	vm7 =	vne.s32 v18, v11;
	[tilespmem:v25+s19+$0x0] =	vst.idx.add.f32.msk vm8, v7;
	v7 =	vsub.f32 $0.0e+00, v12  }
0x553: {  	vm8 =	vmor vm7, vm0;
	[tilespmem:v4+s19+$0x0] =	vst.idx.add.f32.msk vm3, v6;
	v4, _, _ =	vpop (xrf2)  }
0x554: {  	vm3 =	vmand vm6, vm1;
	[tilespmem:v5+s19+$0x0] =	vst.idx.add.f32.msk vm2, v7;
	v5 =	vsub.f32 $0.0e+00, v4  }
0x555: {  	vm2 =	vmand vm7, vm1  }
0x556: {  	[tilespmem:v17+s19+$0x0] =	vst.idx.add.f32.msk vm5, v4;
	v4, _, _ =	vpop (xrf2)  }
0x557: {  	[tilespmem:v14+s19+$0x0] =	vst.idx.add.f32.msk vm15, v4  }
0x558: {  	v4 =	vsub.f32 $0.0e+00, v4;
	[tilespmem:v15+s19+$0x0] =	vst.idx.add.f32.msk vm4, v5;
	v5, _, _ =	vpop (xrf2)  }
0x559: {  	[tilespmem:v18+s19+$0x0] =	vst.idx.add.f32.msk vm8, v5;
	v5 =	vsub.f32 $0.0e+00, v5  }
0x55a: {  	[tilespmem:v10+s19+$0x0] =	vst.idx.add.f32.msk vm3, v4  }
0x55b: {  	[tilespmem:v11+s19+$0x0] =	vst.idx.add.f32.msk vm2, v5  }
0x55c: {  	s3 =	rddreg [dreg:$0xe]  }
0x55d: {  	s23 =	sld [smem:$0x7FD]  }
0x55e: {  	[tilespmem:s15], [sflag:$0x2] =	stream.linear.gather [hbm4b:s3+s1], $0x8000, $0x38;
	[tilespmem:$0x1A880] =	vst v63  }
0x55f: {  	_ = 	snop  }
0x560: {  	[tilespmem:s16], [sflag:$0x2] =	stream.linear.gather [hbm4b:s23+s1], $0x2000, $0x38;
	[tilespmem:$0x1A880] =	vst v63  }
0x561: {  	_ = 	snop  }
0x562: {  	[tilespmem:s17], [sflag:$0x2] =	stream.linear.gather [hbm4b:s4+s1], $0x2000, $0x38;
	[tilespmem:$0x1A880] =	vst v63  }
0x563: {  	s24 =	simm.s32 $0x30;
	_ =	swait.ge [sflag:s18], $0x8000  }
0x564: {  	v4 =	vmov s24;
	[sflag:s18] =	ssyncset.done $0x0  }
0x565: {  	v4 =	vshll.u32 v4, $0x2;
	v5 =	vor.u32 s24, v3;
	[sflag:s18] =	ssyncadd.s32 $0xFFFF8000  }
0x566: {  	v4 =	vand.u32 $0x7E00, v4;
	v5 =	vand.u32 $0x7F, v5;
	_ =	swait.ge [sflag:s18], $0x2000  }
0x567: {  	s26 =	simm.s32 $0x20;
	v4 =	vor.u32 v5, v4;
	[sflag:s18] =	ssyncset.done $0x0  }
0x568: {  	v13 =	vor.u32 s26, v3;
	v8 =	vmov s26;
	v6 =	vor.u32 $0x80, v4;
	[sflag:s18] =	ssyncadd.s32 $0xFFFFE000  }
0x569: {  	s25 =	simm.s32 $0x10;
	v13 =	vand.u32 $0x6F, v13;
	v8 =	vshll.u32 v8, $0x2;
	s24 =	simm.s32 $0x0;
	_ =	swait.ge [sflag:s18], $0x2000  }
0x56a: {  	v7 =	vor.u32 s25, v3;
	v9 =	vmov s24;
	v10 =	vor.u32 $0x100, v4;
	[sflag:s18] =	ssyncset.done $0x0  }
0x56b: {  	v11 =	vor.u32 s24, v3;
	v5 =	vmov s25;
	v9 =	vshll.u32 v9, $0x2;
	[sflag:s18] =	ssyncadd.s32 $0xFFFFE000  }
0x56c: {  	v11 =	vand.u32 $0x4F, v11;
	v5 =	vshll.u32 v5, $0x2;
	v12 =	vand.u32 $0x7E00, v9;
	v4 =	vld.idx.msk [tilespmem:v4+s1+$0x0], $0xffff  }
0x56d: {  	v7 =	vand.u32 $0x5F, v7;
	v5 =	vand.u32 $0x7E00, v5;
	v12 =	vor.u32 v11, v12;
	v6 =	vld.idx.msk [tilespmem:v6+s1+$0x0], $0xffff  }
0x56e: {  	v8 =	vand.u32 $0x7E00, v8;
	v14 =	vor.u32 $0x80, v12;
	v5 =	vor.u32 v7, v5  }
0x56f: {  	v7 =	vor.u32 v13, v8;
	v8 =	vor.u32 $0x80, v5;
	v10 =	vld.idx.msk [tilespmem:v10+s1+$0x0], $0xffff  }
0x570: {  	v13 =	vor.u32 $0x80, v7;
	_ =	sdelay $0x1  }
0x571: {  	v4 =	vmul.f32 v4, v4;
	v6 =	vmul.f32 v6, v6  }
0x572: {  	v14 =	vld.idx.msk [tilespmem:v14+s1+$0x0], $0xffff  }
0x573: {  	v15 =	vor.u32 $0x100, v5;
	v8 =	vld.idx.msk [tilespmem:v8+s1+$0x0], $0xffff;
	v4 =	vadd.f32 v6, v4;
	v6 =	vmul.f32 v10, v10  }
0x574: {  	v9 =	vor.u32 v11, v9;
	v11 =	vld.idx.msk [tilespmem:v13+s1+$0x0], $0xffff;
	v10 =	vor.u32 $0x100, v7  }
0x575: {  	v9 =	vor.u32 $0x100, v9;
	v12 =	vld.idx.msk [tilespmem:v12+s1+$0x0], $0xffff;
	v4 =	vadd.f32 v6, v4  }
0x576: {  	v5 =	vld.idx.msk [tilespmem:v5+s1+$0x0], $0xffff  }
0x577: {  	v6 =	vld.idx.msk [tilespmem:v7+s1+$0x0], $0xffff;
	v4 =	vmax.f32 v4, $9.999999910e-38  }
0x578: {  	v7 =	vld.idx.msk [tilespmem:v15+s1+$0x0], $0xffff;
	v13 =	vshra.s32 v4, $0x1;
	v15 =	vmul.f32 $5.000000000e-01, v4  }
0x579: {  	v14 =	vmul.f32 v14, v14;
	v10 =	vld.idx.msk [tilespmem:v10+s1+$0x0], $0xffff;
	v13 =	vsub.s32 $0x5F3759DF, v13  }
0x57a: {  	v9 =	vld.idx.msk [tilespmem:v9+s1+$0x0], $0xffff;
	v8 =	vmul.f32 v8, v8;
	v16 =	vmul.f32 v13, v15  }
0x57b: {  	s31 =	simm.s32 $0x21;
	v11 =	vmul.f32 v11, v11;
	v5 =	vmul.f32 v5, v5  }
0x57c: {  	v22 =	vadd.s32 s31, v3;
	v6 =	vmul.f32 v6, v6;
	v16 =	vmul.f32 v13, v16  }
0x57d: {  	v12 =	vmul.f32 v12, v12;
	v5 =	vadd.f32 v8, v5;
	v7 =	vmul.f32 v7, v7  }
0x57e: {  	v6 =	vadd.f32 v11, v6;
	v8 =	vmul.f32 v10, v10;
	v10 =	vsub.f32 $1.500000000e+00, v16  }
0x57f: {  	s30 =	simm.s32 $0x11;
	v9 =	vmul.f32 v9, v9;
	v11 =	vadd.f32 v14, v12;
	v5 =	vadd.f32 v7, v5  }
0x580: {  	s29 =	simm.s32 $0x1;
	v21 =	vadd.s32 s30, v3;
	v6 =	vadd.f32 v8, v6;
	v7 =	vmul.f32 v13, v10  }
0x581: {  	v20 =	vadd.s32 s29, v3;
	v8 =	vadd.f32 v9, v11;
	v11 =	vmax.f32 v5, $9.999999910e-38  }
0x582: {  	v5 =	vshra.s32 v11, $0x1;
	v10 =	vmax.f32 v6, $9.999999910e-38;
	v6 =	vmul.f32 v7, v15  }
0x583: {  	v9 =	vmul.f32 $5.000000000e-01, v11;
	v12 =	vmax.f32 v8, $9.999999910e-38;
	v16 =	vsub.s32 $0x5F3759DF, v5  }
0x584: {  	v13 =	vshra.s32 v12, $0x1;
	v14 =	vmul.f32 $5.000000000e-01, v12;
	v6 =	vmul.f32 v6, v7  }
0x585: {  	v8 =	vshra.s32 v10, $0x1;
	v17 =	vmul.f32 $5.000000000e-01, v10;
	v13 =	vsub.s32 $0x5F3759DF, v13  }
0x586: {  	s26 =	simm.s32 $0x40;
	v8 =	vsub.s32 $0x5F3759DF, v8;
	v5 =	vmul.f32 v13, v14;
	v6 =	vsub.f32 $1.500000000e+00, v6  }
0x587: {  	s28 =	simm.s32 $0x31;
	v27 =	vor.u32 s26, v3;
	v15 =	vmul.f32 v16, v9;
	v18 =	vmul.f32 v8, v17  }
0x588: {  	s24 =	simm.s32 $0x8020;
	v5 =	vmul.f32 v13, v5;
	v6 =	vmul.f32 v6, v7;
	v7 =	vadd.s32 s28, v3  }
0x589: {  	v27 =	vand.u32 $0x4F, v27;
	s3 =	simm.s32 $0x60;
	v19 =	vld [tilespmem:s24+$0x10];
	v15 =	vmul.f32 v16, v15;
	v18 =	vmul.f32 v8, v18  }
0x58a: {  	v25 =	vmov s3;
	v29 =	vor.u32 s3, v3;
	v5 =	vsub.f32 $1.500000000e+00, v5  }
0x58b: {  	s2 =	simm.s32 $0x70;
	v25 =	vshll.u32 v25, $0x2;
	v23 =	vsub.f32 $1.500000000e+00, v15;
	v18 =	vsub.f32 $1.500000000e+00, v18  }
0x58c: {  	v4 =	vmul.f32 v6, v4;
	v13 =	vmul.f32 v13, v5;
	v5 =	vmov s2  }
0x58d: {  	v16 =	vmul.f32 v16, v23;
	v5 =	vshll.u32 v5, $0x2;
	v15 =	vld.idx.msk [tilespmem:v7+s14+$0x0], $0xffff;
	v7 =	vor.u32 s2, v3  }
0x58e: {  	s25 =	simm.s32 $0x50;
	s23 =	simm.s32 $0xA020;
	v4 =	vmul.f32 v4, v19;
	v5 =	vand.u32 $0x7E00, v5;
	v7 =	vand.u32 $0x7F, v7  }
0x58f: {  	v24 =	vld [tilespmem:s23+$0x10];
	v6 =	vmov s25;
	v9 =	vmul.f32 v16, v9;
	v5 =	vor.u32 v7, v5  }
0x590: {  	v18 =	vmul.f32 v8, v18;
	v8 =	vld [tilespmem:s23+$0xFFFFFFE0];
	(xrf2) =	vadd.scan.msk.f32 $0xffff, v4;
	v4 =	vmov s26;
	v26 =	vor.u32 $0x80, v5  }
0x591: {  	v9 =	vmul.f32 v9, v16;
	v7 =	vshll.u32 v4, $0x2;
	v4 =	vshll.u32 v6, $0x2;
	v6 =	vld.idx.msk [tilespmem:v20+s14+$0x0], $0xffff  }
0x592: {  	v29 =	vand.u32 $0x6F, v29;
	v20 =	vand.u32 $0x7E00, v4;
	v4 =	vld.idx.msk [tilespmem:v21+s14+$0x0], $0xffff;
	v21 =	vor.u32 $0x100, v5  }
0x593: {  	v25 =	vand.u32 $0x7E00, v25;
	v19 =	vor.u32 s25, v3;
	v37 =	vsub.f32 $1.500000000e+00, v9;
	v9 =	vld [tilespmem:s23+$0x0]  }
0x594: {  	v14 =	vmul.f32 v13, v14;
	v17 =	vmul.f32 v18, v17;
	v28 =	vand.u32 $0x7E00, v7;
	v30 =	vld.idx.msk [tilespmem:v5+s1+$0x0], $0xffff  }
0x595: {  	v19 =	vand.u32 $0x5F, v19;
	v7 =	vor.u32 v27, v7;
	v28 =	vor.u32 v27, v28;
	v26 =	vld.idx.msk [tilespmem:v26+s1+$0x0], $0xffff  }
0x596: {  	v16 =	vmul.f32 v37, v16;
	v19 =	vor.u32 v19, v20;
	v23 =	vor.u32 $0x100, v7;
	v7 =	vld [tilespmem:s23+$0xFFFFFFF0]  }
0x597: {  	s29 =	simm.s32 $0x51;
	v14 =	vmul.f32 v14, v13;
	v20 =	vor.u32 v29, v25;
	v25 =	vor.u32 $0x80, v19;
	v21 =	vld.idx.msk [tilespmem:v21+s1+$0x0], $0xffff  }
0x598: {  	v36 =	vadd.s32 s29, v3;
	v11 =	vmul.f32 v16, v11;
	v16 =	vld [tilespmem:s24+$0xFFFFFFF0]  }
0x599: {  	v17 =	vmul.f32 v17, v18;
	v14 =	vsub.f32 $1.500000000e+00, v14;
	v31 =	vor.u32 $0x80, v28;
	v5 =	vld.idx.msk [tilespmem:v22+s14+$0x0], $0xffff  }
0x59a: {  	v27 =	vor.u32 $0x80, v20;
	v28 =	vld.idx.msk [tilespmem:v28+s1+$0x0], $0xffff;
	v30 =	vmul.f32 v30, v30;
	v26 =	vmul.f32 v26, v26  }
0x59b: {  	v17 =	vsub.f32 $1.500000000e+00, v17;
	v29 =	vor.u32 $0x100, v19;
	v13 =	vmul.f32 v14, v13;
	v14 =	vld.idx.msk [tilespmem:v19+s1+$0x0], $0xffff  }
0x59c: {  	s28 =	simm.s32 $0x41;
	v32 =	vor.u32 $0x100, v20;
	v25 =	vld.idx.msk [tilespmem:v25+s1+$0x0], $0xffff;
	v21 =	vmul.f32 v21, v21;
	v26 =	vadd.f32 v26, v30  }
0x59d: {  	v35 =	vadd.s32 s28, v3;
	vm3 =	vne.s32 v24, v15;
	v17 =	vmul.f32 v17, v18;
	v20 =	vld.idx.msk [tilespmem:v20+s1+$0x0], $0xffff  }
0x59e: {  	vm2 =	vmor vm3, vm0;
	vm3 =	vmand vm3, vm1;
	v31 =	vld.idx.msk [tilespmem:v31+s1+$0x0], $0xffff;
	v21 =	vadd.f32 v21, v26  }
0x59f: {  	vm4 =	vne.s32 v8, v6;
	v12 =	vmul.f32 v13, v12;
	v10 =	vmul.f32 v17, v10;
	v27 =	vld.idx.msk [tilespmem:v27+s1+$0x0], $0xffff  }
0x5a0: {  	vm5 =	vmor vm4, vm0;
	v16 =	vmul.f32 v11, v16;
	v62 =	vmax.f32 v21, $9.999999910e-38;
	v21 =	vld.idx.msk [tilespmem:v29+s1+$0x0], $0xffff  }
0x5a1: {  	v18 =	vmul.f32 v25, v25;
	v29 =	vld.idx.msk [tilespmem:v32+s1+$0x0], $0xffff;
	v25 =	vshra.s32 v62, $0x1;
	v26 =	vmul.f32 $5.000000000e-01, v62  }
0x5a2: {  	v23 =	vld.idx.msk [tilespmem:v23+s1+$0x0], $0xffff;
	v13 =	vmul.f32 v28, v28;
	v14 =	vmul.f32 v14, v14;
	v25 =	vsub.s32 $0x5F3759DF, v25  }
0x5a3: {  	v22 =	vld [tilespmem:s24+$0xFFFFFFE0];
	vm7 =	vne.s32 v7, v4;
	v33, _, _ =	vpop (xrf2);
	v19 =	vmul.f32 v31, v31;
	v28 =	vmul.f32 v25, v26  }
0x5a4: {  	v34 =	vsub.f32 $0.0e+00, v33;
	v20 =	vmul.f32 v20, v20;
	v27 =	vmul.f32 v27, v27  }
0x5a5: {  	v13 =	vadd.f32 v19, v13;
	v19 =	vld [tilespmem:s24+$0x0];
	v14 =	vadd.f32 v18, v14;
	v28 =	vmul.f32 v25, v28  }
0x5a6: {  	v17 =	vadd.f32 v27, v20;
	v18 =	vmul.f32 v21, v21;
	v20 =	vmul.f32 v29, v29  }
0x5a7: {  	vm8 =	vne.s32 v9, v5;
	v23 =	vmul.f32 v23, v23;
	v21 =	vsub.f32 $1.500000000e+00, v28  }
0x5a8: {  	s30 =	simm.s32 $0x61;
	v12 =	vmul.f32 v12, v22;
	v14 =	vadd.f32 v18, v14;
	v17 =	vadd.f32 v20, v17  }
0x5a9: {  	v30 =	vadd.s32 s30, v3;
	v11 =	vadd.f32 v23, v13;
	v18 =	vmul.f32 v25, v21  }
0x5aa: {  	(xrf2) =	vadd.scan.msk.f32 $0xffff, v12;
	v13 =	vmax.f32 v14, $9.999999910e-38;
	v25 =	vmul.f32 v10, v19;
	v12 =	vmax.f32 v17, $9.999999910e-38  }
0x5ab: {  	[tilespmem:v24+s19+$0x0] =	vst.idx.add.f32.msk vm2, v33;
	v14 =	vmax.f32 v11, $9.999999910e-38;
	v10 =	vshra.s32 v13, $0x1;
	v17 =	vmul.f32 v18, v26  }
0x5ac: {  	[tilespmem:v15+s19+$0x0] =	vst.idx.add.f32.msk vm3, v34;
	v19 =	vmul.f32 $5.000000000e-01, v13;
	v11 =	vshra.s32 v12, $0x1;
	v21 =	vshra.s32 v14, $0x1  }
0x5ad: {  	(xrf2) =	vadd.scan.msk.f32 $0xffff, v16;
	v20 =	vmul.f32 $5.000000000e-01, v14;
	v22 =	vsub.s32 $0x5F3759DF, v10;
	v17 =	vmul.f32 v17, v18  }
0x5ae: {  	v15 =	vld.idx.msk [tilespmem:v35+s14+$0x0], $0xffff;
	s24 =	simm.s32 $0x8060;
	v26 =	vsub.s32 $0x5F3759DF, v21;
	v21 =	vmul.f32 $5.000000000e-01, v12;
	v29 =	vmul.f32 v22, v19  }
0x5af: {  	v28 =	vld [tilespmem:s24+$0x10];
	v23 =	vsub.s32 $0x5F3759DF, v11;
	v24 =	vmul.f32 v26, v20;
	v17 =	vsub.f32 $1.500000000e+00, v17  }
0x5b0: {  	s31 =	simm.s32 $0x71;
	vm4 =	vmand vm4, vm1;
	v11 =	vld.idx.msk [tilespmem:v30+s14+$0x0], $0xffff;
	(xrf2) =	vadd.scan.msk.f32 $0xffff, v25;
	v30 =	vmul.f32 v23, v21;
	v29 =	vmul.f32 v22, v29  }
0x5b1: {  	v27 =	vadd.s32 s31, v3;
	v16 =	vld [tilespmem:s24+$0xFFFFFFF0];
	v24 =	vmul.f32 v26, v24;
	v18 =	vmul.f32 v17, v18  }
0x5b2: {  	vm6 =	vmor vm7, vm0;
	vm2 =	vmand vm8, vm1;
	v10 =	vld.idx.msk [tilespmem:v36+s14+$0x0], $0xffff;
	v63 =	vmul.f32 v23, v30  }
0x5b3: {  	vm3 =	vmand vm7, vm1;
	v31 =	vsub.f32 $1.500000000e+00, v24;
	v17 =	vld [tilespmem:s24+$0xFFFFFFE0];
	v30 =	vmul.f32 v18, v62  }
0x5b4: {  	s25 =	simm.s32 $0x4;
	s26 =	simm.s32 $0xB1;
	vm7 =	vmor vm8, vm0;
	v24 =	vsub.f32 $1.500000000e+00, v29;
	v25 =	vsub.f32 $1.500000000e+00, v63;
	v29, _, _ =	vpop (xrf2);
	v18 =	vld [tilespmem:s24+$0x0]  }
.LBB2_20:
0x5b5: {  	s0 =	sadd.s32 $0xFFFFFFDF, s26;
	s30 =	sadd.s32 $0xFFFFFFFF, s26;
	s25 =	sadd.s32 $0x4, s25;
	v26 =	vmul.f32 v26, v31;
	v35 =	vmul.f32 v30, v28;
	[tilespmem:v8+s19+$0x0] =	vst.idx.add.f32.msk vm5, v29;
	v29 =	vsub.f32 $0.0e+00, v29  }
0x5b6: {  	s23 =	sadd.s32 $0x40, s23;
	v30 =	vmov s0;
	v31 =	vor.u32 s0, v3;
	s0 =	sadd.s32 $0xFFFFFFEF, s26;
	v8 =	vmov s30;
	p0 =	slt.u32 s25, $0x1FC;
	v27 =	vld.idx.msk [tilespmem:v27+s14+$0x0], $0xffff  }
0x5b7: {  	s31 =	sadd.s32 $0xFFFFFFCF, s26;
	s28 =	sadd.s32 $0xFFFFFFD0, s26;
	s29 =	sadd.s32 $0xFFFFFFE0, s26;
	v33 =	vor.u32 s30, v3;
	v32 =	vmov s0;
	v8 =	vshll.u32 v8, $0x2;
	v34 =	vld [tilespmem:s23+$0x10];
	(xrf2) =	vadd.scan.msk.f32 $0xffff, v35;
	v28, _, _ =	vpop (xrf2)  }
0x5b8: {  	s30 =	sadd.s32 $0xFFFFFFF0, s26;
	v35 =	vmov s31;
	v33 =	vand.u32 $0x7F, v33;
	v36 =	vand.u32 $0x7E00, v8;
	v8 =	vld [tilespmem:s23+$0xFFFFFFE0]  }
0x5b9: {  	v30 =	vshll.u32 v30, $0x2;
	v35 =	vshll.u32 v35, $0x2;
	v33 =	vor.u32 v33, v36;
	v36 =	vld [tilespmem:s23+$0xFFFFFFF0]  }
0x5ba: {  	v37 =	vor.u32 s31, v3;
	v32 =	vshll.u32 v32, $0x2;
	v38 =	vor.u32 $0x80, v33;
	v39 =	vld [tilespmem:s23+$0x0];
	v40, _, _ =	vpop (xrf2)  }
0x5bb: {  	v42 =	vor.u32 s0, v3;
	v30 =	vand.u32 $0x7E00, v30;
	v41 =	vand.u32 $0x7E00, v35;
	[tilespmem:v6+s19+$0x0] =	vst.idx.add.f32.msk vm4, v29;
	v6 =	vmovc v15  }
0x5bc: {  	v15 =	vand.u32 $0x7E00, v32;
	v29 =	vor.u32 $0x100, v33;
	vm4 =	vne.s32 v34, v27;
	[tilespmem:v7+s19+$0x0] =	vst.idx.add.f32.msk vm6, v28  }
0x5bd: {  	v31 =	vand.u32 $0x5F, v31;
	v32 =	vand.u32 $0x4F, v37;
	vm5 =	vmor vm4, vm0;
	[tilespmem:v9+s19+$0x0] =	vst.idx.add.f32.msk vm7, v40  }
0x5be: {  	v37 =	vor.u32 v32, v41;
	v41 =	vand.u32 $0x6F, v42;
	vm4 =	vmand vm4, vm1;
	v33 =	vld.idx.msk [tilespmem:v33+s1+$0x0], $0xffff;
	v7 =	vmovc v36  }
0x5bf: {  	v30 =	vor.u32 v31, v30;
	v15 =	vor.u32 v41, v15;
	v36 =	vor.u32 $0x80, v37;
	v31 =	vld.idx.msk [tilespmem:v38+s1+$0x0], $0xffff;
	v9 =	vmovc v39  }
0x5c0: {  	v32 =	vor.u32 v32, v35;
	v35 =	vor.u32 $0x80, v30;
	v38 =	vor.u32 $0x80, v15  }
0x5c1: {  	v32 =	vor.u32 $0x100, v32;
	v41 =	vor.u32 $0x100, v15;
	v39 =	vor.u32 $0x100, v30;
	v29 =	vld.idx.msk [tilespmem:v29+s1+$0x0], $0xffff;
	v42, _, _ =	vpop (xrf2)  }
0x5c2: {  	v22 =	vmul.f32 v22, v24;
	v23 =	vmul.f32 v23, v25;
	v24 =	vsub.f32 $0.0e+00, v42  }
0x5c3: {  	v25 =	vadd.s32 s28, v3;
	v43 =	vadd.s32 s29, v3;
	v20 =	vmul.f32 v26, v20;
	[tilespmem:v34+s19+$0x0] =	vst.idx.add.f32.msk vm5, v42  }
0x5c4: {  	v19 =	vmul.f32 v22, v19;
	v21 =	vmul.f32 v23, v21;
	v34 =	vadd.s32 s30, v3;
	[tilespmem:v27+s19+$0x0] =	vst.idx.add.f32.msk vm4, v24  }
0x5c5: {  	v28 =	vsub.f32 $0.0e+00, v28;
	v27 =	vmul.f32 v33, v33;
	v31 =	vmul.f32 v31, v31;
	v24 =	vld.idx.msk [tilespmem:v36+s1+$0x0], $0xffff  }
0x5c6: {  	v20 =	vmul.f32 v20, v26;
	v19 =	vmul.f32 v19, v22;
	v33 =	vld.idx.msk [tilespmem:v35+s1+$0x0], $0xffff;
	v35 =	vsub.f32 $0.0e+00, v40  }
0x5c7: {  	v21 =	vmul.f32 v21, v23;
	v27 =	vadd.f32 v31, v27;
	v29 =	vmul.f32 v29, v29;
	v36 =	vld.idx.msk [tilespmem:v38+s1+$0x0], $0xffff  }
0x5c8: {  	v20 =	vsub.f32 $1.500000000e+00, v20;
	v19 =	vsub.f32 $1.500000000e+00, v19;
	vm4 =	vne.s32 v8, v6;
	v31 =	vld.idx.msk [tilespmem:v37+s1+$0x0], $0xffff  }
0x5c9: {  	v21 =	vsub.f32 $1.500000000e+00, v21;
	vm7 =	vne.s32 v7, v10;
	v27 =	vadd.f32 v29, v27;
	v30 =	vld.idx.msk [tilespmem:v30+s1+$0x0], $0xffff  }
0x5ca: {  	v19 =	vmul.f32 v19, v22;
	vm8 =	vne.s32 v9, v11;
	v29 =	vld.idx.msk [tilespmem:v15+s1+$0x0], $0xffff;
	v15 =	vmul.f32 v20, v26  }
0x5cb: {  	v21 =	vmul.f32 v21, v23;
	v20 =	vmul.f32 v24, v24;
	v24 =	vmax.f32 v27, $9.999999910e-38;
	v22 =	vld.idx.msk [tilespmem:v39+s1+$0x0], $0xffff  }
0x5cc: {  	v23 =	vmul.f32 v33, v33;
	v27 =	vshra.s32 v24, $0x1;
	v33 =	vmul.f32 $5.000000000e-01, v24;
	v26 =	vld.idx.msk [tilespmem:v41+s1+$0x0], $0xffff  }
0x5cd: {  	v36 =	vmul.f32 v36, v36;
	v27 =	vsub.s32 $0x5F3759DF, v27;
	v14 =	vmul.f32 v15, v14;
	v32 =	vld.idx.msk [tilespmem:v32+s1+$0x0], $0xffff  }
0x5ce: {  	vm5 =	vmor vm4, vm0;
	v31 =	vmul.f32 v31, v31;
	v15 =	vld.idx.msk [tilespmem:v25+s14+$0x0], $0xffff;
	v25 =	vmul.f32 v27, v33  }
0x5cf: {  	v13 =	vmul.f32 v19, v13;
	vm4 =	vmand vm4, vm1;
	v30 =	vmul.f32 v30, v30;
	v37 =	vld.idx.msk [tilespmem:v43+s14+$0x0], $0xffff  }
0x5d0: {  	v19 =	vadd.f32 v20, v31;
	v20 =	vmul.f32 v29, v29;
	v29 =	vld.idx.msk [tilespmem:v34+s14+$0x0], $0xffff;
	v25 =	vmul.f32 v27, v25  }
0x5d1: {  	v12 =	vmul.f32 v21, v12;
	v23 =	vadd.f32 v23, v30;
	v22 =	vmul.f32 v22, v22  }
0x5d2: {  	v20 =	vadd.f32 v36, v20;
	v21 =	vmul.f32 v26, v26;
	v25 =	vsub.f32 $1.500000000e+00, v25;
	[tilespmem:v4+s19+$0x0] =	vst.idx.add.f32.msk vm3, v28  }
0x5d3: {  	v14 =	vmul.f32 v14, v17;
	v26 =	vmul.f32 v32, v32;
	v22 =	vadd.f32 v22, v23;
	v4 =	vmovc v10  }
0x5d4: {  	v16 =	vmul.f32 v13, v16;
	v17 =	vadd.f32 v21, v20;
	v25 =	vmul.f32 v27, v25;
	v10 =	vmovc v37  }
0x5d5: {  	v18 =	vmul.f32 v12, v18;
	v19 =	vadd.f32 v26, v19;
	v13 =	vmax.f32 v22, $9.999999910e-38;
	(xrf2) =	vadd.scan.msk.f32 $0xffff, v14  }
0x5d6: {  	v21 =	vshra.s32 v13, $0x1;
	v12 =	vmax.f32 v17, $9.999999910e-38;
	v17 =	vmul.f32 v25, v33;
	[tilespmem:v5+s19+$0x0] =	vst.idx.add.f32.msk vm2, v35;
	v5 =	vmovc v11  }
0x5d7: {  	v14 =	vmax.f32 v19, $9.999999910e-38;
	v19 =	vmul.f32 $5.000000000e-01, v13;
	v23 =	vshra.s32 v12, $0x1;
	v11 =	vmovc v29  }
0x5d8: {  	v22 =	vshra.s32 v14, $0x1;
	v20 =	vmul.f32 $5.000000000e-01, v14;
	v17 =	vmul.f32 v17, v25;
	(xrf2) =	vadd.scan.msk.f32 $0xffff, v16  }
0x5d9: {  	v26 =	vsub.s32 $0x5F3759DF, v22;
	v22 =	vsub.s32 $0x5F3759DF, v21;
	v21 =	vmul.f32 $5.000000000e-01, v12  }
0x5da: {  	s24 =	sadd.s32 $0x40, s24;
	v23 =	vsub.s32 $0x5F3759DF, v23;
	v16 =	vmul.f32 v26, v20;
	v27 =	vsub.f32 $1.500000000e+00, v17  }
.Ltmp9:
0x5db: {  	vm6 =	vmor vm7, vm0;
	v29 =	vmul.f32 v22, v19;
	v30 =	vmul.f32 v23, v21;
	v28 =	vld [tilespmem:s24+$0x10];
	(xrf2) =	vadd.scan.msk.f32 $0xffff, v18;
	(pc) =	sbr.rel @p0 .LBB2_20-.Ltmp9, $4  }
0x5dc: {  	v18 =	vmul.f32 v26, v16;
	v17 =	vld [tilespmem:s24+$0xFFFFFFE0];
	v25 =	vmul.f32 v27, v25;
	v27 =	vadd.s32 s26, v3  }
0x5dd: {  	vm3 =	vmand vm7, vm1;
	v33 =	vmul.f32 v22, v29;
	v32 =	vmul.f32 v23, v30;
	v16 =	vld [tilespmem:s24+$0xFFFFFFF0]  }
0x5de: {  	vm7 =	vmor vm8, vm0;
	v31 =	vsub.f32 $1.500000000e+00, v18;
	v18 =	vld [tilespmem:s24+$0x0];
	v30 =	vmul.f32 v25, v24  }
0x5df: {  	vm2 =	vmand vm8, vm1;
	s26 =	sadd.s32 $0x40, s26;
	v24 =	vsub.f32 $1.500000000e+00, v33;
	v25 =	vsub.f32 $1.500000000e+00, v32;
	v29, _, _ =	vpop (xrf2)  }
0x5e0: {  	v26 =	vmul.f32 v26, v31;
	_ =	sdelay $0x1  }
0x5e1: {  	v20 =	vmul.f32 v26, v20  }
0x5e2: {  	v22 =	vmul.f32 v22, v24;
	v23 =	vmul.f32 v23, v25  }
0x5e3: {  	v20 =	vmul.f32 v20, v26  }
0x5e4: {  	v19 =	vmul.f32 v22, v19;
	v21 =	vmul.f32 v23, v21  }
0x5e5: {  	v20 =	vsub.f32 $1.500000000e+00, v20  }
0x5e6: {  	v19 =	vmul.f32 v19, v22;
	v21 =	vmul.f32 v21, v23  }
0x5e7: {  	v24 =	vmul.f32 v30, v28;
	v20 =	vmul.f32 v20, v26  }
0x5e8: {  	s0 =	sadd.s32 $0x40, s23;
	v25 =	vld.idx.msk [tilespmem:v27+s14+$0x0], $0xffff;
	v19 =	vsub.f32 $1.500000000e+00, v19;
	v21 =	vsub.f32 $1.500000000e+00, v21  }
0x5e9: {  	(xrf2) =	vadd.scan.msk.f32 $0xffff, v24;
	v26 =	vld [tilespmem:s0+$0x10];
	v14 =	vmul.f32 v20, v14  }
0x5ea: {  	v19 =	vmul.f32 v19, v22;
	v20 =	vmul.f32 v21, v23  }
0x5eb: {  	v14 =	vmul.f32 v14, v17  }
0x5ec: {  	v13 =	vmul.f32 v19, v13;
	v12 =	vmul.f32 v20, v12  }
0x5ed: {  	(xrf2) =	vadd.scan.msk.f32 $0xffff, v14  }
0x5ee: {  	v17 =	vld [tilespmem:s0+$0xFFFFFFE0];
	vm8 =	vne.s32 v26, v25;
	v13 =	vmul.f32 v13, v16;
	v12 =	vmul.f32 v12, v18  }
0x5ef: {  	v14 =	vld [tilespmem:s0+$0xFFFFFFF0];
	vm9 =	vmor vm8, vm0  }
0x5f0: {  	[tilespmem:v8+s19+$0x0] =	vst.idx.add.f32.msk vm5, v29;
	vm8 =	vmand vm8, vm1;
	(xrf2) =	vadd.scan.msk.f32 $0xffff, v13  }
0x5f1: {  	v8, _, _ =	vpop (xrf2);
	v16 =	vsub.f32 $0.0e+00, v29;
	v18 =	vld [tilespmem:s0+$0x0]  }
0x5f2: {  	[tilespmem:v7+s19+$0x0] =	vst.idx.add.f32.msk vm6, v8;
	(xrf2) =	vadd.scan.msk.f32 $0xffff, v12;
	v12, _, _ =	vpop (xrf2)  }
0x5f3: {  	[tilespmem:v6+s19+$0x0] =	vst.idx.add.f32.msk vm4, v16;
	vm4 =	vne.s32 v17, v15;
	v6, _, _ =	vpop (xrf2)  }
0x5f4: {  	vm5 =	vmor vm4, vm0;
	[tilespmem:v9+s19+$0x0] =	vst.idx.add.f32.msk vm7, v12;
	vm6 =	vne.s32 v14, v10;
	v7 =	vsub.f32 $0.0e+00, v6  }
0x5f5: {  	[tilespmem:v26+s19+$0x0] =	vst.idx.add.f32.msk vm9, v6;
	v6 =	vsub.f32 $0.0e+00, v8;
	vm15 =	vmor vm6, vm0  }
0x5f6: {  	vm4 =	vmand vm4, vm1;
	vm7 =	vne.s32 v18, v11;
	[tilespmem:v25+s19+$0x0] =	vst.idx.add.f32.msk vm8, v7;
	v7 =	vsub.f32 $0.0e+00, v12  }
0x5f7: {  	vm8 =	vmor vm7, vm0;
	[tilespmem:v4+s19+$0x0] =	vst.idx.add.f32.msk vm3, v6;
	v4, _, _ =	vpop (xrf2)  }
0x5f8: {  	vm3 =	vmand vm6, vm1;
	[tilespmem:v5+s19+$0x0] =	vst.idx.add.f32.msk vm2, v7;
	v5 =	vsub.f32 $0.0e+00, v4  }
0x5f9: {  	vm2 =	vmand vm7, vm1  }
0x5fa: {  	[tilespmem:v17+s19+$0x0] =	vst.idx.add.f32.msk vm5, v4;
	v4, _, _ =	vpop (xrf2)  }
0x5fb: {  	[tilespmem:v14+s19+$0x0] =	vst.idx.add.f32.msk vm15, v4  }
0x5fc: {  	v4 =	vsub.f32 $0.0e+00, v4;
	[tilespmem:v15+s19+$0x0] =	vst.idx.add.f32.msk vm4, v5;
	v5, _, _ =	vpop (xrf2)  }
0x5fd: {  	[tilespmem:v18+s19+$0x0] =	vst.idx.add.f32.msk vm8, v5;
	v5 =	vsub.f32 $0.0e+00, v5  }
0x5fe: {  	[tilespmem:v10+s19+$0x0] =	vst.idx.add.f32.msk vm3, v4  }
0x5ff: {  	[tilespmem:v11+s19+$0x0] =	vst.idx.add.f32.msk vm2, v5  }
0x600: {  	s23 =	rddreg [dreg:$0xf]  }
0x601: {  	[tilespmem:s1], [sflag:$0x1] =	stream.linear.gather [hbm4b:s23+s1], $0x8000, $0x38;
	[tilespmem:$0x1A880] =	vst v63  }
0x602: {  	_ = 	snop  }
0x603: {  	[tilespmem:s13], [sflag:$0x1] =	stream.linear.gather [hbm4b:s5+s1], $0x2000, $0x38;
	[tilespmem:$0x1A880] =	vst v63  }
0x604: {  	_ = 	snop  }
0x605: {  	[tilespmem:s14], [sflag:$0x1] =	stream.linear.gather [hbm4b:s6+s1], $0x2000, $0x38;
	[tilespmem:$0x1A880] =	vst v63  }
0x606: {  	s24 =	simm.s32 $0x30;
	_ =	swait.ge [sflag:s20], $0x8000  }
0x607: {  	v4 =	vmov s24;
	[sflag:s20] =	ssyncset.done $0x0  }
0x608: {  	v4 =	vshll.u32 v4, $0x2;
	v5 =	vor.u32 s24, v3;
	[sflag:s20] =	ssyncadd.s32 $0xFFFF8000  }
0x609: {  	v4 =	vand.u32 $0x7E00, v4;
	v5 =	vand.u32 $0x7F, v5;
	_ =	swait.ge [sflag:s20], $0x2000  }
0x60a: {  	s26 =	simm.s32 $0x20;
	v4 =	vor.u32 v5, v4;
	[sflag:s20] =	ssyncset.done $0x0  }
0x60b: {  	v13 =	vor.u32 s26, v3;
	v8 =	vmov s26;
	v6 =	vor.u32 $0x80, v4;
	[sflag:s20] =	ssyncadd.s32 $0xFFFFE000  }
0x60c: {  	s25 =	simm.s32 $0x10;
	v13 =	vand.u32 $0x6F, v13;
	v8 =	vshll.u32 v8, $0x2;
	s24 =	simm.s32 $0x0;
	_ =	swait.ge [sflag:s20], $0x2000  }
0x60d: {  	v7 =	vor.u32 s25, v3;
	v9 =	vmov s24;
	v10 =	vor.u32 $0x100, v4;
	[sflag:s20] =	ssyncset.done $0x0  }
0x60e: {  	v11 =	vor.u32 s24, v3;
	v5 =	vmov s25;
	v9 =	vshll.u32 v9, $0x2;
	[sflag:s20] =	ssyncadd.s32 $0xFFFFE000  }
0x60f: {  	v11 =	vand.u32 $0x4F, v11;
	v5 =	vshll.u32 v5, $0x2;
	v12 =	vand.u32 $0x7E00, v9;
	v4 =	vld.idx.msk [tilespmem:v4+s15+$0x0], $0xffff  }
0x610: {  	v7 =	vand.u32 $0x5F, v7;
	v5 =	vand.u32 $0x7E00, v5;
	v12 =	vor.u32 v11, v12;
	v6 =	vld.idx.msk [tilespmem:v6+s15+$0x0], $0xffff  }
0x611: {  	v8 =	vand.u32 $0x7E00, v8;
	v14 =	vor.u32 $0x80, v12;
	v5 =	vor.u32 v7, v5  }
0x612: {  	v7 =	vor.u32 v13, v8;
	v8 =	vor.u32 $0x80, v5;
	v10 =	vld.idx.msk [tilespmem:v10+s15+$0x0], $0xffff  }
0x613: {  	v13 =	vor.u32 $0x80, v7;
	_ =	sdelay $0x1  }
0x614: {  	v4 =	vmul.f32 v4, v4;
	v6 =	vmul.f32 v6, v6  }
0x615: {  	v14 =	vld.idx.msk [tilespmem:v14+s15+$0x0], $0xffff  }
0x616: {  	v15 =	vor.u32 $0x100, v5;
	v8 =	vld.idx.msk [tilespmem:v8+s15+$0x0], $0xffff;
	v4 =	vadd.f32 v6, v4;
	v6 =	vmul.f32 v10, v10  }
0x617: {  	v9 =	vor.u32 v11, v9;
	v11 =	vld.idx.msk [tilespmem:v13+s15+$0x0], $0xffff;
	v10 =	vor.u32 $0x100, v7  }
0x618: {  	v9 =	vor.u32 $0x100, v9;
	v12 =	vld.idx.msk [tilespmem:v12+s15+$0x0], $0xffff;
	v4 =	vadd.f32 v6, v4  }
0x619: {  	v5 =	vld.idx.msk [tilespmem:v5+s15+$0x0], $0xffff  }
0x61a: {  	v6 =	vld.idx.msk [tilespmem:v7+s15+$0x0], $0xffff;
	v4 =	vmax.f32 v4, $9.999999910e-38  }
0x61b: {  	v7 =	vld.idx.msk [tilespmem:v15+s15+$0x0], $0xffff;
	v13 =	vshra.s32 v4, $0x1;
	v15 =	vmul.f32 $5.000000000e-01, v4  }
0x61c: {  	v14 =	vmul.f32 v14, v14;
	v10 =	vld.idx.msk [tilespmem:v10+s15+$0x0], $0xffff;
	v13 =	vsub.s32 $0x5F3759DF, v13  }
0x61d: {  	v9 =	vld.idx.msk [tilespmem:v9+s15+$0x0], $0xffff;
	v8 =	vmul.f32 v8, v8;
	v16 =	vmul.f32 v13, v15  }
0x61e: {  	s31 =	simm.s32 $0x21;
	v11 =	vmul.f32 v11, v11;
	v5 =	vmul.f32 v5, v5  }
0x61f: {  	v22 =	vadd.s32 s31, v3;
	v6 =	vmul.f32 v6, v6;
	v16 =	vmul.f32 v13, v16  }
0x620: {  	v12 =	vmul.f32 v12, v12;
	v5 =	vadd.f32 v8, v5;
	v7 =	vmul.f32 v7, v7  }
0x621: {  	v6 =	vadd.f32 v11, v6;
	v8 =	vmul.f32 v10, v10;
	v10 =	vsub.f32 $1.500000000e+00, v16  }
0x622: {  	s30 =	simm.s32 $0x11;
	v9 =	vmul.f32 v9, v9;
	v11 =	vadd.f32 v14, v12;
	v5 =	vadd.f32 v7, v5  }
0x623: {  	s29 =	simm.s32 $0x1;
	v21 =	vadd.s32 s30, v3;
	v6 =	vadd.f32 v8, v6;
	v7 =	vmul.f32 v13, v10  }
0x624: {  	v20 =	vadd.s32 s29, v3;
	v8 =	vadd.f32 v9, v11;
	v11 =	vmax.f32 v5, $9.999999910e-38  }
0x625: {  	v5 =	vshra.s32 v11, $0x1;
	v10 =	vmax.f32 v6, $9.999999910e-38;
	v6 =	vmul.f32 v7, v15  }
0x626: {  	v9 =	vmul.f32 $5.000000000e-01, v11;
	v12 =	vmax.f32 v8, $9.999999910e-38;
	v16 =	vsub.s32 $0x5F3759DF, v5  }
0x627: {  	v13 =	vshra.s32 v12, $0x1;
	v14 =	vmul.f32 $5.000000000e-01, v12;
	v6 =	vmul.f32 v6, v7  }
0x628: {  	v8 =	vshra.s32 v10, $0x1;
	v17 =	vmul.f32 $5.000000000e-01, v10;
	v13 =	vsub.s32 $0x5F3759DF, v13  }
0x629: {  	s3 =	simm.s32 $0x60;
	v8 =	vsub.s32 $0x5F3759DF, v8;
	v5 =	vmul.f32 v13, v14;
	v6 =	vsub.f32 $1.500000000e+00, v6  }
0x62a: {  	s28 =	simm.s32 $0x31;
	v29 =	vor.u32 s3, v3;
	v15 =	vmul.f32 v16, v9;
	v18 =	vmul.f32 v8, v17  }
0x62b: {  	s24 =	simm.s32 $0x140A0;
	v5 =	vmul.f32 v13, v5;
	v6 =	vmul.f32 v6, v7;
	v7 =	vadd.s32 s28, v3  }
0x62c: {  	v29 =	vand.u32 $0x6F, v29;
	s26 =	simm.s32 $0x40;
	v19 =	vld [tilespmem:s24+$0x10];
	v15 =	vmul.f32 v16, v15;
	v18 =	vmul.f32 v8, v18  }
0x62d: {  	v27 =	vor.u32 s26, v3;
	v25 =	vmov s3;
	v5 =	vsub.f32 $1.500000000e+00, v5  }
0x62e: {  	s2 =	simm.s32 $0x70;
	v27 =	vand.u32 $0x4F, v27;
	v23 =	vsub.f32 $1.500000000e+00, v15;
	v18 =	vsub.f32 $1.500000000e+00, v18  }
0x62f: {  	v4 =	vmul.f32 v6, v4;
	v13 =	vmul.f32 v13, v5;
	v5 =	vmov s2  }
0x630: {  	v16 =	vmul.f32 v16, v23;
	v5 =	vshll.u32 v5, $0x2;
	v15 =	vld.idx.msk [tilespmem:v7+s17+$0x0], $0xffff;
	v7 =	vor.u32 s2, v3  }
0x631: {  	s25 =	simm.s32 $0x50;
	s23 =	simm.s32 $0x160A0;
	v4 =	vmul.f32 v4, v19;
	v5 =	vand.u32 $0x7E00, v5;
	v7 =	vand.u32 $0x7F, v7  }
0x632: {  	v24 =	vld [tilespmem:s23+$0x10];
	v6 =	vmov s25;
	v9 =	vmul.f32 v16, v9;
	v5 =	vor.u32 v7, v5  }
0x633: {  	v18 =	vmul.f32 v8, v18;
	v8 =	vld [tilespmem:s23+$0xFFFFFFE0];
	(xrf2) =	vadd.scan.msk.f32 $0xffff, v4;
	v4 =	vmov s26;
	v26 =	vor.u32 $0x80, v5  }
0x634: {  	v9 =	vmul.f32 v9, v16;
	v7 =	vshll.u32 v4, $0x2;
	v4 =	vshll.u32 v6, $0x2;
	v6 =	vld.idx.msk [tilespmem:v20+s17+$0x0], $0xffff  }
0x635: {  	v25 =	vshll.u32 v25, $0x2;
	v20 =	vand.u32 $0x7E00, v4;
	v4 =	vld.idx.msk [tilespmem:v21+s17+$0x0], $0xffff;
	v21 =	vor.u32 $0x100, v5  }
0x636: {  	v25 =	vand.u32 $0x7E00, v25;
	v19 =	vor.u32 s25, v3;
	v37 =	vsub.f32 $1.500000000e+00, v9;
	v9 =	vld [tilespmem:s23+$0x0]  }
0x637: {  	v14 =	vmul.f32 v13, v14;
	v17 =	vmul.f32 v18, v17;
	v28 =	vand.u32 $0x7E00, v7;
	v30 =	vld.idx.msk [tilespmem:v5+s15+$0x0], $0xffff  }
0x638: {  	v19 =	vand.u32 $0x5F, v19;
	v7 =	vor.u32 v27, v7;
	v28 =	vor.u32 v27, v28;
	v26 =	vld.idx.msk [tilespmem:v26+s15+$0x0], $0xffff  }
0x639: {  	v16 =	vmul.f32 v37, v16;
	v19 =	vor.u32 v19, v20;
	v23 =	vor.u32 $0x100, v7;
	v7 =	vld [tilespmem:s23+$0xFFFFFFF0]  }
0x63a: {  	s29 =	simm.s32 $0x51;
	v14 =	vmul.f32 v14, v13;
	v20 =	vor.u32 v29, v25;
	v25 =	vor.u32 $0x80, v19;
	v21 =	vld.idx.msk [tilespmem:v21+s15+$0x0], $0xffff  }
0x63b: {  	v36 =	vadd.s32 s29, v3;
	v11 =	vmul.f32 v16, v11;
	v16 =	vld [tilespmem:s24+$0xFFFFFFF0]  }
0x63c: {  	v17 =	vmul.f32 v17, v18;
	v14 =	vsub.f32 $1.500000000e+00, v14;
	v31 =	vor.u32 $0x80, v28;
	v5 =	vld.idx.msk [tilespmem:v22+s17+$0x0], $0xffff  }
0x63d: {  	v27 =	vor.u32 $0x80, v20;
	v28 =	vld.idx.msk [tilespmem:v28+s15+$0x0], $0xffff;
	v30 =	vmul.f32 v30, v30;
	v26 =	vmul.f32 v26, v26  }
0x63e: {  	v17 =	vsub.f32 $1.500000000e+00, v17;
	v29 =	vor.u32 $0x100, v19;
	v13 =	vmul.f32 v14, v13;
	v14 =	vld.idx.msk [tilespmem:v19+s15+$0x0], $0xffff  }
0x63f: {  	s28 =	simm.s32 $0x41;
	v32 =	vor.u32 $0x100, v20;
	v25 =	vld.idx.msk [tilespmem:v25+s15+$0x0], $0xffff;
	v21 =	vmul.f32 v21, v21;
	v26 =	vadd.f32 v26, v30  }
0x640: {  	v35 =	vadd.s32 s28, v3;
	vm3 =	vne.s32 v24, v15;
	v17 =	vmul.f32 v17, v18;
	v20 =	vld.idx.msk [tilespmem:v20+s15+$0x0], $0xffff  }
0x641: {  	vm2 =	vmor vm3, vm0;
	vm3 =	vmand vm3, vm1;
	v31 =	vld.idx.msk [tilespmem:v31+s15+$0x0], $0xffff;
	v21 =	vadd.f32 v21, v26  }
0x642: {  	vm4 =	vne.s32 v8, v6;
	v12 =	vmul.f32 v13, v12;
	v10 =	vmul.f32 v17, v10;
	v27 =	vld.idx.msk [tilespmem:v27+s15+$0x0], $0xffff  }
0x643: {  	vm5 =	vmor vm4, vm0;
	v16 =	vmul.f32 v11, v16;
	v62 =	vmax.f32 v21, $9.999999910e-38;
	v21 =	vld.idx.msk [tilespmem:v29+s15+$0x0], $0xffff  }
0x644: {  	v18 =	vmul.f32 v25, v25;
	v29 =	vld.idx.msk [tilespmem:v32+s15+$0x0], $0xffff;
	v25 =	vshra.s32 v62, $0x1;
	v26 =	vmul.f32 $5.000000000e-01, v62  }
0x645: {  	v23 =	vld.idx.msk [tilespmem:v23+s15+$0x0], $0xffff;
	v13 =	vmul.f32 v28, v28;
	v14 =	vmul.f32 v14, v14;
	v25 =	vsub.s32 $0x5F3759DF, v25  }
0x646: {  	v22 =	vld [tilespmem:s24+$0xFFFFFFE0];
	vm7 =	vne.s32 v7, v4;
	v33, _, _ =	vpop (xrf2);
	v19 =	vmul.f32 v31, v31;
	v28 =	vmul.f32 v25, v26  }
0x647: {  	v34 =	vsub.f32 $0.0e+00, v33;
	v20 =	vmul.f32 v20, v20;
	v27 =	vmul.f32 v27, v27  }
0x648: {  	v13 =	vadd.f32 v19, v13;
	v19 =	vld [tilespmem:s24+$0x0];
	v14 =	vadd.f32 v18, v14;
	v28 =	vmul.f32 v25, v28  }
0x649: {  	v17 =	vadd.f32 v27, v20;
	v18 =	vmul.f32 v21, v21;
	v20 =	vmul.f32 v29, v29  }
0x64a: {  	vm8 =	vne.s32 v9, v5;
	v23 =	vmul.f32 v23, v23;
	v21 =	vsub.f32 $1.500000000e+00, v28  }
0x64b: {  	s30 =	simm.s32 $0x61;
	v12 =	vmul.f32 v12, v22;
	v14 =	vadd.f32 v18, v14;
	v17 =	vadd.f32 v20, v17  }
0x64c: {  	v30 =	vadd.s32 s30, v3;
	v11 =	vadd.f32 v23, v13;
	v18 =	vmul.f32 v25, v21  }
0x64d: {  	(xrf2) =	vadd.scan.msk.f32 $0xffff, v12;
	v13 =	vmax.f32 v14, $9.999999910e-38;
	v25 =	vmul.f32 v10, v19;
	v12 =	vmax.f32 v17, $9.999999910e-38  }
0x64e: {  	[tilespmem:v24+s19+$0x0] =	vst.idx.add.f32.msk vm2, v33;
	v14 =	vmax.f32 v11, $9.999999910e-38;
	v10 =	vshra.s32 v13, $0x1;
	v17 =	vmul.f32 v18, v26  }
0x64f: {  	[tilespmem:v15+s19+$0x0] =	vst.idx.add.f32.msk vm3, v34;
	v19 =	vmul.f32 $5.000000000e-01, v13;
	v11 =	vshra.s32 v12, $0x1;
	v21 =	vshra.s32 v14, $0x1  }
0x650: {  	(xrf2) =	vadd.scan.msk.f32 $0xffff, v16;
	v20 =	vmul.f32 $5.000000000e-01, v14;
	v22 =	vsub.s32 $0x5F3759DF, v10;
	v17 =	vmul.f32 v17, v18  }
0x651: {  	v15 =	vld.idx.msk [tilespmem:v35+s17+$0x0], $0xffff;
	s24 =	simm.s32 $0x140E0;
	v26 =	vsub.s32 $0x5F3759DF, v21;
	v21 =	vmul.f32 $5.000000000e-01, v12;
	v29 =	vmul.f32 v22, v19  }
0x652: {  	v28 =	vld [tilespmem:s24+$0x10];
	v23 =	vsub.s32 $0x5F3759DF, v11;
	v24 =	vmul.f32 v26, v20;
	v17 =	vsub.f32 $1.500000000e+00, v17  }
0x653: {  	s31 =	simm.s32 $0x71;
	vm4 =	vmand vm4, vm1;
	v11 =	vld.idx.msk [tilespmem:v30+s17+$0x0], $0xffff;
	(xrf2) =	vadd.scan.msk.f32 $0xffff, v25;
	v30 =	vmul.f32 v23, v21;
	v29 =	vmul.f32 v22, v29  }
0x654: {  	v27 =	vadd.s32 s31, v3;
	v16 =	vld [tilespmem:s24+$0xFFFFFFF0];
	v24 =	vmul.f32 v26, v24;
	v18 =	vmul.f32 v17, v18  }
0x655: {  	vm6 =	vmor vm7, vm0;
	vm2 =	vmand vm8, vm1;
	v10 =	vld.idx.msk [tilespmem:v36+s17+$0x0], $0xffff;
	v63 =	vmul.f32 v23, v30  }
0x656: {  	vm3 =	vmand vm7, vm1;
	v31 =	vsub.f32 $1.500000000e+00, v24;
	v17 =	vld [tilespmem:s24+$0xFFFFFFE0];
	v30 =	vmul.f32 v18, v62  }
0x657: {  	s25 =	simm.s32 $0x4;
	s26 =	simm.s32 $0xB1;
	vm7 =	vmor vm8, vm0;
	v24 =	vsub.f32 $1.500000000e+00, v29;
	v25 =	vsub.f32 $1.500000000e+00, v63;
	v29, _, _ =	vpop (xrf2);
	v18 =	vld [tilespmem:s24+$0x0]  }
.LBB2_22:
0x658: {  	s0 =	sadd.s32 $0xFFFFFFDF, s26;
	s30 =	sadd.s32 $0xFFFFFFFF, s26;
	s25 =	sadd.s32 $0x4, s25;
	v26 =	vmul.f32 v26, v31;
	v35 =	vmul.f32 v30, v28;
	[tilespmem:v8+s19+$0x0] =	vst.idx.add.f32.msk vm5, v29;
	v29 =	vsub.f32 $0.0e+00, v29  }
0x659: {  	s23 =	sadd.s32 $0x40, s23;
	v30 =	vmov s0;
	v31 =	vor.u32 s0, v3;
	s0 =	sadd.s32 $0xFFFFFFEF, s26;
	v8 =	vmov s30;
	p0 =	slt.u32 s25, $0x1FC;
	v27 =	vld.idx.msk [tilespmem:v27+s17+$0x0], $0xffff  }
0x65a: {  	s31 =	sadd.s32 $0xFFFFFFCF, s26;
	s28 =	sadd.s32 $0xFFFFFFD0, s26;
	s29 =	sadd.s32 $0xFFFFFFE0, s26;
	v33 =	vor.u32 s30, v3;
	v32 =	vmov s0;
	v8 =	vshll.u32 v8, $0x2;
	v34 =	vld [tilespmem:s23+$0x10];
	(xrf2) =	vadd.scan.msk.f32 $0xffff, v35;
	v28, _, _ =	vpop (xrf2)  }
0x65b: {  	s30 =	sadd.s32 $0xFFFFFFF0, s26;
	v35 =	vmov s31;
	v33 =	vand.u32 $0x7F, v33;
	v36 =	vand.u32 $0x7E00, v8;
	v8 =	vld [tilespmem:s23+$0xFFFFFFE0]  }
0x65c: {  	v30 =	vshll.u32 v30, $0x2;
	v35 =	vshll.u32 v35, $0x2;
	v33 =	vor.u32 v33, v36;
	v36 =	vld [tilespmem:s23+$0xFFFFFFF0]  }
0x65d: {  	v37 =	vor.u32 s31, v3;
	v32 =	vshll.u32 v32, $0x2;
	v38 =	vor.u32 $0x80, v33;
	v39 =	vld [tilespmem:s23+$0x0];
	v40, _, _ =	vpop (xrf2)  }
0x65e: {  	v42 =	vor.u32 s0, v3;
	v30 =	vand.u32 $0x7E00, v30;
	v41 =	vand.u32 $0x7E00, v35;
	[tilespmem:v6+s19+$0x0] =	vst.idx.add.f32.msk vm4, v29;
	v6 =	vmovc v15  }
0x65f: {  	v15 =	vand.u32 $0x7E00, v32;
	v29 =	vor.u32 $0x100, v33;
	vm4 =	vne.s32 v34, v27;
	[tilespmem:v7+s19+$0x0] =	vst.idx.add.f32.msk vm6, v28  }
0x660: {  	v31 =	vand.u32 $0x5F, v31;
	v32 =	vand.u32 $0x4F, v37;
	vm5 =	vmor vm4, vm0;
	[tilespmem:v9+s19+$0x0] =	vst.idx.add.f32.msk vm7, v40  }
0x661: {  	v37 =	vor.u32 v32, v41;
	v41 =	vand.u32 $0x6F, v42;
	vm4 =	vmand vm4, vm1;
	v33 =	vld.idx.msk [tilespmem:v33+s15+$0x0], $0xffff;
	v7 =	vmovc v36  }
0x662: {  	v30 =	vor.u32 v31, v30;
	v15 =	vor.u32 v41, v15;
	v36 =	vor.u32 $0x80, v37;
	v31 =	vld.idx.msk [tilespmem:v38+s15+$0x0], $0xffff;
	v9 =	vmovc v39  }
0x663: {  	v32 =	vor.u32 v32, v35;
	v35 =	vor.u32 $0x80, v30;
	v38 =	vor.u32 $0x80, v15  }
0x664: {  	v32 =	vor.u32 $0x100, v32;
	v41 =	vor.u32 $0x100, v15;
	v39 =	vor.u32 $0x100, v30;
	v29 =	vld.idx.msk [tilespmem:v29+s15+$0x0], $0xffff;
	v42, _, _ =	vpop (xrf2)  }
0x665: {  	v22 =	vmul.f32 v22, v24;
	v23 =	vmul.f32 v23, v25;
	v24 =	vsub.f32 $0.0e+00, v42  }
0x666: {  	v25 =	vadd.s32 s28, v3;
	v43 =	vadd.s32 s29, v3;
	v20 =	vmul.f32 v26, v20;
	[tilespmem:v34+s19+$0x0] =	vst.idx.add.f32.msk vm5, v42  }
0x667: {  	v19 =	vmul.f32 v22, v19;
	v21 =	vmul.f32 v23, v21;
	v34 =	vadd.s32 s30, v3;
	[tilespmem:v27+s19+$0x0] =	vst.idx.add.f32.msk vm4, v24  }
0x668: {  	v28 =	vsub.f32 $0.0e+00, v28;
	v27 =	vmul.f32 v33, v33;
	v31 =	vmul.f32 v31, v31;
	v24 =	vld.idx.msk [tilespmem:v36+s15+$0x0], $0xffff  }
0x669: {  	v20 =	vmul.f32 v20, v26;
	v19 =	vmul.f32 v19, v22;
	v33 =	vld.idx.msk [tilespmem:v35+s15+$0x0], $0xffff;
	v35 =	vsub.f32 $0.0e+00, v40  }
0x66a: {  	v21 =	vmul.f32 v21, v23;
	v27 =	vadd.f32 v31, v27;
	v29 =	vmul.f32 v29, v29;
	v36 =	vld.idx.msk [tilespmem:v38+s15+$0x0], $0xffff  }
0x66b: {  	v20 =	vsub.f32 $1.500000000e+00, v20;
	v19 =	vsub.f32 $1.500000000e+00, v19;
	vm4 =	vne.s32 v8, v6;
	v31 =	vld.idx.msk [tilespmem:v37+s15+$0x0], $0xffff  }
0x66c: {  	v21 =	vsub.f32 $1.500000000e+00, v21;
	vm7 =	vne.s32 v7, v10;
	v27 =	vadd.f32 v29, v27;
	v30 =	vld.idx.msk [tilespmem:v30+s15+$0x0], $0xffff  }
0x66d: {  	v19 =	vmul.f32 v19, v22;
	vm8 =	vne.s32 v9, v11;
	v29 =	vld.idx.msk [tilespmem:v15+s15+$0x0], $0xffff;
	v15 =	vmul.f32 v20, v26  }
0x66e: {  	v21 =	vmul.f32 v21, v23;
	v20 =	vmul.f32 v24, v24;
	v24 =	vmax.f32 v27, $9.999999910e-38;
	v22 =	vld.idx.msk [tilespmem:v39+s15+$0x0], $0xffff  }
0x66f: {  	v23 =	vmul.f32 v33, v33;
	v27 =	vshra.s32 v24, $0x1;
	v33 =	vmul.f32 $5.000000000e-01, v24;
	v26 =	vld.idx.msk [tilespmem:v41+s15+$0x0], $0xffff  }
0x670: {  	v36 =	vmul.f32 v36, v36;
	v27 =	vsub.s32 $0x5F3759DF, v27;
	v14 =	vmul.f32 v15, v14;
	v32 =	vld.idx.msk [tilespmem:v32+s15+$0x0], $0xffff  }
0x671: {  	vm5 =	vmor vm4, vm0;
	v31 =	vmul.f32 v31, v31;
	v15 =	vld.idx.msk [tilespmem:v25+s17+$0x0], $0xffff;
	v25 =	vmul.f32 v27, v33  }
0x672: {  	v13 =	vmul.f32 v19, v13;
	vm4 =	vmand vm4, vm1;
	v30 =	vmul.f32 v30, v30;
	v37 =	vld.idx.msk [tilespmem:v43+s17+$0x0], $0xffff  }
0x673: {  	v19 =	vadd.f32 v20, v31;
	v20 =	vmul.f32 v29, v29;
	v29 =	vld.idx.msk [tilespmem:v34+s17+$0x0], $0xffff;
	v25 =	vmul.f32 v27, v25  }
0x674: {  	v12 =	vmul.f32 v21, v12;
	v23 =	vadd.f32 v23, v30;
	v22 =	vmul.f32 v22, v22  }
0x675: {  	v20 =	vadd.f32 v36, v20;
	v21 =	vmul.f32 v26, v26;
	v25 =	vsub.f32 $1.500000000e+00, v25;
	[tilespmem:v4+s19+$0x0] =	vst.idx.add.f32.msk vm3, v28  }
0x676: {  	v14 =	vmul.f32 v14, v17;
	v26 =	vmul.f32 v32, v32;
	v22 =	vadd.f32 v22, v23;
	v4 =	vmovc v10  }
0x677: {  	v16 =	vmul.f32 v13, v16;
	v17 =	vadd.f32 v21, v20;
	v25 =	vmul.f32 v27, v25;
	v10 =	vmovc v37  }
0x678: {  	v18 =	vmul.f32 v12, v18;
	v19 =	vadd.f32 v26, v19;
	v13 =	vmax.f32 v22, $9.999999910e-38;
	(xrf2) =	vadd.scan.msk.f32 $0xffff, v14  }
0x679: {  	v21 =	vshra.s32 v13, $0x1;
	v12 =	vmax.f32 v17, $9.999999910e-38;
	v17 =	vmul.f32 v25, v33;
	[tilespmem:v5+s19+$0x0] =	vst.idx.add.f32.msk vm2, v35;
	v5 =	vmovc v11  }
0x67a: {  	v14 =	vmax.f32 v19, $9.999999910e-38;
	v19 =	vmul.f32 $5.000000000e-01, v13;
	v23 =	vshra.s32 v12, $0x1;
	v11 =	vmovc v29  }
0x67b: {  	v22 =	vshra.s32 v14, $0x1;
	v20 =	vmul.f32 $5.000000000e-01, v14;
	v17 =	vmul.f32 v17, v25;
	(xrf2) =	vadd.scan.msk.f32 $0xffff, v16  }
0x67c: {  	v26 =	vsub.s32 $0x5F3759DF, v22;
	v22 =	vsub.s32 $0x5F3759DF, v21;
	v21 =	vmul.f32 $5.000000000e-01, v12  }
0x67d: {  	s24 =	sadd.s32 $0x40, s24;
	v23 =	vsub.s32 $0x5F3759DF, v23;
	v16 =	vmul.f32 v26, v20;
	v27 =	vsub.f32 $1.500000000e+00, v17  }
.Ltmp10:
0x67e: {  	vm6 =	vmor vm7, vm0;
	v29 =	vmul.f32 v22, v19;
	v30 =	vmul.f32 v23, v21;
	v28 =	vld [tilespmem:s24+$0x10];
	(xrf2) =	vadd.scan.msk.f32 $0xffff, v18;
	(pc) =	sbr.rel @p0 .LBB2_22-.Ltmp10, $4  }
0x67f: {  	v18 =	vmul.f32 v26, v16;
	v17 =	vld [tilespmem:s24+$0xFFFFFFE0];
	v25 =	vmul.f32 v27, v25;
	v27 =	vadd.s32 s26, v3  }
0x680: {  	vm3 =	vmand vm7, vm1;
	v33 =	vmul.f32 v22, v29;
	v32 =	vmul.f32 v23, v30;
	v16 =	vld [tilespmem:s24+$0xFFFFFFF0]  }
0x681: {  	vm7 =	vmor vm8, vm0;
	v31 =	vsub.f32 $1.500000000e+00, v18;
	v18 =	vld [tilespmem:s24+$0x0];
	v30 =	vmul.f32 v25, v24  }
0x682: {  	vm2 =	vmand vm8, vm1;
	s26 =	sadd.s32 $0x40, s26;
	v24 =	vsub.f32 $1.500000000e+00, v33;
	v25 =	vsub.f32 $1.500000000e+00, v32;
	v29, _, _ =	vpop (xrf2)  }
0x683: {  	v26 =	vmul.f32 v26, v31;
	_ =	sdelay $0x1  }
0x684: {  	v20 =	vmul.f32 v26, v20  }
0x685: {  	v22 =	vmul.f32 v22, v24;
	v23 =	vmul.f32 v23, v25  }
0x686: {  	v20 =	vmul.f32 v20, v26  }
0x687: {  	v19 =	vmul.f32 v22, v19;
	v21 =	vmul.f32 v23, v21  }
0x688: {  	v20 =	vsub.f32 $1.500000000e+00, v20  }
0x689: {  	v19 =	vmul.f32 v19, v22;
	v21 =	vmul.f32 v21, v23  }
0x68a: {  	v24 =	vmul.f32 v30, v28;
	v20 =	vmul.f32 v20, v26  }
0x68b: {  	s0 =	sadd.s32 $0x40, s23;
	v25 =	vld.idx.msk [tilespmem:v27+s17+$0x0], $0xffff;
	v19 =	vsub.f32 $1.500000000e+00, v19;
	v21 =	vsub.f32 $1.500000000e+00, v21  }
0x68c: {  	(xrf2) =	vadd.scan.msk.f32 $0xffff, v24;
	v26 =	vld [tilespmem:s0+$0x10];
	v14 =	vmul.f32 v20, v14  }
0x68d: {  	v19 =	vmul.f32 v19, v22;
	v20 =	vmul.f32 v21, v23  }
0x68e: {  	v14 =	vmul.f32 v14, v17  }
0x68f: {  	v13 =	vmul.f32 v19, v13;
	v12 =	vmul.f32 v20, v12  }
0x690: {  	(xrf2) =	vadd.scan.msk.f32 $0xffff, v14  }
0x691: {  	v17 =	vld [tilespmem:s0+$0xFFFFFFE0];
	vm8 =	vne.s32 v26, v25;
	v13 =	vmul.f32 v13, v16;
	v12 =	vmul.f32 v12, v18  }
0x692: {  	v14 =	vld [tilespmem:s0+$0xFFFFFFF0];
	vm9 =	vmor vm8, vm0  }
0x693: {  	[tilespmem:v8+s19+$0x0] =	vst.idx.add.f32.msk vm5, v29;
	vm8 =	vmand vm8, vm1;
	(xrf2) =	vadd.scan.msk.f32 $0xffff, v13  }
0x694: {  	v8, _, _ =	vpop (xrf2);
	v16 =	vsub.f32 $0.0e+00, v29;
	v18 =	vld [tilespmem:s0+$0x0]  }
0x695: {  	[tilespmem:v7+s19+$0x0] =	vst.idx.add.f32.msk vm6, v8;
	(xrf2) =	vadd.scan.msk.f32 $0xffff, v12;
	v12, _, _ =	vpop (xrf2)  }
0x696: {  	[tilespmem:v6+s19+$0x0] =	vst.idx.add.f32.msk vm4, v16;
	vm4 =	vne.s32 v17, v15;
	v6, _, _ =	vpop (xrf2)  }
0x697: {  	vm5 =	vmor vm4, vm0;
	[tilespmem:v9+s19+$0x0] =	vst.idx.add.f32.msk vm7, v12;
	vm6 =	vne.s32 v14, v10;
	v7 =	vsub.f32 $0.0e+00, v6  }
0x698: {  	[tilespmem:v26+s19+$0x0] =	vst.idx.add.f32.msk vm9, v6;
	v6 =	vsub.f32 $0.0e+00, v8;
	vm15 =	vmor vm6, vm0  }
0x699: {  	vm4 =	vmand vm4, vm1;
	vm7 =	vne.s32 v18, v11;
	[tilespmem:v25+s19+$0x0] =	vst.idx.add.f32.msk vm8, v7;
	v7 =	vsub.f32 $0.0e+00, v12  }
0x69a: {  	vm8 =	vmor vm7, vm0;
	[tilespmem:v4+s19+$0x0] =	vst.idx.add.f32.msk vm3, v6;
	v4, _, _ =	vpop (xrf2)  }
0x69b: {  	vm3 =	vmand vm6, vm1;
	[tilespmem:v5+s19+$0x0] =	vst.idx.add.f32.msk vm2, v7;
	v5 =	vsub.f32 $0.0e+00, v4  }
0x69c: {  	vm2 =	vmand vm7, vm1  }
0x69d: {  	[tilespmem:v17+s19+$0x0] =	vst.idx.add.f32.msk vm5, v4;
	v4, _, _ =	vpop (xrf2)  }
0x69e: {  	[tilespmem:v14+s19+$0x0] =	vst.idx.add.f32.msk vm15, v4  }
0x69f: {  	v4 =	vsub.f32 $0.0e+00, v4;
	[tilespmem:v15+s19+$0x0] =	vst.idx.add.f32.msk vm4, v5;
	v5, _, _ =	vpop (xrf2)  }
0x6a0: {  	[tilespmem:v18+s19+$0x0] =	vst.idx.add.f32.msk vm8, v5;
	v5 =	vsub.f32 $0.0e+00, v5  }
0x6a1: {  	[tilespmem:v10+s19+$0x0] =	vst.idx.add.f32.msk vm3, v4  }
0x6a2: {  	[tilespmem:v11+s19+$0x0] =	vst.idx.add.f32.msk vm2, v5  }
0x6a3: {  	s23 =	rddreg [dreg:$0x10]  }
0x6a4: {  	[tilespmem:s15], [sflag:$0x2] =	stream.linear.gather [hbm4b:s23+s1], $0x8000, $0x38;
	[tilespmem:$0x1A880] =	vst v63  }
0x6a5: {  	_ = 	snop  }
0x6a6: {  	[tilespmem:s16], [sflag:$0x2] =	stream.linear.gather [hbm4b:s7+s1], $0x2000, $0x38;
	[tilespmem:$0x1A880] =	vst v63  }
0x6a7: {  	_ = 	snop  }
0x6a8: {  	[tilespmem:s17], [sflag:$0x2] =	stream.linear.gather [hbm4b:s8+s1], $0x2000, $0x38;
	[tilespmem:$0x1A880] =	vst v63  }
0x6a9: {  	s24 =	simm.s32 $0x30;
	_ =	swait.ge [sflag:s18], $0x8000  }
0x6aa: {  	v4 =	vmov s24;
	[sflag:s18] =	ssyncset.done $0x0  }
0x6ab: {  	v4 =	vshll.u32 v4, $0x2;
	v5 =	vor.u32 s24, v3;
	[sflag:s18] =	ssyncadd.s32 $0xFFFF8000  }
0x6ac: {  	v4 =	vand.u32 $0x7E00, v4;
	v5 =	vand.u32 $0x7F, v5;
	_ =	swait.ge [sflag:s18], $0x2000  }
0x6ad: {  	s26 =	simm.s32 $0x20;
	v4 =	vor.u32 v5, v4;
	[sflag:s18] =	ssyncset.done $0x0  }
0x6ae: {  	v13 =	vor.u32 s26, v3;
	v8 =	vmov s26;
	v6 =	vor.u32 $0x80, v4;
	[sflag:s18] =	ssyncadd.s32 $0xFFFFE000  }
0x6af: {  	s25 =	simm.s32 $0x10;
	v13 =	vand.u32 $0x6F, v13;
	v8 =	vshll.u32 v8, $0x2;
	s24 =	simm.s32 $0x0;
	_ =	swait.ge [sflag:s18], $0x2000  }
0x6b0: {  	v7 =	vor.u32 s25, v3;
	v9 =	vmov s24;
	v10 =	vor.u32 $0x100, v4;
	[sflag:s18] =	ssyncset.done $0x0  }
0x6b1: {  	v11 =	vor.u32 s24, v3;
	v5 =	vmov s25;
	v9 =	vshll.u32 v9, $0x2;
	[sflag:s18] =	ssyncadd.s32 $0xFFFFE000  }
0x6b2: {  	v11 =	vand.u32 $0x4F, v11;
	v5 =	vshll.u32 v5, $0x2;
	v12 =	vand.u32 $0x7E00, v9;
	v4 =	vld.idx.msk [tilespmem:v4+s1+$0x0], $0xffff  }
0x6b3: {  	v7 =	vand.u32 $0x5F, v7;
	v5 =	vand.u32 $0x7E00, v5;
	v12 =	vor.u32 v11, v12;
	v6 =	vld.idx.msk [tilespmem:v6+s1+$0x0], $0xffff  }
0x6b4: {  	v8 =	vand.u32 $0x7E00, v8;
	v14 =	vor.u32 $0x80, v12;
	v5 =	vor.u32 v7, v5  }
0x6b5: {  	v7 =	vor.u32 v13, v8;
	v8 =	vor.u32 $0x80, v5;
	v10 =	vld.idx.msk [tilespmem:v10+s1+$0x0], $0xffff  }
0x6b6: {  	v13 =	vor.u32 $0x80, v7;
	_ =	sdelay $0x1  }
0x6b7: {  	v4 =	vmul.f32 v4, v4;
	v6 =	vmul.f32 v6, v6  }
0x6b8: {  	v14 =	vld.idx.msk [tilespmem:v14+s1+$0x0], $0xffff  }
0x6b9: {  	v15 =	vor.u32 $0x100, v5;
	v8 =	vld.idx.msk [tilespmem:v8+s1+$0x0], $0xffff;
	v4 =	vadd.f32 v6, v4;
	v6 =	vmul.f32 v10, v10  }
0x6ba: {  	v9 =	vor.u32 v11, v9;
	v11 =	vld.idx.msk [tilespmem:v13+s1+$0x0], $0xffff;
	v10 =	vor.u32 $0x100, v7  }
0x6bb: {  	v9 =	vor.u32 $0x100, v9;
	v12 =	vld.idx.msk [tilespmem:v12+s1+$0x0], $0xffff;
	v4 =	vadd.f32 v6, v4  }
0x6bc: {  	v5 =	vld.idx.msk [tilespmem:v5+s1+$0x0], $0xffff  }
0x6bd: {  	v6 =	vld.idx.msk [tilespmem:v7+s1+$0x0], $0xffff;
	v4 =	vmax.f32 v4, $9.999999910e-38  }
0x6be: {  	v7 =	vld.idx.msk [tilespmem:v15+s1+$0x0], $0xffff;
	v13 =	vshra.s32 v4, $0x1;
	v15 =	vmul.f32 $5.000000000e-01, v4  }
0x6bf: {  	v14 =	vmul.f32 v14, v14;
	v10 =	vld.idx.msk [tilespmem:v10+s1+$0x0], $0xffff;
	v13 =	vsub.s32 $0x5F3759DF, v13  }
0x6c0: {  	v9 =	vld.idx.msk [tilespmem:v9+s1+$0x0], $0xffff;
	v8 =	vmul.f32 v8, v8;
	v16 =	vmul.f32 v13, v15  }
0x6c1: {  	s31 =	simm.s32 $0x21;
	v11 =	vmul.f32 v11, v11;
	v5 =	vmul.f32 v5, v5  }
0x6c2: {  	v22 =	vadd.s32 s31, v3;
	v6 =	vmul.f32 v6, v6;
	v16 =	vmul.f32 v13, v16  }
0x6c3: {  	v12 =	vmul.f32 v12, v12;
	v5 =	vadd.f32 v8, v5;
	v7 =	vmul.f32 v7, v7  }
0x6c4: {  	v6 =	vadd.f32 v11, v6;
	v8 =	vmul.f32 v10, v10;
	v10 =	vsub.f32 $1.500000000e+00, v16  }
0x6c5: {  	s30 =	simm.s32 $0x11;
	v9 =	vmul.f32 v9, v9;
	v11 =	vadd.f32 v14, v12;
	v5 =	vadd.f32 v7, v5  }
0x6c6: {  	s29 =	simm.s32 $0x1;
	v21 =	vadd.s32 s30, v3;
	v6 =	vadd.f32 v8, v6;
	v7 =	vmul.f32 v13, v10  }
0x6c7: {  	v20 =	vadd.s32 s29, v3;
	v8 =	vadd.f32 v9, v11;
	v11 =	vmax.f32 v5, $9.999999910e-38  }
0x6c8: {  	v5 =	vshra.s32 v11, $0x1;
	v10 =	vmax.f32 v6, $9.999999910e-38;
	v6 =	vmul.f32 v7, v15  }
0x6c9: {  	v9 =	vmul.f32 $5.000000000e-01, v11;
	v12 =	vmax.f32 v8, $9.999999910e-38;
	v16 =	vsub.s32 $0x5F3759DF, v5  }
0x6ca: {  	v13 =	vshra.s32 v12, $0x1;
	v14 =	vmul.f32 $5.000000000e-01, v12;
	v6 =	vmul.f32 v6, v7  }
0x6cb: {  	v8 =	vshra.s32 v10, $0x1;
	v17 =	vmul.f32 $5.000000000e-01, v10;
	v13 =	vsub.s32 $0x5F3759DF, v13  }
0x6cc: {  	s3 =	simm.s32 $0x60;
	v8 =	vsub.s32 $0x5F3759DF, v8;
	v5 =	vmul.f32 v13, v14;
	v6 =	vsub.f32 $1.500000000e+00, v6  }
0x6cd: {  	s28 =	simm.s32 $0x31;
	v29 =	vor.u32 s3, v3;
	v15 =	vmul.f32 v16, v9;
	v18 =	vmul.f32 v8, v17  }
0x6ce: {  	s24 =	simm.s32 $0x8020;
	v5 =	vmul.f32 v13, v5;
	v6 =	vmul.f32 v6, v7;
	v7 =	vadd.s32 s28, v3  }
0x6cf: {  	v29 =	vand.u32 $0x6F, v29;
	s26 =	simm.s32 $0x40;
	v19 =	vld [tilespmem:s24+$0x10];
	v15 =	vmul.f32 v16, v15;
	v18 =	vmul.f32 v8, v18  }
0x6d0: {  	v27 =	vor.u32 s26, v3;
	v25 =	vmov s3;
	v5 =	vsub.f32 $1.500000000e+00, v5  }
0x6d1: {  	s2 =	simm.s32 $0x70;
	v27 =	vand.u32 $0x4F, v27;
	v23 =	vsub.f32 $1.500000000e+00, v15;
	v18 =	vsub.f32 $1.500000000e+00, v18  }
0x6d2: {  	v4 =	vmul.f32 v6, v4;
	v13 =	vmul.f32 v13, v5;
	v5 =	vmov s2  }
0x6d3: {  	v16 =	vmul.f32 v16, v23;
	v5 =	vshll.u32 v5, $0x2;
	v15 =	vld.idx.msk [tilespmem:v7+s14+$0x0], $0xffff;
	v7 =	vor.u32 s2, v3  }
0x6d4: {  	s25 =	simm.s32 $0x50;
	s23 =	simm.s32 $0xA020;
	v4 =	vmul.f32 v4, v19;
	v5 =	vand.u32 $0x7E00, v5;
	v7 =	vand.u32 $0x7F, v7  }
0x6d5: {  	v24 =	vld [tilespmem:s23+$0x10];
	v6 =	vmov s25;
	v9 =	vmul.f32 v16, v9;
	v5 =	vor.u32 v7, v5  }
0x6d6: {  	v18 =	vmul.f32 v8, v18;
	v8 =	vld [tilespmem:s23+$0xFFFFFFE0];
	(xrf2) =	vadd.scan.msk.f32 $0xffff, v4;
	v4 =	vmov s26;
	v26 =	vor.u32 $0x80, v5  }
0x6d7: {  	v9 =	vmul.f32 v9, v16;
	v7 =	vshll.u32 v4, $0x2;
	v4 =	vshll.u32 v6, $0x2;
	v6 =	vld.idx.msk [tilespmem:v20+s14+$0x0], $0xffff  }
0x6d8: {  	v25 =	vshll.u32 v25, $0x2;
	v20 =	vand.u32 $0x7E00, v4;
	v4 =	vld.idx.msk [tilespmem:v21+s14+$0x0], $0xffff;
	v21 =	vor.u32 $0x100, v5  }
0x6d9: {  	v25 =	vand.u32 $0x7E00, v25;
	v19 =	vor.u32 s25, v3;
	v37 =	vsub.f32 $1.500000000e+00, v9;
	v9 =	vld [tilespmem:s23+$0x0]  }
0x6da: {  	v14 =	vmul.f32 v13, v14;
	v17 =	vmul.f32 v18, v17;
	v28 =	vand.u32 $0x7E00, v7;
	v30 =	vld.idx.msk [tilespmem:v5+s1+$0x0], $0xffff  }
0x6db: {  	v19 =	vand.u32 $0x5F, v19;
	v7 =	vor.u32 v27, v7;
	v28 =	vor.u32 v27, v28;
	v26 =	vld.idx.msk [tilespmem:v26+s1+$0x0], $0xffff  }
0x6dc: {  	v16 =	vmul.f32 v37, v16;
	v19 =	vor.u32 v19, v20;
	v23 =	vor.u32 $0x100, v7;
	v7 =	vld [tilespmem:s23+$0xFFFFFFF0]  }
0x6dd: {  	s29 =	simm.s32 $0x51;
	v14 =	vmul.f32 v14, v13;
	v20 =	vor.u32 v29, v25;
	v25 =	vor.u32 $0x80, v19;
	v21 =	vld.idx.msk [tilespmem:v21+s1+$0x0], $0xffff  }
0x6de: {  	v36 =	vadd.s32 s29, v3;
	v11 =	vmul.f32 v16, v11;
	v16 =	vld [tilespmem:s24+$0xFFFFFFF0]  }
0x6df: {  	v17 =	vmul.f32 v17, v18;
	v14 =	vsub.f32 $1.500000000e+00, v14;
	v31 =	vor.u32 $0x80, v28;
	v5 =	vld.idx.msk [tilespmem:v22+s14+$0x0], $0xffff  }
0x6e0: {  	v27 =	vor.u32 $0x80, v20;
	v28 =	vld.idx.msk [tilespmem:v28+s1+$0x0], $0xffff;
	v30 =	vmul.f32 v30, v30;
	v26 =	vmul.f32 v26, v26  }
0x6e1: {  	v17 =	vsub.f32 $1.500000000e+00, v17;
	v29 =	vor.u32 $0x100, v19;
	v13 =	vmul.f32 v14, v13;
	v14 =	vld.idx.msk [tilespmem:v19+s1+$0x0], $0xffff  }
0x6e2: {  	s28 =	simm.s32 $0x41;
	v32 =	vor.u32 $0x100, v20;
	v25 =	vld.idx.msk [tilespmem:v25+s1+$0x0], $0xffff;
	v21 =	vmul.f32 v21, v21;
	v26 =	vadd.f32 v26, v30  }
0x6e3: {  	v35 =	vadd.s32 s28, v3;
	vm3 =	vne.s32 v24, v15;
	v17 =	vmul.f32 v17, v18;
	v20 =	vld.idx.msk [tilespmem:v20+s1+$0x0], $0xffff  }
0x6e4: {  	vm2 =	vmor vm3, vm0;
	vm3 =	vmand vm3, vm1;
	v31 =	vld.idx.msk [tilespmem:v31+s1+$0x0], $0xffff;
	v21 =	vadd.f32 v21, v26  }
0x6e5: {  	vm4 =	vne.s32 v8, v6;
	v12 =	vmul.f32 v13, v12;
	v10 =	vmul.f32 v17, v10;
	v27 =	vld.idx.msk [tilespmem:v27+s1+$0x0], $0xffff  }
0x6e6: {  	vm5 =	vmor vm4, vm0;
	v16 =	vmul.f32 v11, v16;
	v62 =	vmax.f32 v21, $9.999999910e-38;
	v21 =	vld.idx.msk [tilespmem:v29+s1+$0x0], $0xffff  }
0x6e7: {  	v18 =	vmul.f32 v25, v25;
	v29 =	vld.idx.msk [tilespmem:v32+s1+$0x0], $0xffff;
	v25 =	vshra.s32 v62, $0x1;
	v26 =	vmul.f32 $5.000000000e-01, v62  }
0x6e8: {  	v23 =	vld.idx.msk [tilespmem:v23+s1+$0x0], $0xffff;
	v13 =	vmul.f32 v28, v28;
	v14 =	vmul.f32 v14, v14;
	v25 =	vsub.s32 $0x5F3759DF, v25  }
0x6e9: {  	v22 =	vld [tilespmem:s24+$0xFFFFFFE0];
	vm7 =	vne.s32 v7, v4;
	v33, _, _ =	vpop (xrf2);
	v19 =	vmul.f32 v31, v31;
	v28 =	vmul.f32 v25, v26  }
0x6ea: {  	v34 =	vsub.f32 $0.0e+00, v33;
	v20 =	vmul.f32 v20, v20;
	v27 =	vmul.f32 v27, v27  }
0x6eb: {  	v13 =	vadd.f32 v19, v13;
	v19 =	vld [tilespmem:s24+$0x0];
	v14 =	vadd.f32 v18, v14;
	v28 =	vmul.f32 v25, v28  }
0x6ec: {  	v17 =	vadd.f32 v27, v20;
	v18 =	vmul.f32 v21, v21;
	v20 =	vmul.f32 v29, v29  }
0x6ed: {  	vm8 =	vne.s32 v9, v5;
	v23 =	vmul.f32 v23, v23;
	v21 =	vsub.f32 $1.500000000e+00, v28  }
0x6ee: {  	s30 =	simm.s32 $0x61;
	v12 =	vmul.f32 v12, v22;
	v14 =	vadd.f32 v18, v14;
	v17 =	vadd.f32 v20, v17  }
0x6ef: {  	v30 =	vadd.s32 s30, v3;
	v11 =	vadd.f32 v23, v13;
	v18 =	vmul.f32 v25, v21  }
0x6f0: {  	(xrf2) =	vadd.scan.msk.f32 $0xffff, v12;
	v13 =	vmax.f32 v14, $9.999999910e-38;
	v25 =	vmul.f32 v10, v19;
	v12 =	vmax.f32 v17, $9.999999910e-38  }
0x6f1: {  	[tilespmem:v24+s19+$0x0] =	vst.idx.add.f32.msk vm2, v33;
	v14 =	vmax.f32 v11, $9.999999910e-38;
	v10 =	vshra.s32 v13, $0x1;
	v17 =	vmul.f32 v18, v26  }
0x6f2: {  	[tilespmem:v15+s19+$0x0] =	vst.idx.add.f32.msk vm3, v34;
	v19 =	vmul.f32 $5.000000000e-01, v13;
	v11 =	vshra.s32 v12, $0x1;
	v21 =	vshra.s32 v14, $0x1  }
0x6f3: {  	(xrf2) =	vadd.scan.msk.f32 $0xffff, v16;
	v20 =	vmul.f32 $5.000000000e-01, v14;
	v22 =	vsub.s32 $0x5F3759DF, v10;
	v17 =	vmul.f32 v17, v18  }
0x6f4: {  	v15 =	vld.idx.msk [tilespmem:v35+s14+$0x0], $0xffff;
	s24 =	simm.s32 $0x8060;
	v26 =	vsub.s32 $0x5F3759DF, v21;
	v21 =	vmul.f32 $5.000000000e-01, v12;
	v29 =	vmul.f32 v22, v19  }
0x6f5: {  	v28 =	vld [tilespmem:s24+$0x10];
	v23 =	vsub.s32 $0x5F3759DF, v11;
	v24 =	vmul.f32 v26, v20;
	v17 =	vsub.f32 $1.500000000e+00, v17  }
0x6f6: {  	s31 =	simm.s32 $0x71;
	vm4 =	vmand vm4, vm1;
	v11 =	vld.idx.msk [tilespmem:v30+s14+$0x0], $0xffff;
	(xrf2) =	vadd.scan.msk.f32 $0xffff, v25;
	v30 =	vmul.f32 v23, v21;
	v29 =	vmul.f32 v22, v29  }
0x6f7: {  	v27 =	vadd.s32 s31, v3;
	v16 =	vld [tilespmem:s24+$0xFFFFFFF0];
	v24 =	vmul.f32 v26, v24;
	v18 =	vmul.f32 v17, v18  }
0x6f8: {  	vm6 =	vmor vm7, vm0;
	vm2 =	vmand vm8, vm1;
	v10 =	vld.idx.msk [tilespmem:v36+s14+$0x0], $0xffff;
	v63 =	vmul.f32 v23, v30  }
0x6f9: {  	vm3 =	vmand vm7, vm1;
	v31 =	vsub.f32 $1.500000000e+00, v24;
	v17 =	vld [tilespmem:s24+$0xFFFFFFE0];
	v30 =	vmul.f32 v18, v62  }
0x6fa: {  	s25 =	simm.s32 $0x4;
	s26 =	simm.s32 $0xB1;
	vm7 =	vmor vm8, vm0;
	v24 =	vsub.f32 $1.500000000e+00, v29;
	v25 =	vsub.f32 $1.500000000e+00, v63;
	v29, _, _ =	vpop (xrf2);
	v18 =	vld [tilespmem:s24+$0x0]  }
.LBB2_24:
0x6fb: {  	s0 =	sadd.s32 $0xFFFFFFDF, s26;
	s30 =	sadd.s32 $0xFFFFFFFF, s26;
	s25 =	sadd.s32 $0x4, s25;
	v26 =	vmul.f32 v26, v31;
	v35 =	vmul.f32 v30, v28;
	[tilespmem:v8+s19+$0x0] =	vst.idx.add.f32.msk vm5, v29;
	v29 =	vsub.f32 $0.0e+00, v29  }
0x6fc: {  	s23 =	sadd.s32 $0x40, s23;
	v30 =	vmov s0;
	v31 =	vor.u32 s0, v3;
	s0 =	sadd.s32 $0xFFFFFFEF, s26;
	v8 =	vmov s30;
	p0 =	slt.u32 s25, $0x1FC;
	v27 =	vld.idx.msk [tilespmem:v27+s14+$0x0], $0xffff  }
0x6fd: {  	s31 =	sadd.s32 $0xFFFFFFCF, s26;
	s28 =	sadd.s32 $0xFFFFFFD0, s26;
	s29 =	sadd.s32 $0xFFFFFFE0, s26;
	v33 =	vor.u32 s30, v3;
	v32 =	vmov s0;
	v8 =	vshll.u32 v8, $0x2;
	v34 =	vld [tilespmem:s23+$0x10];
	(xrf2) =	vadd.scan.msk.f32 $0xffff, v35;
	v28, _, _ =	vpop (xrf2)  }
0x6fe: {  	s30 =	sadd.s32 $0xFFFFFFF0, s26;
	v35 =	vmov s31;
	v33 =	vand.u32 $0x7F, v33;
	v36 =	vand.u32 $0x7E00, v8;
	v8 =	vld [tilespmem:s23+$0xFFFFFFE0]  }
0x6ff: {  	v30 =	vshll.u32 v30, $0x2;
	v35 =	vshll.u32 v35, $0x2;
	v33 =	vor.u32 v33, v36;
	v36 =	vld [tilespmem:s23+$0xFFFFFFF0]  }
0x700: {  	v37 =	vor.u32 s31, v3;
	v32 =	vshll.u32 v32, $0x2;
	v38 =	vor.u32 $0x80, v33;
	v39 =	vld [tilespmem:s23+$0x0];
	v40, _, _ =	vpop (xrf2)  }
0x701: {  	v42 =	vor.u32 s0, v3;
	v30 =	vand.u32 $0x7E00, v30;
	v41 =	vand.u32 $0x7E00, v35;
	[tilespmem:v6+s19+$0x0] =	vst.idx.add.f32.msk vm4, v29;
	v6 =	vmovc v15  }
0x702: {  	v15 =	vand.u32 $0x7E00, v32;
	v29 =	vor.u32 $0x100, v33;
	vm4 =	vne.s32 v34, v27;
	[tilespmem:v7+s19+$0x0] =	vst.idx.add.f32.msk vm6, v28  }
0x703: {  	v31 =	vand.u32 $0x5F, v31;
	v32 =	vand.u32 $0x4F, v37;
	vm5 =	vmor vm4, vm0;
	[tilespmem:v9+s19+$0x0] =	vst.idx.add.f32.msk vm7, v40  }
0x704: {  	v37 =	vor.u32 v32, v41;
	v41 =	vand.u32 $0x6F, v42;
	vm4 =	vmand vm4, vm1;
	v33 =	vld.idx.msk [tilespmem:v33+s1+$0x0], $0xffff;
	v7 =	vmovc v36  }
0x705: {  	v30 =	vor.u32 v31, v30;
	v15 =	vor.u32 v41, v15;
	v36 =	vor.u32 $0x80, v37;
	v31 =	vld.idx.msk [tilespmem:v38+s1+$0x0], $0xffff;
	v9 =	vmovc v39  }
0x706: {  	v32 =	vor.u32 v32, v35;
	v35 =	vor.u32 $0x80, v30;
	v38 =	vor.u32 $0x80, v15  }
0x707: {  	v32 =	vor.u32 $0x100, v32;
	v41 =	vor.u32 $0x100, v15;
	v39 =	vor.u32 $0x100, v30;
	v29 =	vld.idx.msk [tilespmem:v29+s1+$0x0], $0xffff;
	v42, _, _ =	vpop (xrf2)  }
0x708: {  	v22 =	vmul.f32 v22, v24;
	v23 =	vmul.f32 v23, v25;
	v24 =	vsub.f32 $0.0e+00, v42  }
0x709: {  	v25 =	vadd.s32 s28, v3;
	v43 =	vadd.s32 s29, v3;
	v20 =	vmul.f32 v26, v20;
	[tilespmem:v34+s19+$0x0] =	vst.idx.add.f32.msk vm5, v42  }
0x70a: {  	v19 =	vmul.f32 v22, v19;
	v21 =	vmul.f32 v23, v21;
	v34 =	vadd.s32 s30, v3;
	[tilespmem:v27+s19+$0x0] =	vst.idx.add.f32.msk vm4, v24  }
0x70b: {  	v28 =	vsub.f32 $0.0e+00, v28;
	v27 =	vmul.f32 v33, v33;
	v31 =	vmul.f32 v31, v31;
	v24 =	vld.idx.msk [tilespmem:v36+s1+$0x0], $0xffff  }
0x70c: {  	v20 =	vmul.f32 v20, v26;
	v19 =	vmul.f32 v19, v22;
	v33 =	vld.idx.msk [tilespmem:v35+s1+$0x0], $0xffff;
	v35 =	vsub.f32 $0.0e+00, v40  }
0x70d: {  	v21 =	vmul.f32 v21, v23;
	v27 =	vadd.f32 v31, v27;
	v29 =	vmul.f32 v29, v29;
	v36 =	vld.idx.msk [tilespmem:v38+s1+$0x0], $0xffff  }
0x70e: {  	v20 =	vsub.f32 $1.500000000e+00, v20;
	v19 =	vsub.f32 $1.500000000e+00, v19;
	vm4 =	vne.s32 v8, v6;
	v31 =	vld.idx.msk [tilespmem:v37+s1+$0x0], $0xffff  }
0x70f: {  	v21 =	vsub.f32 $1.500000000e+00, v21;
	vm7 =	vne.s32 v7, v10;
	v27 =	vadd.f32 v29, v27;
	v30 =	vld.idx.msk [tilespmem:v30+s1+$0x0], $0xffff  }
0x710: {  	v19 =	vmul.f32 v19, v22;
	vm8 =	vne.s32 v9, v11;
	v29 =	vld.idx.msk [tilespmem:v15+s1+$0x0], $0xffff;
	v15 =	vmul.f32 v20, v26  }
0x711: {  	v21 =	vmul.f32 v21, v23;
	v20 =	vmul.f32 v24, v24;
	v24 =	vmax.f32 v27, $9.999999910e-38;
	v22 =	vld.idx.msk [tilespmem:v39+s1+$0x0], $0xffff  }
0x712: {  	v23 =	vmul.f32 v33, v33;
	v27 =	vshra.s32 v24, $0x1;
	v33 =	vmul.f32 $5.000000000e-01, v24;
	v26 =	vld.idx.msk [tilespmem:v41+s1+$0x0], $0xffff  }
0x713: {  	v36 =	vmul.f32 v36, v36;
	v27 =	vsub.s32 $0x5F3759DF, v27;
	v14 =	vmul.f32 v15, v14;
	v32 =	vld.idx.msk [tilespmem:v32+s1+$0x0], $0xffff  }
0x714: {  	vm5 =	vmor vm4, vm0;
	v31 =	vmul.f32 v31, v31;
	v15 =	vld.idx.msk [tilespmem:v25+s14+$0x0], $0xffff;
	v25 =	vmul.f32 v27, v33  }
0x715: {  	v13 =	vmul.f32 v19, v13;
	vm4 =	vmand vm4, vm1;
	v30 =	vmul.f32 v30, v30;
	v37 =	vld.idx.msk [tilespmem:v43+s14+$0x0], $0xffff  }
0x716: {  	v19 =	vadd.f32 v20, v31;
	v20 =	vmul.f32 v29, v29;
	v29 =	vld.idx.msk [tilespmem:v34+s14+$0x0], $0xffff;
	v25 =	vmul.f32 v27, v25  }
0x717: {  	v12 =	vmul.f32 v21, v12;
	v23 =	vadd.f32 v23, v30;
	v22 =	vmul.f32 v22, v22  }
0x718: {  	v20 =	vadd.f32 v36, v20;
	v21 =	vmul.f32 v26, v26;
	v25 =	vsub.f32 $1.500000000e+00, v25;
	[tilespmem:v4+s19+$0x0] =	vst.idx.add.f32.msk vm3, v28  }
0x719: {  	v14 =	vmul.f32 v14, v17;
	v26 =	vmul.f32 v32, v32;
	v22 =	vadd.f32 v22, v23;
	v4 =	vmovc v10  }
0x71a: {  	v16 =	vmul.f32 v13, v16;
	v17 =	vadd.f32 v21, v20;
	v25 =	vmul.f32 v27, v25;
	v10 =	vmovc v37  }
0x71b: {  	v18 =	vmul.f32 v12, v18;
	v19 =	vadd.f32 v26, v19;
	v13 =	vmax.f32 v22, $9.999999910e-38;
	(xrf2) =	vadd.scan.msk.f32 $0xffff, v14  }
0x71c: {  	v21 =	vshra.s32 v13, $0x1;
	v12 =	vmax.f32 v17, $9.999999910e-38;
	v17 =	vmul.f32 v25, v33;
	[tilespmem:v5+s19+$0x0] =	vst.idx.add.f32.msk vm2, v35;
	v5 =	vmovc v11  }
0x71d: {  	v14 =	vmax.f32 v19, $9.999999910e-38;
	v19 =	vmul.f32 $5.000000000e-01, v13;
	v23 =	vshra.s32 v12, $0x1;
	v11 =	vmovc v29  }
0x71e: {  	v22 =	vshra.s32 v14, $0x1;
	v20 =	vmul.f32 $5.000000000e-01, v14;
	v17 =	vmul.f32 v17, v25;
	(xrf2) =	vadd.scan.msk.f32 $0xffff, v16  }
0x71f: {  	v26 =	vsub.s32 $0x5F3759DF, v22;
	v22 =	vsub.s32 $0x5F3759DF, v21;
	v21 =	vmul.f32 $5.000000000e-01, v12  }
0x720: {  	s24 =	sadd.s32 $0x40, s24;
	v23 =	vsub.s32 $0x5F3759DF, v23;
	v16 =	vmul.f32 v26, v20;
	v27 =	vsub.f32 $1.500000000e+00, v17  }
.Ltmp11:
0x721: {  	vm6 =	vmor vm7, vm0;
	v29 =	vmul.f32 v22, v19;
	v30 =	vmul.f32 v23, v21;
	v28 =	vld [tilespmem:s24+$0x10];
	(xrf2) =	vadd.scan.msk.f32 $0xffff, v18;
	(pc) =	sbr.rel @p0 .LBB2_24-.Ltmp11, $4  }
0x722: {  	v18 =	vmul.f32 v26, v16;
	v17 =	vld [tilespmem:s24+$0xFFFFFFE0];
	v25 =	vmul.f32 v27, v25;
	v27 =	vadd.s32 s26, v3  }
0x723: {  	vm3 =	vmand vm7, vm1;
	v33 =	vmul.f32 v22, v29;
	v32 =	vmul.f32 v23, v30;
	v16 =	vld [tilespmem:s24+$0xFFFFFFF0]  }
0x724: {  	vm7 =	vmor vm8, vm0;
	v31 =	vsub.f32 $1.500000000e+00, v18;
	v18 =	vld [tilespmem:s24+$0x0];
	v30 =	vmul.f32 v25, v24  }
0x725: {  	vm2 =	vmand vm8, vm1;
	s26 =	sadd.s32 $0x40, s26;
	v24 =	vsub.f32 $1.500000000e+00, v33;
	v25 =	vsub.f32 $1.500000000e+00, v32;
	v29, _, _ =	vpop (xrf2)  }
0x726: {  	v26 =	vmul.f32 v26, v31;
	_ =	sdelay $0x1  }
0x727: {  	v20 =	vmul.f32 v26, v20  }
0x728: {  	v22 =	vmul.f32 v22, v24;
	v23 =	vmul.f32 v23, v25  }
0x729: {  	v20 =	vmul.f32 v20, v26  }
0x72a: {  	v19 =	vmul.f32 v22, v19;
	v21 =	vmul.f32 v23, v21  }
0x72b: {  	v20 =	vsub.f32 $1.500000000e+00, v20  }
0x72c: {  	v19 =	vmul.f32 v19, v22;
	v21 =	vmul.f32 v21, v23  }
0x72d: {  	v24 =	vmul.f32 v30, v28;
	v20 =	vmul.f32 v20, v26  }
0x72e: {  	s0 =	sadd.s32 $0x40, s23;
	v25 =	vld.idx.msk [tilespmem:v27+s14+$0x0], $0xffff;
	v19 =	vsub.f32 $1.500000000e+00, v19;
	v21 =	vsub.f32 $1.500000000e+00, v21  }
0x72f: {  	(xrf2) =	vadd.scan.msk.f32 $0xffff, v24;
	v26 =	vld [tilespmem:s0+$0x10];
	v14 =	vmul.f32 v20, v14  }
0x730: {  	v19 =	vmul.f32 v19, v22;
	v20 =	vmul.f32 v21, v23  }
0x731: {  	v14 =	vmul.f32 v14, v17  }
0x732: {  	v13 =	vmul.f32 v19, v13;
	v12 =	vmul.f32 v20, v12  }
0x733: {  	(xrf2) =	vadd.scan.msk.f32 $0xffff, v14  }
0x734: {  	v17 =	vld [tilespmem:s0+$0xFFFFFFE0];
	vm8 =	vne.s32 v26, v25;
	v13 =	vmul.f32 v13, v16;
	v12 =	vmul.f32 v12, v18  }
0x735: {  	v14 =	vld [tilespmem:s0+$0xFFFFFFF0];
	vm9 =	vmor vm8, vm0  }
0x736: {  	[tilespmem:v8+s19+$0x0] =	vst.idx.add.f32.msk vm5, v29;
	vm8 =	vmand vm8, vm1;
	(xrf2) =	vadd.scan.msk.f32 $0xffff, v13  }
0x737: {  	v8, _, _ =	vpop (xrf2);
	v16 =	vsub.f32 $0.0e+00, v29;
	v18 =	vld [tilespmem:s0+$0x0]  }
0x738: {  	[tilespmem:v7+s19+$0x0] =	vst.idx.add.f32.msk vm6, v8;
	(xrf2) =	vadd.scan.msk.f32 $0xffff, v12;
	v12, _, _ =	vpop (xrf2)  }
0x739: {  	[tilespmem:v6+s19+$0x0] =	vst.idx.add.f32.msk vm4, v16;
	vm4 =	vne.s32 v17, v15;
	v6, _, _ =	vpop (xrf2)  }
0x73a: {  	vm5 =	vmor vm4, vm0;
	[tilespmem:v9+s19+$0x0] =	vst.idx.add.f32.msk vm7, v12;
	vm6 =	vne.s32 v14, v10;
	v7 =	vsub.f32 $0.0e+00, v6  }
0x73b: {  	[tilespmem:v26+s19+$0x0] =	vst.idx.add.f32.msk vm9, v6;
	v6 =	vsub.f32 $0.0e+00, v8;
	vm15 =	vmor vm6, vm0  }
0x73c: {  	vm4 =	vmand vm4, vm1;
	vm7 =	vne.s32 v18, v11;
	[tilespmem:v25+s19+$0x0] =	vst.idx.add.f32.msk vm8, v7;
	v7 =	vsub.f32 $0.0e+00, v12  }
0x73d: {  	vm8 =	vmor vm7, vm0;
	[tilespmem:v4+s19+$0x0] =	vst.idx.add.f32.msk vm3, v6;
	v4, _, _ =	vpop (xrf2)  }
0x73e: {  	vm3 =	vmand vm6, vm1;
	[tilespmem:v5+s19+$0x0] =	vst.idx.add.f32.msk vm2, v7;
	v5 =	vsub.f32 $0.0e+00, v4  }
0x73f: {  	vm2 =	vmand vm7, vm1  }
0x740: {  	[tilespmem:v17+s19+$0x0] =	vst.idx.add.f32.msk vm5, v4;
	v4, _, _ =	vpop (xrf2)  }
0x741: {  	[tilespmem:v14+s19+$0x0] =	vst.idx.add.f32.msk vm15, v4  }
0x742: {  	v4 =	vsub.f32 $0.0e+00, v4;
	[tilespmem:v15+s19+$0x0] =	vst.idx.add.f32.msk vm4, v5;
	v5, _, _ =	vpop (xrf2)  }
0x743: {  	[tilespmem:v18+s19+$0x0] =	vst.idx.add.f32.msk vm8, v5;
	v5 =	vsub.f32 $0.0e+00, v5  }
0x744: {  	[tilespmem:v10+s19+$0x0] =	vst.idx.add.f32.msk vm3, v4  }
0x745: {  	[tilespmem:v11+s19+$0x0] =	vst.idx.add.f32.msk vm2, v5  }
0x746: {  	s23 =	rddreg [dreg:$0x11]  }
0x747: {  	[tilespmem:s1], [sflag:$0x1] =	stream.linear.gather [hbm4b:s23+s1], $0x8000, $0x38;
	[tilespmem:$0x1A880] =	vst v63  }
0x748: {  	_ = 	snop  }
0x749: {  	[tilespmem:s13], [sflag:$0x1] =	stream.linear.gather [hbm4b:s9+s1], $0x2000, $0x38;
	[tilespmem:$0x1A880] =	vst v63  }
0x74a: {  	_ = 	snop  }
0x74b: {  	[tilespmem:s14], [sflag:$0x1] =	stream.linear.gather [hbm4b:s10+s1], $0x2000, $0x38;
	[tilespmem:$0x1A880] =	vst v63  }
0x74c: {  	s24 =	simm.s32 $0x30;
	_ =	swait.ge [sflag:s20], $0x8000  }
0x74d: {  	v4 =	vmov s24;
	[sflag:s20] =	ssyncset.done $0x0  }
0x74e: {  	v4 =	vshll.u32 v4, $0x2;
	v5 =	vor.u32 s24, v3;
	[sflag:s20] =	ssyncadd.s32 $0xFFFF8000  }
0x74f: {  	v4 =	vand.u32 $0x7E00, v4;
	v5 =	vand.u32 $0x7F, v5;
	_ =	swait.ge [sflag:s20], $0x2000  }
0x750: {  	s26 =	simm.s32 $0x20;
	v4 =	vor.u32 v5, v4;
	[sflag:s20] =	ssyncset.done $0x0  }
0x751: {  	v13 =	vor.u32 s26, v3;
	v8 =	vmov s26;
	v6 =	vor.u32 $0x80, v4;
	[sflag:s20] =	ssyncadd.s32 $0xFFFFE000  }
0x752: {  	s25 =	simm.s32 $0x10;
	v13 =	vand.u32 $0x6F, v13;
	v8 =	vshll.u32 v8, $0x2;
	s24 =	simm.s32 $0x0;
	_ =	swait.ge [sflag:s20], $0x2000  }
0x753: {  	v7 =	vor.u32 s25, v3;
	v9 =	vmov s24;
	v10 =	vor.u32 $0x100, v4;
	[sflag:s20] =	ssyncset.done $0x0  }
0x754: {  	v11 =	vor.u32 s24, v3;
	v5 =	vmov s25;
	v9 =	vshll.u32 v9, $0x2;
	[sflag:s20] =	ssyncadd.s32 $0xFFFFE000  }
0x755: {  	v11 =	vand.u32 $0x4F, v11;
	v5 =	vshll.u32 v5, $0x2;
	v12 =	vand.u32 $0x7E00, v9;
	v4 =	vld.idx.msk [tilespmem:v4+s15+$0x0], $0xffff  }
0x756: {  	v7 =	vand.u32 $0x5F, v7;
	v5 =	vand.u32 $0x7E00, v5;
	v12 =	vor.u32 v11, v12;
	v6 =	vld.idx.msk [tilespmem:v6+s15+$0x0], $0xffff  }
0x757: {  	v8 =	vand.u32 $0x7E00, v8;
	v14 =	vor.u32 $0x80, v12;
	v5 =	vor.u32 v7, v5  }
0x758: {  	v7 =	vor.u32 v13, v8;
	v8 =	vor.u32 $0x80, v5;
	v10 =	vld.idx.msk [tilespmem:v10+s15+$0x0], $0xffff  }
0x759: {  	v13 =	vor.u32 $0x80, v7;
	_ =	sdelay $0x1  }
0x75a: {  	v4 =	vmul.f32 v4, v4;
	v6 =	vmul.f32 v6, v6  }
0x75b: {  	v14 =	vld.idx.msk [tilespmem:v14+s15+$0x0], $0xffff  }
0x75c: {  	v15 =	vor.u32 $0x100, v5;
	v8 =	vld.idx.msk [tilespmem:v8+s15+$0x0], $0xffff;
	v4 =	vadd.f32 v6, v4;
	v6 =	vmul.f32 v10, v10  }
0x75d: {  	v9 =	vor.u32 v11, v9;
	v11 =	vld.idx.msk [tilespmem:v13+s15+$0x0], $0xffff;
	v10 =	vor.u32 $0x100, v7  }
0x75e: {  	v9 =	vor.u32 $0x100, v9;
	v12 =	vld.idx.msk [tilespmem:v12+s15+$0x0], $0xffff;
	v4 =	vadd.f32 v6, v4  }
0x75f: {  	v5 =	vld.idx.msk [tilespmem:v5+s15+$0x0], $0xffff  }
0x760: {  	v6 =	vld.idx.msk [tilespmem:v7+s15+$0x0], $0xffff;
	v4 =	vmax.f32 v4, $9.999999910e-38  }
0x761: {  	v7 =	vld.idx.msk [tilespmem:v15+s15+$0x0], $0xffff;
	v13 =	vshra.s32 v4, $0x1;
	v15 =	vmul.f32 $5.000000000e-01, v4  }
0x762: {  	v14 =	vmul.f32 v14, v14;
	v10 =	vld.idx.msk [tilespmem:v10+s15+$0x0], $0xffff;
	v13 =	vsub.s32 $0x5F3759DF, v13  }
0x763: {  	v9 =	vld.idx.msk [tilespmem:v9+s15+$0x0], $0xffff;
	v8 =	vmul.f32 v8, v8;
	v16 =	vmul.f32 v13, v15  }
0x764: {  	s31 =	simm.s32 $0x21;
	v11 =	vmul.f32 v11, v11;
	v5 =	vmul.f32 v5, v5  }
0x765: {  	v22 =	vadd.s32 s31, v3;
	v6 =	vmul.f32 v6, v6;
	v16 =	vmul.f32 v13, v16  }
0x766: {  	v12 =	vmul.f32 v12, v12;
	v5 =	vadd.f32 v8, v5;
	v7 =	vmul.f32 v7, v7  }
0x767: {  	v6 =	vadd.f32 v11, v6;
	v8 =	vmul.f32 v10, v10;
	v10 =	vsub.f32 $1.500000000e+00, v16  }
0x768: {  	s30 =	simm.s32 $0x11;
	v9 =	vmul.f32 v9, v9;
	v11 =	vadd.f32 v14, v12;
	v5 =	vadd.f32 v7, v5  }
0x769: {  	s29 =	simm.s32 $0x1;
	v21 =	vadd.s32 s30, v3;
	v6 =	vadd.f32 v8, v6;
	v7 =	vmul.f32 v13, v10  }
0x76a: {  	v20 =	vadd.s32 s29, v3;
	v8 =	vadd.f32 v9, v11;
	v11 =	vmax.f32 v5, $9.999999910e-38  }
0x76b: {  	v5 =	vshra.s32 v11, $0x1;
	v10 =	vmax.f32 v6, $9.999999910e-38;
	v6 =	vmul.f32 v7, v15  }
0x76c: {  	v9 =	vmul.f32 $5.000000000e-01, v11;
	v12 =	vmax.f32 v8, $9.999999910e-38;
	v16 =	vsub.s32 $0x5F3759DF, v5  }
0x76d: {  	v13 =	vshra.s32 v12, $0x1;
	v14 =	vmul.f32 $5.000000000e-01, v12;
	v6 =	vmul.f32 v6, v7  }
0x76e: {  	v8 =	vshra.s32 v10, $0x1;
	v17 =	vmul.f32 $5.000000000e-01, v10;
	v13 =	vsub.s32 $0x5F3759DF, v13  }
0x76f: {  	s3 =	simm.s32 $0x60;
	v8 =	vsub.s32 $0x5F3759DF, v8;
	v5 =	vmul.f32 v13, v14;
	v6 =	vsub.f32 $1.500000000e+00, v6  }
0x770: {  	s28 =	simm.s32 $0x31;
	v29 =	vor.u32 s3, v3;
	v15 =	vmul.f32 v16, v9;
	v18 =	vmul.f32 v8, v17  }
0x771: {  	s24 =	simm.s32 $0x140A0;
	v5 =	vmul.f32 v13, v5;
	v6 =	vmul.f32 v6, v7;
	v7 =	vadd.s32 s28, v3  }
0x772: {  	v29 =	vand.u32 $0x6F, v29;
	s26 =	simm.s32 $0x40;
	v19 =	vld [tilespmem:s24+$0x10];
	v15 =	vmul.f32 v16, v15;
	v18 =	vmul.f32 v8, v18  }
0x773: {  	v27 =	vor.u32 s26, v3;
	v25 =	vmov s3;
	v5 =	vsub.f32 $1.500000000e+00, v5  }
0x774: {  	s2 =	simm.s32 $0x70;
	v27 =	vand.u32 $0x4F, v27;
	v23 =	vsub.f32 $1.500000000e+00, v15;
	v18 =	vsub.f32 $1.500000000e+00, v18  }
0x775: {  	v4 =	vmul.f32 v6, v4;
	v13 =	vmul.f32 v13, v5;
	v5 =	vmov s2  }
0x776: {  	v16 =	vmul.f32 v16, v23;
	v5 =	vshll.u32 v5, $0x2;
	v15 =	vld.idx.msk [tilespmem:v7+s17+$0x0], $0xffff;
	v7 =	vor.u32 s2, v3  }
0x777: {  	s25 =	simm.s32 $0x50;
	s23 =	simm.s32 $0x160A0;
	v4 =	vmul.f32 v4, v19;
	v5 =	vand.u32 $0x7E00, v5;
	v7 =	vand.u32 $0x7F, v7  }
0x778: {  	v24 =	vld [tilespmem:s23+$0x10];
	v6 =	vmov s25;
	v9 =	vmul.f32 v16, v9;
	v5 =	vor.u32 v7, v5  }
0x779: {  	v18 =	vmul.f32 v8, v18;
	v8 =	vld [tilespmem:s23+$0xFFFFFFE0];
	(xrf2) =	vadd.scan.msk.f32 $0xffff, v4;
	v4 =	vmov s26;
	v26 =	vor.u32 $0x80, v5  }
0x77a: {  	v9 =	vmul.f32 v9, v16;
	v7 =	vshll.u32 v4, $0x2;
	v4 =	vshll.u32 v6, $0x2;
	v6 =	vld.idx.msk [tilespmem:v20+s17+$0x0], $0xffff  }
0x77b: {  	v25 =	vshll.u32 v25, $0x2;
	v20 =	vand.u32 $0x7E00, v4;
	v4 =	vld.idx.msk [tilespmem:v21+s17+$0x0], $0xffff;
	v21 =	vor.u32 $0x100, v5  }
0x77c: {  	v25 =	vand.u32 $0x7E00, v25;
	v19 =	vor.u32 s25, v3;
	v37 =	vsub.f32 $1.500000000e+00, v9;
	v9 =	vld [tilespmem:s23+$0x0]  }
0x77d: {  	v14 =	vmul.f32 v13, v14;
	v17 =	vmul.f32 v18, v17;
	v28 =	vand.u32 $0x7E00, v7;
	v30 =	vld.idx.msk [tilespmem:v5+s15+$0x0], $0xffff  }
0x77e: {  	v19 =	vand.u32 $0x5F, v19;
	v7 =	vor.u32 v27, v7;
	v28 =	vor.u32 v27, v28;
	v26 =	vld.idx.msk [tilespmem:v26+s15+$0x0], $0xffff  }
0x77f: {  	v16 =	vmul.f32 v37, v16;
	v19 =	vor.u32 v19, v20;
	v23 =	vor.u32 $0x100, v7;
	v7 =	vld [tilespmem:s23+$0xFFFFFFF0]  }
0x780: {  	s29 =	simm.s32 $0x51;
	v14 =	vmul.f32 v14, v13;
	v20 =	vor.u32 v29, v25;
	v25 =	vor.u32 $0x80, v19;
	v21 =	vld.idx.msk [tilespmem:v21+s15+$0x0], $0xffff  }
0x781: {  	v36 =	vadd.s32 s29, v3;
	v11 =	vmul.f32 v16, v11;
	v16 =	vld [tilespmem:s24+$0xFFFFFFF0]  }
0x782: {  	v17 =	vmul.f32 v17, v18;
	v14 =	vsub.f32 $1.500000000e+00, v14;
	v31 =	vor.u32 $0x80, v28;
	v5 =	vld.idx.msk [tilespmem:v22+s17+$0x0], $0xffff  }
0x783: {  	v27 =	vor.u32 $0x80, v20;
	v28 =	vld.idx.msk [tilespmem:v28+s15+$0x0], $0xffff;
	v30 =	vmul.f32 v30, v30;
	v26 =	vmul.f32 v26, v26  }
0x784: {  	v17 =	vsub.f32 $1.500000000e+00, v17;
	v29 =	vor.u32 $0x100, v19;
	v13 =	vmul.f32 v14, v13;
	v14 =	vld.idx.msk [tilespmem:v19+s15+$0x0], $0xffff  }
0x785: {  	s28 =	simm.s32 $0x41;
	v32 =	vor.u32 $0x100, v20;
	v25 =	vld.idx.msk [tilespmem:v25+s15+$0x0], $0xffff;
	v21 =	vmul.f32 v21, v21;
	v26 =	vadd.f32 v26, v30  }
0x786: {  	v35 =	vadd.s32 s28, v3;
	vm3 =	vne.s32 v24, v15;
	v17 =	vmul.f32 v17, v18;
	v20 =	vld.idx.msk [tilespmem:v20+s15+$0x0], $0xffff  }
0x787: {  	vm2 =	vmor vm3, vm0;
	vm3 =	vmand vm3, vm1;
	v31 =	vld.idx.msk [tilespmem:v31+s15+$0x0], $0xffff;
	v21 =	vadd.f32 v21, v26  }
0x788: {  	vm4 =	vne.s32 v8, v6;
	v12 =	vmul.f32 v13, v12;
	v10 =	vmul.f32 v17, v10;
	v27 =	vld.idx.msk [tilespmem:v27+s15+$0x0], $0xffff  }
0x789: {  	vm5 =	vmor vm4, vm0;
	v16 =	vmul.f32 v11, v16;
	v62 =	vmax.f32 v21, $9.999999910e-38;
	v21 =	vld.idx.msk [tilespmem:v29+s15+$0x0], $0xffff  }
0x78a: {  	v18 =	vmul.f32 v25, v25;
	v29 =	vld.idx.msk [tilespmem:v32+s15+$0x0], $0xffff;
	v25 =	vshra.s32 v62, $0x1;
	v26 =	vmul.f32 $5.000000000e-01, v62  }
0x78b: {  	v23 =	vld.idx.msk [tilespmem:v23+s15+$0x0], $0xffff;
	v13 =	vmul.f32 v28, v28;
	v14 =	vmul.f32 v14, v14;
	v25 =	vsub.s32 $0x5F3759DF, v25  }
0x78c: {  	v22 =	vld [tilespmem:s24+$0xFFFFFFE0];
	vm7 =	vne.s32 v7, v4;
	v33, _, _ =	vpop (xrf2);
	v19 =	vmul.f32 v31, v31;
	v28 =	vmul.f32 v25, v26  }
0x78d: {  	v34 =	vsub.f32 $0.0e+00, v33;
	v20 =	vmul.f32 v20, v20;
	v27 =	vmul.f32 v27, v27  }
0x78e: {  	v13 =	vadd.f32 v19, v13;
	v19 =	vld [tilespmem:s24+$0x0];
	v14 =	vadd.f32 v18, v14;
	v28 =	vmul.f32 v25, v28  }
0x78f: {  	v17 =	vadd.f32 v27, v20;
	v18 =	vmul.f32 v21, v21;
	v20 =	vmul.f32 v29, v29  }
0x790: {  	vm8 =	vne.s32 v9, v5;
	v23 =	vmul.f32 v23, v23;
	v21 =	vsub.f32 $1.500000000e+00, v28  }
0x791: {  	s30 =	simm.s32 $0x61;
	v12 =	vmul.f32 v12, v22;
	v14 =	vadd.f32 v18, v14;
	v17 =	vadd.f32 v20, v17  }
0x792: {  	v30 =	vadd.s32 s30, v3;
	v11 =	vadd.f32 v23, v13;
	v18 =	vmul.f32 v25, v21  }
0x793: {  	(xrf2) =	vadd.scan.msk.f32 $0xffff, v12;
	v13 =	vmax.f32 v14, $9.999999910e-38;
	v25 =	vmul.f32 v10, v19;
	v12 =	vmax.f32 v17, $9.999999910e-38  }
0x794: {  	[tilespmem:v24+s19+$0x0] =	vst.idx.add.f32.msk vm2, v33;
	v14 =	vmax.f32 v11, $9.999999910e-38;
	v10 =	vshra.s32 v13, $0x1;
	v17 =	vmul.f32 v18, v26  }
0x795: {  	[tilespmem:v15+s19+$0x0] =	vst.idx.add.f32.msk vm3, v34;
	v19 =	vmul.f32 $5.000000000e-01, v13;
	v11 =	vshra.s32 v12, $0x1;
	v21 =	vshra.s32 v14, $0x1  }
0x796: {  	(xrf2) =	vadd.scan.msk.f32 $0xffff, v16;
	v20 =	vmul.f32 $5.000000000e-01, v14;
	v22 =	vsub.s32 $0x5F3759DF, v10;
	v17 =	vmul.f32 v17, v18  }
0x797: {  	v15 =	vld.idx.msk [tilespmem:v35+s17+$0x0], $0xffff;
	s24 =	simm.s32 $0x140E0;
	v26 =	vsub.s32 $0x5F3759DF, v21;
	v21 =	vmul.f32 $5.000000000e-01, v12;
	v29 =	vmul.f32 v22, v19  }
0x798: {  	v28 =	vld [tilespmem:s24+$0x10];
	v23 =	vsub.s32 $0x5F3759DF, v11;
	v24 =	vmul.f32 v26, v20;
	v17 =	vsub.f32 $1.500000000e+00, v17  }
0x799: {  	s31 =	simm.s32 $0x71;
	vm4 =	vmand vm4, vm1;
	v11 =	vld.idx.msk [tilespmem:v30+s17+$0x0], $0xffff;
	(xrf2) =	vadd.scan.msk.f32 $0xffff, v25;
	v30 =	vmul.f32 v23, v21;
	v29 =	vmul.f32 v22, v29  }
0x79a: {  	v27 =	vadd.s32 s31, v3;
	v16 =	vld [tilespmem:s24+$0xFFFFFFF0];
	v24 =	vmul.f32 v26, v24;
	v18 =	vmul.f32 v17, v18  }
0x79b: {  	vm6 =	vmor vm7, vm0;
	vm2 =	vmand vm8, vm1;
	v10 =	vld.idx.msk [tilespmem:v36+s17+$0x0], $0xffff;
	v63 =	vmul.f32 v23, v30  }
0x79c: {  	vm3 =	vmand vm7, vm1;
	v31 =	vsub.f32 $1.500000000e+00, v24;
	v17 =	vld [tilespmem:s24+$0xFFFFFFE0];
	v30 =	vmul.f32 v18, v62  }
0x79d: {  	s25 =	simm.s32 $0x4;
	s26 =	simm.s32 $0xB1;
	vm7 =	vmor vm8, vm0;
	v24 =	vsub.f32 $1.500000000e+00, v29;
	v25 =	vsub.f32 $1.500000000e+00, v63;
	v29, _, _ =	vpop (xrf2);
	v18 =	vld [tilespmem:s24+$0x0]  }
.LBB2_26:
0x79e: {  	s0 =	sadd.s32 $0xFFFFFFDF, s26;
	s30 =	sadd.s32 $0xFFFFFFFF, s26;
	s25 =	sadd.s32 $0x4, s25;
	v26 =	vmul.f32 v26, v31;
	v35 =	vmul.f32 v30, v28;
	[tilespmem:v8+s19+$0x0] =	vst.idx.add.f32.msk vm5, v29;
	v29 =	vsub.f32 $0.0e+00, v29  }
0x79f: {  	s23 =	sadd.s32 $0x40, s23;
	v30 =	vmov s0;
	v31 =	vor.u32 s0, v3;
	s0 =	sadd.s32 $0xFFFFFFEF, s26;
	v8 =	vmov s30;
	p0 =	slt.u32 s25, $0x1FC;
	v27 =	vld.idx.msk [tilespmem:v27+s17+$0x0], $0xffff  }
0x7a0: {  	s31 =	sadd.s32 $0xFFFFFFCF, s26;
	s28 =	sadd.s32 $0xFFFFFFD0, s26;
	s29 =	sadd.s32 $0xFFFFFFE0, s26;
	v33 =	vor.u32 s30, v3;
	v32 =	vmov s0;
	v8 =	vshll.u32 v8, $0x2;
	v34 =	vld [tilespmem:s23+$0x10];
	(xrf2) =	vadd.scan.msk.f32 $0xffff, v35;
	v28, _, _ =	vpop (xrf2)  }
0x7a1: {  	s30 =	sadd.s32 $0xFFFFFFF0, s26;
	v35 =	vmov s31;
	v33 =	vand.u32 $0x7F, v33;
	v36 =	vand.u32 $0x7E00, v8;
	v8 =	vld [tilespmem:s23+$0xFFFFFFE0]  }
0x7a2: {  	v30 =	vshll.u32 v30, $0x2;
	v35 =	vshll.u32 v35, $0x2;
	v33 =	vor.u32 v33, v36;
	v36 =	vld [tilespmem:s23+$0xFFFFFFF0]  }
0x7a3: {  	v37 =	vor.u32 s31, v3;
	v32 =	vshll.u32 v32, $0x2;
	v38 =	vor.u32 $0x80, v33;
	v39 =	vld [tilespmem:s23+$0x0];
	v40, _, _ =	vpop (xrf2)  }
0x7a4: {  	v42 =	vor.u32 s0, v3;
	v30 =	vand.u32 $0x7E00, v30;
	v41 =	vand.u32 $0x7E00, v35;
	[tilespmem:v6+s19+$0x0] =	vst.idx.add.f32.msk vm4, v29;
	v6 =	vmovc v15  }
0x7a5: {  	v15 =	vand.u32 $0x7E00, v32;
	v29 =	vor.u32 $0x100, v33;
	vm4 =	vne.s32 v34, v27;
	[tilespmem:v7+s19+$0x0] =	vst.idx.add.f32.msk vm6, v28  }
0x7a6: {  	v31 =	vand.u32 $0x5F, v31;
	v32 =	vand.u32 $0x4F, v37;
	vm5 =	vmor vm4, vm0;
	[tilespmem:v9+s19+$0x0] =	vst.idx.add.f32.msk vm7, v40  }
0x7a7: {  	v37 =	vor.u32 v32, v41;
	v41 =	vand.u32 $0x6F, v42;
	vm4 =	vmand vm4, vm1;
	v33 =	vld.idx.msk [tilespmem:v33+s15+$0x0], $0xffff;
	v7 =	vmovc v36  }
0x7a8: {  	v30 =	vor.u32 v31, v30;
	v15 =	vor.u32 v41, v15;
	v36 =	vor.u32 $0x80, v37;
	v31 =	vld.idx.msk [tilespmem:v38+s15+$0x0], $0xffff;
	v9 =	vmovc v39  }
0x7a9: {  	v32 =	vor.u32 v32, v35;
	v35 =	vor.u32 $0x80, v30;
	v38 =	vor.u32 $0x80, v15  }
0x7aa: {  	v32 =	vor.u32 $0x100, v32;
	v41 =	vor.u32 $0x100, v15;
	v39 =	vor.u32 $0x100, v30;
	v29 =	vld.idx.msk [tilespmem:v29+s15+$0x0], $0xffff;
	v42, _, _ =	vpop (xrf2)  }
0x7ab: {  	v22 =	vmul.f32 v22, v24;
	v23 =	vmul.f32 v23, v25;
	v24 =	vsub.f32 $0.0e+00, v42  }
0x7ac: {  	v25 =	vadd.s32 s28, v3;
	v43 =	vadd.s32 s29, v3;
	v20 =	vmul.f32 v26, v20;
	[tilespmem:v34+s19+$0x0] =	vst.idx.add.f32.msk vm5, v42  }
0x7ad: {  	v19 =	vmul.f32 v22, v19;
	v21 =	vmul.f32 v23, v21;
	v34 =	vadd.s32 s30, v3;
	[tilespmem:v27+s19+$0x0] =	vst.idx.add.f32.msk vm4, v24  }
0x7ae: {  	v28 =	vsub.f32 $0.0e+00, v28;
	v27 =	vmul.f32 v33, v33;
	v31 =	vmul.f32 v31, v31;
	v24 =	vld.idx.msk [tilespmem:v36+s15+$0x0], $0xffff  }
0x7af: {  	v20 =	vmul.f32 v20, v26;
	v19 =	vmul.f32 v19, v22;
	v33 =	vld.idx.msk [tilespmem:v35+s15+$0x0], $0xffff;
	v35 =	vsub.f32 $0.0e+00, v40  }
0x7b0: {  	v21 =	vmul.f32 v21, v23;
	v27 =	vadd.f32 v31, v27;
	v29 =	vmul.f32 v29, v29;
	v36 =	vld.idx.msk [tilespmem:v38+s15+$0x0], $0xffff  }
0x7b1: {  	v20 =	vsub.f32 $1.500000000e+00, v20;
	v19 =	vsub.f32 $1.500000000e+00, v19;
	vm4 =	vne.s32 v8, v6;
	v31 =	vld.idx.msk [tilespmem:v37+s15+$0x0], $0xffff  }
0x7b2: {  	v21 =	vsub.f32 $1.500000000e+00, v21;
	vm7 =	vne.s32 v7, v10;
	v27 =	vadd.f32 v29, v27;
	v30 =	vld.idx.msk [tilespmem:v30+s15+$0x0], $0xffff  }
0x7b3: {  	v19 =	vmul.f32 v19, v22;
	vm8 =	vne.s32 v9, v11;
	v29 =	vld.idx.msk [tilespmem:v15+s15+$0x0], $0xffff;
	v15 =	vmul.f32 v20, v26  }
0x7b4: {  	v21 =	vmul.f32 v21, v23;
	v20 =	vmul.f32 v24, v24;
	v24 =	vmax.f32 v27, $9.999999910e-38;
	v22 =	vld.idx.msk [tilespmem:v39+s15+$0x0], $0xffff  }
0x7b5: {  	v23 =	vmul.f32 v33, v33;
	v27 =	vshra.s32 v24, $0x1;
	v33 =	vmul.f32 $5.000000000e-01, v24;
	v26 =	vld.idx.msk [tilespmem:v41+s15+$0x0], $0xffff  }
0x7b6: {  	v36 =	vmul.f32 v36, v36;
	v27 =	vsub.s32 $0x5F3759DF, v27;
	v14 =	vmul.f32 v15, v14;
	v32 =	vld.idx.msk [tilespmem:v32+s15+$0x0], $0xffff  }
0x7b7: {  	vm5 =	vmor vm4, vm0;
	v31 =	vmul.f32 v31, v31;
	v15 =	vld.idx.msk [tilespmem:v25+s17+$0x0], $0xffff;
	v25 =	vmul.f32 v27, v33  }
0x7b8: {  	v13 =	vmul.f32 v19, v13;
	vm4 =	vmand vm4, vm1;
	v30 =	vmul.f32 v30, v30;
	v37 =	vld.idx.msk [tilespmem:v43+s17+$0x0], $0xffff  }
0x7b9: {  	v19 =	vadd.f32 v20, v31;
	v20 =	vmul.f32 v29, v29;
	v29 =	vld.idx.msk [tilespmem:v34+s17+$0x0], $0xffff;
	v25 =	vmul.f32 v27, v25  }
0x7ba: {  	v12 =	vmul.f32 v21, v12;
	v23 =	vadd.f32 v23, v30;
	v22 =	vmul.f32 v22, v22  }
0x7bb: {  	v20 =	vadd.f32 v36, v20;
	v21 =	vmul.f32 v26, v26;
	v25 =	vsub.f32 $1.500000000e+00, v25;
	[tilespmem:v4+s19+$0x0] =	vst.idx.add.f32.msk vm3, v28  }
0x7bc: {  	v14 =	vmul.f32 v14, v17;
	v26 =	vmul.f32 v32, v32;
	v22 =	vadd.f32 v22, v23;
	v4 =	vmovc v10  }
0x7bd: {  	v16 =	vmul.f32 v13, v16;
	v17 =	vadd.f32 v21, v20;
	v25 =	vmul.f32 v27, v25;
	v10 =	vmovc v37  }
0x7be: {  	v18 =	vmul.f32 v12, v18;
	v19 =	vadd.f32 v26, v19;
	v13 =	vmax.f32 v22, $9.999999910e-38;
	(xrf2) =	vadd.scan.msk.f32 $0xffff, v14  }
0x7bf: {  	v21 =	vshra.s32 v13, $0x1;
	v12 =	vmax.f32 v17, $9.999999910e-38;
	v17 =	vmul.f32 v25, v33;
	[tilespmem:v5+s19+$0x0] =	vst.idx.add.f32.msk vm2, v35;
	v5 =	vmovc v11  }
0x7c0: {  	v14 =	vmax.f32 v19, $9.999999910e-38;
	v19 =	vmul.f32 $5.000000000e-01, v13;
	v23 =	vshra.s32 v12, $0x1;
	v11 =	vmovc v29  }
0x7c1: {  	v22 =	vshra.s32 v14, $0x1;
	v20 =	vmul.f32 $5.000000000e-01, v14;
	v17 =	vmul.f32 v17, v25;
	(xrf2) =	vadd.scan.msk.f32 $0xffff, v16  }
0x7c2: {  	v26 =	vsub.s32 $0x5F3759DF, v22;
	v22 =	vsub.s32 $0x5F3759DF, v21;
	v21 =	vmul.f32 $5.000000000e-01, v12  }
0x7c3: {  	s24 =	sadd.s32 $0x40, s24;
	v23 =	vsub.s32 $0x5F3759DF, v23;
	v16 =	vmul.f32 v26, v20;
	v27 =	vsub.f32 $1.500000000e+00, v17  }
.Ltmp12:
0x7c4: {  	vm6 =	vmor vm7, vm0;
	v29 =	vmul.f32 v22, v19;
	v30 =	vmul.f32 v23, v21;
	v28 =	vld [tilespmem:s24+$0x10];
	(xrf2) =	vadd.scan.msk.f32 $0xffff, v18;
	(pc) =	sbr.rel @p0 .LBB2_26-.Ltmp12, $4  }
0x7c5: {  	v18 =	vmul.f32 v26, v16;
	v17 =	vld [tilespmem:s24+$0xFFFFFFE0];
	v25 =	vmul.f32 v27, v25;
	v27 =	vadd.s32 s26, v3  }
0x7c6: {  	vm3 =	vmand vm7, vm1;
	v33 =	vmul.f32 v22, v29;
	v32 =	vmul.f32 v23, v30;
	v16 =	vld [tilespmem:s24+$0xFFFFFFF0]  }
0x7c7: {  	vm7 =	vmor vm8, vm0;
	v31 =	vsub.f32 $1.500000000e+00, v18;
	v18 =	vld [tilespmem:s24+$0x0];
	v30 =	vmul.f32 v25, v24  }
0x7c8: {  	vm2 =	vmand vm8, vm1;
	s26 =	sadd.s32 $0x40, s26;
	v24 =	vsub.f32 $1.500000000e+00, v33;
	v25 =	vsub.f32 $1.500000000e+00, v32;
	v29, _, _ =	vpop (xrf2)  }
0x7c9: {  	v26 =	vmul.f32 v26, v31;
	_ =	sdelay $0x1  }
0x7ca: {  	v20 =	vmul.f32 v26, v20  }
0x7cb: {  	v22 =	vmul.f32 v22, v24;
	v23 =	vmul.f32 v23, v25  }
0x7cc: {  	v20 =	vmul.f32 v20, v26  }
0x7cd: {  	v19 =	vmul.f32 v22, v19;
	v21 =	vmul.f32 v23, v21  }
0x7ce: {  	v20 =	vsub.f32 $1.500000000e+00, v20  }
0x7cf: {  	v19 =	vmul.f32 v19, v22;
	v21 =	vmul.f32 v21, v23  }
0x7d0: {  	v24 =	vmul.f32 v30, v28;
	v20 =	vmul.f32 v20, v26  }
0x7d1: {  	s0 =	sadd.s32 $0x40, s23;
	v25 =	vld.idx.msk [tilespmem:v27+s17+$0x0], $0xffff;
	v19 =	vsub.f32 $1.500000000e+00, v19;
	v21 =	vsub.f32 $1.500000000e+00, v21  }
0x7d2: {  	(xrf2) =	vadd.scan.msk.f32 $0xffff, v24;
	v26 =	vld [tilespmem:s0+$0x10];
	v14 =	vmul.f32 v20, v14  }
0x7d3: {  	v19 =	vmul.f32 v19, v22;
	v20 =	vmul.f32 v21, v23  }
0x7d4: {  	v14 =	vmul.f32 v14, v17  }
0x7d5: {  	v13 =	vmul.f32 v19, v13;
	v12 =	vmul.f32 v20, v12  }
0x7d6: {  	(xrf2) =	vadd.scan.msk.f32 $0xffff, v14  }
0x7d7: {  	v17 =	vld [tilespmem:s0+$0xFFFFFFE0];
	vm8 =	vne.s32 v26, v25;
	v13 =	vmul.f32 v13, v16;
	v12 =	vmul.f32 v12, v18  }
0x7d8: {  	v14 =	vld [tilespmem:s0+$0xFFFFFFF0];
	vm9 =	vmor vm8, vm0  }
0x7d9: {  	[tilespmem:v8+s19+$0x0] =	vst.idx.add.f32.msk vm5, v29;
	vm8 =	vmand vm8, vm1;
	(xrf2) =	vadd.scan.msk.f32 $0xffff, v13  }
0x7da: {  	v8, _, _ =	vpop (xrf2);
	v16 =	vsub.f32 $0.0e+00, v29;
	v18 =	vld [tilespmem:s0+$0x0]  }
0x7db: {  	[tilespmem:v7+s19+$0x0] =	vst.idx.add.f32.msk vm6, v8;
	(xrf2) =	vadd.scan.msk.f32 $0xffff, v12;
	v12, _, _ =	vpop (xrf2)  }
0x7dc: {  	[tilespmem:v6+s19+$0x0] =	vst.idx.add.f32.msk vm4, v16;
	vm4 =	vne.s32 v17, v15;
	v6, _, _ =	vpop (xrf2)  }
0x7dd: {  	vm5 =	vmor vm4, vm0;
	[tilespmem:v9+s19+$0x0] =	vst.idx.add.f32.msk vm7, v12;
	vm6 =	vne.s32 v14, v10;
	v7 =	vsub.f32 $0.0e+00, v6  }
0x7de: {  	[tilespmem:v26+s19+$0x0] =	vst.idx.add.f32.msk vm9, v6;
	v6 =	vsub.f32 $0.0e+00, v8;
	vm15 =	vmor vm6, vm0  }
0x7df: {  	vm4 =	vmand vm4, vm1;
	vm7 =	vne.s32 v18, v11;
	[tilespmem:v25+s19+$0x0] =	vst.idx.add.f32.msk vm8, v7;
	v7 =	vsub.f32 $0.0e+00, v12  }
0x7e0: {  	vm8 =	vmor vm7, vm0;
	[tilespmem:v4+s19+$0x0] =	vst.idx.add.f32.msk vm3, v6;
	v4, _, _ =	vpop (xrf2)  }
0x7e1: {  	vm3 =	vmand vm6, vm1;
	[tilespmem:v5+s19+$0x0] =	vst.idx.add.f32.msk vm2, v7;
	v5 =	vsub.f32 $0.0e+00, v4  }
0x7e2: {  	vm2 =	vmand vm7, vm1  }
0x7e3: {  	[tilespmem:v17+s19+$0x0] =	vst.idx.add.f32.msk vm5, v4;
	v4, _, _ =	vpop (xrf2)  }
0x7e4: {  	[tilespmem:v14+s19+$0x0] =	vst.idx.add.f32.msk vm15, v4  }
0x7e5: {  	v4 =	vsub.f32 $0.0e+00, v4;
	[tilespmem:v15+s19+$0x0] =	vst.idx.add.f32.msk vm4, v5;
	v5, _, _ =	vpop (xrf2)  }
0x7e6: {  	[tilespmem:v18+s19+$0x0] =	vst.idx.add.f32.msk vm8, v5;
	v5 =	vsub.f32 $0.0e+00, v5  }
0x7e7: {  	[tilespmem:v10+s19+$0x0] =	vst.idx.add.f32.msk vm3, v4  }
0x7e8: {  	[tilespmem:v11+s19+$0x0] =	vst.idx.add.f32.msk vm2, v5  }
0x7e9: {  	s26 =	simm.s32 $0x0;
	_ =	swait.ge [sflag:s18], $0x8000  }
0x7ea: {  	s24 =	simm.s32 $0x30;
	v4 =	vmov s26;
	[sflag:s18] =	ssyncset.done $0x0  }
0x7eb: {  	v25 =	vor.u32 s26, v3;
	v6 =	vmov s24;
	v4 =	vshll.u32 v4, $0x2;
	[sflag:s18] =	ssyncadd.s32 $0xFFFF8000  }
0x7ec: {  	v6 =	vshll.u32 v6, $0x2;
	v7 =	vand.u32 $0x4F, v25;
	v8 =	vand.u32 $0x7E00, v4;
	_ =	swait.ge [sflag:s18], $0x2000  }
0x7ed: {  	s31 =	simm.s32 $0x10;
	v6 =	vand.u32 $0x7E00, v6;
	v4 =	vor.u32 v7, v4;
	v10 =	vor.u32 v7, v8;
	[sflag:s18] =	ssyncset.done $0x0  }
0x7ee: {  	v8 =	vor.u32 s24, v3;
	v5 =	vmov s31;
	v7 =	vor.u32 $0x80, v10;
	[sflag:s18] =	ssyncadd.s32 $0xFFFFE000  }
0x7ef: {  	v4 =	vor.u32 $0x100, v4;
	v9 =	vshll.u32 v5, $0x2;
	v5 =	vor.u32 s31, v3;
	_ =	swait.ge [sflag:s18], $0x2000  }
0x7f0: {  	v11 =	vand.u32 $0x7F, v8;
	v9 =	vand.u32 $0x7E00, v9;
	v12 =	vand.u32 $0x5F, v5;
	[sflag:s18] =	ssyncset.done $0x0  }
0x7f1: {  	v6 =	vor.u32 v11, v6;
	v9 =	vor.u32 v12, v9;
	[sflag:s18] =	ssyncadd.s32 $0xFFFFE000  }
0x7f2: {  	v11 =	vor.u32 $0x80, v9;
	v10 =	vld.idx.msk [tilespmem:v10+s1+$0x0], $0xffff  }
0x7f3: {  	s2 =	simm.s32 $0x20;
	v7 =	vld.idx.msk [tilespmem:v7+s1+$0x0], $0xffff  }
0x7f4: {  	s23 =	simm.s32 $0xA020;
	s3 =	simm.s32 $0x21;
	v13 =	vor.u32 $0x80, v6;
	v12 =	vmov s2;
	v14 =	vld.idx.msk [tilespmem:v4+s1+$0x0], $0xffff  }
0x7f5: {  	v16 =	vor.u32 s2, v3;
	v18 =	vadd.s32 s3, v3;
	v12 =	vshll.u32 v12, $0x2;
	v4 =	vld [tilespmem:s23+$0x0]  }
0x7f6: {  	v17 =	vand.u32 $0x6F, v16;
	v15 =	vor.u32 $0x100, v9;
	v12 =	vand.u32 $0x7E00, v12;
	v19 =	vld.idx.msk [tilespmem:v6+s1+$0x0], $0xffff  }
0x7f7: {  	v12 =	vor.u32 v17, v12;
	v11 =	vld.idx.msk [tilespmem:v11+s1+$0x0], $0xffff  }
0x7f8: {  	v17 =	vor.u32 $0x80, v12;
	v9 =	vld.idx.msk [tilespmem:v9+s1+$0x0], $0xffff  }
0x7f9: {  	v13 =	vld.idx.msk [tilespmem:v13+s1+$0x0], $0xffff  }
0x7fa: {  	v20 =	vor.u32 $0x100, v6;
	v6 =	vld.idx.msk [tilespmem:v18+s14+$0x0], $0xffff  }
0x7fb: {  	v15 =	vld.idx.msk [tilespmem:v15+s1+$0x0], $0xffff  }
0x7fc: {  	v21 =	vor.u32 $0x100, v12;
	v12 =	vld.idx.msk [tilespmem:v12+s1+$0x0], $0xffff;
	v7 =	vmul.f32 v7, v7  }
0x7fd: {  	vm6 =	vlt.s32 v25, v0;
	s24 =	simm.s32 $0x1;
	v17 =	vld.idx.msk [tilespmem:v17+s1+$0x0], $0xffff;
	v10 =	vmul.f32 v10, v10;
	v11 =	vmul.f32 v11, v11  }
0x7fe: {  	v22 =	vadd.s32 s24, v3;
	v9 =	vmul.f32 v9, v9;
	v13 =	vmul.f32 v13, v13  }
0x7ff: {  	vm2 =	vne.s32 v4, v6;
	v7 =	vadd.f32 v7, v10;
	v10 =	vmul.f32 v14, v14  }
0x800: {  	s25 =	simm.s32 $0x11;
	vm4 =	vmmov vm2;
	v14 =	vld.idx.msk [tilespmem:v20+s1+$0x0], $0xffff;
	v9 =	vadd.f32 v11, v9;
	v11 =	vmul.f32 v15, v15  }
0x801: {  	v21 =	vld.idx.msk [tilespmem:v21+s1+$0x0], $0xffff;
	v20 =	vadd.s32 s25, v3;
	v15 =	vmul.f32 v19, v19;
	v7 =	vadd.f32 v10, v7  }
0x802: {  	s26 =	simm.s32 $0x40;
	s25 =	simm.s32 $0x61;
	v9 =	vadd.f32 v11, v9;
	v10 =	vmul.f32 v12, v12;
	v12 =	vmul.f32 v17, v17  }
0x803: {  	v38 =	vadd.s32 s25, v3;
	v11 =	vadd.f32 v13, v15;
	v17 =	vor.u32 s26, v3  }
0x804: {  	v32 =	vmax.f32 v7, $9.999999910e-38;
	v18 =	vmax.f32 v9, $9.999999910e-38;
	v24 =	vadd.f32 v12, v10  }
0x805: {  	v10 =	vmov s26;
	v7 =	vmul.f32 v14, v14;
	v9 =	vshra.s32 v32, $0x1  }
0x806: {  	v27 =	vmul.f32 $5.000000000e-01, v32;
	v28 =	vsub.s32 $0x5F3759DF, v9;
	v9 =	vmul.f32 v21, v21  }
0x807: {  	v21 =	vmul.f32 $5.000000000e-01, v18;
	v15 =	vadd.f32 v7, v11;
	v7 =	vshra.s32 v18, $0x1  }
0x808: {  	s31 =	simm.s32 $0x50;
	v23 =	vmul.f32 v28, v27;
	v11 =	vand.u32 $0x4F, v17;
	v26 =	vsub.s32 $0x5F3759DF, v7  }
0x809: {  	v7 =	vshll.u32 v10, $0x2;
	v10 =	vmov s31;
	v36 =	vadd.f32 v9, v24  }
0x80a: {  	v12 =	vand.u32 $0x7E00, v7;
	v14 =	vmul.f32 v26, v21;
	v10 =	vshll.u32 v10, $0x2  }
0x80b: {  	v35 =	vmul.f32 v28, v23;
	v29 =	vor.u32 v11, v12;
	v12 =	vor.u32 s31, v3  }
0x80c: {  	v11 =	vor.u32 v11, v7;
	v10 =	vand.u32 $0x7E00, v10;
	v36 =	vmax.f32 v36, $9.999999910e-38  }
0x80d: {  	s2 =	simm.s32 $0x70;
	v30 =	vor.u32 $0x80, v29;
	v19 =	vand.u32 $0x5F, v12;
	v31 =	vor.u32 $0x100, v11  }
0x80e: {  	v13 =	vld [tilespmem:s23+$0xFFFFFFE0];
	v33 =	vmul.f32 v26, v14;
	v14 =	vmov s2;
	v35 =	vsub.f32 $1.500000000e+00, v35  }
0x80f: {  	v11 =	vld.idx.msk [tilespmem:v22+s14+$0x0], $0xffff;
	v34 =	vor.u32 v19, v10;
	v22 =	vshll.u32 v14, $0x2;
	v14 =	vor.u32 s2, v3  }
0x810: {  	v10 =	vld.idx.msk [tilespmem:v20+s14+$0x0], $0xffff;
	v19 =	vmax.f32 v15, $9.999999910e-38;
	v20 =	vor.u32 $0x80, v34;
	v15 =	vand.u32 $0x7E00, v22  }
0x811: {  	v7 =	vld [tilespmem:s23+$0xFFFFFFF0];
	s31 =	simm.s32 $0x31;
	v22 =	vand.u32 $0x7F, v14;
	v23 =	vsub.f32 $1.500000000e+00, v33;
	v61 =	vshra.s32 v19, $0x1  }
0x812: {  	s3 =	simm.s32 $0x60;
	v39 =	vor.u32 $0x100, v34;
	v50 =	vmul.f32 v28, v35;
	v28 =	vadd.s32 s31, v3;
	v29 =	vld.idx.msk [tilespmem:v29+s1+$0x0], $0xffff  }
0x813: {  	v15 =	vor.u32 v22, v15;
	v22 =	vmov s3;
	v35 =	vsub.s32 $0x5F3759DF, v61;
	v30 =	vld.idx.msk [tilespmem:v30+s1+$0x0], $0xffff  }
0x814: {  	v37 =	vor.u32 $0x80, v15;
	v23 =	vmul.f32 v26, v23;
	v27 =	vmul.f32 v50, v27;
	v31 =	vld.idx.msk [tilespmem:v31+s1+$0x0], $0xffff  }
0x815: {  	v24 =	vshll.u32 v22, $0x2;
	v22 =	vor.u32 s3, v3;
	v43 =	vor.u32 $0x100, v15;
	v34 =	vld.idx.msk [tilespmem:v34+s1+$0x0], $0xffff  }
0x816: {  	v26 =	vand.u32 $0x6F, v22;
	vm2 =	vne.s32 v13, v11;
	v25 =	vmul.f32 v27, v50;
	v40 =	vld.idx.msk [tilespmem:v20+s1+$0x0], $0xffff  }
0x817: {  	v20 =	vmul.f32 v23, v21;
	v21 =	vand.u32 $0x7E00, v24;
	v24 =	vmul.f32 $5.000000000e-01, v19;
	v62 =	vld.idx.msk [tilespmem:v39+s1+$0x0], $0xffff  }
0x818: {  	v39 =	vmul.f32 $5.000000000e-01, v36;
	v41 =	vor.u32 v26, v21;
	v42 =	vld.idx.msk [tilespmem:v15+s1+$0x0], $0xffff;
	v55 =	vsub.f32 $1.500000000e+00, v25  }
0x819: {  	s24 =	simm.s32 $0xA060;
	v26 =	vmul.f32 v20, v23;
	v37 =	vld.idx.msk [tilespmem:v37+s1+$0x0], $0xffff;
	v44 =	vor.u32 $0x80, v41;
	v29 =	vmul.f32 v29, v29  }
0x81a: {  	v9 =	vld [tilespmem:s24+$0x0];
	v45 =	vor.u32 $0x100, v41;
	v53 =	vmul.f32 v35, v24;
	v30 =	vmul.f32 v30, v30  }
0x81b: {  	vm3 =	vne.s32 v7, v10;
	v15 =	vld.idx.msk [tilespmem:v38+s14+$0x0], $0xffff;
	v58 =	vmul.f32 v55, v50;
	v34 =	vmul.f32 v34, v34  }
0x81c: {  	s26 =	simm.s32 $0x51;
	v63 =	vmul.f32 v40, v40;
	v29 =	vadd.f32 v30, v29;
	v30 =	vmul.f32 v31, v31;
	v31 =	vld.idx.msk [tilespmem:v43+s1+$0x0], $0xffff  }
0x81d: {  	v21 =	vadd.s32 s26, v3;
	v51 =	vmul.f32 v62, v62;
	v48 =	vld.idx.msk [tilespmem:v41+s1+$0x0], $0xffff;
	v49 =	vmul.f32 v42, v42  }
0x81e: {  	s25 =	simm.s32 $0x41;
	v44 =	vld.idx.msk [tilespmem:v44+s1+$0x0], $0xffff;
	v37 =	vmul.f32 v37, v37;
	v29 =	vadd.f32 v30, v29;
	v30 =	vadd.f32 v63, v34  }
0x81f: {  	v20 =	vadd.s32 s25, v3;
	v38 =	vmul.f32 v35, v53;
	v43 =	vmul.f32 v58, v32;
	v52 =	vld.idx.msk [tilespmem:v45+s1+$0x0], $0xffff  }
0x820: {  	vm5 =	vne.s32 v9, v15;
	v27 =	vadd.f32 v51, v30;
	v54 =	vadd.f32 v37, v49  }
0x821: {  	v25 =	vmax.f32 v29, $9.999999910e-38;
	v57 =	vmul.f32 v31, v31;
	v31 =	vshra.s32 v36, $0x1  }
0x822: {  	v59 =	vshra.s32 v25, $0x1;
	v30 =	vmul.f32 v48, v48;
	v29 =	vmax.f32 v27, $9.999999910e-38  }
0x823: {  	v27 =	vmul.f32 $5.000000000e-01, v25;
	v42 =	vsub.s32 $0x5F3759DF, v31;
	v31 =	vsub.s32 $0x5F3759DF, v59  }
0x824: {  	s28 =	simm.s32 $0x8020;
	v56 =	vmul.f32 v44, v44;
	v33 =	vmul.f32 v52, v52;
	v34 =	vadd.f32 v57, v54  }
0x825: {  	v60 =	vshra.s32 v29, $0x1;
	v62 =	vmul.f32 v42, v39;
	v44 =	vld [tilespmem:s28+$0xFFFFFFE0];
	v61 =	vmul.f32 v31, v27  }
0x826: {  	v37 =	vmul.f32 $5.000000000e-01, v29;
	v41 =	vsub.s32 $0x5F3759DF, v60;
	v40 =	vadd.f32 v56, v30  }
0x827: {  	v30 =	vmax.f32 v34, $9.999999910e-38;
	v46 =	vmul.f32 v42, v62;
	v63 =	vmul.f32 v31, v61  }
0x828: {  	s29 =	simm.s32 $0x4;
	v45 =	vmul.f32 v41, v37;
	v32 =	vshra.s32 v30, $0x1;
	v33 =	vadd.f32 v33, v40  }
0x829: {  	s30 =	simm.s32 $0xB1;
	s26 =	simm.s32 $0x8060;
	s25 =	simm.s32 $0x71;
	v40 =	vmul.f32 $5.000000000e-01, v30;
	v46 =	vsub.f32 $1.500000000e+00, v46;
	v34 =	vsub.f32 $1.500000000e+00, v63  }
.LBB2_28:
0x82a: {  	s0 =	sadd.s32 $0xFFFFFFCF, s30;
	s31 =	sadd.s32 $0xFFFFFFDF, s30;
	s2 =	sadd.s32 $0xFFFFFFEF, s30;
	v45 =	vmul.f32 v41, v45;
	v43 =	vmul.f32 v43, v44;
	vm7 =	vlt.s32 v16, v0;
	v16 =	vmovc v22  }
0x82b: {  	s3 =	sadd.s32 $0xFFFFFFFF, s30;
	s29 =	sadd.s32 $0x4, s29;
	v22 =	vmov s0;
	v44 =	vmov s31;
	v42 =	vmul.f32 v42, v46  }
0x82c: {  	v46 =	vmov s3;
	p0 =	slt.u32 s29, $0x1FC;
	v22 =	vshll.u32 v22, $0x2;
	v45 =	vsub.f32 $1.500000000e+00, v45  }
0x82d: {  	v47 =	vmov s2;
	v46 =	vshll.u32 v46, $0x2;
	v48 =	vmul.f32 v42, v39  }
0x82e: {  	v44 =	vshll.u32 v44, $0x2;
	v39 =	vor.u32 s0, v3;
	v45 =	vmul.f32 v41, v45  }
0x82f: {  	v49 =	vor.u32 s3, v3;
	v41 =	vand.u32 $0x7E00, v46;
	v46 =	vmul.f32 v48, v42  }
0x830: {  	v44 =	vand.u32 $0x7E00, v44;
	v48 =	vor.u32 s31, v3;
	v50 =	vmul.f32 v45, v37;
	v37 =	vld [tilespmem:s23+$0x10];
	s23 =	smov.u32 s24  }
0x831: {  	v52 =	vand.u32 $0x7F, v49;
	v51 =	vand.u32 $0x4F, v39;
	v53 =	vld [tilespmem:s28+$0xFFFFFFF0];
	v46 =	vsub.f32 $1.500000000e+00, v46  }
0x832: {  	v54 =	vand.u32 $0x7E00, v22;
	v55 =	vor.u32 v51, v22;
	v22 =	vmul.f32 v50, v45;
	v50 =	vld [tilespmem:s28+$0x10]  }
0x833: {  	v56 =	vsub.f32 $1.500000000e+00, v26;
	v51 =	vor.u32 v51, v54;
	v54 =	vand.u32 $0x5F, v48;
	v57 =	vld [tilespmem:s28+$0x0];
	s28 =	smov.u32 s26  }
0x834: {  	v47 =	vshll.u32 v47, $0x2;
	v58 =	vor.u32 $0x80, v51;
	v46 =	vmul.f32 v46, v42;
	v59 =	vld [tilespmem:s24+$0xFFFFFFE0];
	v26 =	vmovc v22  }
0x835: {  	v38 =	vsub.f32 $1.500000000e+00, v38;
	v47 =	vand.u32 $0x7E00, v47;
	v22 =	vor.u32 s2, v3;
	v42 =	vld [tilespmem:s24+$0xFFFFFFF0]  }
0x836: {  	v52 =	vor.u32 v52, v41;
	v55 =	vor.u32 $0x100, v55;
	v60 =	vld.idx.msk [tilespmem:v20+s14+$0x0], $0xffff;
	v20 =	vmul.f32 v46, v36  }
0x837: {  	v35 =	vmul.f32 v35, v38;
	v36 =	vand.u32 $0x6F, v22;
	v41 =	vld.idx.msk [tilespmem:v21+s14+$0x0], $0xffff;
	v21 =	vsel vm6, $0x0, v43  }
0x838: {  	v36 =	vor.u32 v36, v47;
	v43 =	vor.u32 $0x80, v52;
	v20 =	vmul.f32 v20, v57;
	v38 =	vld.idx.msk [tilespmem:v28+s14+$0x0], $0xffff;
	(xrf2) =	vadd.scan.msk.f32 $0xffff, v21  }
0x839: {  	v44 =	vor.u32 v54, v44;
	v46 =	vor.u32 $0x100, v52;
	v21 =	vmul.f32 v35, v24;
	v24 =	vmovc v40;
	v28 =	vld.idx.msk [tilespmem:v51+s1+$0x0], $0xffff  }
0x83a: {  	v47 =	vor.u32 $0x80, v44;
	v51 =	vor.u32 $0x100, v36;
	v40 =	vld.idx.msk [tilespmem:v58+s1+$0x0], $0xffff;
	v20 =	vsel vm7, $0x0, v20  }
0x83b: {  	v56 =	vmul.f32 v56, v23;
	s0 =	sadd.s32 $0xFFFFFFD0, s30;
	s2 =	sadd.s32 $0xFFFFFFF0, s30;
	s24 =	sadd.s32 $0x40, s24;
	v21 =	vmul.f32 v21, v35;
	v54 =	vld.idx.msk [tilespmem:v55+s1+$0x0], $0xffff;
	v55 =	vor.u32 $0x100, v44;
	(xrf2) =	vadd.scan.msk.f32 $0xffff, v20  }
0x83c: {  	v23 =	vmovc v45;
	vm6 =	vlt.s32 v8, v0;
	v8 =	vmovc v14;
	v58 =	vadd.s32 s2, v3;
	v20 =	vadd.s32 s0, v3;
	v57 =	vld [tilespmem:s24+$0x0]  }
0x83d: {  	v14 =	vmovc v49;
	vm7 =	vmor vm2, vm0;
	s0 =	sadd.s32 $0xFFFFFFE0, s30;
	v45 =	vld.idx.msk [tilespmem:v52+s1+$0x0], $0xffff;
	v52 =	vmul.f32 v56, v18;
	v56 =	vsub.f32 $1.500000000e+00, v21;
	v18 =	vmovc v29  }
0x83e: {  	vm8 =	vmmov vm3;
	vm3 =	vne.s32 v42, v41;
	v21 =	vadd.s32 s0, v3;
	v29 =	vld.idx.msk [tilespmem:v43+s1+$0x0], $0xffff  }
0x83f: {  	vm9 =	vmmov vm4;
	v43 =	vld.idx.msk [tilespmem:v47+s1+$0x0], $0xffff;
	v47 =	vmul.f32 v52, v53;
	v35 =	vmul.f32 v56, v35  }
0x840: {  	vm11 =	vlt.s32 v5, v0;
	v5 =	vmovc v12;
	vm4 =	vmmov vm5;
	vm10 =	vmor vm9, vm0;
	v12 =	vmovc v48;
	v44 =	vld.idx.msk [tilespmem:v44+s1+$0x0], $0xffff  }
0x841: {  	v48 =	vor.u32 $0x80, v36;
	v40 =	vmul.f32 v40, v40;
	v49 =	vld.idx.msk [tilespmem:v58+s14+$0x0], $0xffff;
	v35 =	vmul.f32 v35, v19;
	v19 =	vmovc v30  }
0x842: {  	vm5 =	vmand vm9, vm1;
	vm9 =	vne.s32 v37, v38;
	v47 =	vsel vm11, $0x0, v47;
	v30 =	vld.idx.msk [tilespmem:v55+s1+$0x0], $0xffff;
	v52, _, _ =	vpop (xrf2)  }
0x843: {  	[tilespmem:v13+s19+$0x0] =	vst.idx.add.f32.msk vm7, v52;
	v52 =	vsub.f32 $0.0e+00, v52;
	v35 =	vmul.f32 v35, v50;
	(xrf2) =	vadd.scan.msk.f32 $0xffff, v47;
	v13 =	vmovc v59  }
0x844: {  	vm11 =	vmand vm2, vm1;
	vm7 =	vmand vm9, vm1;
	v47 =	vld.idx.msk [tilespmem:v36+s1+$0x0], $0xffff;
	vm2 =	vne.s32 v13, v60  }
0x845: {  	vm9 =	vmor vm9, vm0;
	v36 =	vmul.f32 v43, v43;
	v43 =	vld.idx.msk [tilespmem:v51+s1+$0x0], $0xffff;
	v35 =	vsel vm6, $0x0, v35;
	v50, _, _ =	vpop (xrf2)  }
0x846: {  	v51 =	vmul.f32 v28, v28;
	v44 =	vmul.f32 v44, v44;
	v48 =	vld.idx.msk [tilespmem:v48+s1+$0x0], $0xffff;
	v53 =	vsub.f32 $0.0e+00, v50;
	(xrf2) =	vadd.scan.msk.f32 $0xffff, v35  }
0x847: {  	v31 =	vmul.f32 v31, v34;
	v45 =	vmul.f32 v45, v45;
	v28 =	vadd.s32 s25, v3;
	s25 =	smov.u32 s30;
	[tilespmem:v4+s19+$0x0] =	vst.idx.add.f32.msk vm10, v50  }
0x848: {  	v34 =	vmul.f32 v54, v54;
	v4 =	vadd.f32 v40, v51;
	vm10 =	vmor vm8, vm0;
	[tilespmem:v6+s19+$0x0] =	vst.idx.add.f32.msk vm5, v53  }
0x849: {  	v27 =	vmul.f32 v31, v27;
	v29 =	vmul.f32 v29, v29;
	vm5 =	vne.s32 v57, v49;
	v6 =	vld.idx.msk [tilespmem:v46+s1+$0x0], $0xffff  }
0x84a: {  	vm6 =	vlt.s32 v17, v0;
	vm8 =	vmand vm8, vm1;
	v34 =	vadd.f32 v34, v4;
	[tilespmem:v11+s19+$0x0] =	vst.idx.add.f32.msk vm11, v52  }
0x84b: {  	v17 =	vmovc v39;
	v35 =	vsub.s32 $0x5F3759DF, v32;
	v40 =	vadd.f32 v36, v44;
	v30 =	vmul.f32 v30, v30;
	v11 =	vmovc v60  }
0x84c: {  	v27 =	vmul.f32 v27, v31;
	v36 =	vmax.f32 v33, $9.999999910e-38;
	v50 =	vmul.f32 v35, v24;
	v4 =	vmovc v9;
	v9 =	vmovc v57  }
0x84d: {  	v33 =	vadd.f32 v29, v45;
	v30 =	vadd.f32 v30, v40;
	v32 =	vmul.f32 v47, v47;
	v29, _, _ =	vpop (xrf2)  }
0x84e: {  	v27 =	vsub.f32 $1.500000000e+00, v27;
	v40 =	vmul.f32 v48, v48;
	[tilespmem:v7+s19+$0x0] =	vst.idx.add.f32.msk vm10, v29;
	v47 =	vsub.f32 $0.0e+00, v29;
	v7 =	vmovc v42  }
0x84f: {  	v39 =	vmul.f32 $5.000000000e-01, v36;
	v34 =	vmax.f32 v34, $9.999999910e-38;
	v45 =	vmul.f32 v6, v6;
	v6 =	vmovc v15;
	v15 =	vmovc v49  }
0x850: {  	v46 =	vmul.f32 v27, v31;
	v29 =	vmax.f32 v30, $9.999999910e-38;
	v30 =	vshra.s32 v36, $0x1;
	[tilespmem:v10+s19+$0x0] =	vst.idx.add.f32.msk vm8, v47;
	v44, _, _ =	vpop (xrf2)  }
0x851: {  	v31 =	vshra.s32 v34, $0x1;
	v27 =	vmul.f32 $5.000000000e-01, v34;
	v42 =	vsub.s32 $0x5F3759DF, v30;
	v10 =	vmovc v41;
	[tilespmem:v37+s19+$0x0] =	vst.idx.add.f32.msk vm9, v44  }
0x852: {  	v31 =	vsub.s32 $0x5F3759DF, v31;
	v47 =	vmul.f32 v43, v43;
	v30 =	vadd.f32 v45, v33  }
0x853: {  	s26 =	sadd.s32 $0x40, s26;
	v33 =	vshra.s32 v29, $0x1;
	v37 =	vmul.f32 $5.000000000e-01, v29;
	v45 =	vsub.f32 $0.0e+00, v44  }
.Ltmp13:
0x854: {  	v40 =	vadd.f32 v40, v32;
	v48 =	vmul.f32 v31, v27;
	v49 =	vmul.f32 v42, v39;
	v44 =	vld [tilespmem:s28+$0xFFFFFFE0];
	(pc) =	sbr.rel @p0 .LBB2_28-.Ltmp13, $4  }
0x855: {  	v43 =	vmul.f32 v46, v25;
	v25 =	vmovc v34;
	v41 =	vsub.s32 $0x5F3759DF, v33;
	v30 =	vmax.f32 v30, $9.999999910e-38;
	[tilespmem:v38+s19+$0x0] =	vst.idx.add.f32.msk vm7, v45  }
0x856: {  	v34 =	vmul.f32 v31, v48;
	v32 =	vshra.s32 v30, $0x1;
	v38 =	vmul.f32 v42, v49  }
0x857: {  	v33 =	vadd.f32 v47, v40;
	v40 =	vmul.f32 $5.000000000e-01, v30;
	v45 =	vmul.f32 v41, v37  }
0x858: {  	s30 =	sadd.s32 $0x40, s30;
	v34 =	vsub.f32 $1.500000000e+00, v34;
	v46 =	vsub.f32 $1.500000000e+00, v38;
	v38 =	vmul.f32 v35, v50  }
0x859: {  	_ = 	snop  }
0x85a: {  	v45 =	vmul.f32 v41, v45;
	v42 =	vmul.f32 v42, v46  }
0x85b: {  	v43 =	vmul.f32 v43, v44;
	v33 =	vmax.f32 v33, $9.999999910e-38;
	v26 =	vsub.f32 $1.500000000e+00, v26  }
0x85c: {  	v48 =	vmul.f32 $5.000000000e-01, v33;
	v49 =	vshra.s32 v33, $0x1;
	v39 =	vmul.f32 v42, v39  }
0x85d: {  	vm7 =	vlt.s32 v16, v0;
	v55 =	vsub.s32 $0x5F3759DF, v32;
	v50 =	vsub.s32 $0x5F3759DF, v49  }
0x85e: {  	v38 =	vsub.f32 $1.500000000e+00, v38;
	v51 =	vmul.f32 v50, v48;
	v39 =	vmul.f32 v39, v42  }
0x85f: {  	vm9 =	vlt.s32 v8, v0;
	v56 =	vmul.f32 v31, v34;
	v57 =	vmul.f32 v55, v40  }
0x860: {  	v35 =	vmul.f32 v35, v38;
	v53 =	vmul.f32 v50, v51;
	v39 =	vsub.f32 $1.500000000e+00, v39  }
0x861: {  	v63 =	vld [tilespmem:s28+$0x0];
	v45 =	vsub.f32 $1.500000000e+00, v45;
	v23 =	vmul.f32 v26, v23;
	v59 =	vmul.f32 v56, v27  }
0x862: {  	v52 =	vmul.f32 v35, v24;
	v24 =	vsub.f32 $1.500000000e+00, v53;
	v39 =	vmul.f32 v39, v42  }
0x863: {  	vm12 =	vmor vm2, vm0;
	v60 =	vmul.f32 v55, v57;
	v41 =	vmul.f32 v41, v45  }
0x864: {  	v54 =	vld [tilespmem:s28+$0xFFFFFFF0];
	vm8 =	vmmov vm4;
	v58 =	vmul.f32 v50, v24;
	v36 =	vmul.f32 v39, v36  }
0x865: {  	vm10 =	vlt.s32 v5, v0;
	v18 =	vmul.f32 v23, v18;
	v16 =	vmul.f32 v52, v35  }
0x866: {  	v43 =	vsel vm6, $0x0, v43;
	v61 =	vmul.f32 v58, v48;
	v36 =	vmul.f32 v36, v63  }
0x867: {  	v27 =	vsub.f32 $1.500000000e+00, v60;
	v37 =	vmul.f32 v41, v37;
	v24 =	vmul.f32 v59, v56  }
0x868: {  	(xrf2) =	vadd.scan.msk.f32 $0xffff, v43;
	v16 =	vsub.f32 $1.500000000e+00, v16;
	v5 =	vmul.f32 v61, v58;
	v36 =	vsel vm7, $0x0, v36  }
0x869: {  	v62 =	vld [tilespmem:s28+$0x10];
	v18 =	vmul.f32 v18, v54;
	v26 =	vmul.f32 v55, v27;
	v24 =	vsub.f32 $1.500000000e+00, v24;
	(xrf2) =	vadd.scan.msk.f32 $0xffff, v36  }
0x86a: {  	v38 =	vld [tilespmem:s26+$0xFFFFFFE0];
	v37 =	vmul.f32 v37, v41;
	v16 =	vmul.f32 v16, v35;
	v5 =	vsub.f32 $1.500000000e+00, v5  }
0x86b: {  	vm14 =	vlt.s32 v17, v0;
	v27 =	vmul.f32 v26, v40;
	v39 =	vld [tilespmem:s26+$0x0];
	v8 =	vmul.f32 v24, v56  }
0x86c: {  	v28 =	vld.idx.msk [tilespmem:v28+s14+$0x0], $0xffff;
	v54 =	vadd.s32 s25, v3;
	v16 =	vmul.f32 v16, v19;
	v5 =	vmul.f32 v5, v58  }
0x86d: {  	v44 =	vld [tilespmem:s26+$0xFFFFFFF0];
	v42 =	vsub.f32 $1.500000000e+00, v37;
	v43 =	vmul.f32 v27, v26;
	v8 =	vmul.f32 v8, v25  }
0x86e: {  	v20 =	vld.idx.msk [tilespmem:v20+s14+$0x0], $0xffff;
	v18 =	vsel vm10, $0x0, v18;
	v16 =	vmul.f32 v16, v62;
	v5 =	vmul.f32 v5, v33  }
0x86f: {  	v49 =	vld [tilespmem:s24+$0xFFFFFFF0];
	v46 =	vmul.f32 v42, v41;
	v47 =	vsub.f32 $1.500000000e+00, v43;
	(xrf2) =	vadd.scan.msk.f32 $0xffff, v18;
	v8 =	vmul.f32 v8, v38  }
0x870: {  	v48 =	vld [tilespmem:s26+$0x10];
	vm7 =	vmor vm8, vm0;
	v16 =	vsel vm9, $0x0, v16;
	v5 =	vmul.f32 v5, v39  }
0x871: {  	vm15 =	vlt.s32 v22, v0;
	vm13 =	vmand vm8, vm1;
	v63 =	vld [tilespmem:s23+$0x10];
	(xrf2) =	vadd.scan.msk.f32 $0xffff, v16;
	v8 =	vsel vm14, $0x0, v8  }
0x872: {  	v45 =	vld [tilespmem:s24+$0xFFFFFFE0];
	v50, _, _ =	vpop (xrf2);
	v19 =	vmul.f32 v46, v29;
	v23 =	vmul.f32 v47, v26;
	(xrf2) =	vadd.scan.msk.f32 $0xffff, v8;
	v5 =	vsel vm15, $0x0, v5  }
0x873: {  	vm3 =	vmmov vm3;
	vm2 =	vmand vm2, vm1;
	v52 =	vld.idx.msk [tilespmem:v21+s14+$0x0], $0xffff;
	v53, _, _ =	vpop (xrf2);
	(xrf2) =	vadd.scan.msk.f32 $0xffff, v5  }
0x874: {  	vm6 =	vmor vm3, vm0;
	[tilespmem:v13+s19+$0x0] =	vst.idx.add.f32.msk vm12, v50;
	v55 =	vmul.f32 v23, v30;
	v5 =	vmul.f32 v19, v44  }
0x875: {  	vm3 =	vmand vm3, vm1;
	vm12 =	vlt.s32 v12, v0;
	v58 =	vld.idx.msk [tilespmem:v54+s14+$0x0], $0xffff;
	v56 =	vsub.f32 $0.0e+00, v53  }
0x876: {  	vm8 =	vne.s32 v63, v28;
	[tilespmem:v4+s19+$0x0] =	vst.idx.add.f32.msk vm7, v53;
	v4 =	vsel vm12, $0x0, v5;
	v5 =	vmul.f32 v55, v48  }
0x877: {  	v51 =	vsub.f32 $0.0e+00, v50;
	vm7 =	vmor vm8, vm0;
	[tilespmem:v6+s19+$0x0] =	vst.idx.add.f32.msk vm13, v56;
	vm13 =	vlt.s32 v14, v0  }
0x878: {  	vm14 =	vne.s32 v45, v20;
	vm8 =	vmand vm8, vm1;
	(xrf2) =	vadd.scan.msk.f32 $0xffff, v4;
	v4 =	vld [tilespmem:s24+$0x10];
	v5 =	vsel vm13, $0x0, v5  }
0x879: {  	vm4 =	vmmov vm5;
	vm5 =	vmor vm14, vm0;
	v57, _, _ =	vpop (xrf2);
	(xrf2) =	vadd.scan.msk.f32 $0xffff, v5  }
0x87a: {  	vm4 =	vmmov vm4;
	[tilespmem:v11+s19+$0x0] =	vst.idx.add.f32.msk vm2, v51;
	vm12 =	vmand vm14, vm1;
	v5 =	vsub.f32 $0.0e+00, v57  }
0x87b: {  	vm2 =	vmor vm4, vm0;
	vm15 =	vne.s32 v49, v52;
	v59, _, _ =	vpop (xrf2);
	[tilespmem:v7+s19+$0x0] =	vst.idx.add.f32.msk vm6, v57  }
0x87c: {  	vm4 =	vmand vm4, vm1;
	v60, _, _ =	vpop (xrf2);
	[tilespmem:v10+s19+$0x0] =	vst.idx.add.f32.msk vm3, v5;
	v5 =	vsub.f32 $0.0e+00, v59;
	vm3 =	vmmov vm15  }
0x87d: {  	[tilespmem:v63+s19+$0x0] =	vst.idx.add.f32.msk vm7, v59;
	vm13 =	vmor vm3, vm0;
	vm14 =	vne.s32 v4, v58;
	v61, _, _ =	vpop (xrf2)  }
0x87e: {  	v6 =	vsub.f32 $0.0e+00, v60;
	[tilespmem:v28+s19+$0x0] =	vst.idx.add.f32.msk vm8, v5;
	vm15 =	vmor vm14, vm0;
	v5 =	vsub.f32 $0.0e+00, v61  }
0x87f: {  	[tilespmem:v45+s19+$0x0] =	vst.idx.add.f32.msk vm5, v60;
	vm3 =	vmand vm3, vm1  }
0x880: {  	[tilespmem:v20+s19+$0x0] =	vst.idx.add.f32.msk vm12, v6;
	vm8 =	vmand vm14, vm1  }
0x881: {  	[tilespmem:v9+s19+$0x0] =	vst.idx.add.f32.msk vm2, v61  }
0x882: {  	[tilespmem:v15+s19+$0x0] =	vst.idx.add.f32.msk vm4, v5;
	v5, _, _ =	vpop (xrf2)  }
0x883: {  	v62 =	vsub.f32 $0.0e+00, v5;
	[tilespmem:v49+s19+$0x0] =	vst.idx.add.f32.msk vm13, v5;
	v5, _, _ =	vpop (xrf2)  }
0x884: {  	s22 =	sadd.s32 $0x1, s22;
	v63 =	vsub.f32 $0.0e+00, v5;
	[tilespmem:v4+s19+$0x0] =	vst.idx.add.f32.msk vm15, v5  }
0x885: {  	p0 =	sne.s32 s22, s12;
	[tilespmem:v52+s19+$0x0] =	vst.idx.add.f32.msk vm3, v62  }
.Ltmp14:
0x886: {  	[tilespmem:v58+s19+$0x0] =	vst.idx.add.f32.msk vm8, v63;
	(pc) =	sbr.rel @p0 .LBB2_1-.Ltmp14, $4  }
0x887: {  	[hbm4b:s11+s1] =	stream.linear.scatter [tilespmem:s19], [sflag:$0x3], $0x2710, $0x38;
	[tilespmem:$0x1A880] =	vst v63  }
0x888: {  	_ =	swait.ge [sflag:s21], $0x2710  }
0x889: {  	[sflag:s21] =	ssyncset.done $0x0  }
0x88a: {  	[sflag:s21] =	ssyncadd.s32 $0xFFFFD8F0  }
0x88b: {  	_ =	sfence.sel $0x180000  }
0x88c: {  	[bflag:$0x0] =	sbarrier.arrive $0xFFFF  }
0x88d: {  	_ =	strace $0x90000047  }
0x88e: {  	s0 =	stileid.u32;
	[bflag:$0x2] =	sbarrier.arrive $0xFFFF  }
0x88f: {  	p0 =	sne.s32 s0, $0x0;
	s0 =	rddreg [dreg:$0x4]  }
0x890: {  	s0 =	sadd.s32 @!p0 $0x100000, s0  }
0x891: {  	[sflag:s0] =	ssyncadd.tile.s32 @!p0 $0x1;
	_ =	shalt  }
.Lfunc_end2:
_tile_overlayer_lowered:
.L_overlay_start_2:
0x892: {  	(tag) =	ssettag $0x2  }
0x893: {  	s0 =	rddreg [dreg:$0x0];
	s2 =	stileid.u32  }
0x894: {  	s1 =	rddreg [dreg:$0x1];
	p0 =	sne.s32 s2, $0x0  }
0x895: {  	s3 =	rddreg [dreg:$0x2];
	[bflag:$0x3] =	sbarrier.arrive $0xFFFF;
	s2 =	simm.s32 @!p0 $0x1C03  }
0x896: {  	[timem:s3], [sflag:s2] =	dma.local @!p0 [hbm:s0], s1  }
0x897: {  	s0 =	simm.s32 @!p0 $0x3  }
0x898: {  	_ =	swait.ge @!p0 [sflag:s0], s1  }
0x899: {  	s1 =	ssub.s32 @!p0 $0x0, s1;
	[sflag:s0] =	ssyncset.done @!p0 $0x0  }
0x89a: {  	[sflag:s0] =	ssyncadd.s32 @!p0 s1  }
0x89b: {  	[bflag:$0x3] =	sbarrier.arrive $0xFFFF  }
0x89c: {  	_ =	shalt  }

</sc_bundles>
